<compile_context>
chip_gen: v7x
topology: tpu7x:2x2x1
jax: 0.10.2.dev20260603
libtpu: 0.0.44.dev20260713+nightly
codegen_flags: <defaults>
</compile_context>

<pallas_src>
import functools

import jax
import jax.numpy as jnp
from jax import lax
from jax.experimental import pallas as pl
from jax.experimental.pallas import tpu as pltpu
from jax.experimental.pallas import tpu_sc as plsc

N_USER = 10000
N_ITEM = 10000
E = 320000
D = 128

NC = 2
NS = 16
CH = 128
CPT = 160
BCH = 32
NB = 2
BPT = CPT // BCH
EPAD = NS * CPT * CH
ACC = 10240
RPT = ACC // NS


def _tile_relation(sid, x_hbm, src_hbm, dst_hbm, sum_out, cnt_out,
                   acc2, acc1, srcv, dstv, rows, ones, zrow,
                   sems_g, sem_s, sem_o, with_counts):
    def _zero_row(r, carry):
        for k in range(D // 16):
            rows[0, r, pl.ds(k * 16, 16)] = jnp.zeros((16,), jnp.float32)
        return carry
    lax.fori_loop(0, CH, _zero_row, 0)
    if with_counts:
        for k in range(CH // 16):
            ones[pl.ds(k * 16, 16)] = jnp.ones((16,), jnp.float32)
        def _zero_zrow(r, carry):
            zrow[pl.ds(r * 16, 16)] = jnp.zeros((16,), jnp.float32)
            return carry
        lax.fori_loop(0, RPT // 16, _zero_zrow, 0)

    for k in range(RPT // CH):
        pltpu.sync_copy(rows.at[0], acc2.at[pl.ds(sid * RPT + k * CH, CH)])
    if with_counts:
        pltpu.sync_copy(zrow, acc1.at[pl.ds(sid * RPT, RPT)])
    plsc.subcore_barrier()

    def _block(b, carry):
        @pl.when(b == 0)
        def _():
            off = sid * CPT
            pltpu.sync_copy(src_hbm.at[pl.ds(off, BCH)], srcv)
            pltpu.sync_copy(dst_hbm.at[pl.ds(off, BCH)], dstv)
            for k in range(NB):
                pltpu.async_copy(x_hbm.at[srcv.at[k]], rows.at[k], sems_g[k])

        def _round(g, carry2):
            obs = []
            for k in range(NB):
                j = NB * g + k
                pltpu.make_async_copy(x_hbm.at[srcv.at[j]], rows.at[k],
                                      sems_g[k]).wait()
                s = pltpu.async_copy(rows.at[k], acc2.at[dstv.at[j]], sem_s,
                                     add=True)
                if with_counts:
                    obs.append(pltpu.async_copy(ones, acc1.at[dstv.at[j]],
                                                sem_o, add=True))
                s.wait()
                @pl.when(j + NB < BCH)
                def _():
                    pltpu.async_copy(x_hbm.at[srcv.at[j + NB]], rows.at[k],
                                     sems_g[k])
            for o in obs:
                o.wait()
            return carry2
        lax.fori_loop(0, BCH // NB, _round, 0)

        @pl.when(b + 1 < BPT)
        def _():
            nof = sid * CPT + (b + 1) * BCH
            pltpu.sync_copy(src_hbm.at[pl.ds(nof, BCH)], srcv)
            pltpu.sync_copy(dst_hbm.at[pl.ds(nof, BCH)], dstv)
            for k in range(NB):
                pltpu.async_copy(x_hbm.at[srcv.at[k]], rows.at[k], sems_g[k])
        return carry
    lax.fori_loop(0, BPT, _block, 0)

    plsc.subcore_barrier()
    for k in range(RPT // CH):
        off = sid * RPT + k * CH
        pltpu.sync_copy(acc2.at[pl.ds(off, CH)], sum_out.at[pl.ds(off, CH)])
    if with_counts:
        pltpu.sync_copy(acc1.at[pl.ds(sid * RPT, RPT)],
                        cnt_out.at[pl.ds(sid * RPT, RPT)])


@functools.cache
def _sc_aggregate_fn(with_counts):
    @functools.partial(
        pl.kernel,
        out_type=(
            jax.ShapeDtypeStruct((ACC, D), jnp.float32),
            jax.ShapeDtypeStruct((ACC,), jnp.float32),
            jax.ShapeDtypeStruct((ACC, D), jnp.float32),
            jax.ShapeDtypeStruct((ACC,), jnp.float32),
        ),
        mesh=plsc.VectorSubcoreMesh(core_axis_name="c", subcore_axis_name="s",
                                    num_cores=NC, num_subcores=NS),
        scratch_types=[
            pltpu.VMEM((BCH, CH), jnp.int32),
            pltpu.VMEM((BCH, CH), jnp.int32),
            pltpu.VMEM((NB, CH, D), jnp.float32),
            pltpu.VMEM((CH,), jnp.float32),
            pltpu.VMEM((RPT,), jnp.float32),
            pltpu.VMEM_SHARED((ACC, D), jnp.float32),
            pltpu.VMEM_SHARED((ACC,), jnp.float32),
        ] + [pltpu.SemaphoreType.DMA] * (NB + 2),
    )
    def _sc_aggregate(x_user_hbm, x_item_hbm, src_u2i, dst_u2i, src_i2u, dst_i2u,
                      sum_item, cnt_item, sum_user, cnt_user,
                      srcv, dstv, rows, ones, zrow, acc2, acc1, *sems):
        cid = lax.axis_index("c")
        sid = lax.axis_index("s")
        sems_g = sems[:NB]
        sem_s = sems[NB]
        sem_o = sems[NB + 1]

        @pl.when(cid == 0)
        def _():
            _tile_relation(sid, x_user_hbm, src_u2i, dst_u2i, sum_item, cnt_item,
                           acc2, acc1, srcv, dstv, rows, ones, zrow,
                           sems_g, sem_s, sem_o, with_counts)

        @pl.when(cid == 1)
        def _():
            _tile_relation(sid, x_item_hbm, src_i2u, dst_i2u, sum_user, cnt_user,
                           acc2, acc1, srcv, dstv, rows, ones, zrow,
                           sems_g, sem_s, sem_o, with_counts)

    return _sc_aggregate


def _dense_body(x_ref, sum_ref, cnt_ref, Wd_ref, bd_ref, Ws_ref, bs_ref,
                Wt_ref, Wb_ref, bu_ref, g_ref, bb_ref, o_ref):
    aggr = sum_ref[...] / jnp.maximum(cnt_ref[...], 1.0)
    hd = jnp.dot(x_ref[...], Wd_ref[...], preferred_element_type=jnp.float32) + bd_ref[...]
    hs = jnp.dot(aggr, Ws_ref[...], preferred_element_type=jnp.float32) + bs_ref[...]
    h = (jnp.dot(hd, Wt_ref[...], preferred_element_type=jnp.float32)
         + jnp.dot(hs, Wb_ref[...], preferred_element_type=jnp.float32)
         + bu_ref[...])
    n = jnp.float32(h.shape[0])
    m = jnp.sum(h, axis=0, keepdims=True) / n
    d = h - m
    v = jnp.sum(d * d, axis=0, keepdims=True) / n
    o = d * lax.rsqrt(v + 1e-5) * g_ref[...] + bb_ref[...]
    o_ref[...] = jnp.where(o >= 0, o, 0.01 * o)


def _dense(x, summ, cnt, Wd, bd, Ws, bs, Wu, bu, g, bb, n_dst):
    full = lambda shape: pl.BlockSpec(shape, lambda i: (0,) * len(shape))
    return pl.pallas_call(
        _dense_body,
        grid=(1,),
        out_shape=jax.ShapeDtypeStruct((n_dst, D), jnp.float32),
        in_specs=[
            full((n_dst, D)), full((n_dst, D)), full((n_dst, 1)),
            full((D, D)), full((1, D)), full((D, D)), full((1, D)),
            full((D, D)), full((D, D)), full((1, D)),
            full((1, D)), full((1, D)),
        ],
        out_specs=full((n_dst, D)),
    )(x, summ, cnt,
      Wd, bd.reshape(1, D), Ws, bs.reshape(1, D),
      Wu[:D], Wu[D:], bu.reshape(1, D),
      g.reshape(1, D), bb.reshape(1, D))


def _pad_edges(ei):
    src = ei[0].astype(jnp.int32)
    dst = ei[1].astype(jnp.int32)
    pad = EPAD - E
    src_p = jnp.concatenate([src, jnp.zeros((pad,), jnp.int32)])
    dst_p = jnp.concatenate([dst, jnp.full((pad,), ACC - 1, jnp.int32)])
    return src_p.reshape(NS * CPT, CH), dst_p.reshape(NS * CPT, CH)


def kernel(x_user, x_item, edge_index_u2i, edge_index_i2u, l1_u2i_Wdst, l1_u2i_bdst, l1_u2i_Wsrc, l1_u2i_bsrc, l1_u2i_Wupd, l1_u2i_bupd, l1_i2u_Wdst, l1_i2u_bdst, l1_i2u_Wsrc, l1_i2u_bsrc, l1_i2u_Wupd, l1_i2u_bupd, l2_u2i_Wdst, l2_u2i_bdst, l2_u2i_Wsrc, l2_u2i_bsrc, l2_u2i_Wupd, l2_u2i_bupd, l2_i2u_Wdst, l2_i2u_bdst, l2_i2u_Wsrc, l2_i2u_bsrc, l2_i2u_Wupd, l2_i2u_bupd, bn1_user_g, bn1_user_b, bn1_item_g, bn1_item_b, bn2_user_g, bn2_user_b, bn2_item_g, bn2_item_b):
    src_u2i, dst_u2i = _pad_edges(edge_index_u2i)
    src_i2u, dst_i2u = _pad_edges(edge_index_i2u)

    sum_i, cnt_i, sum_u, cnt_u = _sc_aggregate_fn(True)(
        x_user, x_item, src_u2i, dst_u2i, src_i2u, dst_i2u)
    cnt_i2 = cnt_i.reshape(ACC, 1)
    cnt_u2 = cnt_u.reshape(ACC, 1)

    h_item = _dense(x_item, sum_i, cnt_i2,
                    l1_u2i_Wdst, l1_u2i_bdst, l1_u2i_Wsrc, l1_u2i_bsrc,
                    l1_u2i_Wupd, l1_u2i_bupd, bn1_item_g, bn1_item_b, N_ITEM)
    h_user = _dense(x_user, sum_u, cnt_u2,
                    l1_i2u_Wdst, l1_i2u_bdst, l1_i2u_Wsrc, l1_i2u_bsrc,
                    l1_i2u_Wupd, l1_i2u_bupd, bn1_user_g, bn1_user_b, N_USER)

    sum_i2, _, sum_u2, _ = _sc_aggregate_fn(False)(
        h_user, h_item, src_u2i, dst_u2i, src_i2u, dst_i2u)

    o_item = _dense(h_item, sum_i2, cnt_i2,
                    l2_u2i_Wdst, l2_u2i_bdst, l2_u2i_Wsrc, l2_u2i_bsrc,
                    l2_u2i_Wupd, l2_u2i_bupd, bn2_item_g, bn2_item_b, N_ITEM)
    o_user = _dense(h_user, sum_u2, cnt_u2,
                    l2_i2u_Wdst, l2_i2u_bdst, l2_i2u_Wsrc, l2_i2u_bsrc,
                    l2_i2u_Wupd, l2_i2u_bupd, bn2_user_g, bn2_user_b, N_USER)
    return (o_user, o_item)

# --- scband reference (transcript-rebuilt; emitter-appended) ---
"""Pipeline reference for scband-hetero-gnn-25537875542118 (READ-ONLY COPY).

The authoritative reference and input builder live on the scoring server;
editing this copy changes nothing except your own understanding.
"""

import jax, jax.numpy as jnp
import numpy as np

N_USER = 10000
N_ITEM = 10000
E = 320000
D_IN = 128
H = 128

def _lin(k, din, dout):
    s = 1.0 / np.sqrt(din)
    W = jax.random.uniform(jax.random.fold_in(k, 0), (din, dout), minval=-s, maxval=s, dtype=jnp.float32)
    b = jax.random.uniform(jax.random.fold_in(k, 1), (dout,), minval=-s, maxval=s, dtype=jnp.float32)
    return W, b

def setup_inputs(seed=0):
    key = jax.random.key(seed)
    ks = jax.random.split(key, 32)
    inp = {}
    inp['x_user'] = jax.random.normal(ks[0], (N_USER, D_IN), dtype=jnp.float32)
    inp['x_item'] = jax.random.normal(ks[1], (N_ITEM, D_IN), dtype=jnp.float32)
    inp['edge_index_u2i'] = jnp.stack([jax.random.randint(ks[2], (E,), 0, N_USER), jax.random.randint(ks[3], (E,), 0, N_ITEM)])
    inp['edge_index_i2u'] = jnp.stack([jax.random.randint(ks[4], (E,), 0, N_ITEM), jax.random.randint(ks[5], (E,), 0, N_USER)])
    i = 6
    for l in (1, 2):
        din = D_IN if l == 1 else H
        for mt in ('u2i', 'i2u'):
            for nm, d in (('dst', din), ('src', din), ('upd', 2 * H)):
                W, b = _lin(ks[i], d, H)
                i += 1
                inp['l%d_%s_W%s' % (l, mt, nm)] = W
                inp['l%d_%s_b%s' % (l, mt, nm)] = b
    for l in (1, 2):
        for nt in ('user', 'item'):
            inp['bn%d_%s_g' % (l, nt)] = jnp.ones((H,), dtype=jnp.float32)
            inp['bn%d_%s_b' % (l, nt)] = jnp.zeros((H,), dtype=jnp.float32)
    return inp

def _conv(x_src, x_dst, ei, Wd, bd, Ws, bs, Wu, bu, n_dst):
    src = ei[0]
    dst = ei[1]
    msg = jnp.take(x_src, src, axis=0)
    summ = jax.ops.segment_sum(msg, dst, num_segments=n_dst)
    cnt = jax.ops.segment_sum(jnp.ones((msg.shape[0],), msg.dtype), dst, num_segments=n_dst)
    aggr = summ / jnp.clip(cnt, 1.0)[:, None]
    h_dst = x_dst @ Wd + bd
    h_src = aggr @ Ws + bs
    return jnp.concatenate([h_dst, h_src], axis=1) @ Wu + bu

def _bn(x, g, b):
    m = jnp.mean(x, axis=0)
    v = jnp.var(x, axis=0)
    return (x - m) / jnp.sqrt(v + 1e-5) * g + b

def _lrelu(x):
    return jnp.where(x >= 0, x, 0.01 * x)

def _forward(p, ei_u2i, ei_i2u):
    h_item = _conv(p['x_user'], p['x_item'], ei_u2i, p['l1_u2i_Wdst'], p['l1_u2i_bdst'], p['l1_u2i_Wsrc'], p['l1_u2i_bsrc'], p['l1_u2i_Wupd'], p['l1_u2i_bupd'], N_ITEM)
    h_user = _conv(p['x_item'], p['x_user'], ei_i2u, p['l1_i2u_Wdst'], p['l1_i2u_bdst'], p['l1_i2u_Wsrc'], p['l1_i2u_bsrc'], p['l1_i2u_Wupd'], p['l1_i2u_bupd'], N_USER)
    h_user = _lrelu(_bn(h_user, p['bn1_user_g'], p['bn1_user_b']))
    h_item = _lrelu(_bn(h_item, p['bn1_item_g'], p['bn1_item_b']))
    o_item = _conv(h_user, h_item, ei_u2i, p['l2_u2i_Wdst'], p['l2_u2i_bdst'], p['l2_u2i_Wsrc'], p['l2_u2i_bsrc'], p['l2_u2i_Wupd'], p['l2_u2i_bupd'], N_ITEM)
    o_user = _conv(h_item, h_user, ei_i2u, p['l2_i2u_Wdst'], p['l2_i2u_bdst'], p['l2_i2u_Wsrc'], p['l2_i2u_bsrc'], p['l2_i2u_Wupd'], p['l2_i2u_bupd'], N_USER)
    o_user = _lrelu(_bn(o_user, p['bn2_user_g'], p['bn2_user_b']))
    o_item = _lrelu(_bn(o_item, p['bn2_item_g'], p['bn2_item_b']))
    return (o_user, o_item)

def reference(x_user, x_item, edge_index_u2i, edge_index_i2u,
              l1_u2i_Wdst, l1_u2i_bdst, l1_u2i_Wsrc, l1_u2i_bsrc, l1_u2i_Wupd, l1_u2i_bupd,
              l1_i2u_Wdst, l1_i2u_bdst, l1_i2u_Wsrc, l1_i2u_bsrc, l1_i2u_Wupd, l1_i2u_bupd,
              l2_u2i_Wdst, l2_u2i_bdst, l2_u2i_Wsrc, l2_u2i_bsrc, l2_u2i_Wupd, l2_u2i_bupd,
              l2_i2u_Wdst, l2_i2u_bdst, l2_i2u_Wsrc, l2_i2u_bsrc, l2_i2u_Wupd, l2_i2u_bupd,
              bn1_user_g, bn1_user_b, bn1_item_g, bn1_item_b,
              bn2_user_g, bn2_user_b, bn2_item_g, bn2_item_b):
    p = {
        'x_user': x_user, 'x_item': x_item,
        'l1_u2i_Wdst': l1_u2i_Wdst, 'l1_u2i_bdst': l1_u2i_bdst,
        'l1_u2i_Wsrc': l1_u2i_Wsrc, 'l1_u2i_bsrc': l1_u2i_bsrc,
        'l1_u2i_Wupd': l1_u2i_Wupd, 'l1_u2i_bupd': l1_u2i_bupd,
        'l1_i2u_Wdst': l1_i2u_Wdst, 'l1_i2u_bdst': l1_i2u_bdst,
        'l1_i2u_Wsrc': l1_i2u_Wsrc, 'l1_i2u_bsrc': l1_i2u_bsrc,
        'l1_i2u_Wupd': l1_i2u_Wupd, 'l1_i2u_bupd': l1_i2u_bupd,
        'l2_u2i_Wdst': l2_u2i_Wdst, 'l2_u2i_bdst': l2_u2i_bdst,
        'l2_u2i_Wsrc': l2_u2i_Wsrc, 'l2_u2i_bsrc': l2_u2i_bsrc,
        'l2_u2i_Wupd': l2_u2i_Wupd, 'l2_u2i_bupd': l2_u2i_bupd,
        'l2_i2u_Wdst': l2_i2u_Wdst, 'l2_i2u_bdst': l2_i2u_bdst,
        'l2_i2u_Wsrc': l2_i2u_Wsrc, 'l2_i2u_bsrc': l2_i2u_bsrc,
        'l2_i2u_Wupd': l2_i2u_Wupd, 'l2_i2u_bupd': l2_i2u_bupd,
        'bn1_user_g': bn1_user_g, 'bn1_user_b': bn1_user_b,
        'bn1_item_g': bn1_item_g, 'bn1_item_b': bn1_item_b,
        'bn2_user_g': bn2_user_g, 'bn2_user_b': bn2_user_b,
        'bn2_item_g': bn2_item_g, 'bn2_item_b': bn2_item_b,
    }
    return _forward(p, edge_index_u2i, edge_index_i2u)

if __name__ == "__main__":
    import jax
    _d = setup_inputs()
    print(jax.jit(kernel)(*tuple(_d.values())))

</pallas_src>

<mosaic_0001>
#map = affine_map<(d0, d1) -> (0, 0)>
#map1 = affine_map<(d0, d1) -> (0)>
module attributes {stable_mosaic.version = 14 : i64} {
  func.func @_sc_aggregate(%arg0: i32, %arg1: i32, %arg2: memref<10000x128xf32, #tpu.memory_space<hbm>>, %arg3: memref<10000x128xf32, #tpu.memory_space<hbm>>, %arg4: memref<2560x128xi32, #tpu.memory_space<hbm>>, %arg5: memref<2560x128xi32, #tpu.memory_space<hbm>>, %arg6: memref<2560x128xi32, #tpu.memory_space<hbm>>, %arg7: memref<2560x128xi32, #tpu.memory_space<hbm>>, %arg8: memref<10240x128xf32, #tpu.memory_space<hbm>>, %arg9: memref<10240xf32, #tpu.memory_space<hbm>>, %arg10: memref<10240x128xf32, #tpu.memory_space<hbm>>, %arg11: memref<10240xf32, #tpu.memory_space<hbm>>, %arg12: memref<32x128xi32, #tpu.memory_space<vmem>>, %arg13: memref<32x128xi32, #tpu.memory_space<vmem>>, %arg14: memref<2x128x128xf32, #tpu.memory_space<vmem>>, %arg15: memref<128xf32, #tpu.memory_space<vmem>>, %arg16: memref<640xf32, #tpu.memory_space<vmem>>, %arg17: memref<10240x128xf32, #tpu.memory_space<vmem_shared>>, %arg18: memref<10240xf32, #tpu.memory_space<vmem_shared>>, %arg19: memref<!tpu.dma_semaphore, #tpu.memory_space<semaphore_mem>>, %arg20: memref<!tpu.dma_semaphore, #tpu.memory_space<semaphore_mem>>, %arg21: memref<!tpu.dma_semaphore, #tpu.memory_space<semaphore_mem>>, %arg22: memref<!tpu.dma_semaphore, #tpu.memory_space<semaphore_mem>>) attributes {dimension_semantics = [#tpu.dimension_semantics<core_parallel>, #tpu.dimension_semantics<subcore_parallel>], iteration_bounds = array<i64: 2, 16>, scalar_prefetch = 0 : i64, scratch_operands = 11 : i64, tpu.core_type = #tpu.core_type<sc_vector_subcore>, window_params = [{transform_indices = #map}, {transform_indices = #map}, {transform_indices = #map}, {transform_indices = #map}, {transform_indices = #map}, {transform_indices = #map}, {transform_indices = #map}, {transform_indices = #map1}, {transform_indices = #map}, {transform_indices = #map1}]} {
    %eq3A = arith.constant 0 : i32
    %eq3A_0 = arith.cmpi eq, %arg0, %eq3A : i32
    %convert_element_type3A = arith.extui %eq3A_0 : i1 to i32
    %cond3A = arith.constant 0 : i32
    %cond3A_1 = arith.cmpi ne, %convert_element_type3A, %cond3A : i32
    scf.if %cond3A_1 {
      %scan3A = arith.constant 0 : i32
      %scan3A_7 = arith.constant 0 : i32
      %scan3A_8 = arith.constant 128 : i32
      %scan3A_9 = arith.addi %scan3A_7, %scan3A_8 : i32
      %scan3A_10 = arith.constant 1 : i32
      scf.for %scan3A_61 = %scan3A_7 to %scan3A_9 step %scan3A_10  : i32 {
        %broadcast_in_dim3A = arith.constant 0.000000e+00 : f32
        %broadcast_in_dim3A_62 = vector.broadcast %broadcast_in_dim3A : f32 to vector<16xf32>
        %swap3A = arith.constant 0 : i32
        %swap3A_63 = arith.index_cast %swap3A : i32 to index
        %swap3A_64 = arith.index_cast %scan3A_61 : i32 to index
        %swap3A_65 = arith.constant 0 : index
        %swap3A_66 = tpu.vector_load %arg14[%swap3A_63, %swap3A_64, %swap3A_65] {strides = array<i32>} : memref<2x128x128xf32, #tpu.memory_space<vmem>>, vector<1x1x16xf32>,
        %swap3A_67 = vector.shape_cast %swap3A_66 : vector<1x1x16xf32> to vector<16xf32>
        %swap3A_68 = vector.shape_cast %broadcast_in_dim3A_62 : vector<16xf32> to vector<1x1x16xf32>
        tpu.vector_store %arg14[%swap3A_63, %swap3A_64, %swap3A_65], %swap3A_68 {strides = array<i32>} : memref<2x128x128xf32, #tpu.memory_space<vmem>>, vector<1x1x16xf32>,
        %broadcast_in_dim3A_69 = arith.constant 0.000000e+00 : f32
        %broadcast_in_dim3A_70 = vector.broadcast %broadcast_in_dim3A_69 : f32 to vector<16xf32>
        %swap3A_71 = arith.constant 0 : i32
        %swap3A_72 = arith.index_cast %swap3A_71 : i32 to index
        %swap3A_73 = arith.index_cast %scan3A_61 : i32 to index
        %swap3A_74 = arith.constant 16 : index
        %swap3A_75 = tpu.vector_load %arg14[%swap3A_72, %swap3A_73, %swap3A_74] {strides = array<i32>} : memref<2x128x128xf32, #tpu.memory_space<vmem>>, vector<1x1x16xf32>,
        %swap3A_76 = vector.shape_cast %swap3A_75 : vector<1x1x16xf32> to vector<16xf32>
        %swap3A_77 = vector.shape_cast %broadcast_in_dim3A_70 : vector<16xf32> to vector<1x1x16xf32>
        tpu.vector_store %arg14[%swap3A_72, %swap3A_73, %swap3A_74], %swap3A_77 {strides = array<i32>} : memref<2x128x128xf32, #tpu.memory_space<vmem>>, vector<1x1x16xf32>,
        %broadcast_in_dim3A_78 = arith.constant 0.000000e+00 : f32
        %broadcast_in_dim3A_79 = vector.broadcast %broadcast_in_dim3A_78 : f32 to vector<16xf32>
        %swap3A_80 = arith.constant 0 : i32
        %swap3A_81 = arith.index_cast %swap3A_80 : i32 to index
        %swap3A_82 = arith.index_cast %scan3A_61 : i32 to index
        %swap3A_83 = arith.constant 32 : index
        %swap3A_84 = tpu.vector_load %arg14[%swap3A_81, %swap3A_82, %swap3A_83] {strides = array<i32>} : memref<2x128x128xf32, #tpu.memory_space<vmem>>, vector<1x1x16xf32>,
        %swap3A_85 = vector.shape_cast %swap3A_84 : vector<1x1x16xf32> to vector<16xf32>
        %swap3A_86 = vector.shape_cast %broadcast_in_dim3A_79 : vector<16xf32> to vector<1x1x16xf32>
        tpu.vector_store %arg14[%swap3A_81, %swap3A_82, %swap3A_83], %swap3A_86 {strides = array<i32>} : memref<2x128x128xf32, #tpu.memory_space<vmem>>, vector<1x1x16xf32>,
        %broadcast_in_dim3A_87 = arith.constant 0.000000e+00 : f32
        %broadcast_in_dim3A_88 = vector.broadcast %broadcast_in_dim3A_87 : f32 to vector<16xf32>
        %swap3A_89 = arith.constant 0 : i32
        %swap3A_90 = arith.index_cast %swap3A_89 : i32 to index
        %swap3A_91 = arith.index_cast %scan3A_61 : i32 to index
        %swap3A_92 = arith.constant 48 : index
        %swap3A_93 = tpu.vector_load %arg14[%swap3A_90, %swap3A_91, %swap3A_92] {strides = array<i32>} : memref<2x128x128xf32, #tpu.memory_space<vmem>>, vector<1x1x16xf32>,
        %swap3A_94 = vector.shape_cast %swap3A_93 : vector<1x1x16xf32> to vector<16xf32>
        %swap3A_95 = vector.shape_cast %broadcast_in_dim3A_88 : vector<16xf32> to vector<1x1x16xf32>
        tpu.vector_store %arg14[%swap3A_90, %swap3A_91, %swap3A_92], %swap3A_95 {strides = array<i32>} : memref<2x128x128xf32, #tpu.memory_space<vmem>>, vector<1x1x16xf32>,
        %broadcast_in_dim3A_96 = arith.constant 0.000000e+00 : f32
        %broadcast_in_dim3A_97 = vector.broadcast %broadcast_in_dim3A_96 : f32 to vector<16xf32>
        %swap3A_98 = arith.constant 0 : i32
        %swap3A_99 = arith.index_cast %swap3A_98 : i32 to index
        %swap3A_100 = arith.index_cast %scan3A_61 : i32 to index
        %swap3A_101 = arith.constant 64 : index
        %swap3A_102 = tpu.vector_load %arg14[%swap3A_99, %swap3A_100, %swap3A_101] {strides = array<i32>} : memref<2x128x128xf32, #tpu.memory_space<vmem>>, vector<1x1x16xf32>,
        %swap3A_103 = vector.shape_cast %swap3A_102 : vector<1x1x16xf32> to vector<16xf32>
        %swap3A_104 = vector.shape_cast %broadcast_in_dim3A_97 : vector<16xf32> to vector<1x1x16xf32>
        tpu.vector_store %arg14[%swap3A_99, %swap3A_100, %swap3A_101], %swap3A_104 {strides = array<i32>} : memref<2x128x128xf32, #tpu.memory_space<vmem>>, vector<1x1x16xf32>,
        %broadcast_in_dim3A_105 = arith.constant 0.000000e+00 : f32
        %broadcast_in_dim3A_106 = vector.broadcast %broadcast_in_dim3A_105 : f32 to vector<16xf32>
        %swap3A_107 = arith.constant 0 : i32
        %swap3A_108 = arith.index_cast %swap3A_107 : i32 to index
        %swap3A_109 = arith.index_cast %scan3A_61 : i32 to index
        %swap3A_110 = arith.constant 80 : index
        %swap3A_111 = tpu.vector_load %arg14[%swap3A_108, %swap3A_109, %swap3A_110] {strides = array<i32>} : memref<2x128x128xf32, #tpu.memory_space<vmem>>, vector<1x1x16xf32>,
        %swap3A_112 = vector.shape_cast %swap3A_111 : vector<1x1x16xf32> to vector<16xf32>
        %swap3A_113 = vector.shape_cast %broadcast_in_dim3A_106 : vector<16xf32> to vector<1x1x16xf32>
        tpu.vector_store %arg14[%swap3A_108, %swap3A_109, %swap3A_110], %swap3A_113 {strides = array<i32>} : memref<2x128x128xf32, #tpu.memory_space<vmem>>, vector<1x1x16xf32>,
        %broadcast_in_dim3A_114 = arith.constant 0.000000e+00 : f32
        %broadcast_in_dim3A_115 = vector.broadcast %broadcast_in_dim3A_114 : f32 to vector<16xf32>
        %swap3A_116 = arith.constant 0 : i32
        %swap3A_117 = arith.index_cast %swap3A_116 : i32 to index
        %swap3A_118 = arith.index_cast %scan3A_61 : i32 to index
        %swap3A_119 = arith.constant 96 : index
        %swap3A_120 = tpu.vector_load %arg14[%swap3A_117, %swap3A_118, %swap3A_119] {strides = array<i32>} : memref<2x128x128xf32, #tpu.memory_space<vmem>>, vector<1x1x16xf32>,
        %swap3A_121 = vector.shape_cast %swap3A_120 : vector<1x1x16xf32> to vector<16xf32>
        %swap3A_122 = vector.shape_cast %broadcast_in_dim3A_115 : vector<16xf32> to vector<1x1x16xf32>
        tpu.vector_store %arg14[%swap3A_117, %swap3A_118, %swap3A_119], %swap3A_122 {strides = array<i32>} : memref<2x128x128xf32, #tpu.memory_space<vmem>>, vector<1x1x16xf32>,
        %broadcast_in_dim3A_123 = arith.constant 0.000000e+00 : f32
        %broadcast_in_dim3A_124 = vector.broadcast %broadcast_in_dim3A_123 : f32 to vector<16xf32>
        %swap3A_125 = arith.constant 0 : i32
        %swap3A_126 = arith.index_cast %swap3A_125 : i32 to index
        %swap3A_127 = arith.index_cast %scan3A_61 : i32 to index
        %swap3A_128 = arith.constant 112 : index
        %swap3A_129 = tpu.vector_load %arg14[%swap3A_126, %swap3A_127, %swap3A_128] {strides = array<i32>} : memref<2x128x128xf32, #tpu.memory_space<vmem>>, vector<1x1x16xf32>,
        %swap3A_130 = vector.shape_cast %swap3A_129 : vector<1x1x16xf32> to vector<16xf32>
        %swap3A_131 = vector.shape_cast %broadcast_in_dim3A_124 : vector<16xf32> to vector<1x1x16xf32>
        tpu.vector_store %arg14[%swap3A_126, %swap3A_127, %swap3A_128], %swap3A_131 {strides = array<i32>} : memref<2x128x128xf32, #tpu.memory_space<vmem>>, vector<1x1x16xf32>,
      }
      %scan3A_11 = arith.constant 128 : i32
      %mul3A = arith.constant 640 : i32
      %mul3A_12 = arith.muli %arg1, %mul3A : i32
      %add3A = arith.constant 0 : i32
      %add3A_13 = arith.addi %mul3A_12, %add3A : i32
      %run_scoped3A = arith.constant 0 : i32
      "tpu.region"() ({
        %run_scoped3A_61 = tpu.sem_alloc : memref<!tpu.dma_semaphore, #tpu.memory_space<semaphore_mem>>
        %dma_start3A = arith.constant 0 : i32
        %dma_start3A_62 = arith.constant 0 : i32
        %dma_start3A_63 = tpu.memref_slice %arg14[%run_scoped3A, %dma_start3A, %dma_start3A_62] : memref<2x128x128xf32, #tpu.memory_space<vmem>> -> memref<1x128x128xf32, #tpu.memory_space<vmem>>
        %dma_start3A_64 = tpu.memref_squeeze %dma_start3A_63 : memref<1x128x128xf32, #tpu.memory_space<vmem>> -> memref<128x128xf32, #tpu.memory_space<vmem>>
        %dma_start3A_65 = arith.constant 0 : i32
        %dma_start3A_66 = tpu.memref_slice %arg17[%add3A_13, %dma_start3A_65] : memref<10240x128xf32, #tpu.memory_space<vmem_shared>> -> memref<128x128xf32, #tpu.memory_space<vmem_shared>>
        %dma_start3A_67 = arith.constant 0 : i32
        %dma_start3A_68 = tpu.memref_slice %arg17[%add3A_13, %dma_start3A_67] : memref<10240x128xf32, #tpu.memory_space<vmem_shared>> -> memref<128x128xf32, #tpu.memory_space<vmem_shared>>
        %dma_start3A_69 = arith.constant 0 : i32
        %dma_start3A_70 = arith.constant 0 : i32
        %dma_start3A_71 = tpu.memref_slice %arg14[%run_scoped3A, %dma_start3A_69, %dma_start3A_70] : memref<2x128x128xf32, #tpu.memory_space<vmem>> -> memref<1x128x128xf32, #tpu.memory_space<vmem>>
        %dma_start3A_72 = tpu.memref_squeeze %dma_start3A_71 : memref<1x128x128xf32, #tpu.memory_space<vmem>> -> memref<128x128xf32, #tpu.memory_space<vmem>>
        tpu.enqueue_dma source(%dma_start3A_72 : memref<128x128xf32, #tpu.memory_space<vmem>>) target(%dma_start3A_68 : memref<128x128xf32, #tpu.memory_space<vmem_shared>>) target_semaphore(%run_scoped3A_61 : memref<!tpu.dma_semaphore, #tpu.memory_space<semaphore_mem>>)
        %dma_wait3A = arith.constant 0 : i32
        %dma_wait3A_73 = arith.constant 0 : i32
        %dma_wait3A_74 = tpu.memref_slice %arg14[%run_scoped3A, %dma_wait3A, %dma_wait3A_73] : memref<2x128x128xf32, #tpu.memory_space<vmem>> -> memref<1x128x128xf32, #tpu.memory_space<vmem>>
        %dma_wait3A_75 = tpu.memref_squeeze %dma_wait3A_74 : memref<1x128x128xf32, #tpu.memory_space<vmem>> -> memref<128x128xf32, #tpu.memory_space<vmem>>
        %dma_wait3A_76 = arith.constant 0 : i32
        %dma_wait3A_77 = tpu.memref_slice %arg17[%add3A_13, %dma_wait3A_76] : memref<10240x128xf32, #tpu.memory_space<vmem_shared>> -> memref<128x128xf32, #tpu.memory_space<vmem_shared>>
        %dma_wait3A_78 = arith.constant 0 : i32
        %dma_wait3A_79 = tpu.memref_slice %arg17[%add3A_13, %dma_wait3A_78] : memref<10240x128xf32, #tpu.memory_space<vmem_shared>> -> memref<128x128xf32, #tpu.memory_space<vmem_shared>>
        %dma_wait3A_80 = arith.constant 0 : i32
        %dma_wait3A_81 = arith.constant 0 : i32
        %dma_wait3A_82 = tpu.memref_slice %arg14[%run_scoped3A, %dma_wait3A_80, %dma_wait3A_81] : memref<2x128x128xf32, #tpu.memory_space<vmem>> -> memref<1x128x128xf32, #tpu.memory_space<vmem>>
        %dma_wait3A_83 = tpu.memref_squeeze %dma_wait3A_82 : memref<1x128x128xf32, #tpu.memory_space<vmem>> -> memref<128x128xf32, #tpu.memory_space<vmem>>
        tpu.wait_dma2 semaphore(%run_scoped3A_61 : memref<!tpu.dma_semaphore, #tpu.memory_space<semaphore_mem>>) src(%dma_wait3A_83 : memref<128x128xf32, #tpu.memory_space<vmem>>) dst(%dma_wait3A_79 : memref<128x128xf32, #tpu.memory_space<vmem_shared>>)
        tpu.yield
      }) : () -> ()
      %mul3A_14 = arith.constant 640 : i32
      %mul3A_15 = arith.muli %arg1, %mul3A_14 : i32
      %add3A_16 = arith.constant 128 : i32
      %add3A_17 = arith.addi %mul3A_15, %add3A_16 : i32
      %run_scoped3A_18 = arith.constant 0 : i32
      "tpu.region"() ({
        %run_scoped3A_61 = tpu.sem_alloc : memref<!tpu.dma_semaphore, #tpu.memory_space<semaphore_mem>>
        %dma_start3A = arith.constant 0 : i32
        %dma_start3A_62 = arith.constant 0 : i32
        %dma_start3A_63 = tpu.memref_slice %arg14[%run_scoped3A_18, %dma_start3A, %dma_start3A_62] : memref<2x128x128xf32, #tpu.memory_space<vmem>> -> memref<1x128x128xf32, #tpu.memory_space<vmem>>
        %dma_start3A_64 = tpu.memref_squeeze %dma_start3A_63 : memref<1x128x128xf32, #tpu.memory_space<vmem>> -> memref<128x128xf32, #tpu.memory_space<vmem>>
        %dma_start3A_65 = arith.constant 0 : i32
        %dma_start3A_66 = tpu.memref_slice %arg17[%add3A_17, %dma_start3A_65] : memref<10240x128xf32, #tpu.memory_space<vmem_shared>> -> memref<128x128xf32, #tpu.memory_space<vmem_shared>>
        %dma_start3A_67 = arith.constant 0 : i32
        %dma_start3A_68 = tpu.memref_slice %arg17[%add3A_17, %dma_start3A_67] : memref<10240x128xf32, #tpu.memory_space<vmem_shared>> -> memref<128x128xf32, #tpu.memory_space<vmem_shared>>
        %dma_start3A_69 = arith.constant 0 : i32
        %dma_start3A_70 = arith.constant 0 : i32
        %dma_start3A_71 = tpu.memref_slice %arg14[%run_scoped3A_18, %dma_start3A_69, %dma_start3A_70] : memref<2x128x128xf32, #tpu.memory_space<vmem>> -> memref<1x128x128xf32, #tpu.memory_space<vmem>>
        %dma_start3A_72 = tpu.memref_squeeze %dma_start3A_71 : memref<1x128x128xf32, #tpu.memory_space<vmem>> -> memref<128x128xf32, #tpu.memory_space<vmem>>
        tpu.enqueue_dma source(%dma_start3A_72 : memref<128x128xf32, #tpu.memory_space<vmem>>) target(%dma_start3A_68 : memref<128x128xf32, #tpu.memory_space<vmem_shared>>) target_semaphore(%run_scoped3A_61 : memref<!tpu.dma_semaphore, #tpu.memory_space<semaphore_mem>>)
        %dma_wait3A = arith.constant 0 : i32
        %dma_wait3A_73 = arith.constant 0 : i32
        %dma_wait3A_74 = tpu.memref_slice %arg14[%run_scoped3A_18, %dma_wait3A, %dma_wait3A_73] : memref<2x128x128xf32, #tpu.memory_space<vmem>> -> memref<1x128x128xf32, #tpu.memory_space<vmem>>
        %dma_wait3A_75 = tpu.memref_squeeze %dma_wait3A_74 : memref<1x128x128xf32, #tpu.memory_space<vmem>> -> memref<128x128xf32, #tpu.memory_space<vmem>>
        %dma_wait3A_76 = arith.constant 0 : i32
        %dma_wait3A_77 = tpu.memref_slice %arg17[%add3A_17, %dma_wait3A_76] : memref<10240x128xf32, #tpu.memory_space<vmem_shared>> -> memref<128x128xf32, #tpu.memory_space<vmem_shared>>
        %dma_wait3A_78 = arith.constant 0 : i32
        %dma_wait3A_79 = tpu.memref_slice %arg17[%add3A_17, %dma_wait3A_78] : memref<10240x128xf32, #tpu.memory_space<vmem_shared>> -> memref<128x128xf32, #tpu.memory_space<vmem_shared>>
        %dma_wait3A_80 = arith.constant 0 : i32
        %dma_wait3A_81 = arith.constant 0 : i32
        %dma_wait3A_82 = tpu.memref_slice %arg14[%run_scoped3A_18, %dma_wait3A_80, %dma_wait3A_81] : memref<2x128x128xf32, #tpu.memory_space<vmem>> -> memref<1x128x128xf32, #tpu.memory_space<vmem>>
        %dma_wait3A_83 = tpu.memref_squeeze %dma_wait3A_82 : memref<1x128x128xf32, #tpu.memory_space<vmem>> -> memref<128x128xf32, #tpu.memory_space<vmem>>
        tpu.wait_dma2 semaphore(%run_scoped3A_61 : memref<!tpu.dma_semaphore, #tpu.memory_space<semaphore_mem>>) src(%dma_wait3A_83 : memref<128x128xf32, #tpu.memory_space<vmem>>) dst(%dma_wait3A_79 : memref<128x128xf32, #tpu.memory_space<vmem_shared>>)
        tpu.yield
      }) : () -> ()
      %mul3A_19 = arith.constant 640 : i32
      %mul3A_20 = arith.muli %arg1, %mul3A_19 : i32
      %add3A_21 = arith.constant 256 : i32
      %add3A_22 = arith.addi %mul3A_20, %add3A_21 : i32
      %run_scoped3A_23 = arith.constant 0 : i32
      "tpu.region"() ({
        %run_scoped3A_61 = tpu.sem_alloc : memref<!tpu.dma_semaphore, #tpu.memory_space<semaphore_mem>>
        %dma_start3A = arith.constant 0 : i32
        %dma_start3A_62 = arith.constant 0 : i32
        %dma_start3A_63 = tpu.memref_slice %arg14[%run_scoped3A_23, %dma_start3A, %dma_start3A_62] : memref<2x128x128xf32, #tpu.memory_space<vmem>> -> memref<1x128x128xf32, #tpu.memory_space<vmem>>
        %dma_start3A_64 = tpu.memref_squeeze %dma_start3A_63 : memref<1x128x128xf32, #tpu.memory_space<vmem>> -> memref<128x128xf32, #tpu.memory_space<vmem>>
        %dma_start3A_65 = arith.constant 0 : i32
        %dma_start3A_66 = tpu.memref_slice %arg17[%add3A_22, %dma_start3A_65] : memref<10240x128xf32, #tpu.memory_space<vmem_shared>> -> memref<128x128xf32, #tpu.memory_space<vmem_shared>>
        %dma_start3A_67 = arith.constant 0 : i32
        %dma_start3A_68 = tpu.memref_slice %arg17[%add3A_22, %dma_start3A_67] : memref<10240x128xf32, #tpu.memory_space<vmem_shared>> -> memref<128x128xf32, #tpu.memory_space<vmem_shared>>
        %dma_start3A_69 = arith.constant 0 : i32
        %dma_start3A_70 = arith.constant 0 : i32
        %dma_start3A_71 = tpu.memref_slice %arg14[%run_scoped3A_23, %dma_start3A_69, %dma_start3A_70] : memref<2x128x128xf32, #tpu.memory_space<vmem>> -> memref<1x128x128xf32, #tpu.memory_space<vmem>>
        %dma_start3A_72 = tpu.memref_squeeze %dma_start3A_71 : memref<1x128x128xf32, #tpu.memory_space<vmem>> -> memref<128x128xf32, #tpu.memory_space<vmem>>
        tpu.enqueue_dma source(%dma_start3A_72 : memref<128x128xf32, #tpu.memory_space<vmem>>) target(%dma_start3A_68 : memref<128x128xf32, #tpu.memory_space<vmem_shared>>) target_semaphore(%run_scoped3A_61 : memref<!tpu.dma_semaphore, #tpu.memory_space<semaphore_mem>>)
        %dma_wait3A = arith.constant 0 : i32
        %dma_wait3A_73 = arith.constant 0 : i32
        %dma_wait3A_74 = tpu.memref_slice %arg14[%run_scoped3A_23, %dma_wait3A, %dma_wait3A_73] : memref<2x128x128xf32, #tpu.memory_space<vmem>> -> memref<1x128x128xf32, #tpu.memory_space<vmem>>
        %dma_wait3A_75 = tpu.memref_squeeze %dma_wait3A_74 : memref<1x128x128xf32, #tpu.memory_space<vmem>> -> memref<128x128xf32, #tpu.memory_space<vmem>>
        %dma_wait3A_76 = arith.constant 0 : i32
        %dma_wait3A_77 = tpu.memref_slice %arg17[%add3A_22, %dma_wait3A_76] : memref<10240x128xf32, #tpu.memory_space<vmem_shared>> -> memref<128x128xf32, #tpu.memory_space<vmem_shared>>
        %dma_wait3A_78 = arith.constant 0 : i32
        %dma_wait3A_79 = tpu.memref_slice %arg17[%add3A_22, %dma_wait3A_78] : memref<10240x128xf32, #tpu.memory_space<vmem_shared>> -> memref<128x128xf32, #tpu.memory_space<vmem_shared>>
        %dma_wait3A_80 = arith.constant 0 : i32
        %dma_wait3A_81 = arith.constant 0 : i32
        %dma_wait3A_82 = tpu.memref_slice %arg14[%run_scoped3A_23, %dma_wait3A_80, %dma_wait3A_81] : memref<2x128x128xf32, #tpu.memory_space<vmem>> -> memref<1x128x128xf32, #tpu.memory_space<vmem>>
        %dma_wait3A_83 = tpu.memref_squeeze %dma_wait3A_82 : memref<1x128x128xf32, #tpu.memory_space<vmem>> -> memref<128x128xf32, #tpu.memory_space<vmem>>
        tpu.wait_dma2 semaphore(%run_scoped3A_61 : memref<!tpu.dma_semaphore, #tpu.memory_space<semaphore_mem>>) src(%dma_wait3A_83 : memref<128x128xf32, #tpu.memory_space<vmem>>) dst(%dma_wait3A_79 : memref<128x128xf32, #tpu.memory_space<vmem_shared>>)
        tpu.yield
      }) : () -> ()
      %mul3A_24 = arith.constant 640 : i32
      %mul3A_25 = arith.muli %arg1, %mul3A_24 : i32
      %add3A_26 = arith.constant 384 : i32
      %add3A_27 = arith.addi %mul3A_25, %add3A_26 : i32
      %run_scoped3A_28 = arith.constant 0 : i32
      "tpu.region"() ({
        %run_scoped3A_61 = tpu.sem_alloc : memref<!tpu.dma_semaphore, #tpu.memory_space<semaphore_mem>>
        %dma_start3A = arith.constant 0 : i32
        %dma_start3A_62 = arith.constant 0 : i32
        %dma_start3A_63 = tpu.memref_slice %arg14[%run_scoped3A_28, %dma_start3A, %dma_start3A_62] : memref<2x128x128xf32, #tpu.memory_space<vmem>> -> memref<1x128x128xf32, #tpu.memory_space<vmem>>
        %dma_start3A_64 = tpu.memref_squeeze %dma_start3A_63 : memref<1x128x128xf32, #tpu.memory_space<vmem>> -> memref<128x128xf32, #tpu.memory_space<vmem>>
        %dma_start3A_65 = arith.constant 0 : i32
        %dma_start3A_66 = tpu.memref_slice %arg17[%add3A_27, %dma_start3A_65] : memref<10240x128xf32, #tpu.memory_space<vmem_shared>> -> memref<128x128xf32, #tpu.memory_space<vmem_shared>>
        %dma_start3A_67 = arith.constant 0 : i32
        %dma_start3A_68 = tpu.memref_slice %arg17[%add3A_27, %dma_start3A_67] : memref<10240x128xf32, #tpu.memory_space<vmem_shared>> -> memref<128x128xf32, #tpu.memory_space<vmem_shared>>
        %dma_start3A_69 = arith.constant 0 : i32
        %dma_start3A_70 = arith.constant 0 : i32
        %dma_start3A_71 = tpu.memref_slice %arg14[%run_scoped3A_28, %dma_start3A_69, %dma_start3A_70] : memref<2x128x128xf32, #tpu.memory_space<vmem>> -> memref<1x128x128xf32, #tpu.memory_space<vmem>>
        %dma_start3A_72 = tpu.memref_squeeze %dma_start3A_71 : memref<1x128x128xf32, #tpu.memory_space<vmem>> -> memref<128x128xf32, #tpu.memory_space<vmem>>
        tpu.enqueue_dma source(%dma_start3A_72 : memref<128x128xf32, #tpu.memory_space<vmem>>) target(%dma_start3A_68 : memref<128x128xf32, #tpu.memory_space<vmem_shared>>) target_semaphore(%run_scoped3A_61 : memref<!tpu.dma_semaphore, #tpu.memory_space<semaphore_mem>>)
        %dma_wait3A = arith.constant 0 : i32
        %dma_wait3A_73 = arith.constant 0 : i32
        %dma_wait3A_74 = tpu.memref_slice %arg14[%run_scoped3A_28, %dma_wait3A, %dma_wait3A_73] : memref<2x128x128xf32, #tpu.memory_space<vmem>> -> memref<1x128x128xf32, #tpu.memory_space<vmem>>
        %dma_wait3A_75 = tpu.memref_squeeze %dma_wait3A_74 : memref<1x128x128xf32, #tpu.memory_space<vmem>> -> memref<128x128xf32, #tpu.memory_space<vmem>>
        %dma_wait3A_76 = arith.constant 0 : i32
        %dma_wait3A_77 = tpu.memref_slice %arg17[%add3A_27, %dma_wait3A_76] : memref<10240x128xf32, #tpu.memory_space<vmem_shared>> -> memref<128x128xf32, #tpu.memory_space<vmem_shared>>
        %dma_wait3A_78 = arith.constant 0 : i32
        %dma_wait3A_79 = tpu.memref_slice %arg17[%add3A_27, %dma_wait3A_78] : memref<10240x128xf32, #tpu.memory_space<vmem_shared>> -> memref<128x128xf32, #tpu.memory_space<vmem_shared>>
        %dma_wait3A_80 = arith.constant 0 : i32
        %dma_wait3A_81 = arith.constant 0 : i32
        %dma_wait3A_82 = tpu.memref_slice %arg14[%run_scoped3A_28, %dma_wait3A_80, %dma_wait3A_81] : memref<2x128x128xf32, #tpu.memory_space<vmem>> -> memref<1x128x128xf32, #tpu.memory_space<vmem>>
        %dma_wait3A_83 = tpu.memref_squeeze %dma_wait3A_82 : memref<1x128x128xf32, #tpu.memory_space<vmem>> -> memref<128x128xf32, #tpu.memory_space<vmem>>
        tpu.wait_dma2 semaphore(%run_scoped3A_61 : memref<!tpu.dma_semaphore, #tpu.memory_space<semaphore_mem>>) src(%dma_wait3A_83 : memref<128x128xf32, #tpu.memory_space<vmem>>) dst(%dma_wait3A_79 : memref<128x128xf32, #tpu.memory_space<vmem_shared>>)
        tpu.yield
      }) : () -> ()
      %mul3A_29 = arith.constant 640 : i32
      %mul3A_30 = arith.muli %arg1, %mul3A_29 : i32
      %add3A_31 = arith.constant 512 : i32
      %add3A_32 = arith.addi %mul3A_30, %add3A_31 : i32
      %run_scoped3A_33 = arith.constant 0 : i32
      "tpu.region"() ({
        %run_scoped3A_61 = tpu.sem_alloc : memref<!tpu.dma_semaphore, #tpu.memory_space<semaphore_mem>>
        %dma_start3A = arith.constant 0 : i32
        %dma_start3A_62 = arith.constant 0 : i32
        %dma_start3A_63 = tpu.memref_slice %arg14[%run_scoped3A_33, %dma_start3A, %dma_start3A_62] : memref<2x128x128xf32, #tpu.memory_space<vmem>> -> memref<1x128x128xf32, #tpu.memory_space<vmem>>
        %dma_start3A_64 = tpu.memref_squeeze %dma_start3A_63 : memref<1x128x128xf32, #tpu.memory_space<vmem>> -> memref<128x128xf32, #tpu.memory_space<vmem>>
        %dma_start3A_65 = arith.constant 0 : i32
        %dma_start3A_66 = tpu.memref_slice %arg17[%add3A_32, %dma_start3A_65] : memref<10240x128xf32, #tpu.memory_space<vmem_shared>> -> memref<128x128xf32, #tpu.memory_space<vmem_shared>>
        %dma_start3A_67 = arith.constant 0 : i32
        %dma_start3A_68 = tpu.memref_slice %arg17[%add3A_32, %dma_start3A_67] : memref<10240x128xf32, #tpu.memory_space<vmem_shared>> -> memref<128x128xf32, #tpu.memory_space<vmem_shared>>
        %dma_start3A_69 = arith.constant 0 : i32
        %dma_start3A_70 = arith.constant 0 : i32
        %dma_start3A_71 = tpu.memref_slice %arg14[%run_scoped3A_33, %dma_start3A_69, %dma_start3A_70] : memref<2x128x128xf32, #tpu.memory_space<vmem>> -> memref<1x128x128xf32, #tpu.memory_space<vmem>>
        %dma_start3A_72 = tpu.memref_squeeze %dma_start3A_71 : memref<1x128x128xf32, #tpu.memory_space<vmem>> -> memref<128x128xf32, #tpu.memory_space<vmem>>
        tpu.enqueue_dma source(%dma_start3A_72 : memref<128x128xf32, #tpu.memory_space<vmem>>) target(%dma_start3A_68 : memref<128x128xf32, #tpu.memory_space<vmem_shared>>) target_semaphore(%run_scoped3A_61 : memref<!tpu.dma_semaphore, #tpu.memory_space<semaphore_mem>>)
        %dma_wait3A = arith.constant 0 : i32
        %dma_wait3A_73 = arith.constant 0 : i32
        %dma_wait3A_74 = tpu.memref_slice %arg14[%run_scoped3A_33, %dma_wait3A, %dma_wait3A_73] : memref<2x128x128xf32, #tpu.memory_space<vmem>> -> memref<1x128x128xf32, #tpu.memory_space<vmem>>
        %dma_wait3A_75 = tpu.memref_squeeze %dma_wait3A_74 : memref<1x128x128xf32, #tpu.memory_space<vmem>> -> memref<128x128xf32, #tpu.memory_space<vmem>>
        %dma_wait3A_76 = arith.constant 0 : i32
        %dma_wait3A_77 = tpu.memref_slice %arg17[%add3A_32, %dma_wait3A_76] : memref<10240x128xf32, #tpu.memory_space<vmem_shared>> -> memref<128x128xf32, #tpu.memory_space<vmem_shared>>
        %dma_wait3A_78 = arith.constant 0 : i32
        %dma_wait3A_79 = tpu.memref_slice %arg17[%add3A_32, %dma_wait3A_78] : memref<10240x128xf32, #tpu.memory_space<vmem_shared>> -> memref<128x128xf32, #tpu.memory_space<vmem_shared>>
        %dma_wait3A_80 = arith.constant 0 : i32
        %dma_wait3A_81 = arith.constant 0 : i32
        %dma_wait3A_82 = tpu.memref_slice %arg14[%run_scoped3A_33, %dma_wait3A_80, %dma_wait3A_81] : memref<2x128x128xf32, #tpu.memory_space<vmem>> -> memref<1x128x128xf32, #tpu.memory_space<vmem>>
        %dma_wait3A_83 = tpu.memref_squeeze %dma_wait3A_82 : memref<1x128x128xf32, #tpu.memory_space<vmem>> -> memref<128x128xf32, #tpu.memory_space<vmem>>
        tpu.wait_dma2 semaphore(%run_scoped3A_61 : memref<!tpu.dma_semaphore, #tpu.memory_space<semaphore_mem>>) src(%dma_wait3A_83 : memref<128x128xf32, #tpu.memory_space<vmem>>) dst(%dma_wait3A_79 : memref<128x128xf32, #tpu.memory_space<vmem_shared>>)
        tpu.yield
      }) : () -> ()
      %barrier3A = arith.constant 0 : index
      tpu.barrier barrier_id(%barrier3A)
      %scan3A_34 = arith.constant 0 : i32
      %scan3A_35 = arith.constant 0 : i32
      %scan3A_36 = arith.constant 5 : i32
      %scan3A_37 = arith.addi %scan3A_35, %scan3A_36 : i32
      %scan3A_38 = arith.constant 1 : i32
      scf.for %scan3A_61 = %scan3A_35 to %scan3A_37 step %scan3A_38  : i32 {
        %eq3A_62 = arith.constant 0 : i32
        %eq3A_63 = arith.cmpi eq, %scan3A_61, %eq3A_62 : i32
        %convert_element_type3A_64 = arith.extui %eq3A_63 : i1 to i32
        %cond3A_65 = arith.constant 0 : i32
        %cond3A_66 = arith.cmpi ne, %convert_element_type3A_64, %cond3A_65 : i32
        scf.if %cond3A_66 {
          %mul3A_79 = arith.constant 160 : i32
          %mul3A_80 = arith.muli %arg1, %mul3A_79 : i32
          "tpu.region"() ({
            %run_scoped3A_104 = tpu.sem_alloc : memref<!tpu.dma_semaphore, #tpu.memory_space<semaphore_mem>>
            %dma_start3A_105 = arith.constant 0 : i32
            %dma_start3A_106 = tpu.memref_slice %arg4[%mul3A_80, %dma_start3A_105] : memref<2560x128xi32, #tpu.memory_space<hbm>> -> memref<32x128xi32, #tpu.memory_space<hbm>>
            %dma_start3A_107 = arith.constant 0 : i32
            %dma_start3A_108 = tpu.memref_slice %arg4[%mul3A_80, %dma_start3A_107] : memref<2560x128xi32, #tpu.memory_space<hbm>> -> memref<32x128xi32, #tpu.memory_space<hbm>>
            tpu.enqueue_dma source(%dma_start3A_108 : memref<32x128xi32, #tpu.memory_space<hbm>>) target(%arg12 : memref<32x128xi32, #tpu.memory_space<vmem>>) target_semaphore(%run_scoped3A_104 : memref<!tpu.dma_semaphore, #tpu.memory_space<semaphore_mem>>)
            %dma_wait3A = arith.constant 0 : i32
            %dma_wait3A_109 = tpu.memref_slice %arg4[%mul3A_80, %dma_wait3A] : memref<2560x128xi32, #tpu.memory_space<hbm>> -> memref<32x128xi32, #tpu.memory_space<hbm>>
            %dma_wait3A_110 = arith.constant 0 : i32
            %dma_wait3A_111 = tpu.memref_slice %arg4[%mul3A_80, %dma_wait3A_110] : memref<2560x128xi32, #tpu.memory_space<hbm>> -> memref<32x128xi32, #tpu.memory_space<hbm>>
            tpu.wait_dma2 semaphore(%run_scoped3A_104 : memref<!tpu.dma_semaphore, #tpu.memory_space<semaphore_mem>>) src(%dma_wait3A_111 : memref<32x128xi32, #tpu.memory_space<hbm>>) dst(%arg12 : memref<32x128xi32, #tpu.memory_space<vmem>>)
            tpu.yield
          }) : () -> ()
          "tpu.region"() ({
            %run_scoped3A_104 = tpu.sem_alloc : memref<!tpu.dma_semaphore, #tpu.memory_space<semaphore_mem>>
            %dma_start3A_105 = arith.constant 0 : i32
            %dma_start3A_106 = tpu.memref_slice %arg5[%mul3A_80, %dma_start3A_105] : memref<2560x128xi32, #tpu.memory_space<hbm>> -> memref<32x128xi32, #tpu.memory_space<hbm>>
            %dma_start3A_107 = arith.constant 0 : i32
            %dma_start3A_108 = tpu.memref_slice %arg5[%mul3A_80, %dma_start3A_107] : memref<2560x128xi32, #tpu.memory_space<hbm>> -> memref<32x128xi32, #tpu.memory_space<hbm>>
            tpu.enqueue_dma source(%dma_start3A_108 : memref<32x128xi32, #tpu.memory_space<hbm>>) target(%arg13 : memref<32x128xi32, #tpu.memory_space<vmem>>) target_semaphore(%run_scoped3A_104 : memref<!tpu.dma_semaphore, #tpu.memory_space<semaphore_mem>>)
            %dma_wait3A = arith.constant 0 : i32
            %dma_wait3A_109 = tpu.memref_slice %arg5[%mul3A_80, %dma_wait3A] : memref<2560x128xi32, #tpu.memory_space<hbm>> -> memref<32x128xi32, #tpu.memory_space<hbm>>
            %dma_wait3A_110 = arith.constant 0 : i32
            %dma_wait3A_111 = tpu.memref_slice %arg5[%mul3A_80, %dma_wait3A_110] : memref<2560x128xi32, #tpu.memory_space<hbm>> -> memref<32x128xi32, #tpu.memory_space<hbm>>
            tpu.wait_dma2 semaphore(%run_scoped3A_104 : memref<!tpu.dma_semaphore, #tpu.memory_space<semaphore_mem>>) src(%dma_wait3A_111 : memref<32x128xi32, #tpu.memory_space<hbm>>) dst(%arg13 : memref<32x128xi32, #tpu.memory_space<vmem>>)
            tpu.yield
          }) : () -> ()
          %dma_start3A = arith.constant 0 : i32
          %dma_start3A_81 = arith.constant 0 : i32
          %dma_start3A_82 = arith.constant 0 : i32
          %dma_start3A_83 = arith.constant 0 : i32
          %dma_start3A_84 = tpu.memref_slice %arg14[%dma_start3A_81, %dma_start3A_82, %dma_start3A_83] : memref<2x128x128xf32, #tpu.memory_space<vmem>> -> memref<1x128x128xf32, #tpu.memory_space<vmem>>
          %dma_start3A_85 = tpu.memref_squeeze %dma_start3A_84 : memref<1x128x128xf32, #tpu.memory_space<vmem>> -> memref<128x128xf32, #tpu.memory_space<vmem>>
          %dma_start3A_86 = arith.constant 0 : i32
          %dma_start3A_87 = tpu.memref_slice %arg12[%dma_start3A, %dma_start3A_86] : memref<32x128xi32, #tpu.memory_space<vmem>> -> memref<1x128xi32, #tpu.memory_space<vmem>>
          %dma_start3A_88 = tpu.memref_squeeze %dma_start3A_87 : memref<1x128xi32, #tpu.memory_space<vmem>> -> memref<128xi32, #tpu.memory_space<vmem>>
          %dma_start3A_89 = arith.constant 0 : i32
          %dma_start3A_90 = arith.constant 0 : i32
          %dma_start3A_91 = tpu.memref_slice %arg2[%dma_start3A_89, %dma_start3A_90] : memref<10000x128xf32, #tpu.memory_space<hbm>> -> memref<10000x128xf32, #tpu.memory_space<hbm>>
          tpu.enqueue_indirect_dma source(%dma_start3A_91 : memref<10000x128xf32, #tpu.memory_space<hbm>>) target(%dma_start3A_85 : memref<128x128xf32, #tpu.memory_space<vmem>>) offsets(%dma_start3A_88 : memref<128xi32, #tpu.memory_space<vmem>>) semaphore(%arg19 : memref<!tpu.dma_semaphore, #tpu.memory_space<semaphore_mem>>)
          %dma_start3A_92 = arith.constant 1 : i32
          %dma_start3A_93 = arith.constant 1 : i32
          %dma_start3A_94 = arith.constant 0 : i32
          %dma_start3A_95 = arith.constant 0 : i32
          %dma_start3A_96 = tpu.memref_slice %arg14[%dma_start3A_93, %dma_start3A_94, %dma_start3A_95] : memref<2x128x128xf32, #tpu.memory_space<vmem>> -> memref<1x128x128xf32, #tpu.memory_space<vmem>>
          %dma_start3A_97 = tpu.memref_squeeze %dma_start3A_96 : memref<1x128x128xf32, #tpu.memory_space<vmem>> -> memref<128x128xf32, #tpu.memory_space<vmem>>
          %dma_start3A_98 = arith.constant 0 : i32
          %dma_start3A_99 = tpu.memref_slice %arg12[%dma_start3A_92, %dma_start3A_98] : memref<32x128xi32, #tpu.memory_space<vmem>> -> memref<1x128xi32, #tpu.memory_space<vmem>>
          %dma_start3A_100 = tpu.memref_squeeze %dma_start3A_99 : memref<1x128xi32, #tpu.memory_space<vmem>> -> memref<128xi32, #tpu.memory_space<vmem>>
          %dma_start3A_101 = arith.constant 0 : i32
          %dma_start3A_102 = arith.constant 0 : i32
          %dma_start3A_103 = tpu.memref_slice %arg2[%dma_start3A_101, %dma_start3A_102] : memref<10000x128xf32, #tpu.memory_space<hbm>> -> memref<10000x128xf32, #tpu.memory_space<hbm>>
          tpu.enqueue_indirect_dma source(%dma_start3A_103 : memref<10000x128xf32, #tpu.memory_space<hbm>>) target(%dma_start3A_97 : memref<128x128xf32, #tpu.memory_space<vmem>>) offsets(%dma_start3A_100 : memref<128xi32, #tpu.memory_space<vmem>>) semaphore(%arg20 : memref<!tpu.dma_semaphore, #tpu.memory_space<semaphore_mem>>)
        } else {
        }
        %scan3A_67 = arith.constant 0 : i32
        %scan3A_68 = arith.constant 0 : i32
        %scan3A_69 = arith.constant 16 : i32
        %scan3A_70 = arith.addi %scan3A_68, %scan3A_69 : i32
        %scan3A_71 = arith.constant 1 : i32
        scf.for %scan3A_79 = %scan3A_68 to %scan3A_70 step %scan3A_71  : i32 {
          %mul3A_80 = arith.constant 2 : i32
          %mul3A_81 = arith.muli %mul3A_80, %scan3A_79 : i32
          %add3A_82 = arith.constant 0 : i32
          %add3A_83 = arith.addi %mul3A_81, %add3A_82 : i32
          %dma_wait3A = arith.constant 0 : i32
          %dma_wait3A_84 = arith.constant 0 : i32
          %dma_wait3A_85 = arith.constant 0 : i32
          %dma_wait3A_86 = tpu.memref_slice %arg14[%dma_wait3A, %dma_wait3A_84, %dma_wait3A_85] : memref<2x128x128xf32, #tpu.memory_space<vmem>> -> memref<1x128x128xf32, #tpu.memory_space<vmem>>
          %dma_wait3A_87 = tpu.memref_squeeze %dma_wait3A_86 : memref<1x128x128xf32, #tpu.memory_space<vmem>> -> memref<128x128xf32, #tpu.memory_space<vmem>>
          %dma_wait3A_88 = arith.constant 0 : i32
          %dma_wait3A_89 = tpu.memref_slice %arg12[%add3A_83, %dma_wait3A_88] : memref<32x128xi32, #tpu.memory_space<vmem>> -> memref<1x128xi32, #tpu.memory_space<vmem>>
          %dma_wait3A_90 = tpu.memref_squeeze %dma_wait3A_89 : memref<1x128xi32, #tpu.memory_space<vmem>> -> memref<128xi32, #tpu.memory_space<vmem>>
          %dma_wait3A_91 = arith.constant 0 : i32
          %dma_wait3A_92 = arith.constant 0 : i32
          %dma_wait3A_93 = tpu.memref_slice %arg2[%dma_wait3A_91, %dma_wait3A_92] : memref<10000x128xf32, #tpu.memory_space<hbm>> -> memref<10000x128xf32, #tpu.memory_space<hbm>>
          tpu.wait_indirect_dma semaphore(%arg19 : memref<!tpu.dma_semaphore, #tpu.memory_space<semaphore_mem>>) src(%dma_wait3A_93 : memref<10000x128xf32, #tpu.memory_space<hbm>>) dst(%dma_wait3A_87 : memref<128x128xf32, #tpu.memory_space<vmem>>)
          %dma_start3A = arith.constant 0 : i32
          %dma_start3A_94 = arith.constant 0 : i32
          %dma_start3A_95 = arith.constant 0 : i32
          %dma_start3A_96 = tpu.memref_slice %arg14[%dma_start3A, %dma_start3A_94, %dma_start3A_95] : memref<2x128x128xf32, #tpu.memory_space<vmem>> -> memref<1x128x128xf32, #tpu.memory_space<vmem>>
          %dma_start3A_97 = tpu.memref_squeeze %dma_start3A_96 : memref<1x128x128xf32, #tpu.memory_space<vmem>> -> memref<128x128xf32, #tpu.memory_space<vmem>>
          %dma_start3A_98 = arith.constant 0 : i32
          %dma_start3A_99 = tpu.memref_slice %arg13[%add3A_83, %dma_start3A_98] : memref<32x128xi32, #tpu.memory_space<vmem>> -> memref<1x128xi32, #tpu.memory_space<vmem>>
          %dma_start3A_100 = tpu.memref_squeeze %dma_start3A_99 : memref<1x128xi32, #tpu.memory_space<vmem>> -> memref<128xi32, #tpu.memory_space<vmem>>
          %dma_start3A_101 = arith.constant 0 : i32
          %dma_start3A_102 = arith.constant 0 : i32
          %dma_start3A_103 = tpu.memref_slice %arg17[%dma_start3A_101, %dma_start3A_102] : memref<10240x128xf32, #tpu.memory_space<vmem_shared>> -> memref<10240x128xf32, #tpu.memory_space<vmem_shared>>
          tpu.enqueue_indirect_dma source(%dma_start3A_97 : memref<128x128xf32, #tpu.memory_space<vmem>>) target(%dma_start3A_103 : memref<10240x128xf32, #tpu.memory_space<vmem_shared>>) offsets(%dma_start3A_100 : memref<128xi32, #tpu.memory_space<vmem>>) semaphore(%arg21 : memref<!tpu.dma_semaphore, #tpu.memory_space<semaphore_mem>>) {add = true}
          %dma_wait3A_104 = arith.constant 0 : i32
          %dma_wait3A_105 = arith.constant 0 : i32
          %dma_wait3A_106 = arith.constant 0 : i32
          %dma_wait3A_107 = tpu.memref_slice %arg14[%dma_wait3A_104, %dma_wait3A_105, %dma_wait3A_106] : memref<2x128x128xf32, #tpu.memory_space<vmem>> -> memref<1x128x128xf32, #tpu.memory_space<vmem>>
          %dma_wait3A_108 = tpu.memref_squeeze %dma_wait3A_107 : memref<1x128x128xf32, #tpu.memory_space<vmem>> -> memref<128x128xf32, #tpu.memory_space<vmem>>
          %dma_wait3A_109 = arith.constant 0 : i32
          %dma_wait3A_110 = tpu.memref_slice %arg13[%add3A_83, %dma_wait3A_109] : memref<32x128xi32, #tpu.memory_space<vmem>> -> memref<1x128xi32, #tpu.memory_space<vmem>>
          %dma_wait3A_111 = tpu.memref_squeeze %dma_wait3A_110 : memref<1x128xi32, #tpu.memory_space<vmem>> -> memref<128xi32, #tpu.memory_space<vmem>>
          %dma_wait3A_112 = arith.constant 0 : i32
          %dma_wait3A_113 = arith.constant 0 : i32
          %dma_wait3A_114 = tpu.memref_slice %arg17[%dma_wait3A_112, %dma_wait3A_113] : memref<10240x128xf32, #tpu.memory_space<vmem_shared>> -> memref<10240x128xf32, #tpu.memory_space<vmem_shared>>
          tpu.wait_indirect_dma semaphore(%arg21 : memref<!tpu.dma_semaphore, #tpu.memory_space<semaphore_mem>>) src(%dma_wait3A_108 : memref<128x128xf32, #tpu.memory_space<vmem>>) dst(%dma_wait3A_114 : memref<10240x128xf32, #tpu.memory_space<vmem_shared>>)
          %add3A_115 = arith.constant 2 : i32
          %add3A_116 = arith.addi %add3A_83, %add3A_115 : i32
          %lt3A_117 = arith.constant 32 : i32
          %lt3A_118 = arith.cmpi slt, %add3A_116, %lt3A_117 : i32
          %convert_element_type3A_119 = arith.extui %lt3A_118 : i1 to i32
          %cond3A_120 = arith.constant 0 : i32
          %cond3A_121 = arith.cmpi ne, %convert_element_type3A_119, %cond3A_120 : i32
          scf.if %cond3A_121 {
            %add3A_166 = arith.constant 2 : i32
            %add3A_167 = arith.addi %add3A_83, %add3A_166 : i32
            %dma_start3A_168 = arith.constant 0 : i32
            %dma_start3A_169 = arith.constant 0 : i32
            %dma_start3A_170 = arith.constant 0 : i32
            %dma_start3A_171 = tpu.memref_slice %arg14[%dma_start3A_168, %dma_start3A_169, %dma_start3A_170] : memref<2x128x128xf32, #tpu.memory_space<vmem>> -> memref<1x128x128xf32, #tpu.memory_space<vmem>>
            %dma_start3A_172 = tpu.memref_squeeze %dma_start3A_171 : memref<1x128x128xf32, #tpu.memory_space<vmem>> -> memref<128x128xf32, #tpu.memory_space<vmem>>
            %dma_start3A_173 = arith.constant 0 : i32
            %dma_start3A_174 = tpu.memref_slice %arg12[%add3A_167, %dma_start3A_173] : memref<32x128xi32, #tpu.memory_space<vmem>> -> memref<1x128xi32, #tpu.memory_space<vmem>>
            %dma_start3A_175 = tpu.memref_squeeze %dma_start3A_174 : memref<1x128xi32, #tpu.memory_space<vmem>> -> memref<128xi32, #tpu.memory_space<vmem>>
            %dma_start3A_176 = arith.constant 0 : i32
            %dma_start3A_177 = arith.constant 0 : i32
            %dma_start3A_178 = tpu.memref_slice %arg2[%dma_start3A_176, %dma_start3A_177] : memref<10000x128xf32, #tpu.memory_space<hbm>> -> memref<10000x128xf32, #tpu.memory_space<hbm>>
            tpu.enqueue_indirect_dma source(%dma_start3A_178 : memref<10000x128xf32, #tpu.memory_space<hbm>>) target(%dma_start3A_172 : memref<128x128xf32, #tpu.memory_space<vmem>>) offsets(%dma_start3A_175 : memref<128xi32, #tpu.memory_space<vmem>>) semaphore(%arg19 : memref<!tpu.dma_semaphore, #tpu.memory_space<semaphore_mem>>)
          } else {
          }
          %mul3A_122 = arith.constant 2 : i32
          %mul3A_123 = arith.muli %mul3A_122, %scan3A_79 : i32
          %add3A_124 = arith.constant 1 : i32
          %add3A_125 = arith.addi %mul3A_123, %add3A_124 : i32
          %dma_wait3A_126 = arith.constant 1 : i32
          %dma_wait3A_127 = arith.constant 0 : i32
          %dma_wait3A_128 = arith.constant 0 : i32
          %dma_wait3A_129 = tpu.memref_slice %arg14[%dma_wait3A_126, %dma_wait3A_127, %dma_wait3A_128] : memref<2x128x128xf32, #tpu.memory_space<vmem>> -> memref<1x128x128xf32, #tpu.memory_space<vmem>>
          %dma_wait3A_130 = tpu.memref_squeeze %dma_wait3A_129 : memref<1x128x128xf32, #tpu.memory_space<vmem>> -> memref<128x128xf32, #tpu.memory_space<vmem>>
          %dma_wait3A_131 = arith.constant 0 : i32
          %dma_wait3A_132 = tpu.memref_slice %arg12[%add3A_125, %dma_wait3A_131] : memref<32x128xi32, #tpu.memory_space<vmem>> -> memref<1x128xi32, #tpu.memory_space<vmem>>
          %dma_wait3A_133 = tpu.memref_squeeze %dma_wait3A_132 : memref<1x128xi32, #tpu.memory_space<vmem>> -> memref<128xi32, #tpu.memory_space<vmem>>
          %dma_wait3A_134 = arith.constant 0 : i32
          %dma_wait3A_135 = arith.constant 0 : i32
          %dma_wait3A_136 = tpu.memref_slice %arg2[%dma_wait3A_134, %dma_wait3A_135] : memref<10000x128xf32, #tpu.memory_space<hbm>> -> memref<10000x128xf32, #tpu.memory_space<hbm>>
          tpu.wait_indirect_dma semaphore(%arg20 : memref<!tpu.dma_semaphore, #tpu.memory_space<semaphore_mem>>) src(%dma_wait3A_136 : memref<10000x128xf32, #tpu.memory_space<hbm>>) dst(%dma_wait3A_130 : memref<128x128xf32, #tpu.memory_space<vmem>>)
          %dma_start3A_137 = arith.constant 1 : i32
          %dma_start3A_138 = arith.constant 0 : i32
          %dma_start3A_139 = arith.constant 0 : i32
          %dma_start3A_140 = tpu.memref_slice %arg14[%dma_start3A_137, %dma_start3A_138, %dma_start3A_139] : memref<2x128x128xf32, #tpu.memory_space<vmem>> -> memref<1x128x128xf32, #tpu.memory_space<vmem>>
          %dma_start3A_141 = tpu.memref_squeeze %dma_start3A_140 : memref<1x128x128xf32, #tpu.memory_space<vmem>> -> memref<128x128xf32, #tpu.memory_space<vmem>>
          %dma_start3A_142 = arith.constant 0 : i32
          %dma_start3A_143 = tpu.memref_slice %arg13[%add3A_125, %dma_start3A_142] : memref<32x128xi32, #tpu.memory_space<vmem>> -> memref<1x128xi32, #tpu.memory_space<vmem>>
          %dma_start3A_144 = tpu.memref_squeeze %dma_start3A_143 : memref<1x128xi32, #tpu.memory_space<vmem>> -> memref<128xi32, #tpu.memory_space<vmem>>
          %dma_start3A_145 = arith.constant 0 : i32
          %dma_start3A_146 = arith.constant 0 : i32
          %dma_start3A_147 = tpu.memref_slice %arg17[%dma_start3A_145, %dma_start3A_146] : memref<10240x128xf32, #tpu.memory_space<vmem_shared>> -> memref<10240x128xf32, #tpu.memory_space<vmem_shared>>
          tpu.enqueue_indirect_dma source(%dma_start3A_141 : memref<128x128xf32, #tpu.memory_space<vmem>>) target(%dma_start3A_147 : memref<10240x128xf32, #tpu.memory_space<vmem_shared>>) offsets(%dma_start3A_144 : memref<128xi32, #tpu.memory_space<vmem>>) semaphore(%arg21 : memref<!tpu.dma_semaphore, #tpu.memory_space<semaphore_mem>>) {add = true}
          %dma_wait3A_148 = arith.constant 1 : i32
          %dma_wait3A_149 = arith.constant 0 : i32
          %dma_wait3A_150 = arith.constant 0 : i32
          %dma_wait3A_151 = tpu.memref_slice %arg14[%dma_wait3A_148, %dma_wait3A_149, %dma_wait3A_150] : memref<2x128x128xf32, #tpu.memory_space<vmem>> -> memref<1x128x128xf32, #tpu.memory_space<vmem>>
          %dma_wait3A_152 = tpu.memref_squeeze %dma_wait3A_151 : memref<1x128x128xf32, #tpu.memory_space<vmem>> -> memref<128x128xf32, #tpu.memory_space<vmem>>
          %dma_wait3A_153 = arith.constant 0 : i32
          %dma_wait3A_154 = tpu.memref_slice %arg13[%add3A_125, %dma_wait3A_153] : memref<32x128xi32, #tpu.memory_space<vmem>> -> memref<1x128xi32, #tpu.memory_space<vmem>>
          %dma_wait3A_155 = tpu.memref_squeeze %dma_wait3A_154 : memref<1x128xi32, #tpu.memory_space<vmem>> -> memref<128xi32, #tpu.memory_space<vmem>>
          %dma_wait3A_156 = arith.constant 0 : i32
          %dma_wait3A_157 = arith.constant 0 : i32
          %dma_wait3A_158 = tpu.memref_slice %arg17[%dma_wait3A_156, %dma_wait3A_157] : memref<10240x128xf32, #tpu.memory_space<vmem_shared>> -> memref<10240x128xf32, #tpu.memory_space<vmem_shared>>
          tpu.wait_indirect_dma semaphore(%arg21 : memref<!tpu.dma_semaphore, #tpu.memory_space<semaphore_mem>>) src(%dma_wait3A_152 : memref<128x128xf32, #tpu.memory_space<vmem>>) dst(%dma_wait3A_158 : memref<10240x128xf32, #tpu.memory_space<vmem_shared>>)
          %add3A_159 = arith.constant 2 : i32
          %add3A_160 = arith.addi %add3A_125, %add3A_159 : i32
          %lt3A_161 = arith.constant 32 : i32
          %lt3A_162 = arith.cmpi slt, %add3A_160, %lt3A_161 : i32
          %convert_element_type3A_163 = arith.extui %lt3A_162 : i1 to i32
          %cond3A_164 = arith.constant 0 : i32
          %cond3A_165 = arith.cmpi ne, %convert_element_type3A_163, %cond3A_164 : i32
          scf.if %cond3A_165 {
            %add3A_166 = arith.constant 2 : i32
            %add3A_167 = arith.addi %add3A_125, %add3A_166 : i32
            %dma_start3A_168 = arith.constant 1 : i32
            %dma_start3A_169 = arith.constant 0 : i32
            %dma_start3A_170 = arith.constant 0 : i32
            %dma_start3A_171 = tpu.memref_slice %arg14[%dma_start3A_168, %dma_start3A_169, %dma_start3A_170] : memref<2x128x128xf32, #tpu.memory_space<vmem>> -> memref<1x128x128xf32, #tpu.memory_space<vmem>>
            %dma_start3A_172 = tpu.memref_squeeze %dma_start3A_171 : memref<1x128x128xf32, #tpu.memory_space<vmem>> -> memref<128x128xf32, #tpu.memory_space<vmem>>
            %dma_start3A_173 = arith.constant 0 : i32
            %dma_start3A_174 = tpu.memref_slice %arg12[%add3A_167, %dma_start3A_173] : memref<32x128xi32, #tpu.memory_space<vmem>> -> memref<1x128xi32, #tpu.memory_space<vmem>>
            %dma_start3A_175 = tpu.memref_squeeze %dma_start3A_174 : memref<1x128xi32, #tpu.memory_space<vmem>> -> memref<128xi32, #tpu.memory_space<vmem>>
            %dma_start3A_176 = arith.constant 0 : i32
            %dma_start3A_177 = arith.constant 0 : i32
            %dma_start3A_178 = tpu.memref_slice %arg2[%dma_start3A_176, %dma_start3A_177] : memref<10000x128xf32, #tpu.memory_space<hbm>> -> memref<10000x128xf32, #tpu.memory_space<hbm>>
            tpu.enqueue_indirect_dma source(%dma_start3A_178 : memref<10000x128xf32, #tpu.memory_space<hbm>>) target(%dma_start3A_172 : memref<128x128xf32, #tpu.memory_space<vmem>>) offsets(%dma_start3A_175 : memref<128xi32, #tpu.memory_space<vmem>>) semaphore(%arg20 : memref<!tpu.dma_semaphore, #tpu.memory_space<semaphore_mem>>)
          } else {
          }
        }
        %scan3A_72 = arith.constant 16 : i32
        %add3A_73 = arith.constant 1 : i32
        %add3A_74 = arith.addi %scan3A_61, %add3A_73 : i32
        %lt3A = arith.constant 5 : i32
        %lt3A_75 = arith.cmpi slt, %add3A_74, %lt3A : i32
        %convert_element_type3A_76 = arith.extui %lt3A_75 : i1 to i32
        %cond3A_77 = arith.constant 0 : i32
        %cond3A_78 = arith.cmpi ne, %convert_element_type3A_76, %cond3A_77 : i32
        scf.if %cond3A_78 {
          %mul3A_79 = arith.constant 160 : i32
          %mul3A_80 = arith.muli %arg1, %mul3A_79 : i32
          %add3A_81 = arith.constant 1 : i32
          %add3A_82 = arith.addi %scan3A_61, %add3A_81 : i32
          %mul3A_83 = arith.constant 32 : i32
          %mul3A_84 = arith.muli %add3A_82, %mul3A_83 : i32
          %add3A_85 = arith.addi %mul3A_80, %mul3A_84 : i32
          "tpu.region"() ({
            %run_scoped3A_109 = tpu.sem_alloc : memref<!tpu.dma_semaphore, #tpu.memory_space<semaphore_mem>>
            %dma_start3A_110 = arith.constant 0 : i32
            %dma_start3A_111 = tpu.memref_slice %arg4[%add3A_85, %dma_start3A_110] : memref<2560x128xi32, #tpu.memory_space<hbm>> -> memref<32x128xi32, #tpu.memory_space<hbm>>
            %dma_start3A_112 = arith.constant 0 : i32
            %dma_start3A_113 = tpu.memref_slice %arg4[%add3A_85, %dma_start3A_112] : memref<2560x128xi32, #tpu.memory_space<hbm>> -> memref<32x128xi32, #tpu.memory_space<hbm>>
            tpu.enqueue_dma source(%dma_start3A_113 : memref<32x128xi32, #tpu.memory_space<hbm>>) target(%arg12 : memref<32x128xi32, #tpu.memory_space<vmem>>) target_semaphore(%run_scoped3A_109 : memref<!tpu.dma_semaphore, #tpu.memory_space<semaphore_mem>>)
            %dma_wait3A = arith.constant 0 : i32
            %dma_wait3A_114 = tpu.memref_slice %arg4[%add3A_85, %dma_wait3A] : memref<2560x128xi32, #tpu.memory_space<hbm>> -> memref<32x128xi32, #tpu.memory_space<hbm>>
            %dma_wait3A_115 = arith.constant 0 : i32
            %dma_wait3A_116 = tpu.memref_slice %arg4[%add3A_85, %dma_wait3A_115] : memref<2560x128xi32, #tpu.memory_space<hbm>> -> memref<32x128xi32, #tpu.memory_space<hbm>>
            tpu.wait_dma2 semaphore(%run_scoped3A_109 : memref<!tpu.dma_semaphore, #tpu.memory_space<semaphore_mem>>) src(%dma_wait3A_116 : memref<32x128xi32, #tpu.memory_space<hbm>>) dst(%arg12 : memref<32x128xi32, #tpu.memory_space<vmem>>)
            tpu.yield
          }) : () -> ()
          "tpu.region"() ({
            %run_scoped3A_109 = tpu.sem_alloc : memref<!tpu.dma_semaphore, #tpu.memory_space<semaphore_mem>>
            %dma_start3A_110 = arith.constant 0 : i32
            %dma_start3A_111 = tpu.memref_slice %arg5[%add3A_85, %dma_start3A_110] : memref<2560x128xi32, #tpu.memory_space<hbm>> -> memref<32x128xi32, #tpu.memory_space<hbm>>
            %dma_start3A_112 = arith.constant 0 : i32
            %dma_start3A_113 = tpu.memref_slice %arg5[%add3A_85, %dma_start3A_112] : memref<2560x128xi32, #tpu.memory_space<hbm>> -> memref<32x128xi32, #tpu.memory_space<hbm>>
            tpu.enqueue_dma source(%dma_start3A_113 : memref<32x128xi32, #tpu.memory_space<hbm>>) target(%arg13 : memref<32x128xi32, #tpu.memory_space<vmem>>) target_semaphore(%run_scoped3A_109 : memref<!tpu.dma_semaphore, #tpu.memory_space<semaphore_mem>>)
            %dma_wait3A = arith.constant 0 : i32
            %dma_wait3A_114 = tpu.memref_slice %arg5[%add3A_85, %dma_wait3A] : memref<2560x128xi32, #tpu.memory_space<hbm>> -> memref<32x128xi32, #tpu.memory_space<hbm>>
            %dma_wait3A_115 = arith.constant 0 : i32
            %dma_wait3A_116 = tpu.memref_slice %arg5[%add3A_85, %dma_wait3A_115] : memref<2560x128xi32, #tpu.memory_space<hbm>> -> memref<32x128xi32, #tpu.memory_space<hbm>>
            tpu.wait_dma2 semaphore(%run_scoped3A_109 : memref<!tpu.dma_semaphore, #tpu.memory_space<semaphore_mem>>) src(%dma_wait3A_116 : memref<32x128xi32, #tpu.memory_space<hbm>>) dst(%arg13 : memref<32x128xi32, #tpu.memory_space<vmem>>)
            tpu.yield
          }) : () -> ()
          %dma_start3A = arith.constant 0 : i32
          %dma_start3A_86 = arith.constant 0 : i32
          %dma_start3A_87 = arith.constant 0 : i32
          %dma_start3A_88 = arith.constant 0 : i32
          %dma_start3A_89 = tpu.memref_slice %arg14[%dma_start3A_86, %dma_start3A_87, %dma_start3A_88] : memref<2x128x128xf32, #tpu.memory_space<vmem>> -> memref<1x128x128xf32, #tpu.memory_space<vmem>>
          %dma_start3A_90 = tpu.memref_squeeze %dma_start3A_89 : memref<1x128x128xf32, #tpu.memory_space<vmem>> -> memref<128x128xf32, #tpu.memory_space<vmem>>
          %dma_start3A_91 = arith.constant 0 : i32
          %dma_start3A_92 = tpu.memref_slice %arg12[%dma_start3A, %dma_start3A_91] : memref<32x128xi32, #tpu.memory_space<vmem>> -> memref<1x128xi32, #tpu.memory_space<vmem>>
          %dma_start3A_93 = tpu.memref_squeeze %dma_start3A_92 : memref<1x128xi32, #tpu.memory_space<vmem>> -> memref<128xi32, #tpu.memory_space<vmem>>
          %dma_start3A_94 = arith.constant 0 : i32
          %dma_start3A_95 = arith.constant 0 : i32
          %dma_start3A_96 = tpu.memref_slice %arg2[%dma_start3A_94, %dma_start3A_95] : memref<10000x128xf32, #tpu.memory_space<hbm>> -> memref<10000x128xf32, #tpu.memory_space<hbm>>
          tpu.enqueue_indirect_dma source(%dma_start3A_96 : memref<10000x128xf32, #tpu.memory_space<hbm>>) target(%dma_start3A_90 : memref<128x128xf32, #tpu.memory_space<vmem>>) offsets(%dma_start3A_93 : memref<128xi32, #tpu.memory_space<vmem>>) semaphore(%arg19 : memref<!tpu.dma_semaphore, #tpu.memory_space<semaphore_mem>>)
          %dma_start3A_97 = arith.constant 1 : i32
          %dma_start3A_98 = arith.constant 1 : i32
          %dma_start3A_99 = arith.constant 0 : i32
          %dma_start3A_100 = arith.constant 0 : i32
          %dma_start3A_101 = tpu.memref_slice %arg14[%dma_start3A_98, %dma_start3A_99, %dma_start3A_100] : memref<2x128x128xf32, #tpu.memory_space<vmem>> -> memref<1x128x128xf32, #tpu.memory_space<vmem>>
          %dma_start3A_102 = tpu.memref_squeeze %dma_start3A_101 : memref<1x128x128xf32, #tpu.memory_space<vmem>> -> memref<128x128xf32, #tpu.memory_space<vmem>>
          %dma_start3A_103 = arith.constant 0 : i32
          %dma_start3A_104 = tpu.memref_slice %arg12[%dma_start3A_97, %dma_start3A_103] : memref<32x128xi32, #tpu.memory_space<vmem>> -> memref<1x128xi32, #tpu.memory_space<vmem>>
          %dma_start3A_105 = tpu.memref_squeeze %dma_start3A_104 : memref<1x128xi32, #tpu.memory_space<vmem>> -> memref<128xi32, #tpu.memory_space<vmem>>
          %dma_start3A_106 = arith.constant 0 : i32
          %dma_start3A_107 = arith.constant 0 : i32
          %dma_start3A_108 = tpu.memref_slice %arg2[%dma_start3A_106, %dma_start3A_107] : memref<10000x128xf32, #tpu.memory_space<hbm>> -> memref<10000x128xf32, #tpu.memory_space<hbm>>
          tpu.enqueue_indirect_dma source(%dma_start3A_108 : memref<10000x128xf32, #tpu.memory_space<hbm>>) target(%dma_start3A_102 : memref<128x128xf32, #tpu.memory_space<vmem>>) offsets(%dma_start3A_105 : memref<128xi32, #tpu.memory_space<vmem>>) semaphore(%arg20 : memref<!tpu.dma_semaphore, #tpu.memory_space<semaphore_mem>>)
        } else {
        }
      }
      %scan3A_39 = arith.constant 5 : i32
      %barrier3A_40 = arith.constant 0 : index
      tpu.barrier barrier_id(%barrier3A_40)
      %mul3A_41 = arith.constant 640 : i32
      %mul3A_42 = arith.muli %arg1, %mul3A_41 : i32
      %add3A_43 = arith.constant 0 : i32
      %add3A_44 = arith.addi %mul3A_42, %add3A_43 : i32
      "tpu.region"() ({
        %run_scoped3A_61 = tpu.sem_alloc : memref<!tpu.dma_semaphore, #tpu.memory_space<semaphore_mem>>
        %dma_start3A = arith.constant 0 : i32
        %dma_start3A_62 = tpu.memref_slice %arg8[%add3A_44, %dma_start3A] : memref<10240x128xf32, #tpu.memory_space<hbm>> -> memref<128x128xf32, #tpu.memory_space<hbm>>
        %dma_start3A_63 = arith.constant 0 : i32
        %dma_start3A_64 = tpu.memref_slice %arg17[%add3A_44, %dma_start3A_63] : memref<10240x128xf32, #tpu.memory_space<vmem_shared>> -> memref<128x128xf32, #tpu.memory_space<vmem_shared>>
        tpu.enqueue_dma source(%dma_start3A_64 : memref<128x128xf32, #tpu.memory_space<vmem_shared>>) target(%dma_start3A_62 : memref<128x128xf32, #tpu.memory_space<hbm>>) target_semaphore(%run_scoped3A_61 : memref<!tpu.dma_semaphore, #tpu.memory_space<semaphore_mem>>)
        %dma_wait3A = arith.constant 0 : i32
        %dma_wait3A_65 = tpu.memref_slice %arg8[%add3A_44, %dma_wait3A] : memref<10240x128xf32, #tpu.memory_space<hbm>> -> memref<128x128xf32, #tpu.memory_space<hbm>>
        %dma_wait3A_66 = arith.constant 0 : i32
        %dma_wait3A_67 = tpu.memref_slice %arg17[%add3A_44, %dma_wait3A_66] : memref<10240x128xf32, #tpu.memory_space<vmem_shared>> -> memref<128x128xf32, #tpu.memory_space<vmem_shared>>
        tpu.wait_dma2 semaphore(%run_scoped3A_61 : memref<!tpu.dma_semaphore, #tpu.memory_space<semaphore_mem>>) src(%dma_wait3A_67 : memref<128x128xf32, #tpu.memory_space<vmem_shared>>) dst(%dma_wait3A_65 : memref<128x128xf32, #tpu.memory_space<hbm>>)
        tpu.yield
      }) : () -> ()
      %mul3A_45 = arith.constant 640 : i32
      %mul3A_46 = arith.muli %arg1, %mul3A_45 : i32
      %add3A_47 = arith.constant 128 : i32
      %add3A_48 = arith.addi %mul3A_46, %add3A_47 : i32
      "tpu.region"() ({
        %run_scoped3A_61 = tpu.sem_alloc : memref<!tpu.dma_semaphore, #tpu.memory_space<semaphore_mem>>
        %dma_start3A = arith.constant 0 : i32
        %dma_start3A_62 = tpu.memref_slice %arg8[%add3A_48, %dma_start3A] : memref<10240x128xf32, #tpu.memory_space<hbm>> -> memref<128x128xf32, #tpu.memory_space<hbm>>
        %dma_start3A_63 = arith.constant 0 : i32
        %dma_start3A_64 = tpu.memref_slice %arg17[%add3A_48, %dma_start3A_63] : memref<10240x128xf32, #tpu.memory_space<vmem_shared>> -> memref<128x128xf32, #tpu.memory_space<vmem_shared>>
        tpu.enqueue_dma source(%dma_start3A_64 : memref<128x128xf32, #tpu.memory_space<vmem_shared>>) target(%dma_start3A_62 : memref<128x128xf32, #tpu.memory_space<hbm>>) target_semaphore(%run_scoped3A_61 : memref<!tpu.dma_semaphore, #tpu.memory_space<semaphore_mem>>)
        %dma_wait3A = arith.constant 0 : i32
        %dma_wait3A_65 = tpu.memref_slice %arg8[%add3A_48, %dma_wait3A] : memref<10240x128xf32, #tpu.memory_space<hbm>> -> memref<128x128xf32, #tpu.memory_space<hbm>>
        %dma_wait3A_66 = arith.constant 0 : i32
        %dma_wait3A_67 = tpu.memref_slice %arg17[%add3A_48, %dma_wait3A_66] : memref<10240x128xf32, #tpu.memory_space<vmem_shared>> -> memref<128x128xf32, #tpu.memory_space<vmem_shared>>
        tpu.wait_dma2 semaphore(%run_scoped3A_61 : memref<!tpu.dma_semaphore, #tpu.memory_space<semaphore_mem>>) src(%dma_wait3A_67 : memref<128x128xf32, #tpu.memory_space<vmem_shared>>) dst(%dma_wait3A_65 : memref<128x128xf32, #tpu.memory_space<hbm>>)
        tpu.yield
      }) : () -> ()
      %mul3A_49 = arith.constant 640 : i32
      %mul3A_50 = arith.muli %arg1, %mul3A_49 : i32
      %add3A_51 = arith.constant 256 : i32
      %add3A_52 = arith.addi %mul3A_50, %add3A_51 : i32
      "tpu.region"() ({
        %run_scoped3A_61 = tpu.sem_alloc : memref<!tpu.dma_semaphore, #tpu.memory_space<semaphore_mem>>
        %dma_start3A = arith.constant 0 : i32
        %dma_start3A_62 = tpu.memref_slice %arg8[%add3A_52, %dma_start3A] : memref<10240x128xf32, #tpu.memory_space<hbm>> -> memref<128x128xf32, #tpu.memory_space<hbm>>
        %dma_start3A_63 = arith.constant 0 : i32
        %dma_start3A_64 = tpu.memref_slice %arg17[%add3A_52, %dma_start3A_63] : memref<10240x128xf32, #tpu.memory_space<vmem_shared>> -> memref<128x128xf32, #tpu.memory_space<vmem_shared>>
        tpu.enqueue_dma source(%dma_start3A_64 : memref<128x128xf32, #tpu.memory_space<vmem_shared>>) target(%dma_start3A_62 : memref<128x128xf32, #tpu.memory_space<hbm>>) target_semaphore(%run_scoped3A_61 : memref<!tpu.dma_semaphore, #tpu.memory_space<semaphore_mem>>)
        %dma_wait3A = arith.constant 0 : i32
        %dma_wait3A_65 = tpu.memref_slice %arg8[%add3A_52, %dma_wait3A] : memref<10240x128xf32, #tpu.memory_space<hbm>> -> memref<128x128xf32, #tpu.memory_space<hbm>>
        %dma_wait3A_66 = arith.constant 0 : i32
        %dma_wait3A_67 = tpu.memref_slice %arg17[%add3A_52, %dma_wait3A_66] : memref<10240x128xf32, #tpu.memory_space<vmem_shared>> -> memref<128x128xf32, #tpu.memory_space<vmem_shared>>
        tpu.wait_dma2 semaphore(%run_scoped3A_61 : memref<!tpu.dma_semaphore, #tpu.memory_space<semaphore_mem>>) src(%dma_wait3A_67 : memref<128x128xf32, #tpu.memory_space<vmem_shared>>) dst(%dma_wait3A_65 : memref<128x128xf32, #tpu.memory_space<hbm>>)
        tpu.yield
      }) : () -> ()
      %mul3A_53 = arith.constant 640 : i32
      %mul3A_54 = arith.muli %arg1, %mul3A_53 : i32
      %add3A_55 = arith.constant 384 : i32
      %add3A_56 = arith.addi %mul3A_54, %add3A_55 : i32
      "tpu.region"() ({
        %run_scoped3A_61 = tpu.sem_alloc : memref<!tpu.dma_semaphore, #tpu.memory_space<semaphore_mem>>
        %dma_start3A = arith.constant 0 : i32
        %dma_start3A_62 = tpu.memref_slice %arg8[%add3A_56, %dma_start3A] : memref<10240x128xf32, #tpu.memory_space<hbm>> -> memref<128x128xf32, #tpu.memory_space<hbm>>
        %dma_start3A_63 = arith.constant 0 : i32
        %dma_start3A_64 = tpu.memref_slice %arg17[%add3A_56, %dma_start3A_63] : memref<10240x128xf32, #tpu.memory_space<vmem_shared>> -> memref<128x128xf32, #tpu.memory_space<vmem_shared>>
        tpu.enqueue_dma source(%dma_start3A_64 : memref<128x128xf32, #tpu.memory_space<vmem_shared>>) target(%dma_start3A_62 : memref<128x128xf32, #tpu.memory_space<hbm>>) target_semaphore(%run_scoped3A_61 : memref<!tpu.dma_semaphore, #tpu.memory_space<semaphore_mem>>)
        %dma_wait3A = arith.constant 0 : i32
        %dma_wait3A_65 = tpu.memref_slice %arg8[%add3A_56, %dma_wait3A] : memref<10240x128xf32, #tpu.memory_space<hbm>> -> memref<128x128xf32, #tpu.memory_space<hbm>>
        %dma_wait3A_66 = arith.constant 0 : i32
        %dma_wait3A_67 = tpu.memref_slice %arg17[%add3A_56, %dma_wait3A_66] : memref<10240x128xf32, #tpu.memory_space<vmem_shared>> -> memref<128x128xf32, #tpu.memory_space<vmem_shared>>
        tpu.wait_dma2 semaphore(%run_scoped3A_61 : memref<!tpu.dma_semaphore, #tpu.memory_space<semaphore_mem>>) src(%dma_wait3A_67 : memref<128x128xf32, #tpu.memory_space<vmem_shared>>) dst(%dma_wait3A_65 : memref<128x128xf32, #tpu.memory_space<hbm>>)
        tpu.yield
      }) : () -> ()
      %mul3A_57 = arith.constant 640 : i32
      %mul3A_58 = arith.muli %arg1, %mul3A_57 : i32
      %add3A_59 = arith.constant 512 : i32
      %add3A_60 = arith.addi %mul3A_58, %add3A_59 : i32
      "tpu.region"() ({
        %run_scoped3A_61 = tpu.sem_alloc : memref<!tpu.dma_semaphore, #tpu.memory_space<semaphore_mem>>
        %dma_start3A = arith.constant 0 : i32
        %dma_start3A_62 = tpu.memref_slice %arg8[%add3A_60, %dma_start3A] : memref<10240x128xf32, #tpu.memory_space<hbm>> -> memref<128x128xf32, #tpu.memory_space<hbm>>
        %dma_start3A_63 = arith.constant 0 : i32
        %dma_start3A_64 = tpu.memref_slice %arg17[%add3A_60, %dma_start3A_63] : memref<10240x128xf32, #tpu.memory_space<vmem_shared>> -> memref<128x128xf32, #tpu.memory_space<vmem_shared>>
        tpu.enqueue_dma source(%dma_start3A_64 : memref<128x128xf32, #tpu.memory_space<vmem_shared>>) target(%dma_start3A_62 : memref<128x128xf32, #tpu.memory_space<hbm>>) target_semaphore(%run_scoped3A_61 : memref<!tpu.dma_semaphore, #tpu.memory_space<semaphore_mem>>)
        %dma_wait3A = arith.constant 0 : i32
        %dma_wait3A_65 = tpu.memref_slice %arg8[%add3A_60, %dma_wait3A] : memref<10240x128xf32, #tpu.memory_space<hbm>> -> memref<128x128xf32, #tpu.memory_space<hbm>>
        %dma_wait3A_66 = arith.constant 0 : i32
        %dma_wait3A_67 = tpu.memref_slice %arg17[%add3A_60, %dma_wait3A_66] : memref<10240x128xf32, #tpu.memory_space<vmem_shared>> -> memref<128x128xf32, #tpu.memory_space<vmem_shared>>
        tpu.wait_dma2 semaphore(%run_scoped3A_61 : memref<!tpu.dma_semaphore, #tpu.memory_space<semaphore_mem>>) src(%dma_wait3A_67 : memref<128x128xf32, #tpu.memory_space<vmem_shared>>) dst(%dma_wait3A_65 : memref<128x128xf32, #tpu.memory_space<hbm>>)
        tpu.yield
      }) : () -> ()
    } else {
    }
    %eq3A_2 = arith.constant 1 : i32
    %eq3A_3 = arith.cmpi eq, %arg0, %eq3A_2 : i32
    %convert_element_type3A_4 = arith.extui %eq3A_3 : i1 to i32
    %cond3A_5 = arith.constant 0 : i32
    %cond3A_6 = arith.cmpi ne, %convert_element_type3A_4, %cond3A_5 : i32
    scf.if %cond3A_6 {
      %scan3A = arith.constant 0 : i32
      %scan3A_7 = arith.constant 0 : i32
      %scan3A_8 = arith.constant 128 : i32
      %scan3A_9 = arith.addi %scan3A_7, %scan3A_8 : i32
      %scan3A_10 = arith.constant 1 : i32
      scf.for %scan3A_61 = %scan3A_7 to %scan3A_9 step %scan3A_10  : i32 {
        %broadcast_in_dim3A = arith.constant 0.000000e+00 : f32
        %broadcast_in_dim3A_62 = vector.broadcast %broadcast_in_dim3A : f32 to vector<16xf32>
        %swap3A = arith.constant 0 : i32
        %swap3A_63 = arith.index_cast %swap3A : i32 to index
        %swap3A_64 = arith.index_cast %scan3A_61 : i32 to index
        %swap3A_65 = arith.constant 0 : index
        %swap3A_66 = tpu.vector_load %arg14[%swap3A_63, %swap3A_64, %swap3A_65] {strides = array<i32>} : memref<2x128x128xf32, #tpu.memory_space<vmem>>, vector<1x1x16xf32>,
        %swap3A_67 = vector.shape_cast %swap3A_66 : vector<1x1x16xf32> to vector<16xf32>
        %swap3A_68 = vector.shape_cast %broadcast_in_dim3A_62 : vector<16xf32> to vector<1x1x16xf32>
        tpu.vector_store %arg14[%swap3A_63, %swap3A_64, %swap3A_65], %swap3A_68 {strides = array<i32>} : memref<2x128x128xf32, #tpu.memory_space<vmem>>, vector<1x1x16xf32>,
        %broadcast_in_dim3A_69 = arith.constant 0.000000e+00 : f32
        %broadcast_in_dim3A_70 = vector.broadcast %broadcast_in_dim3A_69 : f32 to vector<16xf32>
        %swap3A_71 = arith.constant 0 : i32
        %swap3A_72 = arith.index_cast %swap3A_71 : i32 to index
        %swap3A_73 = arith.index_cast %scan3A_61 : i32 to index
        %swap3A_74 = arith.constant 16 : index
        %swap3A_75 = tpu.vector_load %arg14[%swap3A_72, %swap3A_73, %swap3A_74] {strides = array<i32>} : memref<2x128x128xf32, #tpu.memory_space<vmem>>, vector<1x1x16xf32>,
        %swap3A_76 = vector.shape_cast %swap3A_75 : vector<1x1x16xf32> to vector<16xf32>
        %swap3A_77 = vector.shape_cast %broadcast_in_dim3A_70 : vector<16xf32> to vector<1x1x16xf32>
        tpu.vector_store %arg14[%swap3A_72, %swap3A_73, %swap3A_74], %swap3A_77 {strides = array<i32>} : memref<2x128x128xf32, #tpu.memory_space<vmem>>, vector<1x1x16xf32>,
        %broadcast_in_dim3A_78 = arith.constant 0.000000e+00 : f32
        %broadcast_in_dim3A_79 = vector.broadcast %broadcast_in_dim3A_78 : f32 to vector<16xf32>
        %swap3A_80 = arith.constant 0 : i32
        %swap3A_81 = arith.index_cast %swap3A_80 : i32 to index
        %swap3A_82 = arith.index_cast %scan3A_61 : i32 to index
        %swap3A_83 = arith.constant 32 : index
        %swap3A_84 = tpu.vector_load %arg14[%swap3A_81, %swap3A_82, %swap3A_83] {strides = array<i32>} : memref<2x128x128xf32, #tpu.memory_space<vmem>>, vector<1x1x16xf32>,
        %swap3A_85 = vector.shape_cast %swap3A_84 : vector<1x1x16xf32> to vector<16xf32>
        %swap3A_86 = vector.shape_cast %broadcast_in_dim3A_79 : vector<16xf32> to vector<1x1x16xf32>
        tpu.vector_store %arg14[%swap3A_81, %swap3A_82, %swap3A_83], %swap3A_86 {strides = array<i32>} : memref<2x128x128xf32, #tpu.memory_space<vmem>>, vector<1x1x16xf32>,
        %broadcast_in_dim3A_87 = arith.constant 0.000000e+00 : f32
        %broadcast_in_dim3A_88 = vector.broadcast %broadcast_in_dim3A_87 : f32 to vector<16xf32>
        %swap3A_89 = arith.constant 0 : i32
        %swap3A_90 = arith.index_cast %swap3A_89 : i32 to index
        %swap3A_91 = arith.index_cast %scan3A_61 : i32 to index
        %swap3A_92 = arith.constant 48 : index
        %swap3A_93 = tpu.vector_load %arg14[%swap3A_90, %swap3A_91, %swap3A_92] {strides = array<i32>} : memref<2x128x128xf32, #tpu.memory_space<vmem>>, vector<1x1x16xf32>,
        %swap3A_94 = vector.shape_cast %swap3A_93 : vector<1x1x16xf32> to vector<16xf32>
        %swap3A_95 = vector.shape_cast %broadcast_in_dim3A_88 : vector<16xf32> to vector<1x1x16xf32>
        tpu.vector_store %arg14[%swap3A_90, %swap3A_91, %swap3A_92], %swap3A_95 {strides = array<i32>} : memref<2x128x128xf32, #tpu.memory_space<vmem>>, vector<1x1x16xf32>,
        %broadcast_in_dim3A_96 = arith.constant 0.000000e+00 : f32
        %broadcast_in_dim3A_97 = vector.broadcast %broadcast_in_dim3A_96 : f32 to vector<16xf32>
        %swap3A_98 = arith.constant 0 : i32
        %swap3A_99 = arith.index_cast %swap3A_98 : i32 to index
        %swap3A_100 = arith.index_cast %scan3A_61 : i32 to index
        %swap3A_101 = arith.constant 64 : index
        %swap3A_102 = tpu.vector_load %arg14[%swap3A_99, %swap3A_100, %swap3A_101] {strides = array<i32>} : memref<2x128x128xf32, #tpu.memory_space<vmem>>, vector<1x1x16xf32>,
        %swap3A_103 = vector.shape_cast %swap3A_102 : vector<1x1x16xf32> to vector<16xf32>
        %swap3A_104 = vector.shape_cast %broadcast_in_dim3A_97 : vector<16xf32> to vector<1x1x16xf32>
        tpu.vector_store %arg14[%swap3A_99, %swap3A_100, %swap3A_101], %swap3A_104 {strides = array<i32>} : memref<2x128x128xf32, #tpu.memory_space<vmem>>, vector<1x1x16xf32>,
        %broadcast_in_dim3A_105 = arith.constant 0.000000e+00 : f32
        %broadcast_in_dim3A_106 = vector.broadcast %broadcast_in_dim3A_105 : f32 to vector<16xf32>
        %swap3A_107 = arith.constant 0 : i32
        %swap3A_108 = arith.index_cast %swap3A_107 : i32 to index
        %swap3A_109 = arith.index_cast %scan3A_61 : i32 to index
        %swap3A_110 = arith.constant 80 : index
        %swap3A_111 = tpu.vector_load %arg14[%swap3A_108, %swap3A_109, %swap3A_110] {strides = array<i32>} : memref<2x128x128xf32, #tpu.memory_space<vmem>>, vector<1x1x16xf32>,
        %swap3A_112 = vector.shape_cast %swap3A_111 : vector<1x1x16xf32> to vector<16xf32>
        %swap3A_113 = vector.shape_cast %broadcast_in_dim3A_106 : vector<16xf32> to vector<1x1x16xf32>
        tpu.vector_store %arg14[%swap3A_108, %swap3A_109, %swap3A_110], %swap3A_113 {strides = array<i32>} : memref<2x128x128xf32, #tpu.memory_space<vmem>>, vector<1x1x16xf32>,
        %broadcast_in_dim3A_114 = arith.constant 0.000000e+00 : f32
        %broadcast_in_dim3A_115 = vector.broadcast %broadcast_in_dim3A_114 : f32 to vector<16xf32>
        %swap3A_116 = arith.constant 0 : i32
        %swap3A_117 = arith.index_cast %swap3A_116 : i32 to index
        %swap3A_118 = arith.index_cast %scan3A_61 : i32 to index
        %swap3A_119 = arith.constant 96 : index
        %swap3A_120 = tpu.vector_load %arg14[%swap3A_117, %swap3A_118, %swap3A_119] {strides = array<i32>} : memref<2x128x128xf32, #tpu.memory_space<vmem>>, vector<1x1x16xf32>,
        %swap3A_121 = vector.shape_cast %swap3A_120 : vector<1x1x16xf32> to vector<16xf32>
        %swap3A_122 = vector.shape_cast %broadcast_in_dim3A_115 : vector<16xf32> to vector<1x1x16xf32>
        tpu.vector_store %arg14[%swap3A_117, %swap3A_118, %swap3A_119], %swap3A_122 {strides = array<i32>} : memref<2x128x128xf32, #tpu.memory_space<vmem>>, vector<1x1x16xf32>,
        %broadcast_in_dim3A_123 = arith.constant 0.000000e+00 : f32
        %broadcast_in_dim3A_124 = vector.broadcast %broadcast_in_dim3A_123 : f32 to vector<16xf32>
        %swap3A_125 = arith.constant 0 : i32
        %swap3A_126 = arith.index_cast %swap3A_125 : i32 to index
        %swap3A_127 = arith.index_cast %scan3A_61 : i32 to index
        %swap3A_128 = arith.constant 112 : index
        %swap3A_129 = tpu.vector_load %arg14[%swap3A_126, %swap3A_127, %swap3A_128] {strides = array<i32>} : memref<2x128x128xf32, #tpu.memory_space<vmem>>, vector<1x1x16xf32>,
        %swap3A_130 = vector.shape_cast %swap3A_129 : vector<1x1x16xf32> to vector<16xf32>
        %swap3A_131 = vector.shape_cast %broadcast_in_dim3A_124 : vector<16xf32> to vector<1x1x16xf32>
        tpu.vector_store %arg14[%swap3A_126, %swap3A_127, %swap3A_128], %swap3A_131 {strides = array<i32>} : memref<2x128x128xf32, #tpu.memory_space<vmem>>, vector<1x1x16xf32>,
      }
      %scan3A_11 = arith.constant 128 : i32
      %mul3A = arith.constant 640 : i32
      %mul3A_12 = arith.muli %arg1, %mul3A : i32
      %add3A = arith.constant 0 : i32
      %add3A_13 = arith.addi %mul3A_12, %add3A : i32
      %run_scoped3A = arith.constant 0 : i32
      "tpu.region"() ({
        %run_scoped3A_61 = tpu.sem_alloc : memref<!tpu.dma_semaphore, #tpu.memory_space<semaphore_mem>>
        %dma_start3A = arith.constant 0 : i32
        %dma_start3A_62 = arith.constant 0 : i32
        %dma_start3A_63 = tpu.memref_slice %arg14[%run_scoped3A, %dma_start3A, %dma_start3A_62] : memref<2x128x128xf32, #tpu.memory_space<vmem>> -> memref<1x128x128xf32, #tpu.memory_space<vmem>>
        %dma_start3A_64 = tpu.memref_squeeze %dma_start3A_63 : memref<1x128x128xf32, #tpu.memory_space<vmem>> -> memref<128x128xf32, #tpu.memory_space<vmem>>
        %dma_start3A_65 = arith.constant 0 : i32
        %dma_start3A_66 = tpu.memref_slice %arg17[%add3A_13, %dma_start3A_65] : memref<10240x128xf32, #tpu.memory_space<vmem_shared>> -> memref<128x128xf32, #tpu.memory_space<vmem_shared>>
        %dma_start3A_67 = arith.constant 0 : i32
        %dma_start3A_68 = tpu.memref_slice %arg17[%add3A_13, %dma_start3A_67] : memref<10240x128xf32, #tpu.memory_space<vmem_shared>> -> memref<128x128xf32, #tpu.memory_space<vmem_shared>>
        %dma_start3A_69 = arith.constant 0 : i32
        %dma_start3A_70 = arith.constant 0 : i32
        %dma_start3A_71 = tpu.memref_slice %arg14[%run_scoped3A, %dma_start3A_69, %dma_start3A_70] : memref<2x128x128xf32, #tpu.memory_space<vmem>> -> memref<1x128x128xf32, #tpu.memory_space<vmem>>
        %dma_start3A_72 = tpu.memref_squeeze %dma_start3A_71 : memref<1x128x128xf32, #tpu.memory_space<vmem>> -> memref<128x128xf32, #tpu.memory_space<vmem>>
        tpu.enqueue_dma source(%dma_start3A_72 : memref<128x128xf32, #tpu.memory_space<vmem>>) target(%dma_start3A_68 : memref<128x128xf32, #tpu.memory_space<vmem_shared>>) target_semaphore(%run_scoped3A_61 : memref<!tpu.dma_semaphore, #tpu.memory_space<semaphore_mem>>)
        %dma_wait3A = arith.constant 0 : i32
        %dma_wait3A_73 = arith.constant 0 : i32
        %dma_wait3A_74 = tpu.memref_slice %arg14[%run_scoped3A, %dma_wait3A, %dma_wait3A_73] : memref<2x128x128xf32, #tpu.memory_space<vmem>> -> memref<1x128x128xf32, #tpu.memory_space<vmem>>
        %dma_wait3A_75 = tpu.memref_squeeze %dma_wait3A_74 : memref<1x128x128xf32, #tpu.memory_space<vmem>> -> memref<128x128xf32, #tpu.memory_space<vmem>>
        %dma_wait3A_76 = arith.constant 0 : i32
        %dma_wait3A_77 = tpu.memref_slice %arg17[%add3A_13, %dma_wait3A_76] : memref<10240x128xf32, #tpu.memory_space<vmem_shared>> -> memref<128x128xf32, #tpu.memory_space<vmem_shared>>
        %dma_wait3A_78 = arith.constant 0 : i32
        %dma_wait3A_79 = tpu.memref_slice %arg17[%add3A_13, %dma_wait3A_78] : memref<10240x128xf32, #tpu.memory_space<vmem_shared>> -> memref<128x128xf32, #tpu.memory_space<vmem_shared>>
        %dma_wait3A_80 = arith.constant 0 : i32
        %dma_wait3A_81 = arith.constant 0 : i32
        %dma_wait3A_82 = tpu.memref_slice %arg14[%run_scoped3A, %dma_wait3A_80, %dma_wait3A_81] : memref<2x128x128xf32, #tpu.memory_space<vmem>> -> memref<1x128x128xf32, #tpu.memory_space<vmem>>
        %dma_wait3A_83 = tpu.memref_squeeze %dma_wait3A_82 : memref<1x128x128xf32, #tpu.memory_space<vmem>> -> memref<128x128xf32, #tpu.memory_space<vmem>>
        tpu.wait_dma2 semaphore(%run_scoped3A_61 : memref<!tpu.dma_semaphore, #tpu.memory_space<semaphore_mem>>) src(%dma_wait3A_83 : memref<128x128xf32, #tpu.memory_space<vmem>>) dst(%dma_wait3A_79 : memref<128x128xf32, #tpu.memory_space<vmem_shared>>)
        tpu.yield
      }) : () -> ()
      %mul3A_14 = arith.constant 640 : i32
      %mul3A_15 = arith.muli %arg1, %mul3A_14 : i32
      %add3A_16 = arith.constant 128 : i32
      %add3A_17 = arith.addi %mul3A_15, %add3A_16 : i32
      %run_scoped3A_18 = arith.constant 0 : i32
      "tpu.region"() ({
        %run_scoped3A_61 = tpu.sem_alloc : memref<!tpu.dma_semaphore, #tpu.memory_space<semaphore_mem>>
        %dma_start3A = arith.constant 0 : i32
        %dma_start3A_62 = arith.constant 0 : i32
        %dma_start3A_63 = tpu.memref_slice %arg14[%run_scoped3A_18, %dma_start3A, %dma_start3A_62] : memref<2x128x128xf32, #tpu.memory_space<vmem>> -> memref<1x128x128xf32, #tpu.memory_space<vmem>>
        %dma_start3A_64 = tpu.memref_squeeze %dma_start3A_63 : memref<1x128x128xf32, #tpu.memory_space<vmem>> -> memref<128x128xf32, #tpu.memory_space<vmem>>
        %dma_start3A_65 = arith.constant 0 : i32
        %dma_start3A_66 = tpu.memref_slice %arg17[%add3A_17, %dma_start3A_65] : memref<10240x128xf32, #tpu.memory_space<vmem_shared>> -> memref<128x128xf32, #tpu.memory_space<vmem_shared>>
        %dma_start3A_67 = arith.constant 0 : i32
        %dma_start3A_68 = tpu.memref_slice %arg17[%add3A_17, %dma_start3A_67] : memref<10240x128xf32, #tpu.memory_space<vmem_shared>> -> memref<128x128xf32, #tpu.memory_space<vmem_shared>>
        %dma_start3A_69 = arith.constant 0 : i32
        %dma_start3A_70 = arith.constant 0 : i32
        %dma_start3A_71 = tpu.memref_slice %arg14[%run_scoped3A_18, %dma_start3A_69, %dma_start3A_70] : memref<2x128x128xf32, #tpu.memory_space<vmem>> -> memref<1x128x128xf32, #tpu.memory_space<vmem>>
        %dma_start3A_72 = tpu.memref_squeeze %dma_start3A_71 : memref<1x128x128xf32, #tpu.memory_space<vmem>> -> memref<128x128xf32, #tpu.memory_space<vmem>>
        tpu.enqueue_dma source(%dma_start3A_72 : memref<128x128xf32, #tpu.memory_space<vmem>>) target(%dma_start3A_68 : memref<128x128xf32, #tpu.memory_space<vmem_shared>>) target_semaphore(%run_scoped3A_61 : memref<!tpu.dma_semaphore, #tpu.memory_space<semaphore_mem>>)
        %dma_wait3A = arith.constant 0 : i32
        %dma_wait3A_73 = arith.constant 0 : i32
        %dma_wait3A_74 = tpu.memref_slice %arg14[%run_scoped3A_18, %dma_wait3A, %dma_wait3A_73] : memref<2x128x128xf32, #tpu.memory_space<vmem>> -> memref<1x128x128xf32, #tpu.memory_space<vmem>>
        %dma_wait3A_75 = tpu.memref_squeeze %dma_wait3A_74 : memref<1x128x128xf32, #tpu.memory_space<vmem>> -> memref<128x128xf32, #tpu.memory_space<vmem>>
        %dma_wait3A_76 = arith.constant 0 : i32
        %dma_wait3A_77 = tpu.memref_slice %arg17[%add3A_17, %dma_wait3A_76] : memref<10240x128xf32, #tpu.memory_space<vmem_shared>> -> memref<128x128xf32, #tpu.memory_space<vmem_shared>>
        %dma_wait3A_78 = arith.constant 0 : i32
        %dma_wait3A_79 = tpu.memref_slice %arg17[%add3A_17, %dma_wait3A_78] : memref<10240x128xf32, #tpu.memory_space<vmem_shared>> -> memref<128x128xf32, #tpu.memory_space<vmem_shared>>
        %dma_wait3A_80 = arith.constant 0 : i32
        %dma_wait3A_81 = arith.constant 0 : i32
        %dma_wait3A_82 = tpu.memref_slice %arg14[%run_scoped3A_18, %dma_wait3A_80, %dma_wait3A_81] : memref<2x128x128xf32, #tpu.memory_space<vmem>> -> memref<1x128x128xf32, #tpu.memory_space<vmem>>
        %dma_wait3A_83 = tpu.memref_squeeze %dma_wait3A_82 : memref<1x128x128xf32, #tpu.memory_space<vmem>> -> memref<128x128xf32, #tpu.memory_space<vmem>>
        tpu.wait_dma2 semaphore(%run_scoped3A_61 : memref<!tpu.dma_semaphore, #tpu.memory_space<semaphore_mem>>) src(%dma_wait3A_83 : memref<128x128xf32, #tpu.memory_space<vmem>>) dst(%dma_wait3A_79 : memref<128x128xf32, #tpu.memory_space<vmem_shared>>)
        tpu.yield
      }) : () -> ()
      %mul3A_19 = arith.constant 640 : i32
      %mul3A_20 = arith.muli %arg1, %mul3A_19 : i32
      %add3A_21 = arith.constant 256 : i32
      %add3A_22 = arith.addi %mul3A_20, %add3A_21 : i32
      %run_scoped3A_23 = arith.constant 0 : i32
      "tpu.region"() ({
        %run_scoped3A_61 = tpu.sem_alloc : memref<!tpu.dma_semaphore, #tpu.memory_space<semaphore_mem>>
        %dma_start3A = arith.constant 0 : i32
        %dma_start3A_62 = arith.constant 0 : i32
        %dma_start3A_63 = tpu.memref_slice %arg14[%run_scoped3A_23, %dma_start3A, %dma_start3A_62] : memref<2x128x128xf32, #tpu.memory_space<vmem>> -> memref<1x128x128xf32, #tpu.memory_space<vmem>>
        %dma_start3A_64 = tpu.memref_squeeze %dma_start3A_63 : memref<1x128x128xf32, #tpu.memory_space<vmem>> -> memref<128x128xf32, #tpu.memory_space<vmem>>
        %dma_start3A_65 = arith.constant 0 : i32
        %dma_start3A_66 = tpu.memref_slice %arg17[%add3A_22, %dma_start3A_65] : memref<10240x128xf32, #tpu.memory_space<vmem_shared>> -> memref<128x128xf32, #tpu.memory_space<vmem_shared>>
        %dma_start3A_67 = arith.constant 0 : i32
        %dma_start3A_68 = tpu.memref_slice %arg17[%add3A_22, %dma_start3A_67] : memref<10240x128xf32, #tpu.memory_space<vmem_shared>> -> memref<128x128xf32, #tpu.memory_space<vmem_shared>>
        %dma_start3A_69 = arith.constant 0 : i32
        %dma_start3A_70 = arith.constant 0 : i32
        %dma_start3A_71 = tpu.memref_slice %arg14[%run_scoped3A_23, %dma_start3A_69, %dma_start3A_70] : memref<2x128x128xf32, #tpu.memory_space<vmem>> -> memref<1x128x128xf32, #tpu.memory_space<vmem>>
        %dma_start3A_72 = tpu.memref_squeeze %dma_start3A_71 : memref<1x128x128xf32, #tpu.memory_space<vmem>> -> memref<128x128xf32, #tpu.memory_space<vmem>>
        tpu.enqueue_dma source(%dma_start3A_72 : memref<128x128xf32, #tpu.memory_space<vmem>>) target(%dma_start3A_68 : memref<128x128xf32, #tpu.memory_space<vmem_shared>>) target_semaphore(%run_scoped3A_61 : memref<!tpu.dma_semaphore, #tpu.memory_space<semaphore_mem>>)
        %dma_wait3A = arith.constant 0 : i32
        %dma_wait3A_73 = arith.constant 0 : i32
        %dma_wait3A_74 = tpu.memref_slice %arg14[%run_scoped3A_23, %dma_wait3A, %dma_wait3A_73] : memref<2x128x128xf32, #tpu.memory_space<vmem>> -> memref<1x128x128xf32, #tpu.memory_space<vmem>>
        %dma_wait3A_75 = tpu.memref_squeeze %dma_wait3A_74 : memref<1x128x128xf32, #tpu.memory_space<vmem>> -> memref<128x128xf32, #tpu.memory_space<vmem>>
        %dma_wait3A_76 = arith.constant 0 : i32
        %dma_wait3A_77 = tpu.memref_slice %arg17[%add3A_22, %dma_wait3A_76] : memref<10240x128xf32, #tpu.memory_space<vmem_shared>> -> memref<128x128xf32, #tpu.memory_space<vmem_shared>>
        %dma_wait3A_78 = arith.constant 0 : i32
        %dma_wait3A_79 = tpu.memref_slice %arg17[%add3A_22, %dma_wait3A_78] : memref<10240x128xf32, #tpu.memory_space<vmem_shared>> -> memref<128x128xf32, #tpu.memory_space<vmem_shared>>
        %dma_wait3A_80 = arith.constant 0 : i32
        %dma_wait3A_81 = arith.constant 0 : i32
        %dma_wait3A_82 = tpu.memref_slice %arg14[%run_scoped3A_23, %dma_wait3A_80, %dma_wait3A_81] : memref<2x128x128xf32, #tpu.memory_space<vmem>> -> memref<1x128x128xf32, #tpu.memory_space<vmem>>
        %dma_wait3A_83 = tpu.memref_squeeze %dma_wait3A_82 : memref<1x128x128xf32, #tpu.memory_space<vmem>> -> memref<128x128xf32, #tpu.memory_space<vmem>>
        tpu.wait_dma2 semaphore(%run_scoped3A_61 : memref<!tpu.dma_semaphore, #tpu.memory_space<semaphore_mem>>) src(%dma_wait3A_83 : memref<128x128xf32, #tpu.memory_space<vmem>>) dst(%dma_wait3A_79 : memref<128x128xf32, #tpu.memory_space<vmem_shared>>)
        tpu.yield
      }) : () -> ()
      %mul3A_24 = arith.constant 640 : i32
      %mul3A_25 = arith.muli %arg1, %mul3A_24 : i32
      %add3A_26 = arith.constant 384 : i32
      %add3A_27 = arith.addi %mul3A_25, %add3A_26 : i32
      %run_scoped3A_28 = arith.constant 0 : i32
      "tpu.region"() ({
        %run_scoped3A_61 = tpu.sem_alloc : memref<!tpu.dma_semaphore, #tpu.memory_space<semaphore_mem>>
        %dma_start3A = arith.constant 0 : i32
        %dma_start3A_62 = arith.constant 0 : i32
        %dma_start3A_63 = tpu.memref_slice %arg14[%run_scoped3A_28, %dma_start3A, %dma_start3A_62] : memref<2x128x128xf32, #tpu.memory_space<vmem>> -> memref<1x128x128xf32, #tpu.memory_space<vmem>>
        %dma_start3A_64 = tpu.memref_squeeze %dma_start3A_63 : memref<1x128x128xf32, #tpu.memory_space<vmem>> -> memref<128x128xf32, #tpu.memory_space<vmem>>
        %dma_start3A_65 = arith.constant 0 : i32
        %dma_start3A_66 = tpu.memref_slice %arg17[%add3A_27, %dma_start3A_65] : memref<10240x128xf32, #tpu.memory_space<vmem_shared>> -> memref<128x128xf32, #tpu.memory_space<vmem_shared>>
        %dma_start3A_67 = arith.constant 0 : i32
        %dma_start3A_68 = tpu.memref_slice %arg17[%add3A_27, %dma_start3A_67] : memref<10240x128xf32, #tpu.memory_space<vmem_shared>> -> memref<128x128xf32, #tpu.memory_space<vmem_shared>>
        %dma_start3A_69 = arith.constant 0 : i32
        %dma_start3A_70 = arith.constant 0 : i32
        %dma_start3A_71 = tpu.memref_slice %arg14[%run_scoped3A_28, %dma_start3A_69, %dma_start3A_70] : memref<2x128x128xf32, #tpu.memory_space<vmem>> -> memref<1x128x128xf32, #tpu.memory_space<vmem>>
        %dma_start3A_72 = tpu.memref_squeeze %dma_start3A_71 : memref<1x128x128xf32, #tpu.memory_space<vmem>> -> memref<128x128xf32, #tpu.memory_space<vmem>>
        tpu.enqueue_dma source(%dma_start3A_72 : memref<128x128xf32, #tpu.memory_space<vmem>>) target(%dma_start3A_68 : memref<128x128xf32, #tpu.memory_space<vmem_shared>>) target_semaphore(%run_scoped3A_61 : memref<!tpu.dma_semaphore, #tpu.memory_space<semaphore_mem>>)
        %dma_wait3A = arith.constant 0 : i32
        %dma_wait3A_73 = arith.constant 0 : i32
        %dma_wait3A_74 = tpu.memref_slice %arg14[%run_scoped3A_28, %dma_wait3A, %dma_wait3A_73] : memref<2x128x128xf32, #tpu.memory_space<vmem>> -> memref<1x128x128xf32, #tpu.memory_space<vmem>>
        %dma_wait3A_75 = tpu.memref_squeeze %dma_wait3A_74 : memref<1x128x128xf32, #tpu.memory_space<vmem>> -> memref<128x128xf32, #tpu.memory_space<vmem>>
        %dma_wait3A_76 = arith.constant 0 : i32
        %dma_wait3A_77 = tpu.memref_slice %arg17[%add3A_27, %dma_wait3A_76] : memref<10240x128xf32, #tpu.memory_space<vmem_shared>> -> memref<128x128xf32, #tpu.memory_space<vmem_shared>>
        %dma_wait3A_78 = arith.constant 0 : i32
        %dma_wait3A_79 = tpu.memref_slice %arg17[%add3A_27, %dma_wait3A_78] : memref<10240x128xf32, #tpu.memory_space<vmem_shared>> -> memref<128x128xf32, #tpu.memory_space<vmem_shared>>
        %dma_wait3A_80 = arith.constant 0 : i32
        %dma_wait3A_81 = arith.constant 0 : i32
        %dma_wait3A_82 = tpu.memref_slice %arg14[%run_scoped3A_28, %dma_wait3A_80, %dma_wait3A_81] : memref<2x128x128xf32, #tpu.memory_space<vmem>> -> memref<1x128x128xf32, #tpu.memory_space<vmem>>
        %dma_wait3A_83 = tpu.memref_squeeze %dma_wait3A_82 : memref<1x128x128xf32, #tpu.memory_space<vmem>> -> memref<128x128xf32, #tpu.memory_space<vmem>>
        tpu.wait_dma2 semaphore(%run_scoped3A_61 : memref<!tpu.dma_semaphore, #tpu.memory_space<semaphore_mem>>) src(%dma_wait3A_83 : memref<128x128xf32, #tpu.memory_space<vmem>>) dst(%dma_wait3A_79 : memref<128x128xf32, #tpu.memory_space<vmem_shared>>)
        tpu.yield
      }) : () -> ()
      %mul3A_29 = arith.constant 640 : i32
      %mul3A_30 = arith.muli %arg1, %mul3A_29 : i32
      %add3A_31 = arith.constant 512 : i32
      %add3A_32 = arith.addi %mul3A_30, %add3A_31 : i32
      %run_scoped3A_33 = arith.constant 0 : i32
      "tpu.region"() ({
        %run_scoped3A_61 = tpu.sem_alloc : memref<!tpu.dma_semaphore, #tpu.memory_space<semaphore_mem>>
        %dma_start3A = arith.constant 0 : i32
        %dma_start3A_62 = arith.constant 0 : i32
        %dma_start3A_63 = tpu.memref_slice %arg14[%run_scoped3A_33, %dma_start3A, %dma_start3A_62] : memref<2x128x128xf32, #tpu.memory_space<vmem>> -> memref<1x128x128xf32, #tpu.memory_space<vmem>>
        %dma_start3A_64 = tpu.memref_squeeze %dma_start3A_63 : memref<1x128x128xf32, #tpu.memory_space<vmem>> -> memref<128x128xf32, #tpu.memory_space<vmem>>
        %dma_start3A_65 = arith.constant 0 : i32
        %dma_start3A_66 = tpu.memref_slice %arg17[%add3A_32, %dma_start3A_65] : memref<10240x128xf32, #tpu.memory_space<vmem_shared>> -> memref<128x128xf32, #tpu.memory_space<vmem_shared>>
        %dma_start3A_67 = arith.constant 0 : i32
        %dma_start3A_68 = tpu.memref_slice %arg17[%add3A_32, %dma_start3A_67] : memref<10240x128xf32, #tpu.memory_space<vmem_shared>> -> memref<128x128xf32, #tpu.memory_space<vmem_shared>>
        %dma_start3A_69 = arith.constant 0 : i32
        %dma_start3A_70 = arith.constant 0 : i32
        %dma_start3A_71 = tpu.memref_slice %arg14[%run_scoped3A_33, %dma_start3A_69, %dma_start3A_70] : memref<2x128x128xf32, #tpu.memory_space<vmem>> -> memref<1x128x128xf32, #tpu.memory_space<vmem>>
        %dma_start3A_72 = tpu.memref_squeeze %dma_start3A_71 : memref<1x128x128xf32, #tpu.memory_space<vmem>> -> memref<128x128xf32, #tpu.memory_space<vmem>>
        tpu.enqueue_dma source(%dma_start3A_72 : memref<128x128xf32, #tpu.memory_space<vmem>>) target(%dma_start3A_68 : memref<128x128xf32, #tpu.memory_space<vmem_shared>>) target_semaphore(%run_scoped3A_61 : memref<!tpu.dma_semaphore, #tpu.memory_space<semaphore_mem>>)
        %dma_wait3A = arith.constant 0 : i32
        %dma_wait3A_73 = arith.constant 0 : i32
        %dma_wait3A_74 = tpu.memref_slice %arg14[%run_scoped3A_33, %dma_wait3A, %dma_wait3A_73] : memref<2x128x128xf32, #tpu.memory_space<vmem>> -> memref<1x128x128xf32, #tpu.memory_space<vmem>>
        %dma_wait3A_75 = tpu.memref_squeeze %dma_wait3A_74 : memref<1x128x128xf32, #tpu.memory_space<vmem>> -> memref<128x128xf32, #tpu.memory_space<vmem>>
        %dma_wait3A_76 = arith.constant 0 : i32
        %dma_wait3A_77 = tpu.memref_slice %arg17[%add3A_32, %dma_wait3A_76] : memref<10240x128xf32, #tpu.memory_space<vmem_shared>> -> memref<128x128xf32, #tpu.memory_space<vmem_shared>>
        %dma_wait3A_78 = arith.constant 0 : i32
        %dma_wait3A_79 = tpu.memref_slice %arg17[%add3A_32, %dma_wait3A_78] : memref<10240x128xf32, #tpu.memory_space<vmem_shared>> -> memref<128x128xf32, #tpu.memory_space<vmem_shared>>
        %dma_wait3A_80 = arith.constant 0 : i32
        %dma_wait3A_81 = arith.constant 0 : i32
        %dma_wait3A_82 = tpu.memref_slice %arg14[%run_scoped3A_33, %dma_wait3A_80, %dma_wait3A_81] : memref<2x128x128xf32, #tpu.memory_space<vmem>> -> memref<1x128x128xf32, #tpu.memory_space<vmem>>
        %dma_wait3A_83 = tpu.memref_squeeze %dma_wait3A_82 : memref<1x128x128xf32, #tpu.memory_space<vmem>> -> memref<128x128xf32, #tpu.memory_space<vmem>>
        tpu.wait_dma2 semaphore(%run_scoped3A_61 : memref<!tpu.dma_semaphore, #tpu.memory_space<semaphore_mem>>) src(%dma_wait3A_83 : memref<128x128xf32, #tpu.memory_space<vmem>>) dst(%dma_wait3A_79 : memref<128x128xf32, #tpu.memory_space<vmem_shared>>)
        tpu.yield
      }) : () -> ()
      %barrier3A = arith.constant 0 : index
      tpu.barrier barrier_id(%barrier3A)
      %scan3A_34 = arith.constant 0 : i32
      %scan3A_35 = arith.constant 0 : i32
      %scan3A_36 = arith.constant 5 : i32
      %scan3A_37 = arith.addi %scan3A_35, %scan3A_36 : i32
      %scan3A_38 = arith.constant 1 : i32
      scf.for %scan3A_61 = %scan3A_35 to %scan3A_37 step %scan3A_38  : i32 {
        %eq3A_62 = arith.constant 0 : i32
        %eq3A_63 = arith.cmpi eq, %scan3A_61, %eq3A_62 : i32
        %convert_element_type3A_64 = arith.extui %eq3A_63 : i1 to i32
        %cond3A_65 = arith.constant 0 : i32
        %cond3A_66 = arith.cmpi ne, %convert_element_type3A_64, %cond3A_65 : i32
        scf.if %cond3A_66 {
          %mul3A_79 = arith.constant 160 : i32
          %mul3A_80 = arith.muli %arg1, %mul3A_79 : i32
          "tpu.region"() ({
            %run_scoped3A_104 = tpu.sem_alloc : memref<!tpu.dma_semaphore, #tpu.memory_space<semaphore_mem>>
            %dma_start3A_105 = arith.constant 0 : i32
            %dma_start3A_106 = tpu.memref_slice %arg6[%mul3A_80, %dma_start3A_105] : memref<2560x128xi32, #tpu.memory_space<hbm>> -> memref<32x128xi32, #tpu.memory_space<hbm>>
            %dma_start3A_107 = arith.constant 0 : i32
            %dma_start3A_108 = tpu.memref_slice %arg6[%mul3A_80, %dma_start3A_107] : memref<2560x128xi32, #tpu.memory_space<hbm>> -> memref<32x128xi32, #tpu.memory_space<hbm>>
            tpu.enqueue_dma source(%dma_start3A_108 : memref<32x128xi32, #tpu.memory_space<hbm>>) target(%arg12 : memref<32x128xi32, #tpu.memory_space<vmem>>) target_semaphore(%run_scoped3A_104 : memref<!tpu.dma_semaphore, #tpu.memory_space<semaphore_mem>>)
            %dma_wait3A = arith.constant 0 : i32
            %dma_wait3A_109 = tpu.memref_slice %arg6[%mul3A_80, %dma_wait3A] : memref<2560x128xi32, #tpu.memory_space<hbm>> -> memref<32x128xi32, #tpu.memory_space<hbm>>
            %dma_wait3A_110 = arith.constant 0 : i32
            %dma_wait3A_111 = tpu.memref_slice %arg6[%mul3A_80, %dma_wait3A_110] : memref<2560x128xi32, #tpu.memory_space<hbm>> -> memref<32x128xi32, #tpu.memory_space<hbm>>
            tpu.wait_dma2 semaphore(%run_scoped3A_104 : memref<!tpu.dma_semaphore, #tpu.memory_space<semaphore_mem>>) src(%dma_wait3A_111 : memref<32x128xi32, #tpu.memory_space<hbm>>) dst(%arg12 : memref<32x128xi32, #tpu.memory_space<vmem>>)
            tpu.yield
          }) : () -> ()
          "tpu.region"() ({
            %run_scoped3A_104 = tpu.sem_alloc : memref<!tpu.dma_semaphore, #tpu.memory_space<semaphore_mem>>
            %dma_start3A_105 = arith.constant 0 : i32
            %dma_start3A_106 = tpu.memref_slice %arg7[%mul3A_80, %dma_start3A_105] : memref<2560x128xi32, #tpu.memory_space<hbm>> -> memref<32x128xi32, #tpu.memory_space<hbm>>
            %dma_start3A_107 = arith.constant 0 : i32
            %dma_start3A_108 = tpu.memref_slice %arg7[%mul3A_80, %dma_start3A_107] : memref<2560x128xi32, #tpu.memory_space<hbm>> -> memref<32x128xi32, #tpu.memory_space<hbm>>
            tpu.enqueue_dma source(%dma_start3A_108 : memref<32x128xi32, #tpu.memory_space<hbm>>) target(%arg13 : memref<32x128xi32, #tpu.memory_space<vmem>>) target_semaphore(%run_scoped3A_104 : memref<!tpu.dma_semaphore, #tpu.memory_space<semaphore_mem>>)
            %dma_wait3A = arith.constant 0 : i32
            %dma_wait3A_109 = tpu.memref_slice %arg7[%mul3A_80, %dma_wait3A] : memref<2560x128xi32, #tpu.memory_space<hbm>> -> memref<32x128xi32, #tpu.memory_space<hbm>>
            %dma_wait3A_110 = arith.constant 0 : i32
            %dma_wait3A_111 = tpu.memref_slice %arg7[%mul3A_80, %dma_wait3A_110] : memref<2560x128xi32, #tpu.memory_space<hbm>> -> memref<32x128xi32, #tpu.memory_space<hbm>>
            tpu.wait_dma2 semaphore(%run_scoped3A_104 : memref<!tpu.dma_semaphore, #tpu.memory_space<semaphore_mem>>) src(%dma_wait3A_111 : memref<32x128xi32, #tpu.memory_space<hbm>>) dst(%arg13 : memref<32x128xi32, #tpu.memory_space<vmem>>)
            tpu.yield
          }) : () -> ()
          %dma_start3A = arith.constant 0 : i32
          %dma_start3A_81 = arith.constant 0 : i32
          %dma_start3A_82 = arith.constant 0 : i32
          %dma_start3A_83 = arith.constant 0 : i32
          %dma_start3A_84 = tpu.memref_slice %arg14[%dma_start3A_81, %dma_start3A_82, %dma_start3A_83] : memref<2x128x128xf32, #tpu.memory_space<vmem>> -> memref<1x128x128xf32, #tpu.memory_space<vmem>>
          %dma_start3A_85 = tpu.memref_squeeze %dma_start3A_84 : memref<1x128x128xf32, #tpu.memory_space<vmem>> -> memref<128x128xf32, #tpu.memory_space<vmem>>
          %dma_start3A_86 = arith.constant 0 : i32
          %dma_start3A_87 = tpu.memref_slice %arg12[%dma_start3A, %dma_start3A_86] : memref<32x128xi32, #tpu.memory_space<vmem>> -> memref<1x128xi32, #tpu.memory_space<vmem>>
          %dma_start3A_88 = tpu.memref_squeeze %dma_start3A_87 : memref<1x128xi32, #tpu.memory_space<vmem>> -> memref<128xi32, #tpu.memory_space<vmem>>
          %dma_start3A_89 = arith.constant 0 : i32
          %dma_start3A_90 = arith.constant 0 : i32
          %dma_start3A_91 = tpu.memref_slice %arg3[%dma_start3A_89, %dma_start3A_90] : memref<10000x128xf32, #tpu.memory_space<hbm>> -> memref<10000x128xf32, #tpu.memory_space<hbm>>
          tpu.enqueue_indirect_dma source(%dma_start3A_91 : memref<10000x128xf32, #tpu.memory_space<hbm>>) target(%dma_start3A_85 : memref<128x128xf32, #tpu.memory_space<vmem>>) offsets(%dma_start3A_88 : memref<128xi32, #tpu.memory_space<vmem>>) semaphore(%arg19 : memref<!tpu.dma_semaphore, #tpu.memory_space<semaphore_mem>>)
          %dma_start3A_92 = arith.constant 1 : i32
          %dma_start3A_93 = arith.constant 1 : i32
          %dma_start3A_94 = arith.constant 0 : i32
          %dma_start3A_95 = arith.constant 0 : i32
          %dma_start3A_96 = tpu.memref_slice %arg14[%dma_start3A_93, %dma_start3A_94, %dma_start3A_95] : memref<2x128x128xf32, #tpu.memory_space<vmem>> -> memref<1x128x128xf32, #tpu.memory_space<vmem>>
          %dma_start3A_97 = tpu.memref_squeeze %dma_start3A_96 : memref<1x128x128xf32, #tpu.memory_space<vmem>> -> memref<128x128xf32, #tpu.memory_space<vmem>>
          %dma_start3A_98 = arith.constant 0 : i32
          %dma_start3A_99 = tpu.memref_slice %arg12[%dma_start3A_92, %dma_start3A_98] : memref<32x128xi32, #tpu.memory_space<vmem>> -> memref<1x128xi32, #tpu.memory_space<vmem>>
          %dma_start3A_100 = tpu.memref_squeeze %dma_start3A_99 : memref<1x128xi32, #tpu.memory_space<vmem>> -> memref<128xi32, #tpu.memory_space<vmem>>
          %dma_start3A_101 = arith.constant 0 : i32
          %dma_start3A_102 = arith.constant 0 : i32
          %dma_start3A_103 = tpu.memref_slice %arg3[%dma_start3A_101, %dma_start3A_102] : memref<10000x128xf32, #tpu.memory_space<hbm>> -> memref<10000x128xf32, #tpu.memory_space<hbm>>
          tpu.enqueue_indirect_dma source(%dma_start3A_103 : memref<10000x128xf32, #tpu.memory_space<hbm>>) target(%dma_start3A_97 : memref<128x128xf32, #tpu.memory_space<vmem>>) offsets(%dma_start3A_100 : memref<128xi32, #tpu.memory_space<vmem>>) semaphore(%arg20 : memref<!tpu.dma_semaphore, #tpu.memory_space<semaphore_mem>>)
        } else {
        }
        %scan3A_67 = arith.constant 0 : i32
        %scan3A_68 = arith.constant 0 : i32
        %scan3A_69 = arith.constant 16 : i32
        %scan3A_70 = arith.addi %scan3A_68, %scan3A_69 : i32
        %scan3A_71 = arith.constant 1 : i32
        scf.for %scan3A_79 = %scan3A_68 to %scan3A_70 step %scan3A_71  : i32 {
          %mul3A_80 = arith.constant 2 : i32
          %mul3A_81 = arith.muli %mul3A_80, %scan3A_79 : i32
          %add3A_82 = arith.constant 0 : i32
          %add3A_83 = arith.addi %mul3A_81, %add3A_82 : i32
          %dma_wait3A = arith.constant 0 : i32
          %dma_wait3A_84 = arith.constant 0 : i32
          %dma_wait3A_85 = arith.constant 0 : i32
          %dma_wait3A_86 = tpu.memref_slice %arg14[%dma_wait3A, %dma_wait3A_84, %dma_wait3A_85] : memref<2x128x128xf32, #tpu.memory_space<vmem>> -> memref<1x128x128xf32, #tpu.memory_space<vmem>>
          %dma_wait3A_87 = tpu.memref_squeeze %dma_wait3A_86 : memref<1x128x128xf32, #tpu.memory_space<vmem>> -> memref<128x128xf32, #tpu.memory_space<vmem>>
          %dma_wait3A_88 = arith.constant 0 : i32
          %dma_wait3A_89 = tpu.memref_slice %arg12[%add3A_83, %dma_wait3A_88] : memref<32x128xi32, #tpu.memory_space<vmem>> -> memref<1x128xi32, #tpu.memory_space<vmem>>
          %dma_wait3A_90 = tpu.memref_squeeze %dma_wait3A_89 : memref<1x128xi32, #tpu.memory_space<vmem>> -> memref<128xi32, #tpu.memory_space<vmem>>
          %dma_wait3A_91 = arith.constant 0 : i32
          %dma_wait3A_92 = arith.constant 0 : i32
          %dma_wait3A_93 = tpu.memref_slice %arg3[%dma_wait3A_91, %dma_wait3A_92] : memref<10000x128xf32, #tpu.memory_space<hbm>> -> memref<10000x128xf32, #tpu.memory_space<hbm>>
          tpu.wait_indirect_dma semaphore(%arg19 : memref<!tpu.dma_semaphore, #tpu.memory_space<semaphore_mem>>) src(%dma_wait3A_93 : memref<10000x128xf32, #tpu.memory_space<hbm>>) dst(%dma_wait3A_87 : memref<128x128xf32, #tpu.memory_space<vmem>>)
          %dma_start3A = arith.constant 0 : i32
          %dma_start3A_94 = arith.constant 0 : i32
          %dma_start3A_95 = arith.constant 0 : i32
          %dma_start3A_96 = tpu.memref_slice %arg14[%dma_start3A, %dma_start3A_94, %dma_start3A_95] : memref<2x128x128xf32, #tpu.memory_space<vmem>> -> memref<1x128x128xf32, #tpu.memory_space<vmem>>
          %dma_start3A_97 = tpu.memref_squeeze %dma_start3A_96 : memref<1x128x128xf32, #tpu.memory_space<vmem>> -> memref<128x128xf32, #tpu.memory_space<vmem>>
          %dma_start3A_98 = arith.constant 0 : i32
          %dma_start3A_99 = tpu.memref_slice %arg13[%add3A_83, %dma_start3A_98] : memref<32x128xi32, #tpu.memory_space<vmem>> -> memref<1x128xi32, #tpu.memory_space<vmem>>
          %dma_start3A_100 = tpu.memref_squeeze %dma_start3A_99 : memref<1x128xi32, #tpu.memory_space<vmem>> -> memref<128xi32, #tpu.memory_space<vmem>>
          %dma_start3A_101 = arith.constant 0 : i32
          %dma_start3A_102 = arith.constant 0 : i32
          %dma_start3A_103 = tpu.memref_slice %arg17[%dma_start3A_101, %dma_start3A_102] : memref<10240x128xf32, #tpu.memory_space<vmem_shared>> -> memref<10240x128xf32, #tpu.memory_space<vmem_shared>>
          tpu.enqueue_indirect_dma source(%dma_start3A_97 : memref<128x128xf32, #tpu.memory_space<vmem>>) target(%dma_start3A_103 : memref<10240x128xf32, #tpu.memory_space<vmem_shared>>) offsets(%dma_start3A_100 : memref<128xi32, #tpu.memory_space<vmem>>) semaphore(%arg21 : memref<!tpu.dma_semaphore, #tpu.memory_space<semaphore_mem>>) {add = true}
          %dma_wait3A_104 = arith.constant 0 : i32
          %dma_wait3A_105 = arith.constant 0 : i32
          %dma_wait3A_106 = arith.constant 0 : i32
          %dma_wait3A_107 = tpu.memref_slice %arg14[%dma_wait3A_104, %dma_wait3A_105, %dma_wait3A_106] : memref<2x128x128xf32, #tpu.memory_space<vmem>> -> memref<1x128x128xf32, #tpu.memory_space<vmem>>
          %dma_wait3A_108 = tpu.memref_squeeze %dma_wait3A_107 : memref<1x128x128xf32, #tpu.memory_space<vmem>> -> memref<128x128xf32, #tpu.memory_space<vmem>>
          %dma_wait3A_109 = arith.constant 0 : i32
          %dma_wait3A_110 = tpu.memref_slice %arg13[%add3A_83, %dma_wait3A_109] : memref<32x128xi32, #tpu.memory_space<vmem>> -> memref<1x128xi32, #tpu.memory_space<vmem>>
          %dma_wait3A_111 = tpu.memref_squeeze %dma_wait3A_110 : memref<1x128xi32, #tpu.memory_space<vmem>> -> memref<128xi32, #tpu.memory_space<vmem>>
          %dma_wait3A_112 = arith.constant 0 : i32
          %dma_wait3A_113 = arith.constant 0 : i32
          %dma_wait3A_114 = tpu.memref_slice %arg17[%dma_wait3A_112, %dma_wait3A_113] : memref<10240x128xf32, #tpu.memory_space<vmem_shared>> -> memref<10240x128xf32, #tpu.memory_space<vmem_shared>>
          tpu.wait_indirect_dma semaphore(%arg21 : memref<!tpu.dma_semaphore, #tpu.memory_space<semaphore_mem>>) src(%dma_wait3A_108 : memref<128x128xf32, #tpu.memory_space<vmem>>) dst(%dma_wait3A_114 : memref<10240x128xf32, #tpu.memory_space<vmem_shared>>)
          %add3A_115 = arith.constant 2 : i32
          %add3A_116 = arith.addi %add3A_83, %add3A_115 : i32
          %lt3A_117 = arith.constant 32 : i32
          %lt3A_118 = arith.cmpi slt, %add3A_116, %lt3A_117 : i32
          %convert_element_type3A_119 = arith.extui %lt3A_118 : i1 to i32
          %cond3A_120 = arith.constant 0 : i32
          %cond3A_121 = arith.cmpi ne, %convert_element_type3A_119, %cond3A_120 : i32
          scf.if %cond3A_121 {
            %add3A_166 = arith.constant 2 : i32
            %add3A_167 = arith.addi %add3A_83, %add3A_166 : i32
            %dma_start3A_168 = arith.constant 0 : i32
            %dma_start3A_169 = arith.constant 0 : i32
            %dma_start3A_170 = arith.constant 0 : i32
            %dma_start3A_171 = tpu.memref_slice %arg14[%dma_start3A_168, %dma_start3A_169, %dma_start3A_170] : memref<2x128x128xf32, #tpu.memory_space<vmem>> -> memref<1x128x128xf32, #tpu.memory_space<vmem>>
            %dma_start3A_172 = tpu.memref_squeeze %dma_start3A_171 : memref<1x128x128xf32, #tpu.memory_space<vmem>> -> memref<128x128xf32, #tpu.memory_space<vmem>>
            %dma_start3A_173 = arith.constant 0 : i32
            %dma_start3A_174 = tpu.memref_slice %arg12[%add3A_167, %dma_start3A_173] : memref<32x128xi32, #tpu.memory_space<vmem>> -> memref<1x128xi32, #tpu.memory_space<vmem>>
            %dma_start3A_175 = tpu.memref_squeeze %dma_start3A_174 : memref<1x128xi32, #tpu.memory_space<vmem>> -> memref<128xi32, #tpu.memory_space<vmem>>
            %dma_start3A_176 = arith.constant 0 : i32
            %dma_start3A_177 = arith.constant 0 : i32
            %dma_start3A_178 = tpu.memref_slice %arg3[%dma_start3A_176, %dma_start3A_177] : memref<10000x128xf32, #tpu.memory_space<hbm>> -> memref<10000x128xf32, #tpu.memory_space<hbm>>
            tpu.enqueue_indirect_dma source(%dma_start3A_178 : memref<10000x128xf32, #tpu.memory_space<hbm>>) target(%dma_start3A_172 : memref<128x128xf32, #tpu.memory_space<vmem>>) offsets(%dma_start3A_175 : memref<128xi32, #tpu.memory_space<vmem>>) semaphore(%arg19 : memref<!tpu.dma_semaphore, #tpu.memory_space<semaphore_mem>>)
          } else {
          }
          %mul3A_122 = arith.constant 2 : i32
          %mul3A_123 = arith.muli %mul3A_122, %scan3A_79 : i32
          %add3A_124 = arith.constant 1 : i32
          %add3A_125 = arith.addi %mul3A_123, %add3A_124 : i32
          %dma_wait3A_126 = arith.constant 1 : i32
          %dma_wait3A_127 = arith.constant 0 : i32
          %dma_wait3A_128 = arith.constant 0 : i32
          %dma_wait3A_129 = tpu.memref_slice %arg14[%dma_wait3A_126, %dma_wait3A_127, %dma_wait3A_128] : memref<2x128x128xf32, #tpu.memory_space<vmem>> -> memref<1x128x128xf32, #tpu.memory_space<vmem>>
          %dma_wait3A_130 = tpu.memref_squeeze %dma_wait3A_129 : memref<1x128x128xf32, #tpu.memory_space<vmem>> -> memref<128x128xf32, #tpu.memory_space<vmem>>
          %dma_wait3A_131 = arith.constant 0 : i32
          %dma_wait3A_132 = tpu.memref_slice %arg12[%add3A_125, %dma_wait3A_131] : memref<32x128xi32, #tpu.memory_space<vmem>> -> memref<1x128xi32, #tpu.memory_space<vmem>>
          %dma_wait3A_133 = tpu.memref_squeeze %dma_wait3A_132 : memref<1x128xi32, #tpu.memory_space<vmem>> -> memref<128xi32, #tpu.memory_space<vmem>>
          %dma_wait3A_134 = arith.constant 0 : i32
          %dma_wait3A_135 = arith.constant 0 : i32
          %dma_wait3A_136 = tpu.memref_slice %arg3[%dma_wait3A_134, %dma_wait3A_135] : memref<10000x128xf32, #tpu.memory_space<hbm>> -> memref<10000x128xf32, #tpu.memory_space<hbm>>
          tpu.wait_indirect_dma semaphore(%arg20 : memref<!tpu.dma_semaphore, #tpu.memory_space<semaphore_mem>>) src(%dma_wait3A_136 : memref<10000x128xf32, #tpu.memory_space<hbm>>) dst(%dma_wait3A_130 : memref<128x128xf32, #tpu.memory_space<vmem>>)
          %dma_start3A_137 = arith.constant 1 : i32
          %dma_start3A_138 = arith.constant 0 : i32
          %dma_start3A_139 = arith.constant 0 : i32
          %dma_start3A_140 = tpu.memref_slice %arg14[%dma_start3A_137, %dma_start3A_138, %dma_start3A_139] : memref<2x128x128xf32, #tpu.memory_space<vmem>> -> memref<1x128x128xf32, #tpu.memory_space<vmem>>
          %dma_start3A_141 = tpu.memref_squeeze %dma_start3A_140 : memref<1x128x128xf32, #tpu.memory_space<vmem>> -> memref<128x128xf32, #tpu.memory_space<vmem>>
          %dma_start3A_142 = arith.constant 0 : i32
          %dma_start3A_143 = tpu.memref_slice %arg13[%add3A_125, %dma_start3A_142] : memref<32x128xi32, #tpu.memory_space<vmem>> -> memref<1x128xi32, #tpu.memory_space<vmem>>
          %dma_start3A_144 = tpu.memref_squeeze %dma_start3A_143 : memref<1x128xi32, #tpu.memory_space<vmem>> -> memref<128xi32, #tpu.memory_space<vmem>>
          %dma_start3A_145 = arith.constant 0 : i32
          %dma_start3A_146 = arith.constant 0 : i32
          %dma_start3A_147 = tpu.memref_slice %arg17[%dma_start3A_145, %dma_start3A_146] : memref<10240x128xf32, #tpu.memory_space<vmem_shared>> -> memref<10240x128xf32, #tpu.memory_space<vmem_shared>>
          tpu.enqueue_indirect_dma source(%dma_start3A_141 : memref<128x128xf32, #tpu.memory_space<vmem>>) target(%dma_start3A_147 : memref<10240x128xf32, #tpu.memory_space<vmem_shared>>) offsets(%dma_start3A_144 : memref<128xi32, #tpu.memory_space<vmem>>) semaphore(%arg21 : memref<!tpu.dma_semaphore, #tpu.memory_space<semaphore_mem>>) {add = true}
          %dma_wait3A_148 = arith.constant 1 : i32
          %dma_wait3A_149 = arith.constant 0 : i32
          %dma_wait3A_150 = arith.constant 0 : i32
          %dma_wait3A_151 = tpu.memref_slice %arg14[%dma_wait3A_148, %dma_wait3A_149, %dma_wait3A_150] : memref<2x128x128xf32, #tpu.memory_space<vmem>> -> memref<1x128x128xf32, #tpu.memory_space<vmem>>
          %dma_wait3A_152 = tpu.memref_squeeze %dma_wait3A_151 : memref<1x128x128xf32, #tpu.memory_space<vmem>> -> memref<128x128xf32, #tpu.memory_space<vmem>>
          %dma_wait3A_153 = arith.constant 0 : i32
          %dma_wait3A_154 = tpu.memref_slice %arg13[%add3A_125, %dma_wait3A_153] : memref<32x128xi32, #tpu.memory_space<vmem>> -> memref<1x128xi32, #tpu.memory_space<vmem>>
          %dma_wait3A_155 = tpu.memref_squeeze %dma_wait3A_154 : memref<1x128xi32, #tpu.memory_space<vmem>> -> memref<128xi32, #tpu.memory_space<vmem>>
          %dma_wait3A_156 = arith.constant 0 : i32
          %dma_wait3A_157 = arith.constant 0 : i32
          %dma_wait3A_158 = tpu.memref_slice %arg17[%dma_wait3A_156, %dma_wait3A_157] : memref<10240x128xf32, #tpu.memory_space<vmem_shared>> -> memref<10240x128xf32, #tpu.memory_space<vmem_shared>>
          tpu.wait_indirect_dma semaphore(%arg21 : memref<!tpu.dma_semaphore, #tpu.memory_space<semaphore_mem>>) src(%dma_wait3A_152 : memref<128x128xf32, #tpu.memory_space<vmem>>) dst(%dma_wait3A_158 : memref<10240x128xf32, #tpu.memory_space<vmem_shared>>)
          %add3A_159 = arith.constant 2 : i32
          %add3A_160 = arith.addi %add3A_125, %add3A_159 : i32
          %lt3A_161 = arith.constant 32 : i32
          %lt3A_162 = arith.cmpi slt, %add3A_160, %lt3A_161 : i32
          %convert_element_type3A_163 = arith.extui %lt3A_162 : i1 to i32
          %cond3A_164 = arith.constant 0 : i32
          %cond3A_165 = arith.cmpi ne, %convert_element_type3A_163, %cond3A_164 : i32
          scf.if %cond3A_165 {
            %add3A_166 = arith.constant 2 : i32
            %add3A_167 = arith.addi %add3A_125, %add3A_166 : i32
            %dma_start3A_168 = arith.constant 1 : i32
            %dma_start3A_169 = arith.constant 0 : i32
            %dma_start3A_170 = arith.constant 0 : i32
            %dma_start3A_171 = tpu.memref_slice %arg14[%dma_start3A_168, %dma_start3A_169, %dma_start3A_170] : memref<2x128x128xf32, #tpu.memory_space<vmem>> -> memref<1x128x128xf32, #tpu.memory_space<vmem>>
            %dma_start3A_172 = tpu.memref_squeeze %dma_start3A_171 : memref<1x128x128xf32, #tpu.memory_space<vmem>> -> memref<128x128xf32, #tpu.memory_space<vmem>>
            %dma_start3A_173 = arith.constant 0 : i32
            %dma_start3A_174 = tpu.memref_slice %arg12[%add3A_167, %dma_start3A_173] : memref<32x128xi32, #tpu.memory_space<vmem>> -> memref<1x128xi32, #tpu.memory_space<vmem>>
            %dma_start3A_175 = tpu.memref_squeeze %dma_start3A_174 : memref<1x128xi32, #tpu.memory_space<vmem>> -> memref<128xi32, #tpu.memory_space<vmem>>
            %dma_start3A_176 = arith.constant 0 : i32
            %dma_start3A_177 = arith.constant 0 : i32
            %dma_start3A_178 = tpu.memref_slice %arg3[%dma_start3A_176, %dma_start3A_177] : memref<10000x128xf32, #tpu.memory_space<hbm>> -> memref<10000x128xf32, #tpu.memory_space<hbm>>
            tpu.enqueue_indirect_dma source(%dma_start3A_178 : memref<10000x128xf32, #tpu.memory_space<hbm>>) target(%dma_start3A_172 : memref<128x128xf32, #tpu.memory_space<vmem>>) offsets(%dma_start3A_175 : memref<128xi32, #tpu.memory_space<vmem>>) semaphore(%arg20 : memref<!tpu.dma_semaphore, #tpu.memory_space<semaphore_mem>>)
          } else {
          }
        }
        %scan3A_72 = arith.constant 16 : i32
        %add3A_73 = arith.constant 1 : i32
        %add3A_74 = arith.addi %scan3A_61, %add3A_73 : i32
        %lt3A = arith.constant 5 : i32
        %lt3A_75 = arith.cmpi slt, %add3A_74, %lt3A : i32
        %convert_element_type3A_76 = arith.extui %lt3A_75 : i1 to i32
        %cond3A_77 = arith.constant 0 : i32
        %cond3A_78 = arith.cmpi ne, %convert_element_type3A_76, %cond3A_77 : i32
        scf.if %cond3A_78 {
          %mul3A_79 = arith.constant 160 : i32
          %mul3A_80 = arith.muli %arg1, %mul3A_79 : i32
          %add3A_81 = arith.constant 1 : i32
          %add3A_82 = arith.addi %scan3A_61, %add3A_81 : i32
          %mul3A_83 = arith.constant 32 : i32
          %mul3A_84 = arith.muli %add3A_82, %mul3A_83 : i32
          %add3A_85 = arith.addi %mul3A_80, %mul3A_84 : i32
          "tpu.region"() ({
            %run_scoped3A_109 = tpu.sem_alloc : memref<!tpu.dma_semaphore, #tpu.memory_space<semaphore_mem>>
            %dma_start3A_110 = arith.constant 0 : i32
            %dma_start3A_111 = tpu.memref_slice %arg6[%add3A_85, %dma_start3A_110] : memref<2560x128xi32, #tpu.memory_space<hbm>> -> memref<32x128xi32, #tpu.memory_space<hbm>>
            %dma_start3A_112 = arith.constant 0 : i32
            %dma_start3A_113 = tpu.memref_slice %arg6[%add3A_85, %dma_start3A_112] : memref<2560x128xi32, #tpu.memory_space<hbm>> -> memref<32x128xi32, #tpu.memory_space<hbm>>
            tpu.enqueue_dma source(%dma_start3A_113 : memref<32x128xi32, #tpu.memory_space<hbm>>) target(%arg12 : memref<32x128xi32, #tpu.memory_space<vmem>>) target_semaphore(%run_scoped3A_109 : memref<!tpu.dma_semaphore, #tpu.memory_space<semaphore_mem>>)
            %dma_wait3A = arith.constant 0 : i32
            %dma_wait3A_114 = tpu.memref_slice %arg6[%add3A_85, %dma_wait3A] : memref<2560x128xi32, #tpu.memory_space<hbm>> -> memref<32x128xi32, #tpu.memory_space<hbm>>
            %dma_wait3A_115 = arith.constant 0 : i32
            %dma_wait3A_116 = tpu.memref_slice %arg6[%add3A_85, %dma_wait3A_115] : memref<2560x128xi32, #tpu.memory_space<hbm>> -> memref<32x128xi32, #tpu.memory_space<hbm>>
            tpu.wait_dma2 semaphore(%run_scoped3A_109 : memref<!tpu.dma_semaphore, #tpu.memory_space<semaphore_mem>>) src(%dma_wait3A_116 : memref<32x128xi32, #tpu.memory_space<hbm>>) dst(%arg12 : memref<32x128xi32, #tpu.memory_space<vmem>>)
            tpu.yield
          }) : () -> ()
          "tpu.region"() ({
            %run_scoped3A_109 = tpu.sem_alloc : memref<!tpu.dma_semaphore, #tpu.memory_space<semaphore_mem>>
            %dma_start3A_110 = arith.constant 0 : i32
            %dma_start3A_111 = tpu.memref_slice %arg7[%add3A_85, %dma_start3A_110] : memref<2560x128xi32, #tpu.memory_space<hbm>> -> memref<32x128xi32, #tpu.memory_space<hbm>>
            %dma_start3A_112 = arith.constant 0 : i32
            %dma_start3A_113 = tpu.memref_slice %arg7[%add3A_85, %dma_start3A_112] : memref<2560x128xi32, #tpu.memory_space<hbm>> -> memref<32x128xi32, #tpu.memory_space<hbm>>
            tpu.enqueue_dma source(%dma_start3A_113 : memref<32x128xi32, #tpu.memory_space<hbm>>) target(%arg13 : memref<32x128xi32, #tpu.memory_space<vmem>>) target_semaphore(%run_scoped3A_109 : memref<!tpu.dma_semaphore, #tpu.memory_space<semaphore_mem>>)
            %dma_wait3A = arith.constant 0 : i32
            %dma_wait3A_114 = tpu.memref_slice %arg7[%add3A_85, %dma_wait3A] : memref<2560x128xi32, #tpu.memory_space<hbm>> -> memref<32x128xi32, #tpu.memory_space<hbm>>
            %dma_wait3A_115 = arith.constant 0 : i32
            %dma_wait3A_116 = tpu.memref_slice %arg7[%add3A_85, %dma_wait3A_115] : memref<2560x128xi32, #tpu.memory_space<hbm>> -> memref<32x128xi32, #tpu.memory_space<hbm>>
            tpu.wait_dma2 semaphore(%run_scoped3A_109 : memref<!tpu.dma_semaphore, #tpu.memory_space<semaphore_mem>>) src(%dma_wait3A_116 : memref<32x128xi32, #tpu.memory_space<hbm>>) dst(%arg13 : memref<32x128xi32, #tpu.memory_space<vmem>>)
            tpu.yield
          }) : () -> ()
          %dma_start3A = arith.constant 0 : i32
          %dma_start3A_86 = arith.constant 0 : i32
          %dma_start3A_87 = arith.constant 0 : i32
          %dma_start3A_88 = arith.constant 0 : i32
          %dma_start3A_89 = tpu.memref_slice %arg14[%dma_start3A_86, %dma_start3A_87, %dma_start3A_88] : memref<2x128x128xf32, #tpu.memory_space<vmem>> -> memref<1x128x128xf32, #tpu.memory_space<vmem>>
          %dma_start3A_90 = tpu.memref_squeeze %dma_start3A_89 : memref<1x128x128xf32, #tpu.memory_space<vmem>> -> memref<128x128xf32, #tpu.memory_space<vmem>>
          %dma_start3A_91 = arith.constant 0 : i32
          %dma_start3A_92 = tpu.memref_slice %arg12[%dma_start3A, %dma_start3A_91] : memref<32x128xi32, #tpu.memory_space<vmem>> -> memref<1x128xi32, #tpu.memory_space<vmem>>
          %dma_start3A_93 = tpu.memref_squeeze %dma_start3A_92 : memref<1x128xi32, #tpu.memory_space<vmem>> -> memref<128xi32, #tpu.memory_space<vmem>>
          %dma_start3A_94 = arith.constant 0 : i32
          %dma_start3A_95 = arith.constant 0 : i32
          %dma_start3A_96 = tpu.memref_slice %arg3[%dma_start3A_94, %dma_start3A_95] : memref<10000x128xf32, #tpu.memory_space<hbm>> -> memref<10000x128xf32, #tpu.memory_space<hbm>>
          tpu.enqueue_indirect_dma source(%dma_start3A_96 : memref<10000x128xf32, #tpu.memory_space<hbm>>) target(%dma_start3A_90 : memref<128x128xf32, #tpu.memory_space<vmem>>) offsets(%dma_start3A_93 : memref<128xi32, #tpu.memory_space<vmem>>) semaphore(%arg19 : memref<!tpu.dma_semaphore, #tpu.memory_space<semaphore_mem>>)
          %dma_start3A_97 = arith.constant 1 : i32
          %dma_start3A_98 = arith.constant 1 : i32
          %dma_start3A_99 = arith.constant 0 : i32
          %dma_start3A_100 = arith.constant 0 : i32
          %dma_start3A_101 = tpu.memref_slice %arg14[%dma_start3A_98, %dma_start3A_99, %dma_start3A_100] : memref<2x128x128xf32, #tpu.memory_space<vmem>> -> memref<1x128x128xf32, #tpu.memory_space<vmem>>
          %dma_start3A_102 = tpu.memref_squeeze %dma_start3A_101 : memref<1x128x128xf32, #tpu.memory_space<vmem>> -> memref<128x128xf32, #tpu.memory_space<vmem>>
          %dma_start3A_103 = arith.constant 0 : i32
          %dma_start3A_104 = tpu.memref_slice %arg12[%dma_start3A_97, %dma_start3A_103] : memref<32x128xi32, #tpu.memory_space<vmem>> -> memref<1x128xi32, #tpu.memory_space<vmem>>
          %dma_start3A_105 = tpu.memref_squeeze %dma_start3A_104 : memref<1x128xi32, #tpu.memory_space<vmem>> -> memref<128xi32, #tpu.memory_space<vmem>>
          %dma_start3A_106 = arith.constant 0 : i32
          %dma_start3A_107 = arith.constant 0 : i32
          %dma_start3A_108 = tpu.memref_slice %arg3[%dma_start3A_106, %dma_start3A_107] : memref<10000x128xf32, #tpu.memory_space<hbm>> -> memref<10000x128xf32, #tpu.memory_space<hbm>>
          tpu.enqueue_indirect_dma source(%dma_start3A_108 : memref<10000x128xf32, #tpu.memory_space<hbm>>) target(%dma_start3A_102 : memref<128x128xf32, #tpu.memory_space<vmem>>) offsets(%dma_start3A_105 : memref<128xi32, #tpu.memory_space<vmem>>) semaphore(%arg20 : memref<!tpu.dma_semaphore, #tpu.memory_space<semaphore_mem>>)
        } else {
        }
      }
      %scan3A_39 = arith.constant 5 : i32
      %barrier3A_40 = arith.constant 0 : index
      tpu.barrier barrier_id(%barrier3A_40)
      %mul3A_41 = arith.constant 640 : i32
      %mul3A_42 = arith.muli %arg1, %mul3A_41 : i32
      %add3A_43 = arith.constant 0 : i32
      %add3A_44 = arith.addi %mul3A_42, %add3A_43 : i32
      "tpu.region"() ({
        %run_scoped3A_61 = tpu.sem_alloc : memref<!tpu.dma_semaphore, #tpu.memory_space<semaphore_mem>>
        %dma_start3A = arith.constant 0 : i32
        %dma_start3A_62 = tpu.memref_slice %arg10[%add3A_44, %dma_start3A] : memref<10240x128xf32, #tpu.memory_space<hbm>> -> memref<128x128xf32, #tpu.memory_space<hbm>>
        %dma_start3A_63 = arith.constant 0 : i32
        %dma_start3A_64 = tpu.memref_slice %arg17[%add3A_44, %dma_start3A_63] : memref<10240x128xf32, #tpu.memory_space<vmem_shared>> -> memref<128x128xf32, #tpu.memory_space<vmem_shared>>
        tpu.enqueue_dma source(%dma_start3A_64 : memref<128x128xf32, #tpu.memory_space<vmem_shared>>) target(%dma_start3A_62 : memref<128x128xf32, #tpu.memory_space<hbm>>) target_semaphore(%run_scoped3A_61 : memref<!tpu.dma_semaphore, #tpu.memory_space<semaphore_mem>>)
        %dma_wait3A = arith.constant 0 : i32
        %dma_wait3A_65 = tpu.memref_slice %arg10[%add3A_44, %dma_wait3A] : memref<10240x128xf32, #tpu.memory_space<hbm>> -> memref<128x128xf32, #tpu.memory_space<hbm>>
        %dma_wait3A_66 = arith.constant 0 : i32
        %dma_wait3A_67 = tpu.memref_slice %arg17[%add3A_44, %dma_wait3A_66] : memref<10240x128xf32, #tpu.memory_space<vmem_shared>> -> memref<128x128xf32, #tpu.memory_space<vmem_shared>>
        tpu.wait_dma2 semaphore(%run_scoped3A_61 : memref<!tpu.dma_semaphore, #tpu.memory_space<semaphore_mem>>) src(%dma_wait3A_67 : memref<128x128xf32, #tpu.memory_space<vmem_shared>>) dst(%dma_wait3A_65 : memref<128x128xf32, #tpu.memory_space<hbm>>)
        tpu.yield
      }) : () -> ()
      %mul3A_45 = arith.constant 640 : i32
      %mul3A_46 = arith.muli %arg1, %mul3A_45 : i32
      %add3A_47 = arith.constant 128 : i32
      %add3A_48 = arith.addi %mul3A_46, %add3A_47 : i32
      "tpu.region"() ({
        %run_scoped3A_61 = tpu.sem_alloc : memref<!tpu.dma_semaphore, #tpu.memory_space<semaphore_mem>>
        %dma_start3A = arith.constant 0 : i32
        %dma_start3A_62 = tpu.memref_slice %arg10[%add3A_48, %dma_start3A] : memref<10240x128xf32, #tpu.memory_space<hbm>> -> memref<128x128xf32, #tpu.memory_space<hbm>>
        %dma_start3A_63 = arith.constant 0 : i32
        %dma_start3A_64 = tpu.memref_slice %arg17[%add3A_48, %dma_start3A_63] : memref<10240x128xf32, #tpu.memory_space<vmem_shared>> -> memref<128x128xf32, #tpu.memory_space<vmem_shared>>
        tpu.enqueue_dma source(%dma_start3A_64 : memref<128x128xf32, #tpu.memory_space<vmem_shared>>) target(%dma_start3A_62 : memref<128x128xf32, #tpu.memory_space<hbm>>) target_semaphore(%run_scoped3A_61 : memref<!tpu.dma_semaphore, #tpu.memory_space<semaphore_mem>>)
        %dma_wait3A = arith.constant 0 : i32
        %dma_wait3A_65 = tpu.memref_slice %arg10[%add3A_48, %dma_wait3A] : memref<10240x128xf32, #tpu.memory_space<hbm>> -> memref<128x128xf32, #tpu.memory_space<hbm>>
        %dma_wait3A_66 = arith.constant 0 : i32
        %dma_wait3A_67 = tpu.memref_slice %arg17[%add3A_48, %dma_wait3A_66] : memref<10240x128xf32, #tpu.memory_space<vmem_shared>> -> memref<128x128xf32, #tpu.memory_space<vmem_shared>>
        tpu.wait_dma2 semaphore(%run_scoped3A_61 : memref<!tpu.dma_semaphore, #tpu.memory_space<semaphore_mem>>) src(%dma_wait3A_67 : memref<128x128xf32, #tpu.memory_space<vmem_shared>>) dst(%dma_wait3A_65 : memref<128x128xf32, #tpu.memory_space<hbm>>)
        tpu.yield
      }) : () -> ()
      %mul3A_49 = arith.constant 640 : i32
      %mul3A_50 = arith.muli %arg1, %mul3A_49 : i32
      %add3A_51 = arith.constant 256 : i32
      %add3A_52 = arith.addi %mul3A_50, %add3A_51 : i32
      "tpu.region"() ({
        %run_scoped3A_61 = tpu.sem_alloc : memref<!tpu.dma_semaphore, #tpu.memory_space<semaphore_mem>>
        %dma_start3A = arith.constant 0 : i32
        %dma_start3A_62 = tpu.memref_slice %arg10[%add3A_52, %dma_start3A] : memref<10240x128xf32, #tpu.memory_space<hbm>> -> memref<128x128xf32, #tpu.memory_space<hbm>>
        %dma_start3A_63 = arith.constant 0 : i32
        %dma_start3A_64 = tpu.memref_slice %arg17[%add3A_52, %dma_start3A_63] : memref<10240x128xf32, #tpu.memory_space<vmem_shared>> -> memref<128x128xf32, #tpu.memory_space<vmem_shared>>
        tpu.enqueue_dma source(%dma_start3A_64 : memref<128x128xf32, #tpu.memory_space<vmem_shared>>) target(%dma_start3A_62 : memref<128x128xf32, #tpu.memory_space<hbm>>) target_semaphore(%run_scoped3A_61 : memref<!tpu.dma_semaphore, #tpu.memory_space<semaphore_mem>>)
        %dma_wait3A = arith.constant 0 : i32
        %dma_wait3A_65 = tpu.memref_slice %arg10[%add3A_52, %dma_wait3A] : memref<10240x128xf32, #tpu.memory_space<hbm>> -> memref<128x128xf32, #tpu.memory_space<hbm>>
        %dma_wait3A_66 = arith.constant 0 : i32
        %dma_wait3A_67 = tpu.memref_slice %arg17[%add3A_52, %dma_wait3A_66] : memref<10240x128xf32, #tpu.memory_space<vmem_shared>> -> memref<128x128xf32, #tpu.memory_space<vmem_shared>>
        tpu.wait_dma2 semaphore(%run_scoped3A_61 : memref<!tpu.dma_semaphore, #tpu.memory_space<semaphore_mem>>) src(%dma_wait3A_67 : memref<128x128xf32, #tpu.memory_space<vmem_shared>>) dst(%dma_wait3A_65 : memref<128x128xf32, #tpu.memory_space<hbm>>)
        tpu.yield
      }) : () -> ()
      %mul3A_53 = arith.constant 640 : i32
      %mul3A_54 = arith.muli %arg1, %mul3A_53 : i32
      %add3A_55 = arith.constant 384 : i32
      %add3A_56 = arith.addi %mul3A_54, %add3A_55 : i32
      "tpu.region"() ({
        %run_scoped3A_61 = tpu.sem_alloc : memref<!tpu.dma_semaphore, #tpu.memory_space<semaphore_mem>>
        %dma_start3A = arith.constant 0 : i32
        %dma_start3A_62 = tpu.memref_slice %arg10[%add3A_56, %dma_start3A] : memref<10240x128xf32, #tpu.memory_space<hbm>> -> memref<128x128xf32, #tpu.memory_space<hbm>>
        %dma_start3A_63 = arith.constant 0 : i32
        %dma_start3A_64 = tpu.memref_slice %arg17[%add3A_56, %dma_start3A_63] : memref<10240x128xf32, #tpu.memory_space<vmem_shared>> -> memref<128x128xf32, #tpu.memory_space<vmem_shared>>
        tpu.enqueue_dma source(%dma_start3A_64 : memref<128x128xf32, #tpu.memory_space<vmem_shared>>) target(%dma_start3A_62 : memref<128x128xf32, #tpu.memory_space<hbm>>) target_semaphore(%run_scoped3A_61 : memref<!tpu.dma_semaphore, #tpu.memory_space<semaphore_mem>>)
        %dma_wait3A = arith.constant 0 : i32
        %dma_wait3A_65 = tpu.memref_slice %arg10[%add3A_56, %dma_wait3A] : memref<10240x128xf32, #tpu.memory_space<hbm>> -> memref<128x128xf32, #tpu.memory_space<hbm>>
        %dma_wait3A_66 = arith.constant 0 : i32
        %dma_wait3A_67 = tpu.memref_slice %arg17[%add3A_56, %dma_wait3A_66] : memref<10240x128xf32, #tpu.memory_space<vmem_shared>> -> memref<128x128xf32, #tpu.memory_space<vmem_shared>>
        tpu.wait_dma2 semaphore(%run_scoped3A_61 : memref<!tpu.dma_semaphore, #tpu.memory_space<semaphore_mem>>) src(%dma_wait3A_67 : memref<128x128xf32, #tpu.memory_space<vmem_shared>>) dst(%dma_wait3A_65 : memref<128x128xf32, #tpu.memory_space<hbm>>)
        tpu.yield
      }) : () -> ()
      %mul3A_57 = arith.constant 640 : i32
      %mul3A_58 = arith.muli %arg1, %mul3A_57 : i32
      %add3A_59 = arith.constant 512 : i32
      %add3A_60 = arith.addi %mul3A_58, %add3A_59 : i32
      "tpu.region"() ({
        %run_scoped3A_61 = tpu.sem_alloc : memref<!tpu.dma_semaphore, #tpu.memory_space<semaphore_mem>>
        %dma_start3A = arith.constant 0 : i32
        %dma_start3A_62 = tpu.memref_slice %arg10[%add3A_60, %dma_start3A] : memref<10240x128xf32, #tpu.memory_space<hbm>> -> memref<128x128xf32, #tpu.memory_space<hbm>>
        %dma_start3A_63 = arith.constant 0 : i32
        %dma_start3A_64 = tpu.memref_slice %arg17[%add3A_60, %dma_start3A_63] : memref<10240x128xf32, #tpu.memory_space<vmem_shared>> -> memref<128x128xf32, #tpu.memory_space<vmem_shared>>
        tpu.enqueue_dma source(%dma_start3A_64 : memref<128x128xf32, #tpu.memory_space<vmem_shared>>) target(%dma_start3A_62 : memref<128x128xf32, #tpu.memory_space<hbm>>) target_semaphore(%run_scoped3A_61 : memref<!tpu.dma_semaphore, #tpu.memory_space<semaphore_mem>>)
        %dma_wait3A = arith.constant 0 : i32
        %dma_wait3A_65 = tpu.memref_slice %arg10[%add3A_60, %dma_wait3A] : memref<10240x128xf32, #tpu.memory_space<hbm>> -> memref<128x128xf32, #tpu.memory_space<hbm>>
        %dma_wait3A_66 = arith.constant 0 : i32
        %dma_wait3A_67 = tpu.memref_slice %arg17[%add3A_60, %dma_wait3A_66] : memref<10240x128xf32, #tpu.memory_space<vmem_shared>> -> memref<128x128xf32, #tpu.memory_space<vmem_shared>>
        tpu.wait_dma2 semaphore(%run_scoped3A_61 : memref<!tpu.dma_semaphore, #tpu.memory_space<semaphore_mem>>) src(%dma_wait3A_67 : memref<128x128xf32, #tpu.memory_space<vmem_shared>>) dst(%dma_wait3A_65 : memref<128x128xf32, #tpu.memory_space<hbm>>)
        tpu.yield
      }) : () -> ()
    } else {
    }
    return
  }
}

#map = affine_map<(d0, d1) -> (0, 0)>
#map1 = affine_map<(d0, d1) -> (0)>
module attributes {stable_mosaic.version = 14 : i64} {
  func.func @_sc_aggregate(%arg0: i32, %arg1: i32, %arg2: memref<10000x128xf32, #tpu.memory_space<hbm>>, %arg3: memref<10000x128xf32, #tpu.memory_space<hbm>>, %arg4: memref<2560x128xi32, #tpu.memory_space<hbm>>, %arg5: memref<2560x128xi32, #tpu.memory_space<hbm>>, %arg6: memref<2560x128xi32, #tpu.memory_space<hbm>>, %arg7: memref<2560x128xi32, #tpu.memory_space<hbm>>, %arg8: memref<10240x128xf32, #tpu.memory_space<hbm>>, %arg9: memref<10240xf32, #tpu.memory_space<hbm>>, %arg10: memref<10240x128xf32, #tpu.memory_space<hbm>>, %arg11: memref<10240xf32, #tpu.memory_space<hbm>>, %arg12: memref<32x128xi32, #tpu.memory_space<vmem>>, %arg13: memref<32x128xi32, #tpu.memory_space<vmem>>, %arg14: memref<2x128x128xf32, #tpu.memory_space<vmem>>, %arg15: memref<128xf32, #tpu.memory_space<vmem>>, %arg16: memref<640xf32, #tpu.memory_space<vmem>>, %arg17: memref<10240x128xf32, #tpu.memory_space<vmem_shared>>, %arg18: memref<10240xf32, #tpu.memory_space<vmem_shared>>, %arg19: memref<!tpu.dma_semaphore, #tpu.memory_space<semaphore_mem>>, %arg20: memref<!tpu.dma_semaphore, #tpu.memory_space<semaphore_mem>>, %arg21: memref<!tpu.dma_semaphore, #tpu.memory_space<semaphore_mem>>, %arg22: memref<!tpu.dma_semaphore, #tpu.memory_space<semaphore_mem>>) attributes {dimension_semantics = [#tpu.dimension_semantics<core_parallel>, #tpu.dimension_semantics<subcore_parallel>], iteration_bounds = array<i64: 2, 16>, scalar_prefetch = 0 : i64, scratch_operands = 11 : i64, tpu.core_type = #tpu.core_type<sc_vector_subcore>, window_params = [{transform_indices = #map}, {transform_indices = #map}, {transform_indices = #map}, {transform_indices = #map}, {transform_indices = #map}, {transform_indices = #map}, {transform_indices = #map}, {transform_indices = #map1}, {transform_indices = #map}, {transform_indices = #map1}]} {
    %eq3A = arith.constant 0 : i32
    %eq3A_0 = arith.cmpi eq, %arg0, %eq3A : i32
    %convert_element_type3A = arith.extui %eq3A_0 : i1 to i32
    %cond3A = arith.constant 0 : i32
    %cond3A_1 = arith.cmpi ne, %convert_element_type3A, %cond3A : i32
    scf.if %cond3A_1 {
      %scan3A = arith.constant 0 : i32
      %scan3A_7 = arith.constant 0 : i32
      %scan3A_8 = arith.constant 128 : i32
      %scan3A_9 = arith.addi %scan3A_7, %scan3A_8 : i32
      %scan3A_10 = arith.constant 1 : i32
      scf.for %scan3A_119 = %scan3A_7 to %scan3A_9 step %scan3A_10  : i32 {
        %broadcast_in_dim3A_120 = arith.constant 0.000000e+00 : f32
        %broadcast_in_dim3A_121 = vector.broadcast %broadcast_in_dim3A_120 : f32 to vector<16xf32>
        %swap3A_122 = arith.constant 0 : i32
        %swap3A_123 = arith.index_cast %swap3A_122 : i32 to index
        %swap3A_124 = arith.index_cast %scan3A_119 : i32 to index
        %swap3A_125 = arith.constant 0 : index
        %swap3A_126 = tpu.vector_load %arg14[%swap3A_123, %swap3A_124, %swap3A_125] {strides = array<i32>} : memref<2x128x128xf32, #tpu.memory_space<vmem>>, vector<1x1x16xf32>,
        %swap3A_127 = vector.shape_cast %swap3A_126 : vector<1x1x16xf32> to vector<16xf32>
        %swap3A_128 = vector.shape_cast %broadcast_in_dim3A_121 : vector<16xf32> to vector<1x1x16xf32>
        tpu.vector_store %arg14[%swap3A_123, %swap3A_124, %swap3A_125], %swap3A_128 {strides = array<i32>} : memref<2x128x128xf32, #tpu.memory_space<vmem>>, vector<1x1x16xf32>,
        %broadcast_in_dim3A_129 = arith.constant 0.000000e+00 : f32
        %broadcast_in_dim3A_130 = vector.broadcast %broadcast_in_dim3A_129 : f32 to vector<16xf32>
        %swap3A_131 = arith.constant 0 : i32
        %swap3A_132 = arith.index_cast %swap3A_131 : i32 to index
        %swap3A_133 = arith.index_cast %scan3A_119 : i32 to index
        %swap3A_134 = arith.constant 16 : index
        %swap3A_135 = tpu.vector_load %arg14[%swap3A_132, %swap3A_133, %swap3A_134] {strides = array<i32>} : memref<2x128x128xf32, #tpu.memory_space<vmem>>, vector<1x1x16xf32>,
        %swap3A_136 = vector.shape_cast %swap3A_135 : vector<1x1x16xf32> to vector<16xf32>
        %swap3A_137 = vector.shape_cast %broadcast_in_dim3A_130 : vector<16xf32> to vector<1x1x16xf32>
        tpu.vector_store %arg14[%swap3A_132, %swap3A_133, %swap3A_134], %swap3A_137 {strides = array<i32>} : memref<2x128x128xf32, #tpu.memory_space<vmem>>, vector<1x1x16xf32>,
        %broadcast_in_dim3A_138 = arith.constant 0.000000e+00 : f32
        %broadcast_in_dim3A_139 = vector.broadcast %broadcast_in_dim3A_138 : f32 to vector<16xf32>
        %swap3A_140 = arith.constant 0 : i32
        %swap3A_141 = arith.index_cast %swap3A_140 : i32 to index
        %swap3A_142 = arith.index_cast %scan3A_119 : i32 to index
        %swap3A_143 = arith.constant 32 : index
        %swap3A_144 = tpu.vector_load %arg14[%swap3A_141, %swap3A_142, %swap3A_143] {strides = array<i32>} : memref<2x128x128xf32, #tpu.memory_space<vmem>>, vector<1x1x16xf32>,
        %swap3A_145 = vector.shape_cast %swap3A_144 : vector<1x1x16xf32> to vector<16xf32>
        %swap3A_146 = vector.shape_cast %broadcast_in_dim3A_139 : vector<16xf32> to vector<1x1x16xf32>
        tpu.vector_store %arg14[%swap3A_141, %swap3A_142, %swap3A_143], %swap3A_146 {strides = array<i32>} : memref<2x128x128xf32, #tpu.memory_space<vmem>>, vector<1x1x16xf32>,
        %broadcast_in_dim3A_147 = arith.constant 0.000000e+00 : f32
        %broadcast_in_dim3A_148 = vector.broadcast %broadcast_in_dim3A_147 : f32 to vector<16xf32>
        %swap3A_149 = arith.constant 0 : i32
        %swap3A_150 = arith.index_cast %swap3A_149 : i32 to index
        %swap3A_151 = arith.index_cast %scan3A_119 : i32 to index
        %swap3A_152 = arith.constant 48 : index
        %swap3A_153 = tpu.vector_load %arg14[%swap3A_150, %swap3A_151, %swap3A_152] {strides = array<i32>} : memref<2x128x128xf32, #tpu.memory_space<vmem>>, vector<1x1x16xf32>,
        %swap3A_154 = vector.shape_cast %swap3A_153 : vector<1x1x16xf32> to vector<16xf32>
        %swap3A_155 = vector.shape_cast %broadcast_in_dim3A_148 : vector<16xf32> to vector<1x1x16xf32>
        tpu.vector_store %arg14[%swap3A_150, %swap3A_151, %swap3A_152], %swap3A_155 {strides = array<i32>} : memref<2x128x128xf32, #tpu.memory_space<vmem>>, vector<1x1x16xf32>,
        %broadcast_in_dim3A_156 = arith.constant 0.000000e+00 : f32
        %broadcast_in_dim3A_157 = vector.broadcast %broadcast_in_dim3A_156 : f32 to vector<16xf32>
        %swap3A_158 = arith.constant 0 : i32
        %swap3A_159 = arith.index_cast %swap3A_158 : i32 to index
        %swap3A_160 = arith.index_cast %scan3A_119 : i32 to index
        %swap3A_161 = arith.constant 64 : index
        %swap3A_162 = tpu.vector_load %arg14[%swap3A_159, %swap3A_160, %swap3A_161] {strides = array<i32>} : memref<2x128x128xf32, #tpu.memory_space<vmem>>, vector<1x1x16xf32>,
        %swap3A_163 = vector.shape_cast %swap3A_162 : vector<1x1x16xf32> to vector<16xf32>
        %swap3A_164 = vector.shape_cast %broadcast_in_dim3A_157 : vector<16xf32> to vector<1x1x16xf32>
        tpu.vector_store %arg14[%swap3A_159, %swap3A_160, %swap3A_161], %swap3A_164 {strides = array<i32>} : memref<2x128x128xf32, #tpu.memory_space<vmem>>, vector<1x1x16xf32>,
        %broadcast_in_dim3A_165 = arith.constant 0.000000e+00 : f32
        %broadcast_in_dim3A_166 = vector.broadcast %broadcast_in_dim3A_165 : f32 to vector<16xf32>
        %swap3A_167 = arith.constant 0 : i32
        %swap3A_168 = arith.index_cast %swap3A_167 : i32 to index
        %swap3A_169 = arith.index_cast %scan3A_119 : i32 to index
        %swap3A_170 = arith.constant 80 : index
        %swap3A_171 = tpu.vector_load %arg14[%swap3A_168, %swap3A_169, %swap3A_170] {strides = array<i32>} : memref<2x128x128xf32, #tpu.memory_space<vmem>>, vector<1x1x16xf32>,
        %swap3A_172 = vector.shape_cast %swap3A_171 : vector<1x1x16xf32> to vector<16xf32>
        %swap3A_173 = vector.shape_cast %broadcast_in_dim3A_166 : vector<16xf32> to vector<1x1x16xf32>
        tpu.vector_store %arg14[%swap3A_168, %swap3A_169, %swap3A_170], %swap3A_173 {strides = array<i32>} : memref<2x128x128xf32, #tpu.memory_space<vmem>>, vector<1x1x16xf32>,
        %broadcast_in_dim3A_174 = arith.constant 0.000000e+00 : f32
        %broadcast_in_dim3A_175 = vector.broadcast %broadcast_in_dim3A_174 : f32 to vector<16xf32>
        %swap3A_176 = arith.constant 0 : i32
        %swap3A_177 = arith.index_cast %swap3A_176 : i32 to index
        %swap3A_178 = arith.index_cast %scan3A_119 : i32 to index
        %swap3A_179 = arith.constant 96 : index
        %swap3A_180 = tpu.vector_load %arg14[%swap3A_177, %swap3A_178, %swap3A_179] {strides = array<i32>} : memref<2x128x128xf32, #tpu.memory_space<vmem>>, vector<1x1x16xf32>,
        %swap3A_181 = vector.shape_cast %swap3A_180 : vector<1x1x16xf32> to vector<16xf32>
        %swap3A_182 = vector.shape_cast %broadcast_in_dim3A_175 : vector<16xf32> to vector<1x1x16xf32>
        tpu.vector_store %arg14[%swap3A_177, %swap3A_178, %swap3A_179], %swap3A_182 {strides = array<i32>} : memref<2x128x128xf32, #tpu.memory_space<vmem>>, vector<1x1x16xf32>,
        %broadcast_in_dim3A_183 = arith.constant 0.000000e+00 : f32
        %broadcast_in_dim3A_184 = vector.broadcast %broadcast_in_dim3A_183 : f32 to vector<16xf32>
        %swap3A_185 = arith.constant 0 : i32
        %swap3A_186 = arith.index_cast %swap3A_185 : i32 to index
        %swap3A_187 = arith.index_cast %scan3A_119 : i32 to index
        %swap3A_188 = arith.constant 112 : index
        %swap3A_189 = tpu.vector_load %arg14[%swap3A_186, %swap3A_187, %swap3A_188] {strides = array<i32>} : memref<2x128x128xf32, #tpu.memory_space<vmem>>, vector<1x1x16xf32>,
        %swap3A_190 = vector.shape_cast %swap3A_189 : vector<1x1x16xf32> to vector<16xf32>
        %swap3A_191 = vector.shape_cast %broadcast_in_dim3A_184 : vector<16xf32> to vector<1x1x16xf32>
        tpu.vector_store %arg14[%swap3A_186, %swap3A_187, %swap3A_188], %swap3A_191 {strides = array<i32>} : memref<2x128x128xf32, #tpu.memory_space<vmem>>, vector<1x1x16xf32>,
      }
      %scan3A_11 = arith.constant 128 : i32
      %broadcast_in_dim3A = arith.constant 1.000000e+00 : f32
      %broadcast_in_dim3A_12 = vector.broadcast %broadcast_in_dim3A : f32 to vector<16xf32>
      %swap3A = arith.constant 0 : index
      %swap3A_13 = tpu.vector_load %arg15[%swap3A] {strides = array<i32>} : memref<128xf32, #tpu.memory_space<vmem>>, vector<16xf32>,
      %swap3A_14 = vector.shape_cast %swap3A_13 : vector<16xf32> to vector<16xf32>
      %swap3A_15 = vector.shape_cast %broadcast_in_dim3A_12 : vector<16xf32> to vector<16xf32>
      tpu.vector_store %arg15[%swap3A], %swap3A_15 {strides = array<i32>} : memref<128xf32, #tpu.memory_space<vmem>>, vector<16xf32>,
      %broadcast_in_dim3A_16 = arith.constant 1.000000e+00 : f32
      %broadcast_in_dim3A_17 = vector.broadcast %broadcast_in_dim3A_16 : f32 to vector<16xf32>
      %swap3A_18 = arith.constant 16 : index
      %swap3A_19 = tpu.vector_load %arg15[%swap3A_18] {strides = array<i32>} : memref<128xf32, #tpu.memory_space<vmem>>, vector<16xf32>,
      %swap3A_20 = vector.shape_cast %swap3A_19 : vector<16xf32> to vector<16xf32>
      %swap3A_21 = vector.shape_cast %broadcast_in_dim3A_17 : vector<16xf32> to vector<16xf32>
      tpu.vector_store %arg15[%swap3A_18], %swap3A_21 {strides = array<i32>} : memref<128xf32, #tpu.memory_space<vmem>>, vector<16xf32>,
      %broadcast_in_dim3A_22 = arith.constant 1.000000e+00 : f32
      %broadcast_in_dim3A_23 = vector.broadcast %broadcast_in_dim3A_22 : f32 to vector<16xf32>
      %swap3A_24 = arith.constant 32 : index
      %swap3A_25 = tpu.vector_load %arg15[%swap3A_24] {strides = array<i32>} : memref<128xf32, #tpu.memory_space<vmem>>, vector<16xf32>,
      %swap3A_26 = vector.shape_cast %swap3A_25 : vector<16xf32> to vector<16xf32>
      %swap3A_27 = vector.shape_cast %broadcast_in_dim3A_23 : vector<16xf32> to vector<16xf32>
      tpu.vector_store %arg15[%swap3A_24], %swap3A_27 {strides = array<i32>} : memref<128xf32, #tpu.memory_space<vmem>>, vector<16xf32>,
      %broadcast_in_dim3A_28 = arith.constant 1.000000e+00 : f32
      %broadcast_in_dim3A_29 = vector.broadcast %broadcast_in_dim3A_28 : f32 to vector<16xf32>
      %swap3A_30 = arith.constant 48 : index
      %swap3A_31 = tpu.vector_load %arg15[%swap3A_30] {strides = array<i32>} : memref<128xf32, #tpu.memory_space<vmem>>, vector<16xf32>,
      %swap3A_32 = vector.shape_cast %swap3A_31 : vector<16xf32> to vector<16xf32>
      %swap3A_33 = vector.shape_cast %broadcast_in_dim3A_29 : vector<16xf32> to vector<16xf32>
      tpu.vector_store %arg15[%swap3A_30], %swap3A_33 {strides = array<i32>} : memref<128xf32, #tpu.memory_space<vmem>>, vector<16xf32>,
      %broadcast_in_dim3A_34 = arith.constant 1.000000e+00 : f32
      %broadcast_in_dim3A_35 = vector.broadcast %broadcast_in_dim3A_34 : f32 to vector<16xf32>
      %swap3A_36 = arith.constant 64 : index
      %swap3A_37 = tpu.vector_load %arg15[%swap3A_36] {strides = array<i32>} : memref<128xf32, #tpu.memory_space<vmem>>, vector<16xf32>,
      %swap3A_38 = vector.shape_cast %swap3A_37 : vector<16xf32> to vector<16xf32>
      %swap3A_39 = vector.shape_cast %broadcast_in_dim3A_35 : vector<16xf32> to vector<16xf32>
      tpu.vector_store %arg15[%swap3A_36], %swap3A_39 {strides = array<i32>} : memref<128xf32, #tpu.memory_space<vmem>>, vector<16xf32>,
      %broadcast_in_dim3A_40 = arith.constant 1.000000e+00 : f32
      %broadcast_in_dim3A_41 = vector.broadcast %broadcast_in_dim3A_40 : f32 to vector<16xf32>
      %swap3A_42 = arith.constant 80 : index
      %swap3A_43 = tpu.vector_load %arg15[%swap3A_42] {strides = array<i32>} : memref<128xf32, #tpu.memory_space<vmem>>, vector<16xf32>,
      %swap3A_44 = vector.shape_cast %swap3A_43 : vector<16xf32> to vector<16xf32>
      %swap3A_45 = vector.shape_cast %broadcast_in_dim3A_41 : vector<16xf32> to vector<16xf32>
      tpu.vector_store %arg15[%swap3A_42], %swap3A_45 {strides = array<i32>} : memref<128xf32, #tpu.memory_space<vmem>>, vector<16xf32>,
      %broadcast_in_dim3A_46 = arith.constant 1.000000e+00 : f32
      %broadcast_in_dim3A_47 = vector.broadcast %broadcast_in_dim3A_46 : f32 to vector<16xf32>
      %swap3A_48 = arith.constant 96 : index
      %swap3A_49 = tpu.vector_load %arg15[%swap3A_48] {strides = array<i32>} : memref<128xf32, #tpu.memory_space<vmem>>, vector<16xf32>,
      %swap3A_50 = vector.shape_cast %swap3A_49 : vector<16xf32> to vector<16xf32>
      %swap3A_51 = vector.shape_cast %broadcast_in_dim3A_47 : vector<16xf32> to vector<16xf32>
      tpu.vector_store %arg15[%swap3A_48], %swap3A_51 {strides = array<i32>} : memref<128xf32, #tpu.memory_space<vmem>>, vector<16xf32>,
      %broadcast_in_dim3A_52 = arith.constant 1.000000e+00 : f32
      %broadcast_in_dim3A_53 = vector.broadcast %broadcast_in_dim3A_52 : f32 to vector<16xf32>
      %swap3A_54 = arith.constant 112 : index
      %swap3A_55 = tpu.vector_load %arg15[%swap3A_54] {strides = array<i32>} : memref<128xf32, #tpu.memory_space<vmem>>, vector<16xf32>,
      %swap3A_56 = vector.shape_cast %swap3A_55 : vector<16xf32> to vector<16xf32>
      %swap3A_57 = vector.shape_cast %broadcast_in_dim3A_53 : vector<16xf32> to vector<16xf32>
      tpu.vector_store %arg15[%swap3A_54], %swap3A_57 {strides = array<i32>} : memref<128xf32, #tpu.memory_space<vmem>>, vector<16xf32>,
      %scan3A_58 = arith.constant 0 : i32
      %scan3A_59 = arith.constant 0 : i32
      %scan3A_60 = arith.constant 40 : i32
      %scan3A_61 = arith.addi %scan3A_59, %scan3A_60 : i32
      %scan3A_62 = arith.constant 1 : i32
      scf.for %scan3A_119 = %scan3A_59 to %scan3A_61 step %scan3A_62  : i32 {
        %broadcast_in_dim3A_120 = arith.constant 0.000000e+00 : f32
        %broadcast_in_dim3A_121 = vector.broadcast %broadcast_in_dim3A_120 : f32 to vector<16xf32>
        %mul3A_122 = arith.constant 16 : i32
        %mul3A_123 = arith.muli %scan3A_119, %mul3A_122 : i32
        %swap3A_124 = arith.index_cast %mul3A_123 : i32 to index
        %swap3A_125 = tpu.vector_load %arg16[%swap3A_124] {strides = array<i32>} : memref<640xf32, #tpu.memory_space<vmem>>, vector<16xf32>,
        %swap3A_126 = vector.shape_cast %swap3A_125 : vector<16xf32> to vector<16xf32>
        %swap3A_127 = vector.shape_cast %broadcast_in_dim3A_121 : vector<16xf32> to vector<16xf32>
        tpu.vector_store %arg16[%swap3A_124], %swap3A_127 {strides = array<i32>} : memref<640xf32, #tpu.memory_space<vmem>>, vector<16xf32>,
      }
      %scan3A_63 = arith.constant 40 : i32
      %mul3A = arith.constant 640 : i32
      %mul3A_64 = arith.muli %arg1, %mul3A : i32
      %add3A = arith.constant 0 : i32
      %add3A_65 = arith.addi %mul3A_64, %add3A : i32
      %run_scoped3A = arith.constant 0 : i32
      "tpu.region"() ({
        %run_scoped3A_119 = tpu.sem_alloc : memref<!tpu.dma_semaphore, #tpu.memory_space<semaphore_mem>>
        %dma_start3A = arith.constant 0 : i32
        %dma_start3A_120 = arith.constant 0 : i32
        %dma_start3A_121 = tpu.memref_slice %arg14[%run_scoped3A, %dma_start3A, %dma_start3A_120] : memref<2x128x128xf32, #tpu.memory_space<vmem>> -> memref<1x128x128xf32, #tpu.memory_space<vmem>>
        %dma_start3A_122 = tpu.memref_squeeze %dma_start3A_121 : memref<1x128x128xf32, #tpu.memory_space<vmem>> -> memref<128x128xf32, #tpu.memory_space<vmem>>
        %dma_start3A_123 = arith.constant 0 : i32
        %dma_start3A_124 = tpu.memref_slice %arg17[%add3A_65, %dma_start3A_123] : memref<10240x128xf32, #tpu.memory_space<vmem_shared>> -> memref<128x128xf32, #tpu.memory_space<vmem_shared>>
        %dma_start3A_125 = arith.constant 0 : i32
        %dma_start3A_126 = tpu.memref_slice %arg17[%add3A_65, %dma_start3A_125] : memref<10240x128xf32, #tpu.memory_space<vmem_shared>> -> memref<128x128xf32, #tpu.memory_space<vmem_shared>>
        %dma_start3A_127 = arith.constant 0 : i32
        %dma_start3A_128 = arith.constant 0 : i32
        %dma_start3A_129 = tpu.memref_slice %arg14[%run_scoped3A, %dma_start3A_127, %dma_start3A_128] : memref<2x128x128xf32, #tpu.memory_space<vmem>> -> memref<1x128x128xf32, #tpu.memory_space<vmem>>
        %dma_start3A_130 = tpu.memref_squeeze %dma_start3A_129 : memref<1x128x128xf32, #tpu.memory_space<vmem>> -> memref<128x128xf32, #tpu.memory_space<vmem>>
        tpu.enqueue_dma source(%dma_start3A_130 : memref<128x128xf32, #tpu.memory_space<vmem>>) target(%dma_start3A_126 : memref<128x128xf32, #tpu.memory_space<vmem_shared>>) target_semaphore(%run_scoped3A_119 : memref<!tpu.dma_semaphore, #tpu.memory_space<semaphore_mem>>)
        %dma_wait3A = arith.constant 0 : i32
        %dma_wait3A_131 = arith.constant 0 : i32
        %dma_wait3A_132 = tpu.memref_slice %arg14[%run_scoped3A, %dma_wait3A, %dma_wait3A_131] : memref<2x128x128xf32, #tpu.memory_space<vmem>> -> memref<1x128x128xf32, #tpu.memory_space<vmem>>
        %dma_wait3A_133 = tpu.memref_squeeze %dma_wait3A_132 : memref<1x128x128xf32, #tpu.memory_space<vmem>> -> memref<128x128xf32, #tpu.memory_space<vmem>>
        %dma_wait3A_134 = arith.constant 0 : i32
        %dma_wait3A_135 = tpu.memref_slice %arg17[%add3A_65, %dma_wait3A_134] : memref<10240x128xf32, #tpu.memory_space<vmem_shared>> -> memref<128x128xf32, #tpu.memory_space<vmem_shared>>
        %dma_wait3A_136 = arith.constant 0 : i32
        %dma_wait3A_137 = tpu.memref_slice %arg17[%add3A_65, %dma_wait3A_136] : memref<10240x128xf32, #tpu.memory_space<vmem_shared>> -> memref<128x128xf32, #tpu.memory_space<vmem_shared>>
        %dma_wait3A_138 = arith.constant 0 : i32
        %dma_wait3A_139 = arith.constant 0 : i32
        %dma_wait3A_140 = tpu.memref_slice %arg14[%run_scoped3A, %dma_wait3A_138, %dma_wait3A_139] : memref<2x128x128xf32, #tpu.memory_space<vmem>> -> memref<1x128x128xf32, #tpu.memory_space<vmem>>
        %dma_wait3A_141 = tpu.memref_squeeze %dma_wait3A_140 : memref<1x128x128xf32, #tpu.memory_space<vmem>> -> memref<128x128xf32, #tpu.memory_space<vmem>>
        tpu.wait_dma2 semaphore(%run_scoped3A_119 : memref<!tpu.dma_semaphore, #tpu.memory_space<semaphore_mem>>) src(%dma_wait3A_141 : memref<128x128xf32, #tpu.memory_space<vmem>>) dst(%dma_wait3A_137 : memref<128x128xf32, #tpu.memory_space<vmem_shared>>)
        tpu.yield
      }) : () -> ()
      %mul3A_66 = arith.constant 640 : i32
      %mul3A_67 = arith.muli %arg1, %mul3A_66 : i32
      %add3A_68 = arith.constant 128 : i32
      %add3A_69 = arith.addi %mul3A_67, %add3A_68 : i32
      %run_scoped3A_70 = arith.constant 0 : i32
      "tpu.region"() ({
        %run_scoped3A_119 = tpu.sem_alloc : memref<!tpu.dma_semaphore, #tpu.memory_space<semaphore_mem>>
        %dma_start3A = arith.constant 0 : i32
        %dma_start3A_120 = arith.constant 0 : i32
        %dma_start3A_121 = tpu.memref_slice %arg14[%run_scoped3A_70, %dma_start3A, %dma_start3A_120] : memref<2x128x128xf32, #tpu.memory_space<vmem>> -> memref<1x128x128xf32, #tpu.memory_space<vmem>>
        %dma_start3A_122 = tpu.memref_squeeze %dma_start3A_121 : memref<1x128x128xf32, #tpu.memory_space<vmem>> -> memref<128x128xf32, #tpu.memory_space<vmem>>
        %dma_start3A_123 = arith.constant 0 : i32
        %dma_start3A_124 = tpu.memref_slice %arg17[%add3A_69, %dma_start3A_123] : memref<10240x128xf32, #tpu.memory_space<vmem_shared>> -> memref<128x128xf32, #tpu.memory_space<vmem_shared>>
        %dma_start3A_125 = arith.constant 0 : i32
        %dma_start3A_126 = tpu.memref_slice %arg17[%add3A_69, %dma_start3A_125] : memref<10240x128xf32, #tpu.memory_space<vmem_shared>> -> memref<128x128xf32, #tpu.memory_space<vmem_shared>>
        %dma_start3A_127 = arith.constant 0 : i32
        %dma_start3A_128 = arith.constant 0 : i32
        %dma_start3A_129 = tpu.memref_slice %arg14[%run_scoped3A_70, %dma_start3A_127, %dma_start3A_128] : memref<2x128x128xf32, #tpu.memory_space<vmem>> -> memref<1x128x128xf32, #tpu.memory_space<vmem>>
        %dma_start3A_130 = tpu.memref_squeeze %dma_start3A_129 : memref<1x128x128xf32, #tpu.memory_space<vmem>> -> memref<128x128xf32, #tpu.memory_space<vmem>>
        tpu.enqueue_dma source(%dma_start3A_130 : memref<128x128xf32, #tpu.memory_space<vmem>>) target(%dma_start3A_126 : memref<128x128xf32, #tpu.memory_space<vmem_shared>>) target_semaphore(%run_scoped3A_119 : memref<!tpu.dma_semaphore, #tpu.memory_space<semaphore_mem>>)
        %dma_wait3A = arith.constant 0 : i32
        %dma_wait3A_131 = arith.constant 0 : i32
        %dma_wait3A_132 = tpu.memref_slice %arg14[%run_scoped3A_70, %dma_wait3A, %dma_wait3A_131] : memref<2x128x128xf32, #tpu.memory_space<vmem>> -> memref<1x128x128xf32, #tpu.memory_space<vmem>>
        %dma_wait3A_133 = tpu.memref_squeeze %dma_wait3A_132 : memref<1x128x128xf32, #tpu.memory_space<vmem>> -> memref<128x128xf32, #tpu.memory_space<vmem>>
        %dma_wait3A_134 = arith.constant 0 : i32
        %dma_wait3A_135 = tpu.memref_slice %arg17[%add3A_69, %dma_wait3A_134] : memref<10240x128xf32, #tpu.memory_space<vmem_shared>> -> memref<128x128xf32, #tpu.memory_space<vmem_shared>>
        %dma_wait3A_136 = arith.constant 0 : i32
        %dma_wait3A_137 = tpu.memref_slice %arg17[%add3A_69, %dma_wait3A_136] : memref<10240x128xf32, #tpu.memory_space<vmem_shared>> -> memref<128x128xf32, #tpu.memory_space<vmem_shared>>
        %dma_wait3A_138 = arith.constant 0 : i32
        %dma_wait3A_139 = arith.constant 0 : i32
        %dma_wait3A_140 = tpu.memref_slice %arg14[%run_scoped3A_70, %dma_wait3A_138, %dma_wait3A_139] : memref<2x128x128xf32, #tpu.memory_space<vmem>> -> memref<1x128x128xf32, #tpu.memory_space<vmem>>
        %dma_wait3A_141 = tpu.memref_squeeze %dma_wait3A_140 : memref<1x128x128xf32, #tpu.memory_space<vmem>> -> memref<128x128xf32, #tpu.memory_space<vmem>>
        tpu.wait_dma2 semaphore(%run_scoped3A_119 : memref<!tpu.dma_semaphore, #tpu.memory_space<semaphore_mem>>) src(%dma_wait3A_141 : memref<128x128xf32, #tpu.memory_space<vmem>>) dst(%dma_wait3A_137 : memref<128x128xf32, #tpu.memory_space<vmem_shared>>)
        tpu.yield
      }) : () -> ()
      %mul3A_71 = arith.constant 640 : i32
      %mul3A_72 = arith.muli %arg1, %mul3A_71 : i32
      %add3A_73 = arith.constant 256 : i32
      %add3A_74 = arith.addi %mul3A_72, %add3A_73 : i32
      %run_scoped3A_75 = arith.constant 0 : i32
      "tpu.region"() ({
        %run_scoped3A_119 = tpu.sem_alloc : memref<!tpu.dma_semaphore, #tpu.memory_space<semaphore_mem>>
        %dma_start3A = arith.constant 0 : i32
        %dma_start3A_120 = arith.constant 0 : i32
        %dma_start3A_121 = tpu.memref_slice %arg14[%run_scoped3A_75, %dma_start3A, %dma_start3A_120] : memref<2x128x128xf32, #tpu.memory_space<vmem>> -> memref<1x128x128xf32, #tpu.memory_space<vmem>>
        %dma_start3A_122 = tpu.memref_squeeze %dma_start3A_121 : memref<1x128x128xf32, #tpu.memory_space<vmem>> -> memref<128x128xf32, #tpu.memory_space<vmem>>
        %dma_start3A_123 = arith.constant 0 : i32
        %dma_start3A_124 = tpu.memref_slice %arg17[%add3A_74, %dma_start3A_123] : memref<10240x128xf32, #tpu.memory_space<vmem_shared>> -> memref<128x128xf32, #tpu.memory_space<vmem_shared>>
        %dma_start3A_125 = arith.constant 0 : i32
        %dma_start3A_126 = tpu.memref_slice %arg17[%add3A_74, %dma_start3A_125] : memref<10240x128xf32, #tpu.memory_space<vmem_shared>> -> memref<128x128xf32, #tpu.memory_space<vmem_shared>>
        %dma_start3A_127 = arith.constant 0 : i32
        %dma_start3A_128 = arith.constant 0 : i32
        %dma_start3A_129 = tpu.memref_slice %arg14[%run_scoped3A_75, %dma_start3A_127, %dma_start3A_128] : memref<2x128x128xf32, #tpu.memory_space<vmem>> -> memref<1x128x128xf32, #tpu.memory_space<vmem>>
        %dma_start3A_130 = tpu.memref_squeeze %dma_start3A_129 : memref<1x128x128xf32, #tpu.memory_space<vmem>> -> memref<128x128xf32, #tpu.memory_space<vmem>>
        tpu.enqueue_dma source(%dma_start3A_130 : memref<128x128xf32, #tpu.memory_space<vmem>>) target(%dma_start3A_126 : memref<128x128xf32, #tpu.memory_space<vmem_shared>>) target_semaphore(%run_scoped3A_119 : memref<!tpu.dma_semaphore, #tpu.memory_space<semaphore_mem>>)
        %dma_wait3A = arith.constant 0 : i32
        %dma_wait3A_131 = arith.constant 0 : i32
        %dma_wait3A_132 = tpu.memref_slice %arg14[%run_scoped3A_75, %dma_wait3A, %dma_wait3A_131] : memref<2x128x128xf32, #tpu.memory_space<vmem>> -> memref<1x128x128xf32, #tpu.memory_space<vmem>>
        %dma_wait3A_133 = tpu.memref_squeeze %dma_wait3A_132 : memref<1x128x128xf32, #tpu.memory_space<vmem>> -> memref<128x128xf32, #tpu.memory_space<vmem>>
        %dma_wait3A_134 = arith.constant 0 : i32
        %dma_wait3A_135 = tpu.memref_slice %arg17[%add3A_74, %dma_wait3A_134] : memref<10240x128xf32, #tpu.memory_space<vmem_shared>> -> memref<128x128xf32, #tpu.memory_space<vmem_shared>>
        %dma_wait3A_136 = arith.constant 0 : i32
        %dma_wait3A_137 = tpu.memref_slice %arg17[%add3A_74, %dma_wait3A_136] : memref<10240x128xf32, #tpu.memory_space<vmem_shared>> -> memref<128x128xf32, #tpu.memory_space<vmem_shared>>
        %dma_wait3A_138 = arith.constant 0 : i32
        %dma_wait3A_139 = arith.constant 0 : i32
        %dma_wait3A_140 = tpu.memref_slice %arg14[%run_scoped3A_75, %dma_wait3A_138, %dma_wait3A_139] : memref<2x128x128xf32, #tpu.memory_space<vmem>> -> memref<1x128x128xf32, #tpu.memory_space<vmem>>
        %dma_wait3A_141 = tpu.memref_squeeze %dma_wait3A_140 : memref<1x128x128xf32, #tpu.memory_space<vmem>> -> memref<128x128xf32, #tpu.memory_space<vmem>>
        tpu.wait_dma2 semaphore(%run_scoped3A_119 : memref<!tpu.dma_semaphore, #tpu.memory_space<semaphore_mem>>) src(%dma_wait3A_141 : memref<128x128xf32, #tpu.memory_space<vmem>>) dst(%dma_wait3A_137 : memref<128x128xf32, #tpu.memory_space<vmem_shared>>)
        tpu.yield
      }) : () -> ()
      %mul3A_76 = arith.constant 640 : i32
      %mul3A_77 = arith.muli %arg1, %mul3A_76 : i32
      %add3A_78 = arith.constant 384 : i32
      %add3A_79 = arith.addi %mul3A_77, %add3A_78 : i32
      %run_scoped3A_80 = arith.constant 0 : i32
      "tpu.region"() ({
        %run_scoped3A_119 = tpu.sem_alloc : memref<!tpu.dma_semaphore, #tpu.memory_space<semaphore_mem>>
        %dma_start3A = arith.constant 0 : i32
        %dma_start3A_120 = arith.constant 0 : i32
        %dma_start3A_121 = tpu.memref_slice %arg14[%run_scoped3A_80, %dma_start3A, %dma_start3A_120] : memref<2x128x128xf32, #tpu.memory_space<vmem>> -> memref<1x128x128xf32, #tpu.memory_space<vmem>>
        %dma_start3A_122 = tpu.memref_squeeze %dma_start3A_121 : memref<1x128x128xf32, #tpu.memory_space<vmem>> -> memref<128x128xf32, #tpu.memory_space<vmem>>
        %dma_start3A_123 = arith.constant 0 : i32
        %dma_start3A_124 = tpu.memref_slice %arg17[%add3A_79, %dma_start3A_123] : memref<10240x128xf32, #tpu.memory_space<vmem_shared>> -> memref<128x128xf32, #tpu.memory_space<vmem_shared>>
        %dma_start3A_125 = arith.constant 0 : i32
        %dma_start3A_126 = tpu.memref_slice %arg17[%add3A_79, %dma_start3A_125] : memref<10240x128xf32, #tpu.memory_space<vmem_shared>> -> memref<128x128xf32, #tpu.memory_space<vmem_shared>>
        %dma_start3A_127 = arith.constant 0 : i32
        %dma_start3A_128 = arith.constant 0 : i32
        %dma_start3A_129 = tpu.memref_slice %arg14[%run_scoped3A_80, %dma_start3A_127, %dma_start3A_128] : memref<2x128x128xf32, #tpu.memory_space<vmem>> -> memref<1x128x128xf32, #tpu.memory_space<vmem>>
        %dma_start3A_130 = tpu.memref_squeeze %dma_start3A_129 : memref<1x128x128xf32, #tpu.memory_space<vmem>> -> memref<128x128xf32, #tpu.memory_space<vmem>>
        tpu.enqueue_dma source(%dma_start3A_130 : memref<128x128xf32, #tpu.memory_space<vmem>>) target(%dma_start3A_126 : memref<128x128xf32, #tpu.memory_space<vmem_shared>>) target_semaphore(%run_scoped3A_119 : memref<!tpu.dma_semaphore, #tpu.memory_space<semaphore_mem>>)
        %dma_wait3A = arith.constant 0 : i32
        %dma_wait3A_131 = arith.constant 0 : i32
        %dma_wait3A_132 = tpu.memref_slice %arg14[%run_scoped3A_80, %dma_wait3A, %dma_wait3A_131] : memref<2x128x128xf32, #tpu.memory_space<vmem>> -> memref<1x128x128xf32, #tpu.memory_space<vmem>>
        %dma_wait3A_133 = tpu.memref_squeeze %dma_wait3A_132 : memref<1x128x128xf32, #tpu.memory_space<vmem>> -> memref<128x128xf32, #tpu.memory_space<vmem>>
        %dma_wait3A_134 = arith.constant 0 : i32
        %dma_wait3A_135 = tpu.memref_slice %arg17[%add3A_79, %dma_wait3A_134] : memref<10240x128xf32, #tpu.memory_space<vmem_shared>> -> memref<128x128xf32, #tpu.memory_space<vmem_shared>>
        %dma_wait3A_136 = arith.constant 0 : i32
        %dma_wait3A_137 = tpu.memref_slice %arg17[%add3A_79, %dma_wait3A_136] : memref<10240x128xf32, #tpu.memory_space<vmem_shared>> -> memref<128x128xf32, #tpu.memory_space<vmem_shared>>
        %dma_wait3A_138 = arith.constant 0 : i32
        %dma_wait3A_139 = arith.constant 0 : i32
        %dma_wait3A_140 = tpu.memref_slice %arg14[%run_scoped3A_80, %dma_wait3A_138, %dma_wait3A_139] : memref<2x128x128xf32, #tpu.memory_space<vmem>> -> memref<1x128x128xf32, #tpu.memory_space<vmem>>
        %dma_wait3A_141 = tpu.memref_squeeze %dma_wait3A_140 : memref<1x128x128xf32, #tpu.memory_space<vmem>> -> memref<128x128xf32, #tpu.memory_space<vmem>>
        tpu.wait_dma2 semaphore(%run_scoped3A_119 : memref<!tpu.dma_semaphore, #tpu.memory_space<semaphore_mem>>) src(%dma_wait3A_141 : memref<128x128xf32, #tpu.memory_space<vmem>>) dst(%dma_wait3A_137 : memref<128x128xf32, #tpu.memory_space<vmem_shared>>)
        tpu.yield
      }) : () -> ()
      %mul3A_81 = arith.constant 640 : i32
      %mul3A_82 = arith.muli %arg1, %mul3A_81 : i32
      %add3A_83 = arith.constant 512 : i32
      %add3A_84 = arith.addi %mul3A_82, %add3A_83 : i32
      %run_scoped3A_85 = arith.constant 0 : i32
      "tpu.region"() ({
        %run_scoped3A_119 = tpu.sem_alloc : memref<!tpu.dma_semaphore, #tpu.memory_space<semaphore_mem>>
        %dma_start3A = arith.constant 0 : i32
        %dma_start3A_120 = arith.constant 0 : i32
        %dma_start3A_121 = tpu.memref_slice %arg14[%run_scoped3A_85, %dma_start3A, %dma_start3A_120] : memref<2x128x128xf32, #tpu.memory_space<vmem>> -> memref<1x128x128xf32, #tpu.memory_space<vmem>>
        %dma_start3A_122 = tpu.memref_squeeze %dma_start3A_121 : memref<1x128x128xf32, #tpu.memory_space<vmem>> -> memref<128x128xf32, #tpu.memory_space<vmem>>
        %dma_start3A_123 = arith.constant 0 : i32
        %dma_start3A_124 = tpu.memref_slice %arg17[%add3A_84, %dma_start3A_123] : memref<10240x128xf32, #tpu.memory_space<vmem_shared>> -> memref<128x128xf32, #tpu.memory_space<vmem_shared>>
        %dma_start3A_125 = arith.constant 0 : i32
        %dma_start3A_126 = tpu.memref_slice %arg17[%add3A_84, %dma_start3A_125] : memref<10240x128xf32, #tpu.memory_space<vmem_shared>> -> memref<128x128xf32, #tpu.memory_space<vmem_shared>>
        %dma_start3A_127 = arith.constant 0 : i32
        %dma_start3A_128 = arith.constant 0 : i32
        %dma_start3A_129 = tpu.memref_slice %arg14[%run_scoped3A_85, %dma_start3A_127, %dma_start3A_128] : memref<2x128x128xf32, #tpu.memory_space<vmem>> -> memref<1x128x128xf32, #tpu.memory_space<vmem>>
        %dma_start3A_130 = tpu.memref_squeeze %dma_start3A_129 : memref<1x128x128xf32, #tpu.memory_space<vmem>> -> memref<128x128xf32, #tpu.memory_space<vmem>>
        tpu.enqueue_dma source(%dma_start3A_130 : memref<128x128xf32, #tpu.memory_space<vmem>>) target(%dma_start3A_126 : memref<128x128xf32, #tpu.memory_space<vmem_shared>>) target_semaphore(%run_scoped3A_119 : memref<!tpu.dma_semaphore, #tpu.memory_space<semaphore_mem>>)
        %dma_wait3A = arith.constant 0 : i32
        %dma_wait3A_131 = arith.constant 0 : i32
        %dma_wait3A_132 = tpu.memref_slice %arg14[%run_scoped3A_85, %dma_wait3A, %dma_wait3A_131] : memref<2x128x128xf32, #tpu.memory_space<vmem>> -> memref<1x128x128xf32, #tpu.memory_space<vmem>>
        %dma_wait3A_133 = tpu.memref_squeeze %dma_wait3A_132 : memref<1x128x128xf32, #tpu.memory_space<vmem>> -> memref<128x128xf32, #tpu.memory_space<vmem>>
        %dma_wait3A_134 = arith.constant 0 : i32
        %dma_wait3A_135 = tpu.memref_slice %arg17[%add3A_84, %dma_wait3A_134] : memref<10240x128xf32, #tpu.memory_space<vmem_shared>> -> memref<128x128xf32, #tpu.memory_space<vmem_shared>>
        %dma_wait3A_136 = arith.constant 0 : i32
        %dma_wait3A_137 = tpu.memref_slice %arg17[%add3A_84, %dma_wait3A_136] : memref<10240x128xf32, #tpu.memory_space<vmem_shared>> -> memref<128x128xf32, #tpu.memory_space<vmem_shared>>
        %dma_wait3A_138 = arith.constant 0 : i32
        %dma_wait3A_139 = arith.constant 0 : i32
        %dma_wait3A_140 = tpu.memref_slice %arg14[%run_scoped3A_85, %dma_wait3A_138, %dma_wait3A_139] : memref<2x128x128xf32, #tpu.memory_space<vmem>> -> memref<1x128x128xf32, #tpu.memory_space<vmem>>
        %dma_wait3A_141 = tpu.memref_squeeze %dma_wait3A_140 : memref<1x128x128xf32, #tpu.memory_space<vmem>> -> memref<128x128xf32, #tpu.memory_space<vmem>>
        tpu.wait_dma2 semaphore(%run_scoped3A_119 : memref<!tpu.dma_semaphore, #tpu.memory_space<semaphore_mem>>) src(%dma_wait3A_141 : memref<128x128xf32, #tpu.memory_space<vmem>>) dst(%dma_wait3A_137 : memref<128x128xf32, #tpu.memory_space<vmem_shared>>)
        tpu.yield
      }) : () -> ()
      %mul3A_86 = arith.constant 640 : i32
      %mul3A_87 = arith.muli %arg1, %mul3A_86 : i32
      "tpu.region"() ({
        %run_scoped3A_119 = tpu.sem_alloc : memref<!tpu.dma_semaphore, #tpu.memory_space<semaphore_mem>>
        %dma_start3A = tpu.memref_slice %arg18[%mul3A_87] : memref<10240xf32, #tpu.memory_space<vmem_shared>> -> memref<640xf32, #tpu.memory_space<vmem_shared>>
        %dma_start3A_120 = tpu.memref_slice %arg18[%mul3A_87] : memref<10240xf32, #tpu.memory_space<vmem_shared>> -> memref<640xf32, #tpu.memory_space<vmem_shared>>
        tpu.enqueue_dma source(%arg16 : memref<640xf32, #tpu.memory_space<vmem>>) target(%dma_start3A_120 : memref<640xf32, #tpu.memory_space<vmem_shared>>) target_semaphore(%run_scoped3A_119 : memref<!tpu.dma_semaphore, #tpu.memory_space<semaphore_mem>>)
        %dma_wait3A = tpu.memref_slice %arg18[%mul3A_87] : memref<10240xf32, #tpu.memory_space<vmem_shared>> -> memref<640xf32, #tpu.memory_space<vmem_shared>>
        %dma_wait3A_121 = tpu.memref_slice %arg18[%mul3A_87] : memref<10240xf32, #tpu.memory_space<vmem_shared>> -> memref<640xf32, #tpu.memory_space<vmem_shared>>
        tpu.wait_dma2 semaphore(%run_scoped3A_119 : memref<!tpu.dma_semaphore, #tpu.memory_space<semaphore_mem>>) src(%arg16 : memref<640xf32, #tpu.memory_space<vmem>>) dst(%dma_wait3A_121 : memref<640xf32, #tpu.memory_space<vmem_shared>>)
        tpu.yield
      }) : () -> ()
      %barrier3A = arith.constant 0 : index
      tpu.barrier barrier_id(%barrier3A)
      %scan3A_88 = arith.constant 0 : i32
      %scan3A_89 = arith.constant 0 : i32
      %scan3A_90 = arith.constant 5 : i32
      %scan3A_91 = arith.addi %scan3A_89, %scan3A_90 : i32
      %scan3A_92 = arith.constant 1 : i32
      scf.for %scan3A_119 = %scan3A_89 to %scan3A_91 step %scan3A_92  : i32 {
        %eq3A_120 = arith.constant 0 : i32
        %eq3A_121 = arith.cmpi eq, %scan3A_119, %eq3A_120 : i32
        %convert_element_type3A_122 = arith.extui %eq3A_121 : i1 to i32
        %cond3A_123 = arith.constant 0 : i32
        %cond3A_124 = arith.cmpi ne, %convert_element_type3A_122, %cond3A_123 : i32
        scf.if %cond3A_124 {
          %mul3A_137 = arith.constant 160 : i32
          %mul3A_138 = arith.muli %arg1, %mul3A_137 : i32
          "tpu.region"() ({
            %run_scoped3A_162 = tpu.sem_alloc : memref<!tpu.dma_semaphore, #tpu.memory_space<semaphore_mem>>
            %dma_start3A_163 = arith.constant 0 : i32
            %dma_start3A_164 = tpu.memref_slice %arg4[%mul3A_138, %dma_start3A_163] : memref<2560x128xi32, #tpu.memory_space<hbm>> -> memref<32x128xi32, #tpu.memory_space<hbm>>
            %dma_start3A_165 = arith.constant 0 : i32
            %dma_start3A_166 = tpu.memref_slice %arg4[%mul3A_138, %dma_start3A_165] : memref<2560x128xi32, #tpu.memory_space<hbm>> -> memref<32x128xi32, #tpu.memory_space<hbm>>
            tpu.enqueue_dma source(%dma_start3A_166 : memref<32x128xi32, #tpu.memory_space<hbm>>) target(%arg12 : memref<32x128xi32, #tpu.memory_space<vmem>>) target_semaphore(%run_scoped3A_162 : memref<!tpu.dma_semaphore, #tpu.memory_space<semaphore_mem>>)
            %dma_wait3A = arith.constant 0 : i32
            %dma_wait3A_167 = tpu.memref_slice %arg4[%mul3A_138, %dma_wait3A] : memref<2560x128xi32, #tpu.memory_space<hbm>> -> memref<32x128xi32, #tpu.memory_space<hbm>>
            %dma_wait3A_168 = arith.constant 0 : i32
            %dma_wait3A_169 = tpu.memref_slice %arg4[%mul3A_138, %dma_wait3A_168] : memref<2560x128xi32, #tpu.memory_space<hbm>> -> memref<32x128xi32, #tpu.memory_space<hbm>>
            tpu.wait_dma2 semaphore(%run_scoped3A_162 : memref<!tpu.dma_semaphore, #tpu.memory_space<semaphore_mem>>) src(%dma_wait3A_169 : memref<32x128xi32, #tpu.memory_space<hbm>>) dst(%arg12 : memref<32x128xi32, #tpu.memory_space<vmem>>)
            tpu.yield
          }) : () -> ()
          "tpu.region"() ({
            %run_scoped3A_162 = tpu.sem_alloc : memref<!tpu.dma_semaphore, #tpu.memory_space<semaphore_mem>>
            %dma_start3A_163 = arith.constant 0 : i32
            %dma_start3A_164 = tpu.memref_slice %arg5[%mul3A_138, %dma_start3A_163] : memref<2560x128xi32, #tpu.memory_space<hbm>> -> memref<32x128xi32, #tpu.memory_space<hbm>>
            %dma_start3A_165 = arith.constant 0 : i32
            %dma_start3A_166 = tpu.memref_slice %arg5[%mul3A_138, %dma_start3A_165] : memref<2560x128xi32, #tpu.memory_space<hbm>> -> memref<32x128xi32, #tpu.memory_space<hbm>>
            tpu.enqueue_dma source(%dma_start3A_166 : memref<32x128xi32, #tpu.memory_space<hbm>>) target(%arg13 : memref<32x128xi32, #tpu.memory_space<vmem>>) target_semaphore(%run_scoped3A_162 : memref<!tpu.dma_semaphore, #tpu.memory_space<semaphore_mem>>)
            %dma_wait3A = arith.constant 0 : i32
            %dma_wait3A_167 = tpu.memref_slice %arg5[%mul3A_138, %dma_wait3A] : memref<2560x128xi32, #tpu.memory_space<hbm>> -> memref<32x128xi32, #tpu.memory_space<hbm>>
            %dma_wait3A_168 = arith.constant 0 : i32
            %dma_wait3A_169 = tpu.memref_slice %arg5[%mul3A_138, %dma_wait3A_168] : memref<2560x128xi32, #tpu.memory_space<hbm>> -> memref<32x128xi32, #tpu.memory_space<hbm>>
            tpu.wait_dma2 semaphore(%run_scoped3A_162 : memref<!tpu.dma_semaphore, #tpu.memory_space<semaphore_mem>>) src(%dma_wait3A_169 : memref<32x128xi32, #tpu.memory_space<hbm>>) dst(%arg13 : memref<32x128xi32, #tpu.memory_space<vmem>>)
            tpu.yield
          }) : () -> ()
          %dma_start3A = arith.constant 0 : i32
          %dma_start3A_139 = arith.constant 0 : i32
          %dma_start3A_140 = arith.constant 0 : i32
          %dma_start3A_141 = arith.constant 0 : i32
          %dma_start3A_142 = tpu.memref_slice %arg14[%dma_start3A_139, %dma_start3A_140, %dma_start3A_141] : memref<2x128x128xf32, #tpu.memory_space<vmem>> -> memref<1x128x128xf32, #tpu.memory_space<vmem>>
          %dma_start3A_143 = tpu.memref_squeeze %dma_start3A_142 : memref<1x128x128xf32, #tpu.memory_space<vmem>> -> memref<128x128xf32, #tpu.memory_space<vmem>>
          %dma_start3A_144 = arith.constant 0 : i32
          %dma_start3A_145 = tpu.memref_slice %arg12[%dma_start3A, %dma_start3A_144] : memref<32x128xi32, #tpu.memory_space<vmem>> -> memref<1x128xi32, #tpu.memory_space<vmem>>
          %dma_start3A_146 = tpu.memref_squeeze %dma_start3A_145 : memref<1x128xi32, #tpu.memory_space<vmem>> -> memref<128xi32, #tpu.memory_space<vmem>>
          %dma_start3A_147 = arith.constant 0 : i32
          %dma_start3A_148 = arith.constant 0 : i32
          %dma_start3A_149 = tpu.memref_slice %arg2[%dma_start3A_147, %dma_start3A_148] : memref<10000x128xf32, #tpu.memory_space<hbm>> -> memref<10000x128xf32, #tpu.memory_space<hbm>>
          tpu.enqueue_indirect_dma source(%dma_start3A_149 : memref<10000x128xf32, #tpu.memory_space<hbm>>) target(%dma_start3A_143 : memref<128x128xf32, #tpu.memory_space<vmem>>) offsets(%dma_start3A_146 : memref<128xi32, #tpu.memory_space<vmem>>) semaphore(%arg19 : memref<!tpu.dma_semaphore, #tpu.memory_space<semaphore_mem>>)
          %dma_start3A_150 = arith.constant 1 : i32
          %dma_start3A_151 = arith.constant 1 : i32
          %dma_start3A_152 = arith.constant 0 : i32
          %dma_start3A_153 = arith.constant 0 : i32
          %dma_start3A_154 = tpu.memref_slice %arg14[%dma_start3A_151, %dma_start3A_152, %dma_start3A_153] : memref<2x128x128xf32, #tpu.memory_space<vmem>> -> memref<1x128x128xf32, #tpu.memory_space<vmem>>
          %dma_start3A_155 = tpu.memref_squeeze %dma_start3A_154 : memref<1x128x128xf32, #tpu.memory_space<vmem>> -> memref<128x128xf32, #tpu.memory_space<vmem>>
          %dma_start3A_156 = arith.constant 0 : i32
          %dma_start3A_157 = tpu.memref_slice %arg12[%dma_start3A_150, %dma_start3A_156] : memref<32x128xi32, #tpu.memory_space<vmem>> -> memref<1x128xi32, #tpu.memory_space<vmem>>
          %dma_start3A_158 = tpu.memref_squeeze %dma_start3A_157 : memref<1x128xi32, #tpu.memory_space<vmem>> -> memref<128xi32, #tpu.memory_space<vmem>>
          %dma_start3A_159 = arith.constant 0 : i32
          %dma_start3A_160 = arith.constant 0 : i32
          %dma_start3A_161 = tpu.memref_slice %arg2[%dma_start3A_159, %dma_start3A_160] : memref<10000x128xf32, #tpu.memory_space<hbm>> -> memref<10000x128xf32, #tpu.memory_space<hbm>>
          tpu.enqueue_indirect_dma source(%dma_start3A_161 : memref<10000x128xf32, #tpu.memory_space<hbm>>) target(%dma_start3A_155 : memref<128x128xf32, #tpu.memory_space<vmem>>) offsets(%dma_start3A_158 : memref<128xi32, #tpu.memory_space<vmem>>) semaphore(%arg20 : memref<!tpu.dma_semaphore, #tpu.memory_space<semaphore_mem>>)
        } else {
        }
        %scan3A_125 = arith.constant 0 : i32
        %scan3A_126 = arith.constant 0 : i32
        %scan3A_127 = arith.constant 16 : i32
        %scan3A_128 = arith.addi %scan3A_126, %scan3A_127 : i32
        %scan3A_129 = arith.constant 1 : i32
        scf.for %scan3A_137 = %scan3A_126 to %scan3A_128 step %scan3A_129  : i32 {
          %mul3A_138 = arith.constant 2 : i32
          %mul3A_139 = arith.muli %mul3A_138, %scan3A_137 : i32
          %add3A_140 = arith.constant 0 : i32
          %add3A_141 = arith.addi %mul3A_139, %add3A_140 : i32
          %dma_wait3A = arith.constant 0 : i32
          %dma_wait3A_142 = arith.constant 0 : i32
          %dma_wait3A_143 = arith.constant 0 : i32
          %dma_wait3A_144 = tpu.memref_slice %arg14[%dma_wait3A, %dma_wait3A_142, %dma_wait3A_143] : memref<2x128x128xf32, #tpu.memory_space<vmem>> -> memref<1x128x128xf32, #tpu.memory_space<vmem>>
          %dma_wait3A_145 = tpu.memref_squeeze %dma_wait3A_144 : memref<1x128x128xf32, #tpu.memory_space<vmem>> -> memref<128x128xf32, #tpu.memory_space<vmem>>
          %dma_wait3A_146 = arith.constant 0 : i32
          %dma_wait3A_147 = tpu.memref_slice %arg12[%add3A_141, %dma_wait3A_146] : memref<32x128xi32, #tpu.memory_space<vmem>> -> memref<1x128xi32, #tpu.memory_space<vmem>>
          %dma_wait3A_148 = tpu.memref_squeeze %dma_wait3A_147 : memref<1x128xi32, #tpu.memory_space<vmem>> -> memref<128xi32, #tpu.memory_space<vmem>>
          %dma_wait3A_149 = arith.constant 0 : i32
          %dma_wait3A_150 = arith.constant 0 : i32
          %dma_wait3A_151 = tpu.memref_slice %arg2[%dma_wait3A_149, %dma_wait3A_150] : memref<10000x128xf32, #tpu.memory_space<hbm>> -> memref<10000x128xf32, #tpu.memory_space<hbm>>
          tpu.wait_indirect_dma semaphore(%arg19 : memref<!tpu.dma_semaphore, #tpu.memory_space<semaphore_mem>>) src(%dma_wait3A_151 : memref<10000x128xf32, #tpu.memory_space<hbm>>) dst(%dma_wait3A_145 : memref<128x128xf32, #tpu.memory_space<vmem>>)
          %dma_start3A = arith.constant 0 : i32
          %dma_start3A_152 = arith.constant 0 : i32
          %dma_start3A_153 = arith.constant 0 : i32
          %dma_start3A_154 = tpu.memref_slice %arg14[%dma_start3A, %dma_start3A_152, %dma_start3A_153] : memref<2x128x128xf32, #tpu.memory_space<vmem>> -> memref<1x128x128xf32, #tpu.memory_space<vmem>>
          %dma_start3A_155 = tpu.memref_squeeze %dma_start3A_154 : memref<1x128x128xf32, #tpu.memory_space<vmem>> -> memref<128x128xf32, #tpu.memory_space<vmem>>
          %dma_start3A_156 = arith.constant 0 : i32
          %dma_start3A_157 = tpu.memref_slice %arg13[%add3A_141, %dma_start3A_156] : memref<32x128xi32, #tpu.memory_space<vmem>> -> memref<1x128xi32, #tpu.memory_space<vmem>>
          %dma_start3A_158 = tpu.memref_squeeze %dma_start3A_157 : memref<1x128xi32, #tpu.memory_space<vmem>> -> memref<128xi32, #tpu.memory_space<vmem>>
          %dma_start3A_159 = arith.constant 0 : i32
          %dma_start3A_160 = arith.constant 0 : i32
          %dma_start3A_161 = tpu.memref_slice %arg17[%dma_start3A_159, %dma_start3A_160] : memref<10240x128xf32, #tpu.memory_space<vmem_shared>> -> memref<10240x128xf32, #tpu.memory_space<vmem_shared>>
          tpu.enqueue_indirect_dma source(%dma_start3A_155 : memref<128x128xf32, #tpu.memory_space<vmem>>) target(%dma_start3A_161 : memref<10240x128xf32, #tpu.memory_space<vmem_shared>>) offsets(%dma_start3A_158 : memref<128xi32, #tpu.memory_space<vmem>>) semaphore(%arg21 : memref<!tpu.dma_semaphore, #tpu.memory_space<semaphore_mem>>) {add = true}
          %dma_start3A_162 = arith.constant 0 : i32
          %dma_start3A_163 = tpu.memref_slice %arg13[%add3A_141, %dma_start3A_162] : memref<32x128xi32, #tpu.memory_space<vmem>> -> memref<1x128xi32, #tpu.memory_space<vmem>>
          %dma_start3A_164 = tpu.memref_squeeze %dma_start3A_163 : memref<1x128xi32, #tpu.memory_space<vmem>> -> memref<128xi32, #tpu.memory_space<vmem>>
          %dma_start3A_165 = arith.constant 0 : i32
          %dma_start3A_166 = tpu.memref_slice %arg18[%dma_start3A_165] : memref<10240xf32, #tpu.memory_space<vmem_shared>> -> memref<10240xf32, #tpu.memory_space<vmem_shared>>
          tpu.enqueue_indirect_dma source(%arg15 : memref<128xf32, #tpu.memory_space<vmem>>) target(%dma_start3A_166 : memref<10240xf32, #tpu.memory_space<vmem_shared>>) offsets(%dma_start3A_164 : memref<128xi32, #tpu.memory_space<vmem>>) semaphore(%arg22 : memref<!tpu.dma_semaphore, #tpu.memory_space<semaphore_mem>>) {add = true}
          %dma_wait3A_167 = arith.constant 0 : i32
          %dma_wait3A_168 = arith.constant 0 : i32
          %dma_wait3A_169 = arith.constant 0 : i32
          %dma_wait3A_170 = tpu.memref_slice %arg14[%dma_wait3A_167, %dma_wait3A_168, %dma_wait3A_169] : memref<2x128x128xf32, #tpu.memory_space<vmem>> -> memref<1x128x128xf32, #tpu.memory_space<vmem>>
          %dma_wait3A_171 = tpu.memref_squeeze %dma_wait3A_170 : memref<1x128x128xf32, #tpu.memory_space<vmem>> -> memref<128x128xf32, #tpu.memory_space<vmem>>
          %dma_wait3A_172 = arith.constant 0 : i32
          %dma_wait3A_173 = tpu.memref_slice %arg13[%add3A_141, %dma_wait3A_172] : memref<32x128xi32, #tpu.memory_space<vmem>> -> memref<1x128xi32, #tpu.memory_space<vmem>>
          %dma_wait3A_174 = tpu.memref_squeeze %dma_wait3A_173 : memref<1x128xi32, #tpu.memory_space<vmem>> -> memref<128xi32, #tpu.memory_space<vmem>>
          %dma_wait3A_175 = arith.constant 0 : i32
          %dma_wait3A_176 = arith.constant 0 : i32
          %dma_wait3A_177 = tpu.memref_slice %arg17[%dma_wait3A_175, %dma_wait3A_176] : memref<10240x128xf32, #tpu.memory_space<vmem_shared>> -> memref<10240x128xf32, #tpu.memory_space<vmem_shared>>
          tpu.wait_indirect_dma semaphore(%arg21 : memref<!tpu.dma_semaphore, #tpu.memory_space<semaphore_mem>>) src(%dma_wait3A_171 : memref<128x128xf32, #tpu.memory_space<vmem>>) dst(%dma_wait3A_177 : memref<10240x128xf32, #tpu.memory_space<vmem_shared>>)
          %add3A_178 = arith.constant 2 : i32
          %add3A_179 = arith.addi %add3A_141, %add3A_178 : i32
          %lt3A_180 = arith.constant 32 : i32
          %lt3A_181 = arith.cmpi slt, %add3A_179, %lt3A_180 : i32
          %convert_element_type3A_182 = arith.extui %lt3A_181 : i1 to i32
          %cond3A_183 = arith.constant 0 : i32
          %cond3A_184 = arith.cmpi ne, %convert_element_type3A_182, %cond3A_183 : i32
          scf.if %cond3A_184 {
            %add3A_244 = arith.constant 2 : i32
            %add3A_245 = arith.addi %add3A_141, %add3A_244 : i32
            %dma_start3A_246 = arith.constant 0 : i32
            %dma_start3A_247 = arith.constant 0 : i32
            %dma_start3A_248 = arith.constant 0 : i32
            %dma_start3A_249 = tpu.memref_slice %arg14[%dma_start3A_246, %dma_start3A_247, %dma_start3A_248] : memref<2x128x128xf32, #tpu.memory_space<vmem>> -> memref<1x128x128xf32, #tpu.memory_space<vmem>>
            %dma_start3A_250 = tpu.memref_squeeze %dma_start3A_249 : memref<1x128x128xf32, #tpu.memory_space<vmem>> -> memref<128x128xf32, #tpu.memory_space<vmem>>
            %dma_start3A_251 = arith.constant 0 : i32
            %dma_start3A_252 = tpu.memref_slice %arg12[%add3A_245, %dma_start3A_251] : memref<32x128xi32, #tpu.memory_space<vmem>> -> memref<1x128xi32, #tpu.memory_space<vmem>>
            %dma_start3A_253 = tpu.memref_squeeze %dma_start3A_252 : memref<1x128xi32, #tpu.memory_space<vmem>> -> memref<128xi32, #tpu.memory_space<vmem>>
            %dma_start3A_254 = arith.constant 0 : i32
            %dma_start3A_255 = arith.constant 0 : i32
            %dma_start3A_256 = tpu.memref_slice %arg2[%dma_start3A_254, %dma_start3A_255] : memref<10000x128xf32, #tpu.memory_space<hbm>> -> memref<10000x128xf32, #tpu.memory_space<hbm>>
            tpu.enqueue_indirect_dma source(%dma_start3A_256 : memref<10000x128xf32, #tpu.memory_space<hbm>>) target(%dma_start3A_250 : memref<128x128xf32, #tpu.memory_space<vmem>>) offsets(%dma_start3A_253 : memref<128xi32, #tpu.memory_space<vmem>>) semaphore(%arg19 : memref<!tpu.dma_semaphore, #tpu.memory_space<semaphore_mem>>)
          } else {
          }
          %mul3A_185 = arith.constant 2 : i32
          %mul3A_186 = arith.muli %mul3A_185, %scan3A_137 : i32
          %add3A_187 = arith.constant 1 : i32
          %add3A_188 = arith.addi %mul3A_186, %add3A_187 : i32
          %dma_wait3A_189 = arith.constant 1 : i32
          %dma_wait3A_190 = arith.constant 0 : i32
          %dma_wait3A_191 = arith.constant 0 : i32
          %dma_wait3A_192 = tpu.memref_slice %arg14[%dma_wait3A_189, %dma_wait3A_190, %dma_wait3A_191] : memref<2x128x128xf32, #tpu.memory_space<vmem>> -> memref<1x128x128xf32, #tpu.memory_space<vmem>>
          %dma_wait3A_193 = tpu.memref_squeeze %dma_wait3A_192 : memref<1x128x128xf32, #tpu.memory_space<vmem>> -> memref<128x128xf32, #tpu.memory_space<vmem>>
          %dma_wait3A_194 = arith.constant 0 : i32
          %dma_wait3A_195 = tpu.memref_slice %arg12[%add3A_188, %dma_wait3A_194] : memref<32x128xi32, #tpu.memory_space<vmem>> -> memref<1x128xi32, #tpu.memory_space<vmem>>
          %dma_wait3A_196 = tpu.memref_squeeze %dma_wait3A_195 : memref<1x128xi32, #tpu.memory_space<vmem>> -> memref<128xi32, #tpu.memory_space<vmem>>
          %dma_wait3A_197 = arith.constant 0 : i32
          %dma_wait3A_198 = arith.constant 0 : i32
          %dma_wait3A_199 = tpu.memref_slice %arg2[%dma_wait3A_197, %dma_wait3A_198] : memref<10000x128xf32, #tpu.memory_space<hbm>> -> memref<10000x128xf32, #tpu.memory_space<hbm>>
          tpu.wait_indirect_dma semaphore(%arg20 : memref<!tpu.dma_semaphore, #tpu.memory_space<semaphore_mem>>) src(%dma_wait3A_199 : memref<10000x128xf32, #tpu.memory_space<hbm>>) dst(%dma_wait3A_193 : memref<128x128xf32, #tpu.memory_space<vmem>>)
          %dma_start3A_200 = arith.constant 1 : i32
          %dma_start3A_201 = arith.constant 0 : i32
          %dma_start3A_202 = arith.constant 0 : i32
          %dma_start3A_203 = tpu.memref_slice %arg14[%dma_start3A_200, %dma_start3A_201, %dma_start3A_202] : memref<2x128x128xf32, #tpu.memory_space<vmem>> -> memref<1x128x128xf32, #tpu.memory_space<vmem>>
          %dma_start3A_204 = tpu.memref_squeeze %dma_start3A_203 : memref<1x128x128xf32, #tpu.memory_space<vmem>> -> memref<128x128xf32, #tpu.memory_space<vmem>>
          %dma_start3A_205 = arith.constant 0 : i32
          %dma_start3A_206 = tpu.memref_slice %arg13[%add3A_188, %dma_start3A_205] : memref<32x128xi32, #tpu.memory_space<vmem>> -> memref<1x128xi32, #tpu.memory_space<vmem>>
          %dma_start3A_207 = tpu.memref_squeeze %dma_start3A_206 : memref<1x128xi32, #tpu.memory_space<vmem>> -> memref<128xi32, #tpu.memory_space<vmem>>
          %dma_start3A_208 = arith.constant 0 : i32
          %dma_start3A_209 = arith.constant 0 : i32
          %dma_start3A_210 = tpu.memref_slice %arg17[%dma_start3A_208, %dma_start3A_209] : memref<10240x128xf32, #tpu.memory_space<vmem_shared>> -> memref<10240x128xf32, #tpu.memory_space<vmem_shared>>
          tpu.enqueue_indirect_dma source(%dma_start3A_204 : memref<128x128xf32, #tpu.memory_space<vmem>>) target(%dma_start3A_210 : memref<10240x128xf32, #tpu.memory_space<vmem_shared>>) offsets(%dma_start3A_207 : memref<128xi32, #tpu.memory_space<vmem>>) semaphore(%arg21 : memref<!tpu.dma_semaphore, #tpu.memory_space<semaphore_mem>>) {add = true}
          %dma_start3A_211 = arith.constant 0 : i32
          %dma_start3A_212 = tpu.memref_slice %arg13[%add3A_188, %dma_start3A_211] : memref<32x128xi32, #tpu.memory_space<vmem>> -> memref<1x128xi32, #tpu.memory_space<vmem>>
          %dma_start3A_213 = tpu.memref_squeeze %dma_start3A_212 : memref<1x128xi32, #tpu.memory_space<vmem>> -> memref<128xi32, #tpu.memory_space<vmem>>
          %dma_start3A_214 = arith.constant 0 : i32
          %dma_start3A_215 = tpu.memref_slice %arg18[%dma_start3A_214] : memref<10240xf32, #tpu.memory_space<vmem_shared>> -> memref<10240xf32, #tpu.memory_space<vmem_shared>>
          tpu.enqueue_indirect_dma source(%arg15 : memref<128xf32, #tpu.memory_space<vmem>>) target(%dma_start3A_215 : memref<10240xf32, #tpu.memory_space<vmem_shared>>) offsets(%dma_start3A_213 : memref<128xi32, #tpu.memory_space<vmem>>) semaphore(%arg22 : memref<!tpu.dma_semaphore, #tpu.memory_space<semaphore_mem>>) {add = true}
          %dma_wait3A_216 = arith.constant 1 : i32
          %dma_wait3A_217 = arith.constant 0 : i32
          %dma_wait3A_218 = arith.constant 0 : i32
          %dma_wait3A_219 = tpu.memref_slice %arg14[%dma_wait3A_216, %dma_wait3A_217, %dma_wait3A_218] : memref<2x128x128xf32, #tpu.memory_space<vmem>> -> memref<1x128x128xf32, #tpu.memory_space<vmem>>
          %dma_wait3A_220 = tpu.memref_squeeze %dma_wait3A_219 : memref<1x128x128xf32, #tpu.memory_space<vmem>> -> memref<128x128xf32, #tpu.memory_space<vmem>>
          %dma_wait3A_221 = arith.constant 0 : i32
          %dma_wait3A_222 = tpu.memref_slice %arg13[%add3A_188, %dma_wait3A_221] : memref<32x128xi32, #tpu.memory_space<vmem>> -> memref<1x128xi32, #tpu.memory_space<vmem>>
          %dma_wait3A_223 = tpu.memref_squeeze %dma_wait3A_222 : memref<1x128xi32, #tpu.memory_space<vmem>> -> memref<128xi32, #tpu.memory_space<vmem>>
          %dma_wait3A_224 = arith.constant 0 : i32
          %dma_wait3A_225 = arith.constant 0 : i32
          %dma_wait3A_226 = tpu.memref_slice %arg17[%dma_wait3A_224, %dma_wait3A_225] : memref<10240x128xf32, #tpu.memory_space<vmem_shared>> -> memref<10240x128xf32, #tpu.memory_space<vmem_shared>>
          tpu.wait_indirect_dma semaphore(%arg21 : memref<!tpu.dma_semaphore, #tpu.memory_space<semaphore_mem>>) src(%dma_wait3A_220 : memref<128x128xf32, #tpu.memory_space<vmem>>) dst(%dma_wait3A_226 : memref<10240x128xf32, #tpu.memory_space<vmem_shared>>)
          %add3A_227 = arith.constant 2 : i32
          %add3A_228 = arith.addi %add3A_188, %add3A_227 : i32
          %lt3A_229 = arith.constant 32 : i32
          %lt3A_230 = arith.cmpi slt, %add3A_228, %lt3A_229 : i32
          %convert_element_type3A_231 = arith.extui %lt3A_230 : i1 to i32
          %cond3A_232 = arith.constant 0 : i32
          %cond3A_233 = arith.cmpi ne, %convert_element_type3A_231, %cond3A_232 : i32
          scf.if %cond3A_233 {
            %add3A_244 = arith.constant 2 : i32
            %add3A_245 = arith.addi %add3A_188, %add3A_244 : i32
            %dma_start3A_246 = arith.constant 1 : i32
            %dma_start3A_247 = arith.constant 0 : i32
            %dma_start3A_248 = arith.constant 0 : i32
            %dma_start3A_249 = tpu.memref_slice %arg14[%dma_start3A_246, %dma_start3A_247, %dma_start3A_248] : memref<2x128x128xf32, #tpu.memory_space<vmem>> -> memref<1x128x128xf32, #tpu.memory_space<vmem>>
            %dma_start3A_250 = tpu.memref_squeeze %dma_start3A_249 : memref<1x128x128xf32, #tpu.memory_space<vmem>> -> memref<128x128xf32, #tpu.memory_space<vmem>>
            %dma_start3A_251 = arith.constant 0 : i32
            %dma_start3A_252 = tpu.memref_slice %arg12[%add3A_245, %dma_start3A_251] : memref<32x128xi32, #tpu.memory_space<vmem>> -> memref<1x128xi32, #tpu.memory_space<vmem>>
            %dma_start3A_253 = tpu.memref_squeeze %dma_start3A_252 : memref<1x128xi32, #tpu.memory_space<vmem>> -> memref<128xi32, #tpu.memory_space<vmem>>
            %dma_start3A_254 = arith.constant 0 : i32
            %dma_start3A_255 = arith.constant 0 : i32
            %dma_start3A_256 = tpu.memref_slice %arg2[%dma_start3A_254, %dma_start3A_255] : memref<10000x128xf32, #tpu.memory_space<hbm>> -> memref<10000x128xf32, #tpu.memory_space<hbm>>
            tpu.enqueue_indirect_dma source(%dma_start3A_256 : memref<10000x128xf32, #tpu.memory_space<hbm>>) target(%dma_start3A_250 : memref<128x128xf32, #tpu.memory_space<vmem>>) offsets(%dma_start3A_253 : memref<128xi32, #tpu.memory_space<vmem>>) semaphore(%arg20 : memref<!tpu.dma_semaphore, #tpu.memory_space<semaphore_mem>>)
          } else {
          }
          %dma_wait3A_234 = arith.constant 0 : i32
          %dma_wait3A_235 = tpu.memref_slice %arg13[%add3A_141, %dma_wait3A_234] : memref<32x128xi32, #tpu.memory_space<vmem>> -> memref<1x128xi32, #tpu.memory_space<vmem>>
          %dma_wait3A_236 = tpu.memref_squeeze %dma_wait3A_235 : memref<1x128xi32, #tpu.memory_space<vmem>> -> memref<128xi32, #tpu.memory_space<vmem>>
          %dma_wait3A_237 = arith.constant 0 : i32
          %dma_wait3A_238 = tpu.memref_slice %arg18[%dma_wait3A_237] : memref<10240xf32, #tpu.memory_space<vmem_shared>> -> memref<10240xf32, #tpu.memory_space<vmem_shared>>
          tpu.wait_indirect_dma semaphore(%arg22 : memref<!tpu.dma_semaphore, #tpu.memory_space<semaphore_mem>>) src(%arg15 : memref<128xf32, #tpu.memory_space<vmem>>) dst(%dma_wait3A_238 : memref<10240xf32, #tpu.memory_space<vmem_shared>>)
          %dma_wait3A_239 = arith.constant 0 : i32
          %dma_wait3A_240 = tpu.memref_slice %arg13[%add3A_188, %dma_wait3A_239] : memref<32x128xi32, #tpu.memory_space<vmem>> -> memref<1x128xi32, #tpu.memory_space<vmem>>
          %dma_wait3A_241 = tpu.memref_squeeze %dma_wait3A_240 : memref<1x128xi32, #tpu.memory_space<vmem>> -> memref<128xi32, #tpu.memory_space<vmem>>
          %dma_wait3A_242 = arith.constant 0 : i32
          %dma_wait3A_243 = tpu.memref_slice %arg18[%dma_wait3A_242] : memref<10240xf32, #tpu.memory_space<vmem_shared>> -> memref<10240xf32, #tpu.memory_space<vmem_shared>>
          tpu.wait_indirect_dma semaphore(%arg22 : memref<!tpu.dma_semaphore, #tpu.memory_space<semaphore_mem>>) src(%arg15 : memref<128xf32, #tpu.memory_space<vmem>>) dst(%dma_wait3A_243 : memref<10240xf32, #tpu.memory_space<vmem_shared>>)
        }
        %scan3A_130 = arith.constant 16 : i32
        %add3A_131 = arith.constant 1 : i32
        %add3A_132 = arith.addi %scan3A_119, %add3A_131 : i32
        %lt3A = arith.constant 5 : i32
        %lt3A_133 = arith.cmpi slt, %add3A_132, %lt3A : i32
        %convert_element_type3A_134 = arith.extui %lt3A_133 : i1 to i32
        %cond3A_135 = arith.constant 0 : i32
        %cond3A_136 = arith.cmpi ne, %convert_element_type3A_134, %cond3A_135 : i32
        scf.if %cond3A_136 {
          %mul3A_137 = arith.constant 160 : i32
          %mul3A_138 = arith.muli %arg1, %mul3A_137 : i32
          %add3A_139 = arith.constant 1 : i32
          %add3A_140 = arith.addi %scan3A_119, %add3A_139 : i32
          %mul3A_141 = arith.constant 32 : i32
          %mul3A_142 = arith.muli %add3A_140, %mul3A_141 : i32
          %add3A_143 = arith.addi %mul3A_138, %mul3A_142 : i32
          "tpu.region"() ({
            %run_scoped3A_167 = tpu.sem_alloc : memref<!tpu.dma_semaphore, #tpu.memory_space<semaphore_mem>>
            %dma_start3A_168 = arith.constant 0 : i32
            %dma_start3A_169 = tpu.memref_slice %arg4[%add3A_143, %dma_start3A_168] : memref<2560x128xi32, #tpu.memory_space<hbm>> -> memref<32x128xi32, #tpu.memory_space<hbm>>
            %dma_start3A_170 = arith.constant 0 : i32
            %dma_start3A_171 = tpu.memref_slice %arg4[%add3A_143, %dma_start3A_170] : memref<2560x128xi32, #tpu.memory_space<hbm>> -> memref<32x128xi32, #tpu.memory_space<hbm>>
            tpu.enqueue_dma source(%dma_start3A_171 : memref<32x128xi32, #tpu.memory_space<hbm>>) target(%arg12 : memref<32x128xi32, #tpu.memory_space<vmem>>) target_semaphore(%run_scoped3A_167 : memref<!tpu.dma_semaphore, #tpu.memory_space<semaphore_mem>>)
            %dma_wait3A = arith.constant 0 : i32
            %dma_wait3A_172 = tpu.memref_slice %arg4[%add3A_143, %dma_wait3A] : memref<2560x128xi32, #tpu.memory_space<hbm>> -> memref<32x128xi32, #tpu.memory_space<hbm>>
            %dma_wait3A_173 = arith.constant 0 : i32
            %dma_wait3A_174 = tpu.memref_slice %arg4[%add3A_143, %dma_wait3A_173] : memref<2560x128xi32, #tpu.memory_space<hbm>> -> memref<32x128xi32, #tpu.memory_space<hbm>>
            tpu.wait_dma2 semaphore(%run_scoped3A_167 : memref<!tpu.dma_semaphore, #tpu.memory_space<semaphore_mem>>) src(%dma_wait3A_174 : memref<32x128xi32, #tpu.memory_space<hbm>>) dst(%arg12 : memref<32x128xi32, #tpu.memory_space<vmem>>)
            tpu.yield
          }) : () -> ()
          "tpu.region"() ({
            %run_scoped3A_167 = tpu.sem_alloc : memref<!tpu.dma_semaphore, #tpu.memory_space<semaphore_mem>>
            %dma_start3A_168 = arith.constant 0 : i32
            %dma_start3A_169 = tpu.memref_slice %arg5[%add3A_143, %dma_start3A_168] : memref<2560x128xi32, #tpu.memory_space<hbm>> -> memref<32x128xi32, #tpu.memory_space<hbm>>
            %dma_start3A_170 = arith.constant 0 : i32
            %dma_start3A_171 = tpu.memref_slice %arg5[%add3A_143, %dma_start3A_170] : memref<2560x128xi32, #tpu.memory_space<hbm>> -> memref<32x128xi32, #tpu.memory_space<hbm>>
            tpu.enqueue_dma source(%dma_start3A_171 : memref<32x128xi32, #tpu.memory_space<hbm>>) target(%arg13 : memref<32x128xi32, #tpu.memory_space<vmem>>) target_semaphore(%run_scoped3A_167 : memref<!tpu.dma_semaphore, #tpu.memory_space<semaphore_mem>>)
            %dma_wait3A = arith.constant 0 : i32
            %dma_wait3A_172 = tpu.memref_slice %arg5[%add3A_143, %dma_wait3A] : memref<2560x128xi32, #tpu.memory_space<hbm>> -> memref<32x128xi32, #tpu.memory_space<hbm>>
            %dma_wait3A_173 = arith.constant 0 : i32
            %dma_wait3A_174 = tpu.memref_slice %arg5[%add3A_143, %dma_wait3A_173] : memref<2560x128xi32, #tpu.memory_space<hbm>> -> memref<32x128xi32, #tpu.memory_space<hbm>>
            tpu.wait_dma2 semaphore(%run_scoped3A_167 : memref<!tpu.dma_semaphore, #tpu.memory_space<semaphore_mem>>) src(%dma_wait3A_174 : memref<32x128xi32, #tpu.memory_space<hbm>>) dst(%arg13 : memref<32x128xi32, #tpu.memory_space<vmem>>)
            tpu.yield
          }) : () -> ()
          %dma_start3A = arith.constant 0 : i32
          %dma_start3A_144 = arith.constant 0 : i32
          %dma_start3A_145 = arith.constant 0 : i32
          %dma_start3A_146 = arith.constant 0 : i32
          %dma_start3A_147 = tpu.memref_slice %arg14[%dma_start3A_144, %dma_start3A_145, %dma_start3A_146] : memref<2x128x128xf32, #tpu.memory_space<vmem>> -> memref<1x128x128xf32, #tpu.memory_space<vmem>>
          %dma_start3A_148 = tpu.memref_squeeze %dma_start3A_147 : memref<1x128x128xf32, #tpu.memory_space<vmem>> -> memref<128x128xf32, #tpu.memory_space<vmem>>
          %dma_start3A_149 = arith.constant 0 : i32
          %dma_start3A_150 = tpu.memref_slice %arg12[%dma_start3A, %dma_start3A_149] : memref<32x128xi32, #tpu.memory_space<vmem>> -> memref<1x128xi32, #tpu.memory_space<vmem>>
          %dma_start3A_151 = tpu.memref_squeeze %dma_start3A_150 : memref<1x128xi32, #tpu.memory_space<vmem>> -> memref<128xi32, #tpu.memory_space<vmem>>
          %dma_start3A_152 = arith.constant 0 : i32
          %dma_start3A_153 = arith.constant 0 : i32
          %dma_start3A_154 = tpu.memref_slice %arg2[%dma_start3A_152, %dma_start3A_153] : memref<10000x128xf32, #tpu.memory_space<hbm>> -> memref<10000x128xf32, #tpu.memory_space<hbm>>
          tpu.enqueue_indirect_dma source(%dma_start3A_154 : memref<10000x128xf32, #tpu.memory_space<hbm>>) target(%dma_start3A_148 : memref<128x128xf32, #tpu.memory_space<vmem>>) offsets(%dma_start3A_151 : memref<128xi32, #tpu.memory_space<vmem>>) semaphore(%arg19 : memref<!tpu.dma_semaphore, #tpu.memory_space<semaphore_mem>>)
          %dma_start3A_155 = arith.constant 1 : i32
          %dma_start3A_156 = arith.constant 1 : i32
          %dma_start3A_157 = arith.constant 0 : i32
          %dma_start3A_158 = arith.constant 0 : i32
          %dma_start3A_159 = tpu.memref_slice %arg14[%dma_start3A_156, %dma_start3A_157, %dma_start3A_158] : memref<2x128x128xf32, #tpu.memory_space<vmem>> -> memref<1x128x128xf32, #tpu.memory_space<vmem>>
          %dma_start3A_160 = tpu.memref_squeeze %dma_start3A_159 : memref<1x128x128xf32, #tpu.memory_space<vmem>> -> memref<128x128xf32, #tpu.memory_space<vmem>>
          %dma_start3A_161 = arith.constant 0 : i32
          %dma_start3A_162 = tpu.memref_slice %arg12[%dma_start3A_155, %dma_start3A_161] : memref<32x128xi32, #tpu.memory_space<vmem>> -> memref<1x128xi32, #tpu.memory_space<vmem>>
          %dma_start3A_163 = tpu.memref_squeeze %dma_start3A_162 : memref<1x128xi32, #tpu.memory_space<vmem>> -> memref<128xi32, #tpu.memory_space<vmem>>
          %dma_start3A_164 = arith.constant 0 : i32
          %dma_start3A_165 = arith.constant 0 : i32
          %dma_start3A_166 = tpu.memref_slice %arg2[%dma_start3A_164, %dma_start3A_165] : memref<10000x128xf32, #tpu.memory_space<hbm>> -> memref<10000x128xf32, #tpu.memory_space<hbm>>
          tpu.enqueue_indirect_dma source(%dma_start3A_166 : memref<10000x128xf32, #tpu.memory_space<hbm>>) target(%dma_start3A_160 : memref<128x128xf32, #tpu.memory_space<vmem>>) offsets(%dma_start3A_163 : memref<128xi32, #tpu.memory_space<vmem>>) semaphore(%arg20 : memref<!tpu.dma_semaphore, #tpu.memory_space<semaphore_mem>>)
        } else {
        }
      }
      %scan3A_93 = arith.constant 5 : i32
      %barrier3A_94 = arith.constant 0 : index
      tpu.barrier barrier_id(%barrier3A_94)
      %mul3A_95 = arith.constant 640 : i32
      %mul3A_96 = arith.muli %arg1, %mul3A_95 : i32
      %add3A_97 = arith.constant 0 : i32
      %add3A_98 = arith.addi %mul3A_96, %add3A_97 : i32
      "tpu.region"() ({
        %run_scoped3A_119 = tpu.sem_alloc : memref<!tpu.dma_semaphore, #tpu.memory_space<semaphore_mem>>
        %dma_start3A = arith.constant 0 : i32
        %dma_start3A_120 = tpu.memref_slice %arg8[%add3A_98, %dma_start3A] : memref<10240x128xf32, #tpu.memory_space<hbm>> -> memref<128x128xf32, #tpu.memory_space<hbm>>
        %dma_start3A_121 = arith.constant 0 : i32
        %dma_start3A_122 = tpu.memref_slice %arg17[%add3A_98, %dma_start3A_121] : memref<10240x128xf32, #tpu.memory_space<vmem_shared>> -> memref<128x128xf32, #tpu.memory_space<vmem_shared>>
        tpu.enqueue_dma source(%dma_start3A_122 : memref<128x128xf32, #tpu.memory_space<vmem_shared>>) target(%dma_start3A_120 : memref<128x128xf32, #tpu.memory_space<hbm>>) target_semaphore(%run_scoped3A_119 : memref<!tpu.dma_semaphore, #tpu.memory_space<semaphore_mem>>)
        %dma_wait3A = arith.constant 0 : i32
        %dma_wait3A_123 = tpu.memref_slice %arg8[%add3A_98, %dma_wait3A] : memref<10240x128xf32, #tpu.memory_space<hbm>> -> memref<128x128xf32, #tpu.memory_space<hbm>>
        %dma_wait3A_124 = arith.constant 0 : i32
        %dma_wait3A_125 = tpu.memref_slice %arg17[%add3A_98, %dma_wait3A_124] : memref<10240x128xf32, #tpu.memory_space<vmem_shared>> -> memref<128x128xf32, #tpu.memory_space<vmem_shared>>
        tpu.wait_dma2 semaphore(%run_scoped3A_119 : memref<!tpu.dma_semaphore, #tpu.memory_space<semaphore_mem>>) src(%dma_wait3A_125 : memref<128x128xf32, #tpu.memory_space<vmem_shared>>) dst(%dma_wait3A_123 : memref<128x128xf32, #tpu.memory_space<hbm>>)
        tpu.yield
      }) : () -> ()
      %mul3A_99 = arith.constant 640 : i32
      %mul3A_100 = arith.muli %arg1, %mul3A_99 : i32
      %add3A_101 = arith.constant 128 : i32
      %add3A_102 = arith.addi %mul3A_100, %add3A_101 : i32
      "tpu.region"() ({
        %run_scoped3A_119 = tpu.sem_alloc : memref<!tpu.dma_semaphore, #tpu.memory_space<semaphore_mem>>
        %dma_start3A = arith.constant 0 : i32
        %dma_start3A_120 = tpu.memref_slice %arg8[%add3A_102, %dma_start3A] : memref<10240x128xf32, #tpu.memory_space<hbm>> -> memref<128x128xf32, #tpu.memory_space<hbm>>
        %dma_start3A_121 = arith.constant 0 : i32
        %dma_start3A_122 = tpu.memref_slice %arg17[%add3A_102, %dma_start3A_121] : memref<10240x128xf32, #tpu.memory_space<vmem_shared>> -> memref<128x128xf32, #tpu.memory_space<vmem_shared>>
        tpu.enqueue_dma source(%dma_start3A_122 : memref<128x128xf32, #tpu.memory_space<vmem_shared>>) target(%dma_start3A_120 : memref<128x128xf32, #tpu.memory_space<hbm>>) target_semaphore(%run_scoped3A_119 : memref<!tpu.dma_semaphore, #tpu.memory_space<semaphore_mem>>)
        %dma_wait3A = arith.constant 0 : i32
        %dma_wait3A_123 = tpu.memref_slice %arg8[%add3A_102, %dma_wait3A] : memref<10240x128xf32, #tpu.memory_space<hbm>> -> memref<128x128xf32, #tpu.memory_space<hbm>>
        %dma_wait3A_124 = arith.constant 0 : i32
        %dma_wait3A_125 = tpu.memref_slice %arg17[%add3A_102, %dma_wait3A_124] : memref<10240x128xf32, #tpu.memory_space<vmem_shared>> -> memref<128x128xf32, #tpu.memory_space<vmem_shared>>
        tpu.wait_dma2 semaphore(%run_scoped3A_119 : memref<!tpu.dma_semaphore, #tpu.memory_space<semaphore_mem>>) src(%dma_wait3A_125 : memref<128x128xf32, #tpu.memory_space<vmem_shared>>) dst(%dma_wait3A_123 : memref<128x128xf32, #tpu.memory_space<hbm>>)
        tpu.yield
      }) : () -> ()
      %mul3A_103 = arith.constant 640 : i32
      %mul3A_104 = arith.muli %arg1, %mul3A_103 : i32
      %add3A_105 = arith.constant 256 : i32
      %add3A_106 = arith.addi %mul3A_104, %add3A_105 : i32
      "tpu.region"() ({
        %run_scoped3A_119 = tpu.sem_alloc : memref<!tpu.dma_semaphore, #tpu.memory_space<semaphore_mem>>
        %dma_start3A = arith.constant 0 : i32
        %dma_start3A_120 = tpu.memref_slice %arg8[%add3A_106, %dma_start3A] : memref<10240x128xf32, #tpu.memory_space<hbm>> -> memref<128x128xf32, #tpu.memory_space<hbm>>
        %dma_start3A_121 = arith.constant 0 : i32
        %dma_start3A_122 = tpu.memref_slice %arg17[%add3A_106, %dma_start3A_121] : memref<10240x128xf32, #tpu.memory_space<vmem_shared>> -> memref<128x128xf32, #tpu.memory_space<vmem_shared>>
        tpu.enqueue_dma source(%dma_start3A_122 : memref<128x128xf32, #tpu.memory_space<vmem_shared>>) target(%dma_start3A_120 : memref<128x128xf32, #tpu.memory_space<hbm>>) target_semaphore(%run_scoped3A_119 : memref<!tpu.dma_semaphore, #tpu.memory_space<semaphore_mem>>)
        %dma_wait3A = arith.constant 0 : i32
        %dma_wait3A_123 = tpu.memref_slice %arg8[%add3A_106, %dma_wait3A] : memref<10240x128xf32, #tpu.memory_space<hbm>> -> memref<128x128xf32, #tpu.memory_space<hbm>>
        %dma_wait3A_124 = arith.constant 0 : i32
        %dma_wait3A_125 = tpu.memref_slice %arg17[%add3A_106, %dma_wait3A_124] : memref<10240x128xf32, #tpu.memory_space<vmem_shared>> -> memref<128x128xf32, #tpu.memory_space<vmem_shared>>
        tpu.wait_dma2 semaphore(%run_scoped3A_119 : memref<!tpu.dma_semaphore, #tpu.memory_space<semaphore_mem>>) src(%dma_wait3A_125 : memref<128x128xf32, #tpu.memory_space<vmem_shared>>) dst(%dma_wait3A_123 : memref<128x128xf32, #tpu.memory_space<hbm>>)
        tpu.yield
      }) : () -> ()
      %mul3A_107 = arith.constant 640 : i32
      %mul3A_108 = arith.muli %arg1, %mul3A_107 : i32
      %add3A_109 = arith.constant 384 : i32
      %add3A_110 = arith.addi %mul3A_108, %add3A_109 : i32
      "tpu.region"() ({
        %run_scoped3A_119 = tpu.sem_alloc : memref<!tpu.dma_semaphore, #tpu.memory_space<semaphore_mem>>
        %dma_start3A = arith.constant 0 : i32
        %dma_start3A_120 = tpu.memref_slice %arg8[%add3A_110, %dma_start3A] : memref<10240x128xf32, #tpu.memory_space<hbm>> -> memref<128x128xf32, #tpu.memory_space<hbm>>
        %dma_start3A_121 = arith.constant 0 : i32
        %dma_start3A_122 = tpu.memref_slice %arg17[%add3A_110, %dma_start3A_121] : memref<10240x128xf32, #tpu.memory_space<vmem_shared>> -> memref<128x128xf32, #tpu.memory_space<vmem_shared>>
        tpu.enqueue_dma source(%dma_start3A_122 : memref<128x128xf32, #tpu.memory_space<vmem_shared>>) target(%dma_start3A_120 : memref<128x128xf32, #tpu.memory_space<hbm>>) target_semaphore(%run_scoped3A_119 : memref<!tpu.dma_semaphore, #tpu.memory_space<semaphore_mem>>)
        %dma_wait3A = arith.constant 0 : i32
        %dma_wait3A_123 = tpu.memref_slice %arg8[%add3A_110, %dma_wait3A] : memref<10240x128xf32, #tpu.memory_space<hbm>> -> memref<128x128xf32, #tpu.memory_space<hbm>>
        %dma_wait3A_124 = arith.constant 0 : i32
        %dma_wait3A_125 = tpu.memref_slice %arg17[%add3A_110, %dma_wait3A_124] : memref<10240x128xf32, #tpu.memory_space<vmem_shared>> -> memref<128x128xf32, #tpu.memory_space<vmem_shared>>
        tpu.wait_dma2 semaphore(%run_scoped3A_119 : memref<!tpu.dma_semaphore, #tpu.memory_space<semaphore_mem>>) src(%dma_wait3A_125 : memref<128x128xf32, #tpu.memory_space<vmem_shared>>) dst(%dma_wait3A_123 : memref<128x128xf32, #tpu.memory_space<hbm>>)
        tpu.yield
      }) : () -> ()
      %mul3A_111 = arith.constant 640 : i32
      %mul3A_112 = arith.muli %arg1, %mul3A_111 : i32
      %add3A_113 = arith.constant 512 : i32
      %add3A_114 = arith.addi %mul3A_112, %add3A_113 : i32
      "tpu.region"() ({
        %run_scoped3A_119 = tpu.sem_alloc : memref<!tpu.dma_semaphore, #tpu.memory_space<semaphore_mem>>
        %dma_start3A = arith.constant 0 : i32
        %dma_start3A_120 = tpu.memref_slice %arg8[%add3A_114, %dma_start3A] : memref<10240x128xf32, #tpu.memory_space<hbm>> -> memref<128x128xf32, #tpu.memory_space<hbm>>
        %dma_start3A_121 = arith.constant 0 : i32
        %dma_start3A_122 = tpu.memref_slice %arg17[%add3A_114, %dma_start3A_121] : memref<10240x128xf32, #tpu.memory_space<vmem_shared>> -> memref<128x128xf32, #tpu.memory_space<vmem_shared>>
        tpu.enqueue_dma source(%dma_start3A_122 : memref<128x128xf32, #tpu.memory_space<vmem_shared>>) target(%dma_start3A_120 : memref<128x128xf32, #tpu.memory_space<hbm>>) target_semaphore(%run_scoped3A_119 : memref<!tpu.dma_semaphore, #tpu.memory_space<semaphore_mem>>)
        %dma_wait3A = arith.constant 0 : i32
        %dma_wait3A_123 = tpu.memref_slice %arg8[%add3A_114, %dma_wait3A] : memref<10240x128xf32, #tpu.memory_space<hbm>> -> memref<128x128xf32, #tpu.memory_space<hbm>>
        %dma_wait3A_124 = arith.constant 0 : i32
        %dma_wait3A_125 = tpu.memref_slice %arg17[%add3A_114, %dma_wait3A_124] : memref<10240x128xf32, #tpu.memory_space<vmem_shared>> -> memref<128x128xf32, #tpu.memory_space<vmem_shared>>
        tpu.wait_dma2 semaphore(%run_scoped3A_119 : memref<!tpu.dma_semaphore, #tpu.memory_space<semaphore_mem>>) src(%dma_wait3A_125 : memref<128x128xf32, #tpu.memory_space<vmem_shared>>) dst(%dma_wait3A_123 : memref<128x128xf32, #tpu.memory_space<hbm>>)
        tpu.yield
      }) : () -> ()
      %mul3A_115 = arith.constant 640 : i32
      %mul3A_116 = arith.muli %arg1, %mul3A_115 : i32
      %mul3A_117 = arith.constant 640 : i32
      %mul3A_118 = arith.muli %arg1, %mul3A_117 : i32
      "tpu.region"() ({
        %run_scoped3A_119 = tpu.sem_alloc : memref<!tpu.dma_semaphore, #tpu.memory_space<semaphore_mem>>
        %dma_start3A = tpu.memref_slice %arg9[%mul3A_118] : memref<10240xf32, #tpu.memory_space<hbm>> -> memref<640xf32, #tpu.memory_space<hbm>>
        %dma_start3A_120 = tpu.memref_slice %arg18[%mul3A_116] : memref<10240xf32, #tpu.memory_space<vmem_shared>> -> memref<640xf32, #tpu.memory_space<vmem_shared>>
        tpu.enqueue_dma source(%dma_start3A_120 : memref<640xf32, #tpu.memory_space<vmem_shared>>) target(%dma_start3A : memref<640xf32, #tpu.memory_space<hbm>>) target_semaphore(%run_scoped3A_119 : memref<!tpu.dma_semaphore, #tpu.memory_space<semaphore_mem>>)
        %dma_wait3A = tpu.memref_slice %arg9[%mul3A_118] : memref<10240xf32, #tpu.memory_space<hbm>> -> memref<640xf32, #tpu.memory_space<hbm>>
        %dma_wait3A_121 = tpu.memref_slice %arg18[%mul3A_116] : memref<10240xf32, #tpu.memory_space<vmem_shared>> -> memref<640xf32, #tpu.memory_space<vmem_shared>>
        tpu.wait_dma2 semaphore(%run_scoped3A_119 : memref<!tpu.dma_semaphore, #tpu.memory_space<semaphore_mem>>) src(%dma_wait3A_121 : memref<640xf32, #tpu.memory_space<vmem_shared>>) dst(%dma_wait3A : memref<640xf32, #tpu.memory_space<hbm>>)
        tpu.yield
      }) : () -> ()
    } else {
    }
    %eq3A_2 = arith.constant 1 : i32
    %eq3A_3 = arith.cmpi eq, %arg0, %eq3A_2 : i32
    %convert_element_type3A_4 = arith.extui %eq3A_3 : i1 to i32
    %cond3A_5 = arith.constant 0 : i32
    %cond3A_6 = arith.cmpi ne, %convert_element_type3A_4, %cond3A_5 : i32
    scf.if %cond3A_6 {
      %scan3A = arith.constant 0 : i32
      %scan3A_7 = arith.constant 0 : i32
      %scan3A_8 = arith.constant 128 : i32
      %scan3A_9 = arith.addi %scan3A_7, %scan3A_8 : i32
      %scan3A_10 = arith.constant 1 : i32
      scf.for %scan3A_119 = %scan3A_7 to %scan3A_9 step %scan3A_10  : i32 {
        %broadcast_in_dim3A_120 = arith.constant 0.000000e+00 : f32
        %broadcast_in_dim3A_121 = vector.broadcast %broadcast_in_dim3A_120 : f32 to vector<16xf32>
        %swap3A_122 = arith.constant 0 : i32
        %swap3A_123 = arith.index_cast %swap3A_122 : i32 to index
        %swap3A_124 = arith.index_cast %scan3A_119 : i32 to index
        %swap3A_125 = arith.constant 0 : index
        %swap3A_126 = tpu.vector_load %arg14[%swap3A_123, %swap3A_124, %swap3A_125] {strides = array<i32>} : memref<2x128x128xf32, #tpu.memory_space<vmem>>, vector<1x1x16xf32>,
        %swap3A_127 = vector.shape_cast %swap3A_126 : vector<1x1x16xf32> to vector<16xf32>
        %swap3A_128 = vector.shape_cast %broadcast_in_dim3A_121 : vector<16xf32> to vector<1x1x16xf32>
        tpu.vector_store %arg14[%swap3A_123, %swap3A_124, %swap3A_125], %swap3A_128 {strides = array<i32>} : memref<2x128x128xf32, #tpu.memory_space<vmem>>, vector<1x1x16xf32>,
        %broadcast_in_dim3A_129 = arith.constant 0.000000e+00 : f32
        %broadcast_in_dim3A_130 = vector.broadcast %broadcast_in_dim3A_129 : f32 to vector<16xf32>
        %swap3A_131 = arith.constant 0 : i32
        %swap3A_132 = arith.index_cast %swap3A_131 : i32 to index
        %swap3A_133 = arith.index_cast %scan3A_119 : i32 to index
        %swap3A_134 = arith.constant 16 : index
        %swap3A_135 = tpu.vector_load %arg14[%swap3A_132, %swap3A_133, %swap3A_134] {strides = array<i32>} : memref<2x128x128xf32, #tpu.memory_space<vmem>>, vector<1x1x16xf32>,
        %swap3A_136 = vector.shape_cast %swap3A_135 : vector<1x1x16xf32> to vector<16xf32>
        %swap3A_137 = vector.shape_cast %broadcast_in_dim3A_130 : vector<16xf32> to vector<1x1x16xf32>
        tpu.vector_store %arg14[%swap3A_132, %swap3A_133, %swap3A_134], %swap3A_137 {strides = array<i32>} : memref<2x128x128xf32, #tpu.memory_space<vmem>>, vector<1x1x16xf32>,
        %broadcast_in_dim3A_138 = arith.constant 0.000000e+00 : f32
        %broadcast_in_dim3A_139 = vector.broadcast %broadcast_in_dim3A_138 : f32 to vector<16xf32>
        %swap3A_140 = arith.constant 0 : i32
        %swap3A_141 = arith.index_cast %swap3A_140 : i32 to index
        %swap3A_142 = arith.index_cast %scan3A_119 : i32 to index
        %swap3A_143 = arith.constant 32 : index
        %swap3A_144 = tpu.vector_load %arg14[%swap3A_141, %swap3A_142, %swap3A_143] {strides = array<i32>} : memref<2x128x128xf32, #tpu.memory_space<vmem>>, vector<1x1x16xf32>,
        %swap3A_145 = vector.shape_cast %swap3A_144 : vector<1x1x16xf32> to vector<16xf32>
        %swap3A_146 = vector.shape_cast %broadcast_in_dim3A_139 : vector<16xf32> to vector<1x1x16xf32>
        tpu.vector_store %arg14[%swap3A_141, %swap3A_142, %swap3A_143], %swap3A_146 {strides = array<i32>} : memref<2x128x128xf32, #tpu.memory_space<vmem>>, vector<1x1x16xf32>,
        %broadcast_in_dim3A_147 = arith.constant 0.000000e+00 : f32
        %broadcast_in_dim3A_148 = vector.broadcast %broadcast_in_dim3A_147 : f32 to vector<16xf32>
        %swap3A_149 = arith.constant 0 : i32
        %swap3A_150 = arith.index_cast %swap3A_149 : i32 to index
        %swap3A_151 = arith.index_cast %scan3A_119 : i32 to index
        %swap3A_152 = arith.constant 48 : index
        %swap3A_153 = tpu.vector_load %arg14[%swap3A_150, %swap3A_151, %swap3A_152] {strides = array<i32>} : memref<2x128x128xf32, #tpu.memory_space<vmem>>, vector<1x1x16xf32>,
        %swap3A_154 = vector.shape_cast %swap3A_153 : vector<1x1x16xf32> to vector<16xf32>
        %swap3A_155 = vector.shape_cast %broadcast_in_dim3A_148 : vector<16xf32> to vector<1x1x16xf32>
        tpu.vector_store %arg14[%swap3A_150, %swap3A_151, %swap3A_152], %swap3A_155 {strides = array<i32>} : memref<2x128x128xf32, #tpu.memory_space<vmem>>, vector<1x1x16xf32>,
        %broadcast_in_dim3A_156 = arith.constant 0.000000e+00 : f32
        %broadcast_in_dim3A_157 = vector.broadcast %broadcast_in_dim3A_156 : f32 to vector<16xf32>
        %swap3A_158 = arith.constant 0 : i32
        %swap3A_159 = arith.index_cast %swap3A_158 : i32 to index
        %swap3A_160 = arith.index_cast %scan3A_119 : i32 to index
        %swap3A_161 = arith.constant 64 : index
        %swap3A_162 = tpu.vector_load %arg14[%swap3A_159, %swap3A_160, %swap3A_161] {strides = array<i32>} : memref<2x128x128xf32, #tpu.memory_space<vmem>>, vector<1x1x16xf32>,
        %swap3A_163 = vector.shape_cast %swap3A_162 : vector<1x1x16xf32> to vector<16xf32>
        %swap3A_164 = vector.shape_cast %broadcast_in_dim3A_157 : vector<16xf32> to vector<1x1x16xf32>
        tpu.vector_store %arg14[%swap3A_159, %swap3A_160, %swap3A_161], %swap3A_164 {strides = array<i32>} : memref<2x128x128xf32, #tpu.memory_space<vmem>>, vector<1x1x16xf32>,
        %broadcast_in_dim3A_165 = arith.constant 0.000000e+00 : f32
        %broadcast_in_dim3A_166 = vector.broadcast %broadcast_in_dim3A_165 : f32 to vector<16xf32>
        %swap3A_167 = arith.constant 0 : i32
        %swap3A_168 = arith.index_cast %swap3A_167 : i32 to index
        %swap3A_169 = arith.index_cast %scan3A_119 : i32 to index
        %swap3A_170 = arith.constant 80 : index
        %swap3A_171 = tpu.vector_load %arg14[%swap3A_168, %swap3A_169, %swap3A_170] {strides = array<i32>} : memref<2x128x128xf32, #tpu.memory_space<vmem>>, vector<1x1x16xf32>,
        %swap3A_172 = vector.shape_cast %swap3A_171 : vector<1x1x16xf32> to vector<16xf32>
        %swap3A_173 = vector.shape_cast %broadcast_in_dim3A_166 : vector<16xf32> to vector<1x1x16xf32>
        tpu.vector_store %arg14[%swap3A_168, %swap3A_169, %swap3A_170], %swap3A_173 {strides = array<i32>} : memref<2x128x128xf32, #tpu.memory_space<vmem>>, vector<1x1x16xf32>,
        %broadcast_in_dim3A_174 = arith.constant 0.000000e+00 : f32
        %broadcast_in_dim3A_175 = vector.broadcast %broadcast_in_dim3A_174 : f32 to vector<16xf32>
        %swap3A_176 = arith.constant 0 : i32
        %swap3A_177 = arith.index_cast %swap3A_176 : i32 to index
        %swap3A_178 = arith.index_cast %scan3A_119 : i32 to index
        %swap3A_179 = arith.constant 96 : index
        %swap3A_180 = tpu.vector_load %arg14[%swap3A_177, %swap3A_178, %swap3A_179] {strides = array<i32>} : memref<2x128x128xf32, #tpu.memory_space<vmem>>, vector<1x1x16xf32>,
        %swap3A_181 = vector.shape_cast %swap3A_180 : vector<1x1x16xf32> to vector<16xf32>
        %swap3A_182 = vector.shape_cast %broadcast_in_dim3A_175 : vector<16xf32> to vector<1x1x16xf32>
        tpu.vector_store %arg14[%swap3A_177, %swap3A_178, %swap3A_179], %swap3A_182 {strides = array<i32>} : memref<2x128x128xf32, #tpu.memory_space<vmem>>, vector<1x1x16xf32>,
        %broadcast_in_dim3A_183 = arith.constant 0.000000e+00 : f32
        %broadcast_in_dim3A_184 = vector.broadcast %broadcast_in_dim3A_183 : f32 to vector<16xf32>
        %swap3A_185 = arith.constant 0 : i32
        %swap3A_186 = arith.index_cast %swap3A_185 : i32 to index
        %swap3A_187 = arith.index_cast %scan3A_119 : i32 to index
        %swap3A_188 = arith.constant 112 : index
        %swap3A_189 = tpu.vector_load %arg14[%swap3A_186, %swap3A_187, %swap3A_188] {strides = array<i32>} : memref<2x128x128xf32, #tpu.memory_space<vmem>>, vector<1x1x16xf32>,
        %swap3A_190 = vector.shape_cast %swap3A_189 : vector<1x1x16xf32> to vector<16xf32>
        %swap3A_191 = vector.shape_cast %broadcast_in_dim3A_184 : vector<16xf32> to vector<1x1x16xf32>
        tpu.vector_store %arg14[%swap3A_186, %swap3A_187, %swap3A_188], %swap3A_191 {strides = array<i32>} : memref<2x128x128xf32, #tpu.memory_space<vmem>>, vector<1x1x16xf32>,
      }
      %scan3A_11 = arith.constant 128 : i32
      %broadcast_in_dim3A = arith.constant 1.000000e+00 : f32
      %broadcast_in_dim3A_12 = vector.broadcast %broadcast_in_dim3A : f32 to vector<16xf32>
      %swap3A = arith.constant 0 : index
      %swap3A_13 = tpu.vector_load %arg15[%swap3A] {strides = array<i32>} : memref<128xf32, #tpu.memory_space<vmem>>, vector<16xf32>,
      %swap3A_14 = vector.shape_cast %swap3A_13 : vector<16xf32> to vector<16xf32>
      %swap3A_15 = vector.shape_cast %broadcast_in_dim3A_12 : vector<16xf32> to vector<16xf32>
      tpu.vector_store %arg15[%swap3A], %swap3A_15 {strides = array<i32>} : memref<128xf32, #tpu.memory_space<vmem>>, vector<16xf32>,
      %broadcast_in_dim3A_16 = arith.constant 1.000000e+00 : f32
      %broadcast_in_dim3A_17 = vector.broadcast %broadcast_in_dim3A_16 : f32 to vector<16xf32>
      %swap3A_18 = arith.constant 16 : index
      %swap3A_19 = tpu.vector_load %arg15[%swap3A_18] {strides = array<i32>} : memref<128xf32, #tpu.memory_space<vmem>>, vector<16xf32>,
      %swap3A_20 = vector.shape_cast %swap3A_19 : vector<16xf32> to vector<16xf32>
      %swap3A_21 = vector.shape_cast %broadcast_in_dim3A_17 : vector<16xf32> to vector<16xf32>
      tpu.vector_store %arg15[%swap3A_18], %swap3A_21 {strides = array<i32>} : memref<128xf32, #tpu.memory_space<vmem>>, vector<16xf32>,
      %broadcast_in_dim3A_22 = arith.constant 1.000000e+00 : f32
      %broadcast_in_dim3A_23 = vector.broadcast %broadcast_in_dim3A_22 : f32 to vector<16xf32>
      %swap3A_24 = arith.constant 32 : index
      %swap3A_25 = tpu.vector_load %arg15[%swap3A_24] {strides = array<i32>} : memref<128xf32, #tpu.memory_space<vmem>>, vector<16xf32>,
      %swap3A_26 = vector.shape_cast %swap3A_25 : vector<16xf32> to vector<16xf32>
      %swap3A_27 = vector.shape_cast %broadcast_in_dim3A_23 : vector<16xf32> to vector<16xf32>
      tpu.vector_store %arg15[%swap3A_24], %swap3A_27 {strides = array<i32>} : memref<128xf32, #tpu.memory_space<vmem>>, vector<16xf32>,
      %broadcast_in_dim3A_28 = arith.constant 1.000000e+00 : f32
      %broadcast_in_dim3A_29 = vector.broadcast %broadcast_in_dim3A_28 : f32 to vector<16xf32>
      %swap3A_30 = arith.constant 48 : index
      %swap3A_31 = tpu.vector_load %arg15[%swap3A_30] {strides = array<i32>} : memref<128xf32, #tpu.memory_space<vmem>>, vector<16xf32>,
      %swap3A_32 = vector.shape_cast %swap3A_31 : vector<16xf32> to vector<16xf32>
      %swap3A_33 = vector.shape_cast %broadcast_in_dim3A_29 : vector<16xf32> to vector<16xf32>
      tpu.vector_store %arg15[%swap3A_30], %swap3A_33 {strides = array<i32>} : memref<128xf32, #tpu.memory_space<vmem>>, vector<16xf32>,
      %broadcast_in_dim3A_34 = arith.constant 1.000000e+00 : f32
      %broadcast_in_dim3A_35 = vector.broadcast %broadcast_in_dim3A_34 : f32 to vector<16xf32>
      %swap3A_36 = arith.constant 64 : index
      %swap3A_37 = tpu.vector_load %arg15[%swap3A_36] {strides = array<i32>} : memref<128xf32, #tpu.memory_space<vmem>>, vector<16xf32>,
      %swap3A_38 = vector.shape_cast %swap3A_37 : vector<16xf32> to vector<16xf32>
      %swap3A_39 = vector.shape_cast %broadcast_in_dim3A_35 : vector<16xf32> to vector<16xf32>
      tpu.vector_store %arg15[%swap3A_36], %swap3A_39 {strides = array<i32>} : memref<128xf32, #tpu.memory_space<vmem>>, vector<16xf32>,
      %broadcast_in_dim3A_40 = arith.constant 1.000000e+00 : f32
      %broadcast_in_dim3A_41 = vector.broadcast %broadcast_in_dim3A_40 : f32 to vector<16xf32>
      %swap3A_42 = arith.constant 80 : index
      %swap3A_43 = tpu.vector_load %arg15[%swap3A_42] {strides = array<i32>} : memref<128xf32, #tpu.memory_space<vmem>>, vector<16xf32>,
      %swap3A_44 = vector.shape_cast %swap3A_43 : vector<16xf32> to vector<16xf32>
      %swap3A_45 = vector.shape_cast %broadcast_in_dim3A_41 : vector<16xf32> to vector<16xf32>
      tpu.vector_store %arg15[%swap3A_42], %swap3A_45 {strides = array<i32>} : memref<128xf32, #tpu.memory_space<vmem>>, vector<16xf32>,
      %broadcast_in_dim3A_46 = arith.constant 1.000000e+00 : f32
      %broadcast_in_dim3A_47 = vector.broadcast %broadcast_in_dim3A_46 : f32 to vector<16xf32>
      %swap3A_48 = arith.constant 96 : index
      %swap3A_49 = tpu.vector_load %arg15[%swap3A_48] {strides = array<i32>} : memref<128xf32, #tpu.memory_space<vmem>>, vector<16xf32>,
      %swap3A_50 = vector.shape_cast %swap3A_49 : vector<16xf32> to vector<16xf32>
      %swap3A_51 = vector.shape_cast %broadcast_in_dim3A_47 : vector<16xf32> to vector<16xf32>
      tpu.vector_store %arg15[%swap3A_48], %swap3A_51 {strides = array<i32>} : memref<128xf32, #tpu.memory_space<vmem>>, vector<16xf32>,
      %broadcast_in_dim3A_52 = arith.constant 1.000000e+00 : f32
      %broadcast_in_dim3A_53 = vector.broadcast %broadcast_in_dim3A_52 : f32 to vector<16xf32>
      %swap3A_54 = arith.constant 112 : index
      %swap3A_55 = tpu.vector_load %arg15[%swap3A_54] {strides = array<i32>} : memref<128xf32, #tpu.memory_space<vmem>>, vector<16xf32>,
      %swap3A_56 = vector.shape_cast %swap3A_55 : vector<16xf32> to vector<16xf32>
      %swap3A_57 = vector.shape_cast %broadcast_in_dim3A_53 : vector<16xf32> to vector<16xf32>
      tpu.vector_store %arg15[%swap3A_54], %swap3A_57 {strides = array<i32>} : memref<128xf32, #tpu.memory_space<vmem>>, vector<16xf32>,
      %scan3A_58 = arith.constant 0 : i32
      %scan3A_59 = arith.constant 0 : i32
      %scan3A_60 = arith.constant 40 : i32
      %scan3A_61 = arith.addi %scan3A_59, %scan3A_60 : i32
      %scan3A_62 = arith.constant 1 : i32
      scf.for %scan3A_119 = %scan3A_59 to %scan3A_61 step %scan3A_62  : i32 {
        %broadcast_in_dim3A_120 = arith.constant 0.000000e+00 : f32
        %broadcast_in_dim3A_121 = vector.broadcast %broadcast_in_dim3A_120 : f32 to vector<16xf32>
        %mul3A_122 = arith.constant 16 : i32
        %mul3A_123 = arith.muli %scan3A_119, %mul3A_122 : i32
        %swap3A_124 = arith.index_cast %mul3A_123 : i32 to index
        %swap3A_125 = tpu.vector_load %arg16[%swap3A_124] {strides = array<i32>} : memref<640xf32, #tpu.memory_space<vmem>>, vector<16xf32>,
        %swap3A_126 = vector.shape_cast %swap3A_125 : vector<16xf32> to vector<16xf32>
        %swap3A_127 = vector.shape_cast %broadcast_in_dim3A_121 : vector<16xf32> to vector<16xf32>
        tpu.vector_store %arg16[%swap3A_124], %swap3A_127 {strides = array<i32>} : memref<640xf32, #tpu.memory_space<vmem>>, vector<16xf32>,
      }
      %scan3A_63 = arith.constant 40 : i32
      %mul3A = arith.constant 640 : i32
      %mul3A_64 = arith.muli %arg1, %mul3A : i32
      %add3A = arith.constant 0 : i32
      %add3A_65 = arith.addi %mul3A_64, %add3A : i32
      %run_scoped3A = arith.constant 0 : i32
      "tpu.region"() ({
        %run_scoped3A_119 = tpu.sem_alloc : memref<!tpu.dma_semaphore, #tpu.memory_space<semaphore_mem>>
        %dma_start3A = arith.constant 0 : i32
        %dma_start3A_120 = arith.constant 0 : i32
        %dma_start3A_121 = tpu.memref_slice %arg14[%run_scoped3A, %dma_start3A, %dma_start3A_120] : memref<2x128x128xf32, #tpu.memory_space<vmem>> -> memref<1x128x128xf32, #tpu.memory_space<vmem>>
        %dma_start3A_122 = tpu.memref_squeeze %dma_start3A_121 : memref<1x128x128xf32, #tpu.memory_space<vmem>> -> memref<128x128xf32, #tpu.memory_space<vmem>>
        %dma_start3A_123 = arith.constant 0 : i32
        %dma_start3A_124 = tpu.memref_slice %arg17[%add3A_65, %dma_start3A_123] : memref<10240x128xf32, #tpu.memory_space<vmem_shared>> -> memref<128x128xf32, #tpu.memory_space<vmem_shared>>
        %dma_start3A_125 = arith.constant 0 : i32
        %dma_start3A_126 = tpu.memref_slice %arg17[%add3A_65, %dma_start3A_125] : memref<10240x128xf32, #tpu.memory_space<vmem_shared>> -> memref<128x128xf32, #tpu.memory_space<vmem_shared>>
        %dma_start3A_127 = arith.constant 0 : i32
        %dma_start3A_128 = arith.constant 0 : i32
        %dma_start3A_129 = tpu.memref_slice %arg14[%run_scoped3A, %dma_start3A_127, %dma_start3A_128] : memref<2x128x128xf32, #tpu.memory_space<vmem>> -> memref<1x128x128xf32, #tpu.memory_space<vmem>>
        %dma_start3A_130 = tpu.memref_squeeze %dma_start3A_129 : memref<1x128x128xf32, #tpu.memory_space<vmem>> -> memref<128x128xf32, #tpu.memory_space<vmem>>
        tpu.enqueue_dma source(%dma_start3A_130 : memref<128x128xf32, #tpu.memory_space<vmem>>) target(%dma_start3A_126 : memref<128x128xf32, #tpu.memory_space<vmem_shared>>) target_semaphore(%run_scoped3A_119 : memref<!tpu.dma_semaphore, #tpu.memory_space<semaphore_mem>>)
        %dma_wait3A = arith.constant 0 : i32
        %dma_wait3A_131 = arith.constant 0 : i32
        %dma_wait3A_132 = tpu.memref_slice %arg14[%run_scoped3A, %dma_wait3A, %dma_wait3A_131] : memref<2x128x128xf32, #tpu.memory_space<vmem>> -> memref<1x128x128xf32, #tpu.memory_space<vmem>>
        %dma_wait3A_133 = tpu.memref_squeeze %dma_wait3A_132 : memref<1x128x128xf32, #tpu.memory_space<vmem>> -> memref<128x128xf32, #tpu.memory_space<vmem>>
        %dma_wait3A_134 = arith.constant 0 : i32
        %dma_wait3A_135 = tpu.memref_slice %arg17[%add3A_65, %dma_wait3A_134] : memref<10240x128xf32, #tpu.memory_space<vmem_shared>> -> memref<128x128xf32, #tpu.memory_space<vmem_shared>>
        %dma_wait3A_136 = arith.constant 0 : i32
        %dma_wait3A_137 = tpu.memref_slice %arg17[%add3A_65, %dma_wait3A_136] : memref<10240x128xf32, #tpu.memory_space<vmem_shared>> -> memref<128x128xf32, #tpu.memory_space<vmem_shared>>
        %dma_wait3A_138 = arith.constant 0 : i32
        %dma_wait3A_139 = arith.constant 0 : i32
        %dma_wait3A_140 = tpu.memref_slice %arg14[%run_scoped3A, %dma_wait3A_138, %dma_wait3A_139] : memref<2x128x128xf32, #tpu.memory_space<vmem>> -> memref<1x128x128xf32, #tpu.memory_space<vmem>>
        %dma_wait3A_141 = tpu.memref_squeeze %dma_wait3A_140 : memref<1x128x128xf32, #tpu.memory_space<vmem>> -> memref<128x128xf32, #tpu.memory_space<vmem>>
        tpu.wait_dma2 semaphore(%run_scoped3A_119 : memref<!tpu.dma_semaphore, #tpu.memory_space<semaphore_mem>>) src(%dma_wait3A_141 : memref<128x128xf32, #tpu.memory_space<vmem>>) dst(%dma_wait3A_137 : memref<128x128xf32, #tpu.memory_space<vmem_shared>>)
        tpu.yield
      }) : () -> ()
      %mul3A_66 = arith.constant 640 : i32
      %mul3A_67 = arith.muli %arg1, %mul3A_66 : i32
      %add3A_68 = arith.constant 128 : i32
      %add3A_69 = arith.addi %mul3A_67, %add3A_68 : i32
      %run_scoped3A_70 = arith.constant 0 : i32
      "tpu.region"() ({
        %run_scoped3A_119 = tpu.sem_alloc : memref<!tpu.dma_semaphore, #tpu.memory_space<semaphore_mem>>
        %dma_start3A = arith.constant 0 : i32
        %dma_start3A_120 = arith.constant 0 : i32
        %dma_start3A_121 = tpu.memref_slice %arg14[%run_scoped3A_70, %dma_start3A, %dma_start3A_120] : memref<2x128x128xf32, #tpu.memory_space<vmem>> -> memref<1x128x128xf32, #tpu.memory_space<vmem>>
        %dma_start3A_122 = tpu.memref_squeeze %dma_start3A_121 : memref<1x128x128xf32, #tpu.memory_space<vmem>> -> memref<128x128xf32, #tpu.memory_space<vmem>>
        %dma_start3A_123 = arith.constant 0 : i32
        %dma_start3A_124 = tpu.memref_slice %arg17[%add3A_69, %dma_start3A_123] : memref<10240x128xf32, #tpu.memory_space<vmem_shared>> -> memref<128x128xf32, #tpu.memory_space<vmem_shared>>
        %dma_start3A_125 = arith.constant 0 : i32
        %dma_start3A_126 = tpu.memref_slice %arg17[%add3A_69, %dma_start3A_125] : memref<10240x128xf32, #tpu.memory_space<vmem_shared>> -> memref<128x128xf32, #tpu.memory_space<vmem_shared>>
        %dma_start3A_127 = arith.constant 0 : i32
        %dma_start3A_128 = arith.constant 0 : i32
        %dma_start3A_129 = tpu.memref_slice %arg14[%run_scoped3A_70, %dma_start3A_127, %dma_start3A_128] : memref<2x128x128xf32, #tpu.memory_space<vmem>> -> memref<1x128x128xf32, #tpu.memory_space<vmem>>
        %dma_start3A_130 = tpu.memref_squeeze %dma_start3A_129 : memref<1x128x128xf32, #tpu.memory_space<vmem>> -> memref<128x128xf32, #tpu.memory_space<vmem>>
        tpu.enqueue_dma source(%dma_start3A_130 : memref<128x128xf32, #tpu.memory_space<vmem>>) target(%dma_start3A_126 : memref<128x128xf32, #tpu.memory_space<vmem_shared>>) target_semaphore(%run_scoped3A_119 : memref<!tpu.dma_semaphore, #tpu.memory_space<semaphore_mem>>)
        %dma_wait3A = arith.constant 0 : i32
        %dma_wait3A_131 = arith.constant 0 : i32
        %dma_wait3A_132 = tpu.memref_slice %arg14[%run_scoped3A_70, %dma_wait3A, %dma_wait3A_131] : memref<2x128x128xf32, #tpu.memory_space<vmem>> -> memref<1x128x128xf32, #tpu.memory_space<vmem>>
        %dma_wait3A_133 = tpu.memref_squeeze %dma_wait3A_132 : memref<1x128x128xf32, #tpu.memory_space<vmem>> -> memref<128x128xf32, #tpu.memory_space<vmem>>
        %dma_wait3A_134 = arith.constant 0 : i32
        %dma_wait3A_135 = tpu.memref_slice %arg17[%add3A_69, %dma_wait3A_134] : memref<10240x128xf32, #tpu.memory_space<vmem_shared>> -> memref<128x128xf32, #tpu.memory_space<vmem_shared>>
        %dma_wait3A_136 = arith.constant 0 : i32
        %dma_wait3A_137 = tpu.memref_slice %arg17[%add3A_69, %dma_wait3A_136] : memref<10240x128xf32, #tpu.memory_space<vmem_shared>> -> memref<128x128xf32, #tpu.memory_space<vmem_shared>>
        %dma_wait3A_138 = arith.constant 0 : i32
        %dma_wait3A_139 = arith.constant 0 : i32
        %dma_wait3A_140 = tpu.memref_slice %arg14[%run_scoped3A_70, %dma_wait3A_138, %dma_wait3A_139] : memref<2x128x128xf32, #tpu.memory_space<vmem>> -> memref<1x128x128xf32, #tpu.memory_space<vmem>>
        %dma_wait3A_141 = tpu.memref_squeeze %dma_wait3A_140 : memref<1x128x128xf32, #tpu.memory_space<vmem>> -> memref<128x128xf32, #tpu.memory_space<vmem>>
        tpu.wait_dma2 semaphore(%run_scoped3A_119 : memref<!tpu.dma_semaphore, #tpu.memory_space<semaphore_mem>>) src(%dma_wait3A_141 : memref<128x128xf32, #tpu.memory_space<vmem>>) dst(%dma_wait3A_137 : memref<128x128xf32, #tpu.memory_space<vmem_shared>>)
        tpu.yield
      }) : () -> ()
      %mul3A_71 = arith.constant 640 : i32
      %mul3A_72 = arith.muli %arg1, %mul3A_71 : i32
      %add3A_73 = arith.constant 256 : i32
      %add3A_74 = arith.addi %mul3A_72, %add3A_73 : i32
      %run_scoped3A_75 = arith.constant 0 : i32
      "tpu.region"() ({
        %run_scoped3A_119 = tpu.sem_alloc : memref<!tpu.dma_semaphore, #tpu.memory_space<semaphore_mem>>
        %dma_start3A = arith.constant 0 : i32
        %dma_start3A_120 = arith.constant 0 : i32
        %dma_start3A_121 = tpu.memref_slice %arg14[%run_scoped3A_75, %dma_start3A, %dma_start3A_120] : memref<2x128x128xf32, #tpu.memory_space<vmem>> -> memref<1x128x128xf32, #tpu.memory_space<vmem>>
        %dma_start3A_122 = tpu.memref_squeeze %dma_start3A_121 : memref<1x128x128xf32, #tpu.memory_space<vmem>> -> memref<128x128xf32, #tpu.memory_space<vmem>>
        %dma_start3A_123 = arith.constant 0 : i32
        %dma_start3A_124 = tpu.memref_slice %arg17[%add3A_74, %dma_start3A_123] : memref<10240x128xf32, #tpu.memory_space<vmem_shared>> -> memref<128x128xf32, #tpu.memory_space<vmem_shared>>
        %dma_start3A_125 = arith.constant 0 : i32
        %dma_start3A_126 = tpu.memref_slice %arg17[%add3A_74, %dma_start3A_125] : memref<10240x128xf32, #tpu.memory_space<vmem_shared>> -> memref<128x128xf32, #tpu.memory_space<vmem_shared>>
        %dma_start3A_127 = arith.constant 0 : i32
        %dma_start3A_128 = arith.constant 0 : i32
        %dma_start3A_129 = tpu.memref_slice %arg14[%run_scoped3A_75, %dma_start3A_127, %dma_start3A_128] : memref<2x128x128xf32, #tpu.memory_space<vmem>> -> memref<1x128x128xf32, #tpu.memory_space<vmem>>
        %dma_start3A_130 = tpu.memref_squeeze %dma_start3A_129 : memref<1x128x128xf32, #tpu.memory_space<vmem>> -> memref<128x128xf32, #tpu.memory_space<vmem>>
        tpu.enqueue_dma source(%dma_start3A_130 : memref<128x128xf32, #tpu.memory_space<vmem>>) target(%dma_start3A_126 : memref<128x128xf32, #tpu.memory_space<vmem_shared>>) target_semaphore(%run_scoped3A_119 : memref<!tpu.dma_semaphore, #tpu.memory_space<semaphore_mem>>)
        %dma_wait3A = arith.constant 0 : i32
        %dma_wait3A_131 = arith.constant 0 : i32
        %dma_wait3A_132 = tpu.memref_slice %arg14[%run_scoped3A_75, %dma_wait3A, %dma_wait3A_131] : memref<2x128x128xf32, #tpu.memory_space<vmem>> -> memref<1x128x128xf32, #tpu.memory_space<vmem>>
        %dma_wait3A_133 = tpu.memref_squeeze %dma_wait3A_132 : memref<1x128x128xf32, #tpu.memory_space<vmem>> -> memref<128x128xf32, #tpu.memory_space<vmem>>
        %dma_wait3A_134 = arith.constant 0 : i32
        %dma_wait3A_135 = tpu.memref_slice %arg17[%add3A_74, %dma_wait3A_134] : memref<10240x128xf32, #tpu.memory_space<vmem_shared>> -> memref<128x128xf32, #tpu.memory_space<vmem_shared>>
        %dma_wait3A_136 = arith.constant 0 : i32
        %dma_wait3A_137 = tpu.memref_slice %arg17[%add3A_74, %dma_wait3A_136] : memref<10240x128xf32, #tpu.memory_space<vmem_shared>> -> memref<128x128xf32, #tpu.memory_space<vmem_shared>>
        %dma_wait3A_138 = arith.constant 0 : i32
        %dma_wait3A_139 = arith.constant 0 : i32
        %dma_wait3A_140 = tpu.memref_slice %arg14[%run_scoped3A_75, %dma_wait3A_138, %dma_wait3A_139] : memref<2x128x128xf32, #tpu.memory_space<vmem>> -> memref<1x128x128xf32, #tpu.memory_space<vmem>>
        %dma_wait3A_141 = tpu.memref_squeeze %dma_wait3A_140 : memref<1x128x128xf32, #tpu.memory_space<vmem>> -> memref<128x128xf32, #tpu.memory_space<vmem>>
        tpu.wait_dma2 semaphore(%run_scoped3A_119 : memref<!tpu.dma_semaphore, #tpu.memory_space<semaphore_mem>>) src(%dma_wait3A_141 : memref<128x128xf32, #tpu.memory_space<vmem>>) dst(%dma_wait3A_137 : memref<128x128xf32, #tpu.memory_space<vmem_shared>>)
        tpu.yield
      }) : () -> ()
      %mul3A_76 = arith.constant 640 : i32
      %mul3A_77 = arith.muli %arg1, %mul3A_76 : i32
      %add3A_78 = arith.constant 384 : i32
      %add3A_79 = arith.addi %mul3A_77, %add3A_78 : i32
      %run_scoped3A_80 = arith.constant 0 : i32
      "tpu.region"() ({
        %run_scoped3A_119 = tpu.sem_alloc : memref<!tpu.dma_semaphore, #tpu.memory_space<semaphore_mem>>
        %dma_start3A = arith.constant 0 : i32
        %dma_start3A_120 = arith.constant 0 : i32
        %dma_start3A_121 = tpu.memref_slice %arg14[%run_scoped3A_80, %dma_start3A, %dma_start3A_120] : memref<2x128x128xf32, #tpu.memory_space<vmem>> -> memref<1x128x128xf32, #tpu.memory_space<vmem>>
        %dma_start3A_122 = tpu.memref_squeeze %dma_start3A_121 : memref<1x128x128xf32, #tpu.memory_space<vmem>> -> memref<128x128xf32, #tpu.memory_space<vmem>>
        %dma_start3A_123 = arith.constant 0 : i32
        %dma_start3A_124 = tpu.memref_slice %arg17[%add3A_79, %dma_start3A_123] : memref<10240x128xf32, #tpu.memory_space<vmem_shared>> -> memref<128x128xf32, #tpu.memory_space<vmem_shared>>
        %dma_start3A_125 = arith.constant 0 : i32
        %dma_start3A_126 = tpu.memref_slice %arg17[%add3A_79, %dma_start3A_125] : memref<10240x128xf32, #tpu.memory_space<vmem_shared>> -> memref<128x128xf32, #tpu.memory_space<vmem_shared>>
        %dma_start3A_127 = arith.constant 0 : i32
        %dma_start3A_128 = arith.constant 0 : i32
        %dma_start3A_129 = tpu.memref_slice %arg14[%run_scoped3A_80, %dma_start3A_127, %dma_start3A_128] : memref<2x128x128xf32, #tpu.memory_space<vmem>> -> memref<1x128x128xf32, #tpu.memory_space<vmem>>
        %dma_start3A_130 = tpu.memref_squeeze %dma_start3A_129 : memref<1x128x128xf32, #tpu.memory_space<vmem>> -> memref<128x128xf32, #tpu.memory_space<vmem>>
        tpu.enqueue_dma source(%dma_start3A_130 : memref<128x128xf32, #tpu.memory_space<vmem>>) target(%dma_start3A_126 : memref<128x128xf32, #tpu.memory_space<vmem_shared>>) target_semaphore(%run_scoped3A_119 : memref<!tpu.dma_semaphore, #tpu.memory_space<semaphore_mem>>)
        %dma_wait3A = arith.constant 0 : i32
        %dma_wait3A_131 = arith.constant 0 : i32
        %dma_wait3A_132 = tpu.memref_slice %arg14[%run_scoped3A_80, %dma_wait3A, %dma_wait3A_131] : memref<2x128x128xf32, #tpu.memory_space<vmem>> -> memref<1x128x128xf32, #tpu.memory_space<vmem>>
        %dma_wait3A_133 = tpu.memref_squeeze %dma_wait3A_132 : memref<1x128x128xf32, #tpu.memory_space<vmem>> -> memref<128x128xf32, #tpu.memory_space<vmem>>
        %dma_wait3A_134 = arith.constant 0 : i32
        %dma_wait3A_135 = tpu.memref_slice %arg17[%add3A_79, %dma_wait3A_134] : memref<10240x128xf32, #tpu.memory_space<vmem_shared>> -> memref<128x128xf32, #tpu.memory_space<vmem_shared>>
        %dma_wait3A_136 = arith.constant 0 : i32
        %dma_wait3A_137 = tpu.memref_slice %arg17[%add3A_79, %dma_wait3A_136] : memref<10240x128xf32, #tpu.memory_space<vmem_shared>> -> memref<128x128xf32, #tpu.memory_space<vmem_shared>>
        %dma_wait3A_138 = arith.constant 0 : i32
        %dma_wait3A_139 = arith.constant 0 : i32
        %dma_wait3A_140 = tpu.memref_slice %arg14[%run_scoped3A_80, %dma_wait3A_138, %dma_wait3A_139] : memref<2x128x128xf32, #tpu.memory_space<vmem>> -> memref<1x128x128xf32, #tpu.memory_space<vmem>>
        %dma_wait3A_141 = tpu.memref_squeeze %dma_wait3A_140 : memref<1x128x128xf32, #tpu.memory_space<vmem>> -> memref<128x128xf32, #tpu.memory_space<vmem>>
        tpu.wait_dma2 semaphore(%run_scoped3A_119 : memref<!tpu.dma_semaphore, #tpu.memory_space<semaphore_mem>>) src(%dma_wait3A_141 : memref<128x128xf32, #tpu.memory_space<vmem>>) dst(%dma_wait3A_137 : memref<128x128xf32, #tpu.memory_space<vmem_shared>>)
        tpu.yield
      }) : () -> ()
      %mul3A_81 = arith.constant 640 : i32
      %mul3A_82 = arith.muli %arg1, %mul3A_81 : i32
      %add3A_83 = arith.constant 512 : i32
      %add3A_84 = arith.addi %mul3A_82, %add3A_83 : i32
      %run_scoped3A_85 = arith.constant 0 : i32
      "tpu.region"() ({
        %run_scoped3A_119 = tpu.sem_alloc : memref<!tpu.dma_semaphore, #tpu.memory_space<semaphore_mem>>
        %dma_start3A = arith.constant 0 : i32
        %dma_start3A_120 = arith.constant 0 : i32
        %dma_start3A_121 = tpu.memref_slice %arg14[%run_scoped3A_85, %dma_start3A, %dma_start3A_120] : memref<2x128x128xf32, #tpu.memory_space<vmem>> -> memref<1x128x128xf32, #tpu.memory_space<vmem>>
        %dma_start3A_122 = tpu.memref_squeeze %dma_start3A_121 : memref<1x128x128xf32, #tpu.memory_space<vmem>> -> memref<128x128xf32, #tpu.memory_space<vmem>>
        %dma_start3A_123 = arith.constant 0 : i32
        %dma_start3A_124 = tpu.memref_slice %arg17[%add3A_84, %dma_start3A_123] : memref<10240x128xf32, #tpu.memory_space<vmem_shared>> -> memref<128x128xf32, #tpu.memory_space<vmem_shared>>
        %dma_start3A_125 = arith.constant 0 : i32
        %dma_start3A_126 = tpu.memref_slice %arg17[%add3A_84, %dma_start3A_125] : memref<10240x128xf32, #tpu.memory_space<vmem_shared>> -> memref<128x128xf32, #tpu.memory_space<vmem_shared>>
        %dma_start3A_127 = arith.constant 0 : i32
        %dma_start3A_128 = arith.constant 0 : i32
        %dma_start3A_129 = tpu.memref_slice %arg14[%run_scoped3A_85, %dma_start3A_127, %dma_start3A_128] : memref<2x128x128xf32, #tpu.memory_space<vmem>> -> memref<1x128x128xf32, #tpu.memory_space<vmem>>
        %dma_start3A_130 = tpu.memref_squeeze %dma_start3A_129 : memref<1x128x128xf32, #tpu.memory_space<vmem>> -> memref<128x128xf32, #tpu.memory_space<vmem>>
        tpu.enqueue_dma source(%dma_start3A_130 : memref<128x128xf32, #tpu.memory_space<vmem>>) target(%dma_start3A_126 : memref<128x128xf32, #tpu.memory_space<vmem_shared>>) target_semaphore(%run_scoped3A_119 : memref<!tpu.dma_semaphore, #tpu.memory_space<semaphore_mem>>)
        %dma_wait3A = arith.constant 0 : i32
        %dma_wait3A_131 = arith.constant 0 : i32
        %dma_wait3A_132 = tpu.memref_slice %arg14[%run_scoped3A_85, %dma_wait3A, %dma_wait3A_131] : memref<2x128x128xf32, #tpu.memory_space<vmem>> -> memref<1x128x128xf32, #tpu.memory_space<vmem>>
        %dma_wait3A_133 = tpu.memref_squeeze %dma_wait3A_132 : memref<1x128x128xf32, #tpu.memory_space<vmem>> -> memref<128x128xf32, #tpu.memory_space<vmem>>
        %dma_wait3A_134 = arith.constant 0 : i32
        %dma_wait3A_135 = tpu.memref_slice %arg17[%add3A_84, %dma_wait3A_134] : memref<10240x128xf32, #tpu.memory_space<vmem_shared>> -> memref<128x128xf32, #tpu.memory_space<vmem_shared>>
        %dma_wait3A_136 = arith.constant 0 : i32
        %dma_wait3A_137 = tpu.memref_slice %arg17[%add3A_84, %dma_wait3A_136] : memref<10240x128xf32, #tpu.memory_space<vmem_shared>> -> memref<128x128xf32, #tpu.memory_space<vmem_shared>>
        %dma_wait3A_138 = arith.constant 0 : i32
        %dma_wait3A_139 = arith.constant 0 : i32
        %dma_wait3A_140 = tpu.memref_slice %arg14[%run_scoped3A_85, %dma_wait3A_138, %dma_wait3A_139] : memref<2x128x128xf32, #tpu.memory_space<vmem>> -> memref<1x128x128xf32, #tpu.memory_space<vmem>>
        %dma_wait3A_141 = tpu.memref_squeeze %dma_wait3A_140 : memref<1x128x128xf32, #tpu.memory_space<vmem>> -> memref<128x128xf32, #tpu.memory_space<vmem>>
        tpu.wait_dma2 semaphore(%run_scoped3A_119 : memref<!tpu.dma_semaphore, #tpu.memory_space<semaphore_mem>>) src(%dma_wait3A_141 : memref<128x128xf32, #tpu.memory_space<vmem>>) dst(%dma_wait3A_137 : memref<128x128xf32, #tpu.memory_space<vmem_shared>>)
        tpu.yield
      }) : () -> ()
      %mul3A_86 = arith.constant 640 : i32
      %mul3A_87 = arith.muli %arg1, %mul3A_86 : i32
      "tpu.region"() ({
        %run_scoped3A_119 = tpu.sem_alloc : memref<!tpu.dma_semaphore, #tpu.memory_space<semaphore_mem>>
        %dma_start3A = tpu.memref_slice %arg18[%mul3A_87] : memref<10240xf32, #tpu.memory_space<vmem_shared>> -> memref<640xf32, #tpu.memory_space<vmem_shared>>
        %dma_start3A_120 = tpu.memref_slice %arg18[%mul3A_87] : memref<10240xf32, #tpu.memory_space<vmem_shared>> -> memref<640xf32, #tpu.memory_space<vmem_shared>>
        tpu.enqueue_dma source(%arg16 : memref<640xf32, #tpu.memory_space<vmem>>) target(%dma_start3A_120 : memref<640xf32, #tpu.memory_space<vmem_shared>>) target_semaphore(%run_scoped3A_119 : memref<!tpu.dma_semaphore, #tpu.memory_space<semaphore_mem>>)
        %dma_wait3A = tpu.memref_slice %arg18[%mul3A_87] : memref<10240xf32, #tpu.memory_space<vmem_shared>> -> memref<640xf32, #tpu.memory_space<vmem_shared>>
        %dma_wait3A_121 = tpu.memref_slice %arg18[%mul3A_87] : memref<10240xf32, #tpu.memory_space<vmem_shared>> -> memref<640xf32, #tpu.memory_space<vmem_shared>>
        tpu.wait_dma2 semaphore(%run_scoped3A_119 : memref<!tpu.dma_semaphore, #tpu.memory_space<semaphore_mem>>) src(%arg16 : memref<640xf32, #tpu.memory_space<vmem>>) dst(%dma_wait3A_121 : memref<640xf32, #tpu.memory_space<vmem_shared>>)
        tpu.yield
      }) : () -> ()
      %barrier3A = arith.constant 0 : index
      tpu.barrier barrier_id(%barrier3A)
      %scan3A_88 = arith.constant 0 : i32
      %scan3A_89 = arith.constant 0 : i32
      %scan3A_90 = arith.constant 5 : i32
      %scan3A_91 = arith.addi %scan3A_89, %scan3A_90 : i32
      %scan3A_92 = arith.constant 1 : i32
      scf.for %scan3A_119 = %scan3A_89 to %scan3A_91 step %scan3A_92  : i32 {
        %eq3A_120 = arith.constant 0 : i32
        %eq3A_121 = arith.cmpi eq, %scan3A_119, %eq3A_120 : i32
        %convert_element_type3A_122 = arith.extui %eq3A_121 : i1 to i32
        %cond3A_123 = arith.constant 0 : i32
        %cond3A_124 = arith.cmpi ne, %convert_element_type3A_122, %cond3A_123 : i32
        scf.if %cond3A_124 {
          %mul3A_137 = arith.constant 160 : i32
          %mul3A_138 = arith.muli %arg1, %mul3A_137 : i32
          "tpu.region"() ({
            %run_scoped3A_162 = tpu.sem_alloc : memref<!tpu.dma_semaphore, #tpu.memory_space<semaphore_mem>>
            %dma_start3A_163 = arith.constant 0 : i32
            %dma_start3A_164 = tpu.memref_slice %arg6[%mul3A_138, %dma_start3A_163] : memref<2560x128xi32, #tpu.memory_space<hbm>> -> memref<32x128xi32, #tpu.memory_space<hbm>>
            %dma_start3A_165 = arith.constant 0 : i32
            %dma_start3A_166 = tpu.memref_slice %arg6[%mul3A_138, %dma_start3A_165] : memref<2560x128xi32, #tpu.memory_space<hbm>> -> memref<32x128xi32, #tpu.memory_space<hbm>>
            tpu.enqueue_dma source(%dma_start3A_166 : memref<32x128xi32, #tpu.memory_space<hbm>>) target(%arg12 : memref<32x128xi32, #tpu.memory_space<vmem>>) target_semaphore(%run_scoped3A_162 : memref<!tpu.dma_semaphore, #tpu.memory_space<semaphore_mem>>)
            %dma_wait3A = arith.constant 0 : i32
            %dma_wait3A_167 = tpu.memref_slice %arg6[%mul3A_138, %dma_wait3A] : memref<2560x128xi32, #tpu.memory_space<hbm>> -> memref<32x128xi32, #tpu.memory_space<hbm>>
            %dma_wait3A_168 = arith.constant 0 : i32
            %dma_wait3A_169 = tpu.memref_slice %arg6[%mul3A_138, %dma_wait3A_168] : memref<2560x128xi32, #tpu.memory_space<hbm>> -> memref<32x128xi32, #tpu.memory_space<hbm>>
            tpu.wait_dma2 semaphore(%run_scoped3A_162 : memref<!tpu.dma_semaphore, #tpu.memory_space<semaphore_mem>>) src(%dma_wait3A_169 : memref<32x128xi32, #tpu.memory_space<hbm>>) dst(%arg12 : memref<32x128xi32, #tpu.memory_space<vmem>>)
            tpu.yield
          }) : () -> ()
          "tpu.region"() ({
            %run_scoped3A_162 = tpu.sem_alloc : memref<!tpu.dma_semaphore, #tpu.memory_space<semaphore_mem>>
            %dma_start3A_163 = arith.constant 0 : i32
            %dma_start3A_164 = tpu.memref_slice %arg7[%mul3A_138, %dma_start3A_163] : memref<2560x128xi32, #tpu.memory_space<hbm>> -> memref<32x128xi32, #tpu.memory_space<hbm>>
            %dma_start3A_165 = arith.constant 0 : i32
            %dma_start3A_166 = tpu.memref_slice %arg7[%mul3A_138, %dma_start3A_165] : memref<2560x128xi32, #tpu.memory_space<hbm>> -> memref<32x128xi32, #tpu.memory_space<hbm>>
            tpu.enqueue_dma source(%dma_start3A_166 : memref<32x128xi32, #tpu.memory_space<hbm>>) target(%arg13 : memref<32x128xi32, #tpu.memory_space<vmem>>) target_semaphore(%run_scoped3A_162 : memref<!tpu.dma_semaphore, #tpu.memory_space<semaphore_mem>>)
            %dma_wait3A = arith.constant 0 : i32
            %dma_wait3A_167 = tpu.memref_slice %arg7[%mul3A_138, %dma_wait3A] : memref<2560x128xi32, #tpu.memory_space<hbm>> -> memref<32x128xi32, #tpu.memory_space<hbm>>
            %dma_wait3A_168 = arith.constant 0 : i32
            %dma_wait3A_169 = tpu.memref_slice %arg7[%mul3A_138, %dma_wait3A_168] : memref<2560x128xi32, #tpu.memory_space<hbm>> -> memref<32x128xi32, #tpu.memory_space<hbm>>
            tpu.wait_dma2 semaphore(%run_scoped3A_162 : memref<!tpu.dma_semaphore, #tpu.memory_space<semaphore_mem>>) src(%dma_wait3A_169 : memref<32x128xi32, #tpu.memory_space<hbm>>) dst(%arg13 : memref<32x128xi32, #tpu.memory_space<vmem>>)
            tpu.yield
          }) : () -> ()
          %dma_start3A = arith.constant 0 : i32
          %dma_start3A_139 = arith.constant 0 : i32
          %dma_start3A_140 = arith.constant 0 : i32
          %dma_start3A_141 = arith.constant 0 : i32
          %dma_start3A_142 = tpu.memref_slice %arg14[%dma_start3A_139, %dma_start3A_140, %dma_start3A_141] : memref<2x128x128xf32, #tpu.memory_space<vmem>> -> memref<1x128x128xf32, #tpu.memory_space<vmem>>
          %dma_start3A_143 = tpu.memref_squeeze %dma_start3A_142 : memref<1x128x128xf32, #tpu.memory_space<vmem>> -> memref<128x128xf32, #tpu.memory_space<vmem>>
          %dma_start3A_144 = arith.constant 0 : i32
          %dma_start3A_145 = tpu.memref_slice %arg12[%dma_start3A, %dma_start3A_144] : memref<32x128xi32, #tpu.memory_space<vmem>> -> memref<1x128xi32, #tpu.memory_space<vmem>>
          %dma_start3A_146 = tpu.memref_squeeze %dma_start3A_145 : memref<1x128xi32, #tpu.memory_space<vmem>> -> memref<128xi32, #tpu.memory_space<vmem>>
          %dma_start3A_147 = arith.constant 0 : i32
          %dma_start3A_148 = arith.constant 0 : i32
          %dma_start3A_149 = tpu.memref_slice %arg3[%dma_start3A_147, %dma_start3A_148] : memref<10000x128xf32, #tpu.memory_space<hbm>> -> memref<10000x128xf32, #tpu.memory_space<hbm>>
          tpu.enqueue_indirect_dma source(%dma_start3A_149 : memref<10000x128xf32, #tpu.memory_space<hbm>>) target(%dma_start3A_143 : memref<128x128xf32, #tpu.memory_space<vmem>>) offsets(%dma_start3A_146 : memref<128xi32, #tpu.memory_space<vmem>>) semaphore(%arg19 : memref<!tpu.dma_semaphore, #tpu.memory_space<semaphore_mem>>)
          %dma_start3A_150 = arith.constant 1 : i32
          %dma_start3A_151 = arith.constant 1 : i32
          %dma_start3A_152 = arith.constant 0 : i32
          %dma_start3A_153 = arith.constant 0 : i32
          %dma_start3A_154 = tpu.memref_slice %arg14[%dma_start3A_151, %dma_start3A_152, %dma_start3A_153] : memref<2x128x128xf32, #tpu.memory_space<vmem>> -> memref<1x128x128xf32, #tpu.memory_space<vmem>>
          %dma_start3A_155 = tpu.memref_squeeze %dma_start3A_154 : memref<1x128x128xf32, #tpu.memory_space<vmem>> -> memref<128x128xf32, #tpu.memory_space<vmem>>
          %dma_start3A_156 = arith.constant 0 : i32
          %dma_start3A_157 = tpu.memref_slice %arg12[%dma_start3A_150, %dma_start3A_156] : memref<32x128xi32, #tpu.memory_space<vmem>> -> memref<1x128xi32, #tpu.memory_space<vmem>>
          %dma_start3A_158 = tpu.memref_squeeze %dma_start3A_157 : memref<1x128xi32, #tpu.memory_space<vmem>> -> memref<128xi32, #tpu.memory_space<vmem>>
          %dma_start3A_159 = arith.constant 0 : i32
          %dma_start3A_160 = arith.constant 0 : i32
          %dma_start3A_161 = tpu.memref_slice %arg3[%dma_start3A_159, %dma_start3A_160] : memref<10000x128xf32, #tpu.memory_space<hbm>> -> memref<10000x128xf32, #tpu.memory_space<hbm>>
          tpu.enqueue_indirect_dma source(%dma_start3A_161 : memref<10000x128xf32, #tpu.memory_space<hbm>>) target(%dma_start3A_155 : memref<128x128xf32, #tpu.memory_space<vmem>>) offsets(%dma_start3A_158 : memref<128xi32, #tpu.memory_space<vmem>>) semaphore(%arg20 : memref<!tpu.dma_semaphore, #tpu.memory_space<semaphore_mem>>)
        } else {
        }
        %scan3A_125 = arith.constant 0 : i32
        %scan3A_126 = arith.constant 0 : i32
        %scan3A_127 = arith.constant 16 : i32
        %scan3A_128 = arith.addi %scan3A_126, %scan3A_127 : i32
        %scan3A_129 = arith.constant 1 : i32
        scf.for %scan3A_137 = %scan3A_126 to %scan3A_128 step %scan3A_129  : i32 {
          %mul3A_138 = arith.constant 2 : i32
          %mul3A_139 = arith.muli %mul3A_138, %scan3A_137 : i32
          %add3A_140 = arith.constant 0 : i32
          %add3A_141 = arith.addi %mul3A_139, %add3A_140 : i32
          %dma_wait3A = arith.constant 0 : i32
          %dma_wait3A_142 = arith.constant 0 : i32
          %dma_wait3A_143 = arith.constant 0 : i32
          %dma_wait3A_144 = tpu.memref_slice %arg14[%dma_wait3A, %dma_wait3A_142, %dma_wait3A_143] : memref<2x128x128xf32, #tpu.memory_space<vmem>> -> memref<1x128x128xf32, #tpu.memory_space<vmem>>
          %dma_wait3A_145 = tpu.memref_squeeze %dma_wait3A_144 : memref<1x128x128xf32, #tpu.memory_space<vmem>> -> memref<128x128xf32, #tpu.memory_space<vmem>>
          %dma_wait3A_146 = arith.constant 0 : i32
          %dma_wait3A_147 = tpu.memref_slice %arg12[%add3A_141, %dma_wait3A_146] : memref<32x128xi32, #tpu.memory_space<vmem>> -> memref<1x128xi32, #tpu.memory_space<vmem>>
          %dma_wait3A_148 = tpu.memref_squeeze %dma_wait3A_147 : memref<1x128xi32, #tpu.memory_space<vmem>> -> memref<128xi32, #tpu.memory_space<vmem>>
          %dma_wait3A_149 = arith.constant 0 : i32
          %dma_wait3A_150 = arith.constant 0 : i32
          %dma_wait3A_151 = tpu.memref_slice %arg3[%dma_wait3A_149, %dma_wait3A_150] : memref<10000x128xf32, #tpu.memory_space<hbm>> -> memref<10000x128xf32, #tpu.memory_space<hbm>>
          tpu.wait_indirect_dma semaphore(%arg19 : memref<!tpu.dma_semaphore, #tpu.memory_space<semaphore_mem>>) src(%dma_wait3A_151 : memref<10000x128xf32, #tpu.memory_space<hbm>>) dst(%dma_wait3A_145 : memref<128x128xf32, #tpu.memory_space<vmem>>)
          %dma_start3A = arith.constant 0 : i32
          %dma_start3A_152 = arith.constant 0 : i32
          %dma_start3A_153 = arith.constant 0 : i32
          %dma_start3A_154 = tpu.memref_slice %arg14[%dma_start3A, %dma_start3A_152, %dma_start3A_153] : memref<2x128x128xf32, #tpu.memory_space<vmem>> -> memref<1x128x128xf32, #tpu.memory_space<vmem>>
          %dma_start3A_155 = tpu.memref_squeeze %dma_start3A_154 : memref<1x128x128xf32, #tpu.memory_space<vmem>> -> memref<128x128xf32, #tpu.memory_space<vmem>>
          %dma_start3A_156 = arith.constant 0 : i32
          %dma_start3A_157 = tpu.memref_slice %arg13[%add3A_141, %dma_start3A_156] : memref<32x128xi32, #tpu.memory_space<vmem>> -> memref<1x128xi32, #tpu.memory_space<vmem>>
          %dma_start3A_158 = tpu.memref_squeeze %dma_start3A_157 : memref<1x128xi32, #tpu.memory_space<vmem>> -> memref<128xi32, #tpu.memory_space<vmem>>
          %dma_start3A_159 = arith.constant 0 : i32
          %dma_start3A_160 = arith.constant 0 : i32
          %dma_start3A_161 = tpu.memref_slice %arg17[%dma_start3A_159, %dma_start3A_160] : memref<10240x128xf32, #tpu.memory_space<vmem_shared>> -> memref<10240x128xf32, #tpu.memory_space<vmem_shared>>
          tpu.enqueue_indirect_dma source(%dma_start3A_155 : memref<128x128xf32, #tpu.memory_space<vmem>>) target(%dma_start3A_161 : memref<10240x128xf32, #tpu.memory_space<vmem_shared>>) offsets(%dma_start3A_158 : memref<128xi32, #tpu.memory_space<vmem>>) semaphore(%arg21 : memref<!tpu.dma_semaphore, #tpu.memory_space<semaphore_mem>>) {add = true}
          %dma_start3A_162 = arith.constant 0 : i32
          %dma_start3A_163 = tpu.memref_slice %arg13[%add3A_141, %dma_start3A_162] : memref<32x128xi32, #tpu.memory_space<vmem>> -> memref<1x128xi32, #tpu.memory_space<vmem>>
          %dma_start3A_164 = tpu.memref_squeeze %dma_start3A_163 : memref<1x128xi32, #tpu.memory_space<vmem>> -> memref<128xi32, #tpu.memory_space<vmem>>
          %dma_start3A_165 = arith.constant 0 : i32
          %dma_start3A_166 = tpu.memref_slice %arg18[%dma_start3A_165] : memref<10240xf32, #tpu.memory_space<vmem_shared>> -> memref<10240xf32, #tpu.memory_space<vmem_shared>>
          tpu.enqueue_indirect_dma source(%arg15 : memref<128xf32, #tpu.memory_space<vmem>>) target(%dma_start3A_166 : memref<10240xf32, #tpu.memory_space<vmem_shared>>) offsets(%dma_start3A_164 : memref<128xi32, #tpu.memory_space<vmem>>) semaphore(%arg22 : memref<!tpu.dma_semaphore, #tpu.memory_space<semaphore_mem>>) {add = true}
          %dma_wait3A_167 = arith.constant 0 : i32
          %dma_wait3A_168 = arith.constant 0 : i32
          %dma_wait3A_169 = arith.constant 0 : i32
          %dma_wait3A_170 = tpu.memref_slice %arg14[%dma_wait3A_167, %dma_wait3A_168, %dma_wait3A_169] : memref<2x128x128xf32, #tpu.memory_space<vmem>> -> memref<1x128x128xf32, #tpu.memory_space<vmem>>
          %dma_wait3A_171 = tpu.memref_squeeze %dma_wait3A_170 : memref<1x128x128xf32, #tpu.memory_space<vmem>> -> memref<128x128xf32, #tpu.memory_space<vmem>>
          %dma_wait3A_172 = arith.constant 0 : i32
          %dma_wait3A_173 = tpu.memref_slice %arg13[%add3A_141, %dma_wait3A_172] : memref<32x128xi32, #tpu.memory_space<vmem>> -> memref<1x128xi32, #tpu.memory_space<vmem>>
          %dma_wait3A_174 = tpu.memref_squeeze %dma_wait3A_173 : memref<1x128xi32, #tpu.memory_space<vmem>> -> memref<128xi32, #tpu.memory_space<vmem>>
          %dma_wait3A_175 = arith.constant 0 : i32
          %dma_wait3A_176 = arith.constant 0 : i32
          %dma_wait3A_177 = tpu.memref_slice %arg17[%dma_wait3A_175, %dma_wait3A_176] : memref<10240x128xf32, #tpu.memory_space<vmem_shared>> -> memref<10240x128xf32, #tpu.memory_space<vmem_shared>>
          tpu.wait_indirect_dma semaphore(%arg21 : memref<!tpu.dma_semaphore, #tpu.memory_space<semaphore_mem>>) src(%dma_wait3A_171 : memref<128x128xf32, #tpu.memory_space<vmem>>) dst(%dma_wait3A_177 : memref<10240x128xf32, #tpu.memory_space<vmem_shared>>)
          %add3A_178 = arith.constant 2 : i32
          %add3A_179 = arith.addi %add3A_141, %add3A_178 : i32
          %lt3A_180 = arith.constant 32 : i32
          %lt3A_181 = arith.cmpi slt, %add3A_179, %lt3A_180 : i32
          %convert_element_type3A_182 = arith.extui %lt3A_181 : i1 to i32
          %cond3A_183 = arith.constant 0 : i32
          %cond3A_184 = arith.cmpi ne, %convert_element_type3A_182, %cond3A_183 : i32
          scf.if %cond3A_184 {
            %add3A_244 = arith.constant 2 : i32
            %add3A_245 = arith.addi %add3A_141, %add3A_244 : i32
            %dma_start3A_246 = arith.constant 0 : i32
            %dma_start3A_247 = arith.constant 0 : i32
            %dma_start3A_248 = arith.constant 0 : i32
            %dma_start3A_249 = tpu.memref_slice %arg14[%dma_start3A_246, %dma_start3A_247, %dma_start3A_248] : memref<2x128x128xf32, #tpu.memory_space<vmem>> -> memref<1x128x128xf32, #tpu.memory_space<vmem>>
            %dma_start3A_250 = tpu.memref_squeeze %dma_start3A_249 : memref<1x128x128xf32, #tpu.memory_space<vmem>> -> memref<128x128xf32, #tpu.memory_space<vmem>>
            %dma_start3A_251 = arith.constant 0 : i32
            %dma_start3A_252 = tpu.memref_slice %arg12[%add3A_245, %dma_start3A_251] : memref<32x128xi32, #tpu.memory_space<vmem>> -> memref<1x128xi32, #tpu.memory_space<vmem>>
            %dma_start3A_253 = tpu.memref_squeeze %dma_start3A_252 : memref<1x128xi32, #tpu.memory_space<vmem>> -> memref<128xi32, #tpu.memory_space<vmem>>
            %dma_start3A_254 = arith.constant 0 : i32
            %dma_start3A_255 = arith.constant 0 : i32
            %dma_start3A_256 = tpu.memref_slice %arg3[%dma_start3A_254, %dma_start3A_255] : memref<10000x128xf32, #tpu.memory_space<hbm>> -> memref<10000x128xf32, #tpu.memory_space<hbm>>
            tpu.enqueue_indirect_dma source(%dma_start3A_256 : memref<10000x128xf32, #tpu.memory_space<hbm>>) target(%dma_start3A_250 : memref<128x128xf32, #tpu.memory_space<vmem>>) offsets(%dma_start3A_253 : memref<128xi32, #tpu.memory_space<vmem>>) semaphore(%arg19 : memref<!tpu.dma_semaphore, #tpu.memory_space<semaphore_mem>>)
          } else {
          }
          %mul3A_185 = arith.constant 2 : i32
          %mul3A_186 = arith.muli %mul3A_185, %scan3A_137 : i32
          %add3A_187 = arith.constant 1 : i32
          %add3A_188 = arith.addi %mul3A_186, %add3A_187 : i32
          %dma_wait3A_189 = arith.constant 1 : i32
          %dma_wait3A_190 = arith.constant 0 : i32
          %dma_wait3A_191 = arith.constant 0 : i32
          %dma_wait3A_192 = tpu.memref_slice %arg14[%dma_wait3A_189, %dma_wait3A_190, %dma_wait3A_191] : memref<2x128x128xf32, #tpu.memory_space<vmem>> -> memref<1x128x128xf32, #tpu.memory_space<vmem>>
          %dma_wait3A_193 = tpu.memref_squeeze %dma_wait3A_192 : memref<1x128x128xf32, #tpu.memory_space<vmem>> -> memref<128x128xf32, #tpu.memory_space<vmem>>
          %dma_wait3A_194 = arith.constant 0 : i32
          %dma_wait3A_195 = tpu.memref_slice %arg12[%add3A_188, %dma_wait3A_194] : memref<32x128xi32, #tpu.memory_space<vmem>> -> memref<1x128xi32, #tpu.memory_space<vmem>>
          %dma_wait3A_196 = tpu.memref_squeeze %dma_wait3A_195 : memref<1x128xi32, #tpu.memory_space<vmem>> -> memref<128xi32, #tpu.memory_space<vmem>>
          %dma_wait3A_197 = arith.constant 0 : i32
          %dma_wait3A_198 = arith.constant 0 : i32
          %dma_wait3A_199 = tpu.memref_slice %arg3[%dma_wait3A_197, %dma_wait3A_198] : memref<10000x128xf32, #tpu.memory_space<hbm>> -> memref<10000x128xf32, #tpu.memory_space<hbm>>
          tpu.wait_indirect_dma semaphore(%arg20 : memref<!tpu.dma_semaphore, #tpu.memory_space<semaphore_mem>>) src(%dma_wait3A_199 : memref<10000x128xf32, #tpu.memory_space<hbm>>) dst(%dma_wait3A_193 : memref<128x128xf32, #tpu.memory_space<vmem>>)
          %dma_start3A_200 = arith.constant 1 : i32
          %dma_start3A_201 = arith.constant 0 : i32
          %dma_start3A_202 = arith.constant 0 : i32
          %dma_start3A_203 = tpu.memref_slice %arg14[%dma_start3A_200, %dma_start3A_201, %dma_start3A_202] : memref<2x128x128xf32, #tpu.memory_space<vmem>> -> memref<1x128x128xf32, #tpu.memory_space<vmem>>
          %dma_start3A_204 = tpu.memref_squeeze %dma_start3A_203 : memref<1x128x128xf32, #tpu.memory_space<vmem>> -> memref<128x128xf32, #tpu.memory_space<vmem>>
          %dma_start3A_205 = arith.constant 0 : i32
          %dma_start3A_206 = tpu.memref_slice %arg13[%add3A_188, %dma_start3A_205] : memref<32x128xi32, #tpu.memory_space<vmem>> -> memref<1x128xi32, #tpu.memory_space<vmem>>
          %dma_start3A_207 = tpu.memref_squeeze %dma_start3A_206 : memref<1x128xi32, #tpu.memory_space<vmem>> -> memref<128xi32, #tpu.memory_space<vmem>>
          %dma_start3A_208 = arith.constant 0 : i32
          %dma_start3A_209 = arith.constant 0 : i32
          %dma_start3A_210 = tpu.memref_slice %arg17[%dma_start3A_208, %dma_start3A_209] : memref<10240x128xf32, #tpu.memory_space<vmem_shared>> -> memref<10240x128xf32, #tpu.memory_space<vmem_shared>>
          tpu.enqueue_indirect_dma source(%dma_start3A_204 : memref<128x128xf32, #tpu.memory_space<vmem>>) target(%dma_start3A_210 : memref<10240x128xf32, #tpu.memory_space<vmem_shared>>) offsets(%dma_start3A_207 : memref<128xi32, #tpu.memory_space<vmem>>) semaphore(%arg21 : memref<!tpu.dma_semaphore, #tpu.memory_space<semaphore_mem>>) {add = true}
          %dma_start3A_211 = arith.constant 0 : i32
          %dma_start3A_212 = tpu.memref_slice %arg13[%add3A_188, %dma_start3A_211] : memref<32x128xi32, #tpu.memory_space<vmem>> -> memref<1x128xi32, #tpu.memory_space<vmem>>
          %dma_start3A_213 = tpu.memref_squeeze %dma_start3A_212 : memref<1x128xi32, #tpu.memory_space<vmem>> -> memref<128xi32, #tpu.memory_space<vmem>>
          %dma_start3A_214 = arith.constant 0 : i32
          %dma_start3A_215 = tpu.memref_slice %arg18[%dma_start3A_214] : memref<10240xf32, #tpu.memory_space<vmem_shared>> -> memref<10240xf32, #tpu.memory_space<vmem_shared>>
          tpu.enqueue_indirect_dma source(%arg15 : memref<128xf32, #tpu.memory_space<vmem>>) target(%dma_start3A_215 : memref<10240xf32, #tpu.memory_space<vmem_shared>>) offsets(%dma_start3A_213 : memref<128xi32, #tpu.memory_space<vmem>>) semaphore(%arg22 : memref<!tpu.dma_semaphore, #tpu.memory_space<semaphore_mem>>) {add = true}
          %dma_wait3A_216 = arith.constant 1 : i32
          %dma_wait3A_217 = arith.constant 0 : i32
          %dma_wait3A_218 = arith.constant 0 : i32
          %dma_wait3A_219 = tpu.memref_slice %arg14[%dma_wait3A_216, %dma_wait3A_217, %dma_wait3A_218] : memref<2x128x128xf32, #tpu.memory_space<vmem>> -> memref<1x128x128xf32, #tpu.memory_space<vmem>>
          %dma_wait3A_220 = tpu.memref_squeeze %dma_wait3A_219 : memref<1x128x128xf32, #tpu.memory_space<vmem>> -> memref<128x128xf32, #tpu.memory_space<vmem>>
          %dma_wait3A_221 = arith.constant 0 : i32
          %dma_wait3A_222 = tpu.memref_slice %arg13[%add3A_188, %dma_wait3A_221] : memref<32x128xi32, #tpu.memory_space<vmem>> -> memref<1x128xi32, #tpu.memory_space<vmem>>
          %dma_wait3A_223 = tpu.memref_squeeze %dma_wait3A_222 : memref<1x128xi32, #tpu.memory_space<vmem>> -> memref<128xi32, #tpu.memory_space<vmem>>
          %dma_wait3A_224 = arith.constant 0 : i32
          %dma_wait3A_225 = arith.constant 0 : i32
          %dma_wait3A_226 = tpu.memref_slice %arg17[%dma_wait3A_224, %dma_wait3A_225] : memref<10240x128xf32, #tpu.memory_space<vmem_shared>> -> memref<10240x128xf32, #tpu.memory_space<vmem_shared>>
          tpu.wait_indirect_dma semaphore(%arg21 : memref<!tpu.dma_semaphore, #tpu.memory_space<semaphore_mem>>) src(%dma_wait3A_220 : memref<128x128xf32, #tpu.memory_space<vmem>>) dst(%dma_wait3A_226 : memref<10240x128xf32, #tpu.memory_space<vmem_shared>>)
          %add3A_227 = arith.constant 2 : i32
          %add3A_228 = arith.addi %add3A_188, %add3A_227 : i32
          %lt3A_229 = arith.constant 32 : i32
          %lt3A_230 = arith.cmpi slt, %add3A_228, %lt3A_229 : i32
          %convert_element_type3A_231 = arith.extui %lt3A_230 : i1 to i32
          %cond3A_232 = arith.constant 0 : i32
          %cond3A_233 = arith.cmpi ne, %convert_element_type3A_231, %cond3A_232 : i32
          scf.if %cond3A_233 {
            %add3A_244 = arith.constant 2 : i32
            %add3A_245 = arith.addi %add3A_188, %add3A_244 : i32
            %dma_start3A_246 = arith.constant 1 : i32
            %dma_start3A_247 = arith.constant 0 : i32
            %dma_start3A_248 = arith.constant 0 : i32
            %dma_start3A_249 = tpu.memref_slice %arg14[%dma_start3A_246, %dma_start3A_247, %dma_start3A_248] : memref<2x128x128xf32, #tpu.memory_space<vmem>> -> memref<1x128x128xf32, #tpu.memory_space<vmem>>
            %dma_start3A_250 = tpu.memref_squeeze %dma_start3A_249 : memref<1x128x128xf32, #tpu.memory_space<vmem>> -> memref<128x128xf32, #tpu.memory_space<vmem>>
            %dma_start3A_251 = arith.constant 0 : i32
            %dma_start3A_252 = tpu.memref_slice %arg12[%add3A_245, %dma_start3A_251] : memref<32x128xi32, #tpu.memory_space<vmem>> -> memref<1x128xi32, #tpu.memory_space<vmem>>
            %dma_start3A_253 = tpu.memref_squeeze %dma_start3A_252 : memref<1x128xi32, #tpu.memory_space<vmem>> -> memref<128xi32, #tpu.memory_space<vmem>>
            %dma_start3A_254 = arith.constant 0 : i32
            %dma_start3A_255 = arith.constant 0 : i32
            %dma_start3A_256 = tpu.memref_slice %arg3[%dma_start3A_254, %dma_start3A_255] : memref<10000x128xf32, #tpu.memory_space<hbm>> -> memref<10000x128xf32, #tpu.memory_space<hbm>>
            tpu.enqueue_indirect_dma source(%dma_start3A_256 : memref<10000x128xf32, #tpu.memory_space<hbm>>) target(%dma_start3A_250 : memref<128x128xf32, #tpu.memory_space<vmem>>) offsets(%dma_start3A_253 : memref<128xi32, #tpu.memory_space<vmem>>) semaphore(%arg20 : memref<!tpu.dma_semaphore, #tpu.memory_space<semaphore_mem>>)
          } else {
          }
          %dma_wait3A_234 = arith.constant 0 : i32
          %dma_wait3A_235 = tpu.memref_slice %arg13[%add3A_141, %dma_wait3A_234] : memref<32x128xi32, #tpu.memory_space<vmem>> -> memref<1x128xi32, #tpu.memory_space<vmem>>
          %dma_wait3A_236 = tpu.memref_squeeze %dma_wait3A_235 : memref<1x128xi32, #tpu.memory_space<vmem>> -> memref<128xi32, #tpu.memory_space<vmem>>
          %dma_wait3A_237 = arith.constant 0 : i32
          %dma_wait3A_238 = tpu.memref_slice %arg18[%dma_wait3A_237] : memref<10240xf32, #tpu.memory_space<vmem_shared>> -> memref<10240xf32, #tpu.memory_space<vmem_shared>>
          tpu.wait_indirect_dma semaphore(%arg22 : memref<!tpu.dma_semaphore, #tpu.memory_space<semaphore_mem>>) src(%arg15 : memref<128xf32, #tpu.memory_space<vmem>>) dst(%dma_wait3A_238 : memref<10240xf32, #tpu.memory_space<vmem_shared>>)
          %dma_wait3A_239 = arith.constant 0 : i32
          %dma_wait3A_240 = tpu.memref_slice %arg13[%add3A_188, %dma_wait3A_239] : memref<32x128xi32, #tpu.memory_space<vmem>> -> memref<1x128xi32, #tpu.memory_space<vmem>>
          %dma_wait3A_241 = tpu.memref_squeeze %dma_wait3A_240 : memref<1x128xi32, #tpu.memory_space<vmem>> -> memref<128xi32, #tpu.memory_space<vmem>>
          %dma_wait3A_242 = arith.constant 0 : i32
          %dma_wait3A_243 = tpu.memref_slice %arg18[%dma_wait3A_242] : memref<10240xf32, #tpu.memory_space<vmem_shared>> -> memref<10240xf32, #tpu.memory_space<vmem_shared>>
          tpu.wait_indirect_dma semaphore(%arg22 : memref<!tpu.dma_semaphore, #tpu.memory_space<semaphore_mem>>) src(%arg15 : memref<128xf32, #tpu.memory_space<vmem>>) dst(%dma_wait3A_243 : memref<10240xf32, #tpu.memory_space<vmem_shared>>)
        }
        %scan3A_130 = arith.constant 16 : i32
        %add3A_131 = arith.constant 1 : i32
        %add3A_132 = arith.addi %scan3A_119, %add3A_131 : i32
        %lt3A = arith.constant 5 : i32
        %lt3A_133 = arith.cmpi slt, %add3A_132, %lt3A : i32
        %convert_element_type3A_134 = arith.extui %lt3A_133 : i1 to i32
        %cond3A_135 = arith.constant 0 : i32
        %cond3A_136 = arith.cmpi ne, %convert_element_type3A_134, %cond3A_135 : i32
        scf.if %cond3A_136 {
          %mul3A_137 = arith.constant 160 : i32
          %mul3A_138 = arith.muli %arg1, %mul3A_137 : i32
          %add3A_139 = arith.constant 1 : i32
          %add3A_140 = arith.addi %scan3A_119, %add3A_139 : i32
          %mul3A_141 = arith.constant 32 : i32
          %mul3A_142 = arith.muli %add3A_140, %mul3A_141 : i32
          %add3A_143 = arith.addi %mul3A_138, %mul3A_142 : i32
          "tpu.region"() ({
            %run_scoped3A_167 = tpu.sem_alloc : memref<!tpu.dma_semaphore, #tpu.memory_space<semaphore_mem>>
            %dma_start3A_168 = arith.constant 0 : i32
            %dma_start3A_169 = tpu.memref_slice %arg6[%add3A_143, %dma_start3A_168] : memref<2560x128xi32, #tpu.memory_space<hbm>> -> memref<32x128xi32, #tpu.memory_space<hbm>>
            %dma_start3A_170 = arith.constant 0 : i32
            %dma_start3A_171 = tpu.memref_slice %arg6[%add3A_143, %dma_start3A_170] : memref<2560x128xi32, #tpu.memory_space<hbm>> -> memref<32x128xi32, #tpu.memory_space<hbm>>
            tpu.enqueue_dma source(%dma_start3A_171 : memref<32x128xi32, #tpu.memory_space<hbm>>) target(%arg12 : memref<32x128xi32, #tpu.memory_space<vmem>>) target_semaphore(%run_scoped3A_167 : memref<!tpu.dma_semaphore, #tpu.memory_space<semaphore_mem>>)
            %dma_wait3A = arith.constant 0 : i32
            %dma_wait3A_172 = tpu.memref_slice %arg6[%add3A_143, %dma_wait3A] : memref<2560x128xi32, #tpu.memory_space<hbm>> -> memref<32x128xi32, #tpu.memory_space<hbm>>
            %dma_wait3A_173 = arith.constant 0 : i32
            %dma_wait3A_174 = tpu.memref_slice %arg6[%add3A_143, %dma_wait3A_173] : memref<2560x128xi32, #tpu.memory_space<hbm>> -> memref<32x128xi32, #tpu.memory_space<hbm>>
            tpu.wait_dma2 semaphore(%run_scoped3A_167 : memref<!tpu.dma_semaphore, #tpu.memory_space<semaphore_mem>>) src(%dma_wait3A_174 : memref<32x128xi32, #tpu.memory_space<hbm>>) dst(%arg12 : memref<32x128xi32, #tpu.memory_space<vmem>>)
            tpu.yield
          }) : () -> ()
          "tpu.region"() ({
            %run_scoped3A_167 = tpu.sem_alloc : memref<!tpu.dma_semaphore, #tpu.memory_space<semaphore_mem>>
            %dma_start3A_168 = arith.constant 0 : i32
            %dma_start3A_169 = tpu.memref_slice %arg7[%add3A_143, %dma_start3A_168] : memref<2560x128xi32, #tpu.memory_space<hbm>> -> memref<32x128xi32, #tpu.memory_space<hbm>>
            %dma_start3A_170 = arith.constant 0 : i32
            %dma_start3A_171 = tpu.memref_slice %arg7[%add3A_143, %dma_start3A_170] : memref<2560x128xi32, #tpu.memory_space<hbm>> -> memref<32x128xi32, #tpu.memory_space<hbm>>
            tpu.enqueue_dma source(%dma_start3A_171 : memref<32x128xi32, #tpu.memory_space<hbm>>) target(%arg13 : memref<32x128xi32, #tpu.memory_space<vmem>>) target_semaphore(%run_scoped3A_167 : memref<!tpu.dma_semaphore, #tpu.memory_space<semaphore_mem>>)
            %dma_wait3A = arith.constant 0 : i32
            %dma_wait3A_172 = tpu.memref_slice %arg7[%add3A_143, %dma_wait3A] : memref<2560x128xi32, #tpu.memory_space<hbm>> -> memref<32x128xi32, #tpu.memory_space<hbm>>
            %dma_wait3A_173 = arith.constant 0 : i32
            %dma_wait3A_174 = tpu.memref_slice %arg7[%add3A_143, %dma_wait3A_173] : memref<2560x128xi32, #tpu.memory_space<hbm>> -> memref<32x128xi32, #tpu.memory_space<hbm>>
            tpu.wait_dma2 semaphore(%run_scoped3A_167 : memref<!tpu.dma_semaphore, #tpu.memory_space<semaphore_mem>>) src(%dma_wait3A_174 : memref<32x128xi32, #tpu.memory_space<hbm>>) dst(%arg13 : memref<32x128xi32, #tpu.memory_space<vmem>>)
            tpu.yield
          }) : () -> ()
          %dma_start3A = arith.constant 0 : i32
          %dma_start3A_144 = arith.constant 0 : i32
          %dma_start3A_145 = arith.constant 0 : i32
          %dma_start3A_146 = arith.constant 0 : i32
          %dma_start3A_147 = tpu.memref_slice %arg14[%dma_start3A_144, %dma_start3A_145, %dma_start3A_146] : memref<2x128x128xf32, #tpu.memory_space<vmem>> -> memref<1x128x128xf32, #tpu.memory_space<vmem>>
          %dma_start3A_148 = tpu.memref_squeeze %dma_start3A_147 : memref<1x128x128xf32, #tpu.memory_space<vmem>> -> memref<128x128xf32, #tpu.memory_space<vmem>>
          %dma_start3A_149 = arith.constant 0 : i32
          %dma_start3A_150 = tpu.memref_slice %arg12[%dma_start3A, %dma_start3A_149] : memref<32x128xi32, #tpu.memory_space<vmem>> -> memref<1x128xi32, #tpu.memory_space<vmem>>
          %dma_start3A_151 = tpu.memref_squeeze %dma_start3A_150 : memref<1x128xi32, #tpu.memory_space<vmem>> -> memref<128xi32, #tpu.memory_space<vmem>>
          %dma_start3A_152 = arith.constant 0 : i32
          %dma_start3A_153 = arith.constant 0 : i32
          %dma_start3A_154 = tpu.memref_slice %arg3[%dma_start3A_152, %dma_start3A_153] : memref<10000x128xf32, #tpu.memory_space<hbm>> -> memref<10000x128xf32, #tpu.memory_space<hbm>>
          tpu.enqueue_indirect_dma source(%dma_start3A_154 : memref<10000x128xf32, #tpu.memory_space<hbm>>) target(%dma_start3A_148 : memref<128x128xf32, #tpu.memory_space<vmem>>) offsets(%dma_start3A_151 : memref<128xi32, #tpu.memory_space<vmem>>) semaphore(%arg19 : memref<!tpu.dma_semaphore, #tpu.memory_space<semaphore_mem>>)
          %dma_start3A_155 = arith.constant 1 : i32
          %dma_start3A_156 = arith.constant 1 : i32
          %dma_start3A_157 = arith.constant 0 : i32
          %dma_start3A_158 = arith.constant 0 : i32
          %dma_start3A_159 = tpu.memref_slice %arg14[%dma_start3A_156, %dma_start3A_157, %dma_start3A_158] : memref<2x128x128xf32, #tpu.memory_space<vmem>> -> memref<1x128x128xf32, #tpu.memory_space<vmem>>
          %dma_start3A_160 = tpu.memref_squeeze %dma_start3A_159 : memref<1x128x128xf32, #tpu.memory_space<vmem>> -> memref<128x128xf32, #tpu.memory_space<vmem>>
          %dma_start3A_161 = arith.constant 0 : i32
          %dma_start3A_162 = tpu.memref_slice %arg12[%dma_start3A_155, %dma_start3A_161] : memref<32x128xi32, #tpu.memory_space<vmem>> -> memref<1x128xi32, #tpu.memory_space<vmem>>
          %dma_start3A_163 = tpu.memref_squeeze %dma_start3A_162 : memref<1x128xi32, #tpu.memory_space<vmem>> -> memref<128xi32, #tpu.memory_space<vmem>>
          %dma_start3A_164 = arith.constant 0 : i32
          %dma_start3A_165 = arith.constant 0 : i32
          %dma_start3A_166 = tpu.memref_slice %arg3[%dma_start3A_164, %dma_start3A_165] : memref<10000x128xf32, #tpu.memory_space<hbm>> -> memref<10000x128xf32, #tpu.memory_space<hbm>>
          tpu.enqueue_indirect_dma source(%dma_start3A_166 : memref<10000x128xf32, #tpu.memory_space<hbm>>) target(%dma_start3A_160 : memref<128x128xf32, #tpu.memory_space<vmem>>) offsets(%dma_start3A_163 : memref<128xi32, #tpu.memory_space<vmem>>) semaphore(%arg20 : memref<!tpu.dma_semaphore, #tpu.memory_space<semaphore_mem>>)
        } else {
        }
      }
      %scan3A_93 = arith.constant 5 : i32
      %barrier3A_94 = arith.constant 0 : index
      tpu.barrier barrier_id(%barrier3A_94)
      %mul3A_95 = arith.constant 640 : i32
      %mul3A_96 = arith.muli %arg1, %mul3A_95 : i32
      %add3A_97 = arith.constant 0 : i32
      %add3A_98 = arith.addi %mul3A_96, %add3A_97 : i32
      "tpu.region"() ({
        %run_scoped3A_119 = tpu.sem_alloc : memref<!tpu.dma_semaphore, #tpu.memory_space<semaphore_mem>>
        %dma_start3A = arith.constant 0 : i32
        %dma_start3A_120 = tpu.memref_slice %arg10[%add3A_98, %dma_start3A] : memref<10240x128xf32, #tpu.memory_space<hbm>> -> memref<128x128xf32, #tpu.memory_space<hbm>>
        %dma_start3A_121 = arith.constant 0 : i32
        %dma_start3A_122 = tpu.memref_slice %arg17[%add3A_98, %dma_start3A_121] : memref<10240x128xf32, #tpu.memory_space<vmem_shared>> -> memref<128x128xf32, #tpu.memory_space<vmem_shared>>
        tpu.enqueue_dma source(%dma_start3A_122 : memref<128x128xf32, #tpu.memory_space<vmem_shared>>) target(%dma_start3A_120 : memref<128x128xf32, #tpu.memory_space<hbm>>) target_semaphore(%run_scoped3A_119 : memref<!tpu.dma_semaphore, #tpu.memory_space<semaphore_mem>>)
        %dma_wait3A = arith.constant 0 : i32
        %dma_wait3A_123 = tpu.memref_slice %arg10[%add3A_98, %dma_wait3A] : memref<10240x128xf32, #tpu.memory_space<hbm>> -> memref<128x128xf32, #tpu.memory_space<hbm>>
        %dma_wait3A_124 = arith.constant 0 : i32
        %dma_wait3A_125 = tpu.memref_slice %arg17[%add3A_98, %dma_wait3A_124] : memref<10240x128xf32, #tpu.memory_space<vmem_shared>> -> memref<128x128xf32, #tpu.memory_space<vmem_shared>>
        tpu.wait_dma2 semaphore(%run_scoped3A_119 : memref<!tpu.dma_semaphore, #tpu.memory_space<semaphore_mem>>) src(%dma_wait3A_125 : memref<128x128xf32, #tpu.memory_space<vmem_shared>>) dst(%dma_wait3A_123 : memref<128x128xf32, #tpu.memory_space<hbm>>)
        tpu.yield
      }) : () -> ()
      %mul3A_99 = arith.constant 640 : i32
      %mul3A_100 = arith.muli %arg1, %mul3A_99 : i32
      %add3A_101 = arith.constant 128 : i32
      %add3A_102 = arith.addi %mul3A_100, %add3A_101 : i32
      "tpu.region"() ({
        %run_scoped3A_119 = tpu.sem_alloc : memref<!tpu.dma_semaphore, #tpu.memory_space<semaphore_mem>>
        %dma_start3A = arith.constant 0 : i32
        %dma_start3A_120 = tpu.memref_slice %arg10[%add3A_102, %dma_start3A] : memref<10240x128xf32, #tpu.memory_space<hbm>> -> memref<128x128xf32, #tpu.memory_space<hbm>>
        %dma_start3A_121 = arith.constant 0 : i32
        %dma_start3A_122 = tpu.memref_slice %arg17[%add3A_102, %dma_start3A_121] : memref<10240x128xf32, #tpu.memory_space<vmem_shared>> -> memref<128x128xf32, #tpu.memory_space<vmem_shared>>
        tpu.enqueue_dma source(%dma_start3A_122 : memref<128x128xf32, #tpu.memory_space<vmem_shared>>) target(%dma_start3A_120 : memref<128x128xf32, #tpu.memory_space<hbm>>) target_semaphore(%run_scoped3A_119 : memref<!tpu.dma_semaphore, #tpu.memory_space<semaphore_mem>>)
        %dma_wait3A = arith.constant 0 : i32
        %dma_wait3A_123 = tpu.memref_slice %arg10[%add3A_102, %dma_wait3A] : memref<10240x128xf32, #tpu.memory_space<hbm>> -> memref<128x128xf32, #tpu.memory_space<hbm>>
        %dma_wait3A_124 = arith.constant 0 : i32
        %dma_wait3A_125 = tpu.memref_slice %arg17[%add3A_102, %dma_wait3A_124] : memref<10240x128xf32, #tpu.memory_space<vmem_shared>> -> memref<128x128xf32, #tpu.memory_space<vmem_shared>>
        tpu.wait_dma2 semaphore(%run_scoped3A_119 : memref<!tpu.dma_semaphore, #tpu.memory_space<semaphore_mem>>) src(%dma_wait3A_125 : memref<128x128xf32, #tpu.memory_space<vmem_shared>>) dst(%dma_wait3A_123 : memref<128x128xf32, #tpu.memory_space<hbm>>)
        tpu.yield
      }) : () -> ()
      %mul3A_103 = arith.constant 640 : i32
      %mul3A_104 = arith.muli %arg1, %mul3A_103 : i32
      %add3A_105 = arith.constant 256 : i32
      %add3A_106 = arith.addi %mul3A_104, %add3A_105 : i32
      "tpu.region"() ({
        %run_scoped3A_119 = tpu.sem_alloc : memref<!tpu.dma_semaphore, #tpu.memory_space<semaphore_mem>>
        %dma_start3A = arith.constant 0 : i32
        %dma_start3A_120 = tpu.memref_slice %arg10[%add3A_106, %dma_start3A] : memref<10240x128xf32, #tpu.memory_space<hbm>> -> memref<128x128xf32, #tpu.memory_space<hbm>>
        %dma_start3A_121 = arith.constant 0 : i32
        %dma_start3A_122 = tpu.memref_slice %arg17[%add3A_106, %dma_start3A_121] : memref<10240x128xf32, #tpu.memory_space<vmem_shared>> -> memref<128x128xf32, #tpu.memory_space<vmem_shared>>
        tpu.enqueue_dma source(%dma_start3A_122 : memref<128x128xf32, #tpu.memory_space<vmem_shared>>) target(%dma_start3A_120 : memref<128x128xf32, #tpu.memory_space<hbm>>) target_semaphore(%run_scoped3A_119 : memref<!tpu.dma_semaphore, #tpu.memory_space<semaphore_mem>>)
        %dma_wait3A = arith.constant 0 : i32
        %dma_wait3A_123 = tpu.memref_slice %arg10[%add3A_106, %dma_wait3A] : memref<10240x128xf32, #tpu.memory_space<hbm>> -> memref<128x128xf32, #tpu.memory_space<hbm>>
        %dma_wait3A_124 = arith.constant 0 : i32
        %dma_wait3A_125 = tpu.memref_slice %arg17[%add3A_106, %dma_wait3A_124] : memref<10240x128xf32, #tpu.memory_space<vmem_shared>> -> memref<128x128xf32, #tpu.memory_space<vmem_shared>>
        tpu.wait_dma2 semaphore(%run_scoped3A_119 : memref<!tpu.dma_semaphore, #tpu.memory_space<semaphore_mem>>) src(%dma_wait3A_125 : memref<128x128xf32, #tpu.memory_space<vmem_shared>>) dst(%dma_wait3A_123 : memref<128x128xf32, #tpu.memory_space<hbm>>)
        tpu.yield
      }) : () -> ()
      %mul3A_107 = arith.constant 640 : i32
      %mul3A_108 = arith.muli %arg1, %mul3A_107 : i32
      %add3A_109 = arith.constant 384 : i32
      %add3A_110 = arith.addi %mul3A_108, %add3A_109 : i32
      "tpu.region"() ({
        %run_scoped3A_119 = tpu.sem_alloc : memref<!tpu.dma_semaphore, #tpu.memory_space<semaphore_mem>>
        %dma_start3A = arith.constant 0 : i32
        %dma_start3A_120 = tpu.memref_slice %arg10[%add3A_110, %dma_start3A] : memref<10240x128xf32, #tpu.memory_space<hbm>> -> memref<128x128xf32, #tpu.memory_space<hbm>>
        %dma_start3A_121 = arith.constant 0 : i32
        %dma_start3A_122 = tpu.memref_slice %arg17[%add3A_110, %dma_start3A_121] : memref<10240x128xf32, #tpu.memory_space<vmem_shared>> -> memref<128x128xf32, #tpu.memory_space<vmem_shared>>
        tpu.enqueue_dma source(%dma_start3A_122 : memref<128x128xf32, #tpu.memory_space<vmem_shared>>) target(%dma_start3A_120 : memref<128x128xf32, #tpu.memory_space<hbm>>) target_semaphore(%run_scoped3A_119 : memref<!tpu.dma_semaphore, #tpu.memory_space<semaphore_mem>>)
        %dma_wait3A = arith.constant 0 : i32
        %dma_wait3A_123 = tpu.memref_slice %arg10[%add3A_110, %dma_wait3A] : memref<10240x128xf32, #tpu.memory_space<hbm>> -> memref<128x128xf32, #tpu.memory_space<hbm>>
        %dma_wait3A_124 = arith.constant 0 : i32
        %dma_wait3A_125 = tpu.memref_slice %arg17[%add3A_110, %dma_wait3A_124] : memref<10240x128xf32, #tpu.memory_space<vmem_shared>> -> memref<128x128xf32, #tpu.memory_space<vmem_shared>>
        tpu.wait_dma2 semaphore(%run_scoped3A_119 : memref<!tpu.dma_semaphore, #tpu.memory_space<semaphore_mem>>) src(%dma_wait3A_125 : memref<128x128xf32, #tpu.memory_space<vmem_shared>>) dst(%dma_wait3A_123 : memref<128x128xf32, #tpu.memory_space<hbm>>)
        tpu.yield
      }) : () -> ()
      %mul3A_111 = arith.constant 640 : i32
      %mul3A_112 = arith.muli %arg1, %mul3A_111 : i32
      %add3A_113 = arith.constant 512 : i32
      %add3A_114 = arith.addi %mul3A_112, %add3A_113 : i32
      "tpu.region"() ({
        %run_scoped3A_119 = tpu.sem_alloc : memref<!tpu.dma_semaphore, #tpu.memory_space<semaphore_mem>>
        %dma_start3A = arith.constant 0 : i32
        %dma_start3A_120 = tpu.memref_slice %arg10[%add3A_114, %dma_start3A] : memref<10240x128xf32, #tpu.memory_space<hbm>> -> memref<128x128xf32, #tpu.memory_space<hbm>>
        %dma_start3A_121 = arith.constant 0 : i32
        %dma_start3A_122 = tpu.memref_slice %arg17[%add3A_114, %dma_start3A_121] : memref<10240x128xf32, #tpu.memory_space<vmem_shared>> -> memref<128x128xf32, #tpu.memory_space<vmem_shared>>
        tpu.enqueue_dma source(%dma_start3A_122 : memref<128x128xf32, #tpu.memory_space<vmem_shared>>) target(%dma_start3A_120 : memref<128x128xf32, #tpu.memory_space<hbm>>) target_semaphore(%run_scoped3A_119 : memref<!tpu.dma_semaphore, #tpu.memory_space<semaphore_mem>>)
        %dma_wait3A = arith.constant 0 : i32
        %dma_wait3A_123 = tpu.memref_slice %arg10[%add3A_114, %dma_wait3A] : memref<10240x128xf32, #tpu.memory_space<hbm>> -> memref<128x128xf32, #tpu.memory_space<hbm>>
        %dma_wait3A_124 = arith.constant 0 : i32
        %dma_wait3A_125 = tpu.memref_slice %arg17[%add3A_114, %dma_wait3A_124] : memref<10240x128xf32, #tpu.memory_space<vmem_shared>> -> memref<128x128xf32, #tpu.memory_space<vmem_shared>>
        tpu.wait_dma2 semaphore(%run_scoped3A_119 : memref<!tpu.dma_semaphore, #tpu.memory_space<semaphore_mem>>) src(%dma_wait3A_125 : memref<128x128xf32, #tpu.memory_space<vmem_shared>>) dst(%dma_wait3A_123 : memref<128x128xf32, #tpu.memory_space<hbm>>)
        tpu.yield
      }) : () -> ()
      %mul3A_115 = arith.constant 640 : i32
      %mul3A_116 = arith.muli %arg1, %mul3A_115 : i32
      %mul3A_117 = arith.constant 640 : i32
      %mul3A_118 = arith.muli %arg1, %mul3A_117 : i32
      "tpu.region"() ({
        %run_scoped3A_119 = tpu.sem_alloc : memref<!tpu.dma_semaphore, #tpu.memory_space<semaphore_mem>>
        %dma_start3A = tpu.memref_slice %arg11[%mul3A_118] : memref<10240xf32, #tpu.memory_space<hbm>> -> memref<640xf32, #tpu.memory_space<hbm>>
        %dma_start3A_120 = tpu.memref_slice %arg18[%mul3A_116] : memref<10240xf32, #tpu.memory_space<vmem_shared>> -> memref<640xf32, #tpu.memory_space<vmem_shared>>
        tpu.enqueue_dma source(%dma_start3A_120 : memref<640xf32, #tpu.memory_space<vmem_shared>>) target(%dma_start3A : memref<640xf32, #tpu.memory_space<hbm>>) target_semaphore(%run_scoped3A_119 : memref<!tpu.dma_semaphore, #tpu.memory_space<semaphore_mem>>)
        %dma_wait3A = tpu.memref_slice %arg11[%mul3A_118] : memref<10240xf32, #tpu.memory_space<hbm>> -> memref<640xf32, #tpu.memory_space<hbm>>
        %dma_wait3A_121 = tpu.memref_slice %arg18[%mul3A_116] : memref<10240xf32, #tpu.memory_space<vmem_shared>> -> memref<640xf32, #tpu.memory_space<vmem_shared>>
        tpu.wait_dma2 semaphore(%run_scoped3A_119 : memref<!tpu.dma_semaphore, #tpu.memory_space<semaphore_mem>>) src(%dma_wait3A_121 : memref<640xf32, #tpu.memory_space<vmem_shared>>) dst(%dma_wait3A : memref<640xf32, #tpu.memory_space<hbm>>)
        tpu.yield
      }) : () -> ()
    } else {
    }
    return
  }
}

module attributes {stable_mosaic.version = 14 : i64} {
  func.func @_dense_body(%arg0: i32, %arg1: memref<10000x128xf32, #tpu.memory_space<vmem>>, %arg2: memref<10000x128xf32, #tpu.memory_space<vmem>>, %arg3: memref<10000x1xf32, #tpu.memory_space<vmem>>, %arg4: memref<128x128xf32, #tpu.memory_space<vmem>>, %arg5: memref<1x128xf32, #tpu.memory_space<vmem>>, %arg6: memref<128x128xf32, #tpu.memory_space<vmem>>, %arg7: memref<1x128xf32, #tpu.memory_space<vmem>>, %arg8: memref<128x128xf32, #tpu.memory_space<vmem>>, %arg9: memref<128x128xf32, #tpu.memory_space<vmem>>, %arg10: memref<1x128xf32, #tpu.memory_space<vmem>>, %arg11: memref<1x128xf32, #tpu.memory_space<vmem>>, %arg12: memref<1x128xf32, #tpu.memory_space<vmem>>, %arg13: memref<10000x128xf32, #tpu.memory_space<vmem>>) attributes {dimension_semantics = [#tpu.dimension_semantics<arbitrary>], iteration_bounds = array<i64: 1>, scalar_prefetch = 0 : i64, scratch_operands = 0 : i64, tpu.core_type = #tpu.core_type<tc>, window_params = [{pipeline_mode = #tpu.pipeline_mode<synchronous>, transform_indices = @transform_0, window_bounds = array<i64: 10000, 128>}, {transform_indices = @transform_1, window_bounds = array<i64: 10000, 128>}, {transform_indices = @transform_2, window_bounds = array<i64: 10000, 1>}, {pipeline_mode = #tpu.pipeline_mode<synchronous>, transform_indices = @transform_3, window_bounds = array<i64: 128, 128>}, {pipeline_mode = #tpu.pipeline_mode<synchronous>, transform_indices = @transform_4, window_bounds = array<i64: 1, 128>}, {pipeline_mode = #tpu.pipeline_mode<synchronous>, transform_indices = @transform_5, window_bounds = array<i64: 128, 128>}, {pipeline_mode = #tpu.pipeline_mode<synchronous>, transform_indices = @transform_6, window_bounds = array<i64: 1, 128>}, {pipeline_mode = #tpu.pipeline_mode<synchronous>, transform_indices = @transform_7, window_bounds = array<i64: 128, 128>}, {pipeline_mode = #tpu.pipeline_mode<synchronous>, transform_indices = @transform_8, window_bounds = array<i64: 128, 128>}, {pipeline_mode = #tpu.pipeline_mode<synchronous>, transform_indices = @transform_9, window_bounds = array<i64: 1, 128>}, {pipeline_mode = #tpu.pipeline_mode<synchronous>, transform_indices = @transform_10, window_bounds = array<i64: 1, 128>}, {pipeline_mode = #tpu.pipeline_mode<synchronous>, transform_indices = @transform_11, window_bounds = array<i64: 1, 128>}, {pipeline_mode = #tpu.pipeline_mode<synchronous>, transform_indices = @transform_12, window_bounds = array<i64: 10000, 128>}]} {
    %get3A = arith.constant 0 : index
    %get3A_0 = arith.constant 0 : index
    %get3A_1 = vector.load %arg2[%get3A, %get3A_0] : memref<10000x128xf32, #tpu.memory_space<vmem>>, vector<10000x128xf32>
    %get3A_2 = arith.constant 0 : index
    %get3A_3 = arith.constant 0 : index
    %get3A_4 = vector.load %arg3[%get3A_2, %get3A_3] : memref<10000x1xf32, #tpu.memory_space<vmem>>, vector<10000x1xf32>
    %max3A = arith.constant 1.000000e+00 : f32
    %max3A_5 = vector.broadcast %max3A : f32 to vector<10000x1xf32>
    %max3A_6 = arith.maximumf %get3A_4, %max3A_5 : vector<10000x1xf32>
    %div3A = vector.broadcast %max3A_6 : vector<10000x1xf32> to vector<10000x128xf32>
    %div3A_7 = arith.divf %get3A_1, %div3A : vector<10000x128xf32>
    %get3A_8 = arith.constant 0 : index
    %get3A_9 = arith.constant 0 : index
    %get3A_10 = vector.load %arg1[%get3A_8, %get3A_9] : memref<10000x128xf32, #tpu.memory_space<vmem>>, vector<10000x128xf32>
    %get3A_11 = arith.constant 0 : index
    %get3A_12 = arith.constant 0 : index
    %get3A_13 = vector.load %arg4[%get3A_11, %get3A_12] : memref<128x128xf32, #tpu.memory_space<vmem>>, vector<128x128xf32>
    %dot_general3A = arith.constant dense<0.000000e+00> : vector<10000x128xf32>
    %dot_general3A_14 = tpu.matmul %get3A_10, %get3A_13, %dot_general3A {dimension_numbers = #tpu.dot_dimension_numbers<[1], [0], [0], [1], [0, 0, 1, 1], [], []>, transpose_lhs_hint = false} : vector<10000x128xf32>, vector<128x128xf32>, vector<10000x128xf32> -> vector<10000x128xf32>
    %get3A_15 = arith.constant 0 : index
    %get3A_16 = arith.constant 0 : index
    %get3A_17 = vector.load %arg5[%get3A_15, %get3A_16] : memref<1x128xf32, #tpu.memory_space<vmem>>, vector<1x128xf32>
    %add3A = vector.broadcast %get3A_17 : vector<1x128xf32> to vector<10000x128xf32>
    %add3A_18 = arith.addf %dot_general3A_14, %add3A : vector<10000x128xf32>
    %get3A_19 = arith.constant 0 : index
    %get3A_20 = arith.constant 0 : index
    %get3A_21 = vector.load %arg6[%get3A_19, %get3A_20] : memref<128x128xf32, #tpu.memory_space<vmem>>, vector<128x128xf32>
    %dot_general3A_22 = arith.constant dense<0.000000e+00> : vector<10000x128xf32>
    %dot_general3A_23 = tpu.matmul %div3A_7, %get3A_21, %dot_general3A_22 {dimension_numbers = #tpu.dot_dimension_numbers<[1], [0], [0], [1], [0, 0, 1, 1], [], []>, transpose_lhs_hint = false} : vector<10000x128xf32>, vector<128x128xf32>, vector<10000x128xf32> -> vector<10000x128xf32>
    %get3A_24 = arith.constant 0 : index
    %get3A_25 = arith.constant 0 : index
    %get3A_26 = vector.load %arg7[%get3A_24, %get3A_25] : memref<1x128xf32, #tpu.memory_space<vmem>>, vector<1x128xf32>
    %add3A_27 = vector.broadcast %get3A_26 : vector<1x128xf32> to vector<10000x128xf32>
    %add3A_28 = arith.addf %dot_general3A_23, %add3A_27 : vector<10000x128xf32>
    %get3A_29 = arith.constant 0 : index
    %get3A_30 = arith.constant 0 : index
    %get3A_31 = vector.load %arg8[%get3A_29, %get3A_30] : memref<128x128xf32, #tpu.memory_space<vmem>>, vector<128x128xf32>
    %dot_general3A_32 = arith.constant dense<0.000000e+00> : vector<10000x128xf32>
    %dot_general3A_33 = tpu.matmul %add3A_18, %get3A_31, %dot_general3A_32 {dimension_numbers = #tpu.dot_dimension_numbers<[1], [0], [0], [1], [0, 0, 1, 1], [], []>, transpose_lhs_hint = false} : vector<10000x128xf32>, vector<128x128xf32>, vector<10000x128xf32> -> vector<10000x128xf32>
    %get3A_34 = arith.constant 0 : index
    %get3A_35 = arith.constant 0 : index
    %get3A_36 = vector.load %arg9[%get3A_34, %get3A_35] : memref<128x128xf32, #tpu.memory_space<vmem>>, vector<128x128xf32>
    %dot_general3A_37 = arith.constant dense<0.000000e+00> : vector<10000x128xf32>
    %dot_general3A_38 = tpu.matmul %add3A_28, %get3A_36, %dot_general3A_37 {dimension_numbers = #tpu.dot_dimension_numbers<[1], [0], [0], [1], [0, 0, 1, 1], [], []>, transpose_lhs_hint = false} : vector<10000x128xf32>, vector<128x128xf32>, vector<10000x128xf32> -> vector<10000x128xf32>
    %add3A_39 = arith.addf %dot_general3A_33, %dot_general3A_38 : vector<10000x128xf32>
    %get3A_40 = arith.constant 0 : index
    %get3A_41 = arith.constant 0 : index
    %get3A_42 = vector.load %arg10[%get3A_40, %get3A_41] : memref<1x128xf32, #tpu.memory_space<vmem>>, vector<1x128xf32>
    %add3A_43 = vector.broadcast %get3A_42 : vector<1x128xf32> to vector<10000x128xf32>
    %add3A_44 = arith.addf %add3A_39, %add3A_43 : vector<10000x128xf32>
    %reduce_sum3A = arith.constant dense<0.000000e+00> : vector<128xf32>
    %reduce_sum3A_45 = vector.multi_reduction <add>, %add3A_44, %reduce_sum3A [0] : vector<10000x128xf32> to vector<128xf32>
    %broadcast_in_dim3A = vector.shape_cast %reduce_sum3A_45 : vector<128xf32> to vector<1x128xf32>
    %div3A_46 = arith.constant 1.000000e+04 : f32
    %div3A_47 = vector.broadcast %div3A_46 : f32 to vector<1x128xf32>
    %div3A_48 = arith.divf %broadcast_in_dim3A, %div3A_47 : vector<1x128xf32>
    %sub3A = vector.broadcast %div3A_48 : vector<1x128xf32> to vector<10000x128xf32>
    %sub3A_49 = arith.subf %add3A_44, %sub3A : vector<10000x128xf32>
    %mul3A = arith.mulf %sub3A_49, %sub3A_49 : vector<10000x128xf32>
    %reduce_sum3A_50 = arith.constant dense<0.000000e+00> : vector<128xf32>
    %reduce_sum3A_51 = vector.multi_reduction <add>, %mul3A, %reduce_sum3A_50 [0] : vector<10000x128xf32> to vector<128xf32>
    %broadcast_in_dim3A_52 = vector.shape_cast %reduce_sum3A_51 : vector<128xf32> to vector<1x128xf32>
    %div3A_53 = arith.constant 1.000000e+04 : f32
    %div3A_54 = vector.broadcast %div3A_53 : f32 to vector<1x128xf32>
    %div3A_55 = arith.divf %broadcast_in_dim3A_52, %div3A_54 : vector<1x128xf32>
    %add3A_56 = arith.constant 9.99999974E-6 : f32
    %add3A_57 = vector.broadcast %add3A_56 : f32 to vector<1x128xf32>
    %add3A_58 = arith.addf %div3A_55, %add3A_57 : vector<1x128xf32>
    %rsqrt3A = math.rsqrt %add3A_58 : vector<1x128xf32>
    %mul3A_59 = vector.broadcast %rsqrt3A : vector<1x128xf32> to vector<10000x128xf32>
    %mul3A_60 = arith.mulf %sub3A_49, %mul3A_59 : vector<10000x128xf32>
    %get3A_61 = arith.constant 0 : index
    %get3A_62 = arith.constant 0 : index
    %get3A_63 = vector.load %arg11[%get3A_61, %get3A_62] : memref<1x128xf32, #tpu.memory_space<vmem>>, vector<1x128xf32>
    %mul3A_64 = vector.broadcast %get3A_63 : vector<1x128xf32> to vector<10000x128xf32>
    %mul3A_65 = arith.mulf %mul3A_60, %mul3A_64 : vector<10000x128xf32>
    %get3A_66 = arith.constant 0 : index
    %get3A_67 = arith.constant 0 : index
    %get3A_68 = vector.load %arg12[%get3A_66, %get3A_67] : memref<1x128xf32, #tpu.memory_space<vmem>>, vector<1x128xf32>
    %add3A_69 = vector.broadcast %get3A_68 : vector<1x128xf32> to vector<10000x128xf32>
    %add3A_70 = arith.addf %mul3A_65, %add3A_69 : vector<10000x128xf32>
    %ge3A = arith.constant 0.000000e+00 : f32
    %ge3A_71 = vector.broadcast %ge3A : f32 to vector<10000x128xf32>
    %ge3A_72 = arith.cmpf oge, %add3A_70, %ge3A_71 : vector<10000x128xf32>
    %mul3A_73 = arith.constant 0.00999999977 : f32
    %mul3A_74 = vector.broadcast %mul3A_73 : f32 to vector<10000x128xf32>
    %mul3A_75 = arith.mulf %mul3A_74, %add3A_70 : vector<10000x128xf32>
    %select_n3A = arith.select %ge3A_72, %add3A_70, %mul3A_75 : vector<10000x128xi1>, vector<10000x128xf32>
    %swap3A = arith.constant 0 : index
    %swap3A_76 = arith.constant 0 : index
    %swap3A_77 = vector.load %arg13[%swap3A, %swap3A_76] : memref<10000x128xf32, #tpu.memory_space<vmem>>, vector<10000x128xf32>
    tpu.vector_store %arg13[%swap3A, %swap3A_76], %select_n3A {strides = array<i32>} : memref<10000x128xf32, #tpu.memory_space<vmem>>, vector<10000x128xf32>,
    return
  }
  func.func @transform_0(%arg0: i32) -> (i32, i32) {
    %c0_i32 = arith.constant 0 : i32
    %c0_i32_0 = arith.constant 0 : i32
    %c0_i32_1 = arith.constant 0 : i32
    return %c0_i32, %c0_i32_0 : i32, i32
  }
  func.func @transform_1(%arg0: i32) -> (i32, i32) {
    %c0_i32 = arith.constant 0 : i32
    %c0_i32_0 = arith.constant 0 : i32
    %c0_i32_1 = arith.constant 0 : i32
    return %c0_i32, %c0_i32_0 : i32, i32
  }
  func.func @transform_2(%arg0: i32) -> (i32, i32) {
    %c0_i32 = arith.constant 0 : i32
    %c0_i32_0 = arith.constant 0 : i32
    %c0_i32_1 = arith.constant 0 : i32
    return %c0_i32, %c0_i32_0 : i32, i32
  }
  func.func @transform_3(%arg0: i32) -> (i32, i32) {
    %c0_i32 = arith.constant 0 : i32
    %c0_i32_0 = arith.constant 0 : i32
    %c0_i32_1 = arith.constant 0 : i32
    return %c0_i32, %c0_i32_0 : i32, i32
  }
  func.func @transform_4(%arg0: i32) -> (i32, i32) {
    %c0_i32 = arith.constant 0 : i32
    %c0_i32_0 = arith.constant 0 : i32
    %c0_i32_1 = arith.constant 0 : i32
    return %c0_i32, %c0_i32_0 : i32, i32
  }
  func.func @transform_5(%arg0: i32) -> (i32, i32) {
    %c0_i32 = arith.constant 0 : i32
    %c0_i32_0 = arith.constant 0 : i32
    %c0_i32_1 = arith.constant 0 : i32
    return %c0_i32, %c0_i32_0 : i32, i32
  }
  func.func @transform_6(%arg0: i32) -> (i32, i32) {
    %c0_i32 = arith.constant 0 : i32
    %c0_i32_0 = arith.constant 0 : i32
    %c0_i32_1 = arith.constant 0 : i32
    return %c0_i32, %c0_i32_0 : i32, i32
  }
  func.func @transform_7(%arg0: i32) -> (i32, i32) {
    %c0_i32 = arith.constant 0 : i32
    %c0_i32_0 = arith.constant 0 : i32
    %c0_i32_1 = arith.constant 0 : i32
    return %c0_i32, %c0_i32_0 : i32, i32
  }
  func.func @transform_8(%arg0: i32) -> (i32, i32) {
    %c0_i32 = arith.constant 0 : i32
    %c0_i32_0 = arith.constant 0 : i32
    %c0_i32_1 = arith.constant 0 : i32
    return %c0_i32, %c0_i32_0 : i32, i32
  }
  func.func @transform_9(%arg0: i32) -> (i32, i32) {
    %c0_i32 = arith.constant 0 : i32
    %c0_i32_0 = arith.constant 0 : i32
    %c0_i32_1 = arith.constant 0 : i32
    return %c0_i32, %c0_i32_0 : i32, i32
  }
  func.func @transform_10(%arg0: i32) -> (i32, i32) {
    %c0_i32 = arith.constant 0 : i32
    %c0_i32_0 = arith.constant 0 : i32
    %c0_i32_1 = arith.constant 0 : i32
    return %c0_i32, %c0_i32_0 : i32, i32
  }
  func.func @transform_11(%arg0: i32) -> (i32, i32) {
    %c0_i32 = arith.constant 0 : i32
    %c0_i32_0 = arith.constant 0 : i32
    %c0_i32_1 = arith.constant 0 : i32
    return %c0_i32, %c0_i32_0 : i32, i32
  }
  func.func @transform_12(%arg0: i32) -> (i32, i32) {
    %c0_i32 = arith.constant 0 : i32
    %c0_i32_0 = arith.constant 0 : i32
    %c0_i32_1 = arith.constant 0 : i32
    return %c0_i32, %c0_i32_0 : i32, i32
  }
}

module attributes {stable_mosaic.version = 14 : i64} {
  func.func @_dense_body(%arg0: i32, %arg1: memref<10000x128xf32, #tpu.memory_space<vmem>>, %arg2: memref<10000x128xf32, #tpu.memory_space<vmem>>, %arg3: memref<10000x1xf32, #tpu.memory_space<vmem>>, %arg4: memref<128x128xf32, #tpu.memory_space<vmem>>, %arg5: memref<1x128xf32, #tpu.memory_space<vmem>>, %arg6: memref<128x128xf32, #tpu.memory_space<vmem>>, %arg7: memref<1x128xf32, #tpu.memory_space<vmem>>, %arg8: memref<128x128xf32, #tpu.memory_space<vmem>>, %arg9: memref<128x128xf32, #tpu.memory_space<vmem>>, %arg10: memref<1x128xf32, #tpu.memory_space<vmem>>, %arg11: memref<1x128xf32, #tpu.memory_space<vmem>>, %arg12: memref<1x128xf32, #tpu.memory_space<vmem>>, %arg13: memref<10000x128xf32, #tpu.memory_space<vmem>>) attributes {dimension_semantics = [#tpu.dimension_semantics<arbitrary>], iteration_bounds = array<i64: 1>, scalar_prefetch = 0 : i64, scratch_operands = 0 : i64, tpu.core_type = #tpu.core_type<tc>, window_params = [{pipeline_mode = #tpu.pipeline_mode<synchronous>, transform_indices = @transform_0, window_bounds = array<i64: 10000, 128>}, {transform_indices = @transform_1, window_bounds = array<i64: 10000, 128>}, {transform_indices = @transform_2, window_bounds = array<i64: 10000, 1>}, {pipeline_mode = #tpu.pipeline_mode<synchronous>, transform_indices = @transform_3, window_bounds = array<i64: 128, 128>}, {pipeline_mode = #tpu.pipeline_mode<synchronous>, transform_indices = @transform_4, window_bounds = array<i64: 1, 128>}, {pipeline_mode = #tpu.pipeline_mode<synchronous>, transform_indices = @transform_5, window_bounds = array<i64: 128, 128>}, {pipeline_mode = #tpu.pipeline_mode<synchronous>, transform_indices = @transform_6, window_bounds = array<i64: 1, 128>}, {pipeline_mode = #tpu.pipeline_mode<synchronous>, transform_indices = @transform_7, window_bounds = array<i64: 128, 128>}, {pipeline_mode = #tpu.pipeline_mode<synchronous>, transform_indices = @transform_8, window_bounds = array<i64: 128, 128>}, {pipeline_mode = #tpu.pipeline_mode<synchronous>, transform_indices = @transform_9, window_bounds = array<i64: 1, 128>}, {pipeline_mode = #tpu.pipeline_mode<synchronous>, transform_indices = @transform_10, window_bounds = array<i64: 1, 128>}, {pipeline_mode = #tpu.pipeline_mode<synchronous>, transform_indices = @transform_11, window_bounds = array<i64: 1, 128>}, {pipeline_mode = #tpu.pipeline_mode<synchronous>, transform_indices = @transform_12, window_bounds = array<i64: 10000, 128>}]} {
    %get3A = arith.constant 0 : index
    %get3A_0 = arith.constant 0 : index
    %get3A_1 = vector.load %arg2[%get3A, %get3A_0] : memref<10000x128xf32, #tpu.memory_space<vmem>>, vector<10000x128xf32>
    %get3A_2 = arith.constant 0 : index
    %get3A_3 = arith.constant 0 : index
    %get3A_4 = vector.load %arg3[%get3A_2, %get3A_3] : memref<10000x1xf32, #tpu.memory_space<vmem>>, vector<10000x1xf32>
    %max3A = arith.constant 1.000000e+00 : f32
    %max3A_5 = vector.broadcast %max3A : f32 to vector<10000x1xf32>
    %max3A_6 = arith.maximumf %get3A_4, %max3A_5 : vector<10000x1xf32>
    %div3A = vector.broadcast %max3A_6 : vector<10000x1xf32> to vector<10000x128xf32>
    %div3A_7 = arith.divf %get3A_1, %div3A : vector<10000x128xf32>
    %get3A_8 = arith.constant 0 : index
    %get3A_9 = arith.constant 0 : index
    %get3A_10 = vector.load %arg1[%get3A_8, %get3A_9] : memref<10000x128xf32, #tpu.memory_space<vmem>>, vector<10000x128xf32>
    %get3A_11 = arith.constant 0 : index
    %get3A_12 = arith.constant 0 : index
    %get3A_13 = vector.load %arg4[%get3A_11, %get3A_12] : memref<128x128xf32, #tpu.memory_space<vmem>>, vector<128x128xf32>
    %dot_general3A = arith.constant dense<0.000000e+00> : vector<10000x128xf32>
    %dot_general3A_14 = tpu.matmul %get3A_10, %get3A_13, %dot_general3A {dimension_numbers = #tpu.dot_dimension_numbers<[1], [0], [0], [1], [0, 0, 1, 1], [], []>, transpose_lhs_hint = false} : vector<10000x128xf32>, vector<128x128xf32>, vector<10000x128xf32> -> vector<10000x128xf32>
    %get3A_15 = arith.constant 0 : index
    %get3A_16 = arith.constant 0 : index
    %get3A_17 = vector.load %arg5[%get3A_15, %get3A_16] : memref<1x128xf32, #tpu.memory_space<vmem>>, vector<1x128xf32>
    %add3A = vector.broadcast %get3A_17 : vector<1x128xf32> to vector<10000x128xf32>
    %add3A_18 = arith.addf %dot_general3A_14, %add3A : vector<10000x128xf32>
    %get3A_19 = arith.constant 0 : index
    %get3A_20 = arith.constant 0 : index
    %get3A_21 = vector.load %arg6[%get3A_19, %get3A_20] : memref<128x128xf32, #tpu.memory_space<vmem>>, vector<128x128xf32>
    %dot_general3A_22 = arith.constant dense<0.000000e+00> : vector<10000x128xf32>
    %dot_general3A_23 = tpu.matmul %div3A_7, %get3A_21, %dot_general3A_22 {dimension_numbers = #tpu.dot_dimension_numbers<[1], [0], [0], [1], [0, 0, 1, 1], [], []>, transpose_lhs_hint = false} : vector<10000x128xf32>, vector<128x128xf32>, vector<10000x128xf32> -> vector<10000x128xf32>
    %get3A_24 = arith.constant 0 : index
    %get3A_25 = arith.constant 0 : index
    %get3A_26 = vector.load %arg7[%get3A_24, %get3A_25] : memref<1x128xf32, #tpu.memory_space<vmem>>, vector<1x128xf32>
    %add3A_27 = vector.broadcast %get3A_26 : vector<1x128xf32> to vector<10000x128xf32>
    %add3A_28 = arith.addf %dot_general3A_23, %add3A_27 : vector<10000x128xf32>
    %get3A_29 = arith.constant 0 : index
    %get3A_30 = arith.constant 0 : index
    %get3A_31 = vector.load %arg8[%get3A_29, %get3A_30] : memref<128x128xf32, #tpu.memory_space<vmem>>, vector<128x128xf32>
    %dot_general3A_32 = arith.constant dense<0.000000e+00> : vector<10000x128xf32>
    %dot_general3A_33 = tpu.matmul %add3A_18, %get3A_31, %dot_general3A_32 {dimension_numbers = #tpu.dot_dimension_numbers<[1], [0], [0], [1], [0, 0, 1, 1], [], []>, transpose_lhs_hint = false} : vector<10000x128xf32>, vector<128x128xf32>, vector<10000x128xf32> -> vector<10000x128xf32>
    %get3A_34 = arith.constant 0 : index
    %get3A_35 = arith.constant 0 : index
    %get3A_36 = vector.load %arg9[%get3A_34, %get3A_35] : memref<128x128xf32, #tpu.memory_space<vmem>>, vector<128x128xf32>
    %dot_general3A_37 = arith.constant dense<0.000000e+00> : vector<10000x128xf32>
    %dot_general3A_38 = tpu.matmul %add3A_28, %get3A_36, %dot_general3A_37 {dimension_numbers = #tpu.dot_dimension_numbers<[1], [0], [0], [1], [0, 0, 1, 1], [], []>, transpose_lhs_hint = false} : vector<10000x128xf32>, vector<128x128xf32>, vector<10000x128xf32> -> vector<10000x128xf32>
    %add3A_39 = arith.addf %dot_general3A_33, %dot_general3A_38 : vector<10000x128xf32>
    %get3A_40 = arith.constant 0 : index
    %get3A_41 = arith.constant 0 : index
    %get3A_42 = vector.load %arg10[%get3A_40, %get3A_41] : memref<1x128xf32, #tpu.memory_space<vmem>>, vector<1x128xf32>
    %add3A_43 = vector.broadcast %get3A_42 : vector<1x128xf32> to vector<10000x128xf32>
    %add3A_44 = arith.addf %add3A_39, %add3A_43 : vector<10000x128xf32>
    %reduce_sum3A = arith.constant dense<0.000000e+00> : vector<128xf32>
    %reduce_sum3A_45 = vector.multi_reduction <add>, %add3A_44, %reduce_sum3A [0] : vector<10000x128xf32> to vector<128xf32>
    %broadcast_in_dim3A = vector.shape_cast %reduce_sum3A_45 : vector<128xf32> to vector<1x128xf32>
    %div3A_46 = arith.constant 1.000000e+04 : f32
    %div3A_47 = vector.broadcast %div3A_46 : f32 to vector<1x128xf32>
    %div3A_48 = arith.divf %broadcast_in_dim3A, %div3A_47 : vector<1x128xf32>
    %sub3A = vector.broadcast %div3A_48 : vector<1x128xf32> to vector<10000x128xf32>
    %sub3A_49 = arith.subf %add3A_44, %sub3A : vector<10000x128xf32>
    %mul3A = arith.mulf %sub3A_49, %sub3A_49 : vector<10000x128xf32>
    %reduce_sum3A_50 = arith.constant dense<0.000000e+00> : vector<128xf32>
    %reduce_sum3A_51 = vector.multi_reduction <add>, %mul3A, %reduce_sum3A_50 [0] : vector<10000x128xf32> to vector<128xf32>
    %broadcast_in_dim3A_52 = vector.shape_cast %reduce_sum3A_51 : vector<128xf32> to vector<1x128xf32>
    %div3A_53 = arith.constant 1.000000e+04 : f32
    %div3A_54 = vector.broadcast %div3A_53 : f32 to vector<1x128xf32>
    %div3A_55 = arith.divf %broadcast_in_dim3A_52, %div3A_54 : vector<1x128xf32>
    %add3A_56 = arith.constant 9.99999974E-6 : f32
    %add3A_57 = vector.broadcast %add3A_56 : f32 to vector<1x128xf32>
    %add3A_58 = arith.addf %div3A_55, %add3A_57 : vector<1x128xf32>
    %rsqrt3A = math.rsqrt %add3A_58 : vector<1x128xf32>
    %mul3A_59 = vector.broadcast %rsqrt3A : vector<1x128xf32> to vector<10000x128xf32>
    %mul3A_60 = arith.mulf %sub3A_49, %mul3A_59 : vector<10000x128xf32>
    %get3A_61 = arith.constant 0 : index
    %get3A_62 = arith.constant 0 : index
    %get3A_63 = vector.load %arg11[%get3A_61, %get3A_62] : memref<1x128xf32, #tpu.memory_space<vmem>>, vector<1x128xf32>
    %mul3A_64 = vector.broadcast %get3A_63 : vector<1x128xf32> to vector<10000x128xf32>
    %mul3A_65 = arith.mulf %mul3A_60, %mul3A_64 : vector<10000x128xf32>
    %get3A_66 = arith.constant 0 : index
    %get3A_67 = arith.constant 0 : index
    %get3A_68 = vector.load %arg12[%get3A_66, %get3A_67] : memref<1x128xf32, #tpu.memory_space<vmem>>, vector<1x128xf32>
    %add3A_69 = vector.broadcast %get3A_68 : vector<1x128xf32> to vector<10000x128xf32>
    %add3A_70 = arith.addf %mul3A_65, %add3A_69 : vector<10000x128xf32>
    %ge3A = arith.constant 0.000000e+00 : f32
    %ge3A_71 = vector.broadcast %ge3A : f32 to vector<10000x128xf32>
    %ge3A_72 = arith.cmpf oge, %add3A_70, %ge3A_71 : vector<10000x128xf32>
    %mul3A_73 = arith.constant 0.00999999977 : f32
    %mul3A_74 = vector.broadcast %mul3A_73 : f32 to vector<10000x128xf32>
    %mul3A_75 = arith.mulf %mul3A_74, %add3A_70 : vector<10000x128xf32>
    %select_n3A = arith.select %ge3A_72, %add3A_70, %mul3A_75 : vector<10000x128xi1>, vector<10000x128xf32>
    %swap3A = arith.constant 0 : index
    %swap3A_76 = arith.constant 0 : index
    %swap3A_77 = vector.load %arg13[%swap3A, %swap3A_76] : memref<10000x128xf32, #tpu.memory_space<vmem>>, vector<10000x128xf32>
    tpu.vector_store %arg13[%swap3A, %swap3A_76], %select_n3A {strides = array<i32>} : memref<10000x128xf32, #tpu.memory_space<vmem>>, vector<10000x128xf32>,
    return
  }
  func.func @transform_0(%arg0: i32) -> (i32, i32) {
    %c0_i32 = arith.constant 0 : i32
    %c0_i32_0 = arith.constant 0 : i32
    %c0_i32_1 = arith.constant 0 : i32
    return %c0_i32, %c0_i32_0 : i32, i32
  }
  func.func @transform_1(%arg0: i32) -> (i32, i32) {
    %c0_i32 = arith.constant 0 : i32
    %c0_i32_0 = arith.constant 0 : i32
    %c0_i32_1 = arith.constant 0 : i32
    return %c0_i32, %c0_i32_0 : i32, i32
  }
  func.func @transform_2(%arg0: i32) -> (i32, i32) {
    %c0_i32 = arith.constant 0 : i32
    %c0_i32_0 = arith.constant 0 : i32
    %c0_i32_1 = arith.constant 0 : i32
    return %c0_i32, %c0_i32_0 : i32, i32
  }
  func.func @transform_3(%arg0: i32) -> (i32, i32) {
    %c0_i32 = arith.constant 0 : i32
    %c0_i32_0 = arith.constant 0 : i32
    %c0_i32_1 = arith.constant 0 : i32
    return %c0_i32, %c0_i32_0 : i32, i32
  }
  func.func @transform_4(%arg0: i32) -> (i32, i32) {
    %c0_i32 = arith.constant 0 : i32
    %c0_i32_0 = arith.constant 0 : i32
    %c0_i32_1 = arith.constant 0 : i32
    return %c0_i32, %c0_i32_0 : i32, i32
  }
  func.func @transform_5(%arg0: i32) -> (i32, i32) {
    %c0_i32 = arith.constant 0 : i32
    %c0_i32_0 = arith.constant 0 : i32
    %c0_i32_1 = arith.constant 0 : i32
    return %c0_i32, %c0_i32_0 : i32, i32
  }
  func.func @transform_6(%arg0: i32) -> (i32, i32) {
    %c0_i32 = arith.constant 0 : i32
    %c0_i32_0 = arith.constant 0 : i32
    %c0_i32_1 = arith.constant 0 : i32
    return %c0_i32, %c0_i32_0 : i32, i32
  }
  func.func @transform_7(%arg0: i32) -> (i32, i32) {
    %c0_i32 = arith.constant 0 : i32
    %c0_i32_0 = arith.constant 0 : i32
    %c0_i32_1 = arith.constant 0 : i32
    return %c0_i32, %c0_i32_0 : i32, i32
  }
  func.func @transform_8(%arg0: i32) -> (i32, i32) {
    %c0_i32 = arith.constant 0 : i32
    %c0_i32_0 = arith.constant 0 : i32
    %c0_i32_1 = arith.constant 0 : i32
    return %c0_i32, %c0_i32_0 : i32, i32
  }
  func.func @transform_9(%arg0: i32) -> (i32, i32) {
    %c0_i32 = arith.constant 0 : i32
    %c0_i32_0 = arith.constant 0 : i32
    %c0_i32_1 = arith.constant 0 : i32
    return %c0_i32, %c0_i32_0 : i32, i32
  }
  func.func @transform_10(%arg0: i32) -> (i32, i32) {
    %c0_i32 = arith.constant 0 : i32
    %c0_i32_0 = arith.constant 0 : i32
    %c0_i32_1 = arith.constant 0 : i32
    return %c0_i32, %c0_i32_0 : i32, i32
  }
  func.func @transform_11(%arg0: i32) -> (i32, i32) {
    %c0_i32 = arith.constant 0 : i32
    %c0_i32_0 = arith.constant 0 : i32
    %c0_i32_1 = arith.constant 0 : i32
    return %c0_i32, %c0_i32_0 : i32, i32
  }
  func.func @transform_12(%arg0: i32) -> (i32, i32) {
    %c0_i32 = arith.constant 0 : i32
    %c0_i32_0 = arith.constant 0 : i32
    %c0_i32_1 = arith.constant 0 : i32
    return %c0_i32, %c0_i32_0 : i32, i32
  }
}

</mosaic_0001>

<sc_bundles>
// kernel: kernel.11.cloned.1.call-start
scs
__scs_entry_jumppad:
0x0: {  	(pc) =	sbr.rel $0x88, $3  }
0x1: {  	(tag) =	ssettag $0x0;
	lr =	simm.s32 $0x1  }
0x2: {  	[smem:$0x3F7D] =	sst lr;
	_ =	strace $0xD0000000  }
0x3: {  	_ = 	snop  }
0x4: {  	_ = 	snop  }
0x5: {  	_ = 	snop  }
0x6: {  	_ = 	snop  }
0x7: {  	_ = 	snop  }
__scs_overlays_trampoline_lowered:
0x8: {  	[smem:$0x3F8C] =	sst s0  }
0x9: {  	[smem:$0x3F8D] =	sst s1  }
0xa: {  	[smem:$0x3F8E] =	sst s2  }
0xb: {  	[smem:$0x3F8F] =	sst s3  }
0xc: {  	[smem:$0x3F90] =	sst s4  }
0xd: {  	[smem:$0x3F91] =	sst s5  }
0xe: {  	[smem:$0x3F92] =	sst s6  }
0xf: {  	[smem:$0x3F93] =	sst s7  }
0x10: {  	[smem:$0x3F94] =	sst s8  }
0x11: {  	[smem:$0x3F95] =	sst s9;
	s0 =	simm.s32 @!p0 $0x0  }
0x12: {  	s1 =	sld [smem:$0x3F7B];
	s0 =	simm.s32 @p0 $0x1  }
0x13: {  	[smem:$0x3F96] =	sst s0;
	s0 =	simm.s32 @!p1 $0x0  }
0x14: {  	s2 =	sld [smem:$0x3F7A];
	s0 =	simm.s32 @p1 $0x1  }
0x15: {  	[smem:$0x3F97] =	sst s0;
	s0 =	simm.s32 @!p2 $0x0  }
0x16: {  	s3 =	sld [smem:$0x3FDB];
	s0 =	simm.s32 @p2 $0x1  }
0x17: {  	s4 =	simm.s32 $0x1BF5;
	[smem:$0x3F99] =	sst s0  }
0x18: {  	s0 =	sld [smem:$0x3F7C];
	_ =	swait.ge [sflag:s4], $0x0  }
0x19: {  	s7 =	sld [smem:$0x3F7D]  }
0x1a: {  	s8 =	sadd.s32 $0xFFFFE003, lr  }
0x1b: {  	s9 =	sadd.s32 $0xFFFFFEF7, lr;
	s5 =	simm.s32 $0xFFFFFFFF;
	p2 =	slt.u32 s8, $0xFFFFF086  }
0x1c: {  	p1 =	slt.u32 s9, $0xF7A;
	s5 =	simm.s32 @!p2 $0x0  }
0x1d: {  	s5 =	simm.s32 @p1 $0x1;
	p0 =	seq.s32 s7, s2  }
0x1e: {  	s7 =	smul.u32 @!p0 $0xF7A, s2;
	p2 =	seq.s32 @!p0 s5, $0x0  }
0x1f: {  	s9 =	smul.u32 $0xF7A, s1;
	s8 =	simm.s32 @!p0 $0x1BF5;
	p2 =	por !p2, p0  }
0x20: {  	[sflag:s8] =	ssyncset.s32 @!p0 $0xFFFFF086;
	s6 =	sadd.s32 @!p0 s3, s7;
	s7 =	simm.s32 @!p0 $0x108  }
0x21: {  	s3 =	sadd.s32 s3, s9;
	s6 =	sadd.s32 @!p0 $0x88, s6;
	s7 =	simm.s32 @p2 $0x1082  }
0x22: {  	[simem:s7], [sflag:s8] =	dma.local @!p0 [hbm:s6], $0xF7A  }
0x23: {  	s9 =	sor.u32 $0xD0000000, s2;
	s6 =	simm.s32 $0x108;
	_ =	swait.ge @!p0 [sflag:s8], $0x0  }
0x24: {  	s3 =	sadd.s32 $0x88, s3;
	s6 =	simm.s32 @!p1 $0x1082;
	[sflag:s4] =	ssyncset.s32 $0xFFFFF086  }
0x25: {  	[simem:s6], [sflag:s4] =	dma.local [hbm:s3], $0xF7A  }
0x26: {  	[smem:$0x3F7D] =	sst s1;
	(tag) =	ssettag s2;
	_ =	strace s9  }
0x27: {  	s1 =	sld [smem:$0x3F8D]  }
0x28: {  	s2 =	sld [smem:$0x3F8E]  }
0x29: {  	s4 =	sld [smem:$0x3F90]  }
0x2a: {  	p0 =	seq.s32 s5, $0x0;
	s5 =	sld [smem:$0x3F91]  }
0x2b: {  	s6 =	sld [smem:$0x3F92]  }
0x2c: {  	s7 =	sld [smem:$0x3F93]  }
0x2d: {  	s3 =	simm.s32 $0x108;
	s8 =	sld [smem:$0x3F94]  }
0x2e: {  	s3 =	simm.s32 @!p0 $0x1082;
	s9 =	sld [smem:$0x3F95]  }
0x2f: {  	lr =	sadd.s32 s0, s3;
	s0 =	sld [smem:$0x3F8C]  }
0x30: {  	s3 =	sld [smem:$0x3F8F]  }
0x31: {  	[smem:$0x3F98] =	sst s10  }
0x32: {  	s10 =	sld [smem:$0x3F96];
	_ =	sdelay $0x3  }
0x33: {  	p0 =	seq.s32 s10, $0x1;
	s10 =	sld [smem:$0x3F98];
	_ =	sdelay $0x3  }
0x34: {  	[smem:$0x3F98] =	sst s10  }
0x35: {  	s10 =	sld [smem:$0x3F97];
	_ =	sdelay $0x3  }
0x36: {  	p1 =	seq.s32 s10, $0x1;
	s10 =	sld [smem:$0x3F98];
	_ =	sdelay $0x3  }
0x37: {  	[smem:$0x3F98] =	sst s10  }
0x38: {  	s10 =	sld [smem:$0x3F99]  }
0x39: {  	_ = 	snop;
	(pc) =	sbr.ind lr, $3  }
0x3a: {  	_ = 	snop  }
0x3b: {  	_ = 	snop  }
0x3c: {  	p2 =	seq.s32 s10, $0x1;
	s10 =	sld [smem:$0x3F98]  }
0x3d: {  	_ =	shalt  }
0x3e: {  	_ =	shalt  }
0x3f: {  	_ =	shalt  }
0x40: {  	_ =	shalt  }
0x41: {  	_ =	shalt  }
0x42: {  	_ =	shalt  }
0x43: {  	_ =	shalt  }
0x44: {  	_ =	shalt  }
0x45: {  	_ =	shalt  }
0x46: {  	_ =	shalt  }
0x47: {  	_ =	shalt  }
0x48: {  	_ =	shalt  }
0x49: {  	_ =	shalt  }
0x4a: {  	_ =	shalt  }
0x4b: {  	_ =	shalt  }
0x4c: {  	_ =	shalt  }
0x4d: {  	_ =	shalt  }
0x4e: {  	_ =	shalt  }
0x4f: {  	_ =	shalt  }
0x50: {  	_ =	shalt  }
0x51: {  	_ =	shalt  }
0x52: {  	_ =	shalt  }
0x53: {  	_ =	shalt  }
0x54: {  	_ =	shalt  }
0x55: {  	_ =	shalt  }
0x56: {  	_ =	shalt  }
0x57: {  	_ =	shalt  }
0x58: {  	_ =	shalt  }
0x59: {  	_ =	shalt  }
0x5a: {  	_ =	shalt  }
0x5b: {  	_ =	shalt  }
0x5c: {  	_ =	shalt  }
0x5d: {  	_ =	shalt  }
0x5e: {  	_ =	shalt  }
0x5f: {  	_ =	shalt  }
0x60: {  	_ =	shalt  }
0x61: {  	_ =	shalt  }
0x62: {  	_ =	shalt  }
0x63: {  	_ =	shalt  }
0x64: {  	_ =	shalt  }
0x65: {  	_ =	shalt  }
0x66: {  	_ =	shalt  }
0x67: {  	_ =	shalt  }
0x68: {  	_ =	shalt  }
0x69: {  	_ =	shalt  }
0x6a: {  	_ =	shalt  }
0x6b: {  	_ =	shalt  }
0x6c: {  	_ =	shalt  }
0x6d: {  	_ =	shalt  }
0x6e: {  	_ =	shalt  }
0x6f: {  	_ =	shalt  }
0x70: {  	_ =	shalt  }
0x71: {  	_ =	shalt  }
0x72: {  	_ =	shalt  }
0x73: {  	_ =	shalt  }
0x74: {  	_ =	shalt  }
0x75: {  	_ =	shalt  }
0x76: {  	_ =	shalt  }
0x77: {  	_ =	shalt  }
0x78: {  	_ =	shalt  }
0x79: {  	_ =	shalt  }
0x7a: {  	_ =	shalt  }
0x7b: {  	_ =	shalt  }
0x7c: {  	_ =	shalt  }
0x7d: {  	_ =	shalt  }
0x7e: {  	_ =	shalt  }
0x7f: {  	_ =	shalt  }
0x80: {  	_ =	shalt  }
0x81: {  	_ =	shalt  }
0x82: {  	_ =	shalt  }
0x83: {  	_ =	shalt  }
0x84: {  	_ =	shalt  }
0x85: {  	_ =	shalt  }
0x86: {  	_ =	shalt  }
0x87: {  	_ =	shalt  }
.Lfunc_end0:
.L_simem_size_0:
called_computation.1_lowered:
.L_overlay_start_0:
0x88: {  	s2 =	sld [smem:$0x3FD9]  }
0x89: {  	s3 =	sld [smem:$0x3FFE];
	_ =	sdelay $0x1  }
0x8a: {  	s1 =	srdreg.scid  }
0x8b: {  	s0 =	sand.u32 $0x1, s1  }
0x8c: {  	s14 =	sshll.u32 s0, $0xA;
	s2 =	sadd.s32 s3, s2  }
0x8d: {  	s2 =	sadd.s32 s2, s14  }
0x8e: {  	[smem:$0x3FA4] =	sst s2  }
0x8f: {  	_ = 	snop  }
0x90: {  	s2 =	sld [smem:$0x3FD0];
	_ =	sdelay $0x2  }
0x91: {  	s15 =	simm.s32 $0xA;
	s4 =	simm.s32 $0x10  }
0x92: {  	[smem:s4], [sflag:s15] =	dma.local [hbm:s2], $0x1  }
0x93: {  	_ =	swait.eq [sflag:s15], $0x1  }
0x94: {  	[sflag:s15] =	ssyncset.done $0x0  }
0x95: {  	s16 =	sld [smem:$0x10];
	[sflag:s15] =	ssyncadd.s32 $0xFFFFFFFF  }
0x96: {  	s17 =	sld [smem:$0x11];
	(tm) =	ssettm $0x1  }
0x97: {  	s18 =	sld [smem:$0x3FFB];
	_ =	sdelay $0x3  }
0x98: {  	_ =	strace s18  }
0x99: {  	s4 =	sld [smem:$0x3FFC];
	_ =	sdelay $0x3  }
0x9a: {  	_ =	strace s4  }
0x9b: {  	s4 =	sld [smem:$0x3FFD];
	_ =	sdelay $0x3  }
0x9c: {  	_ =	strace s4  }
0x9d: {  	_ =	strace $0x8FFFFFFF  }
0x9e: {  	s19 =	sld [smem:$0x3FDB];
	_ =	sdelay $0x1  }
0x9f: {  	s5 =	simm.s32 $_scs_section_size  }
0xa0: {  	s6 =	simm.s32 $_size__tile_overlayer_lowered;
	s7 =	simm.s32 $_tile_overlayer_lowered  }
0xa1: {  	s22 =	simm.s32 $0x1BFF;
	s21 =	sshll.u32 s7, $0x1;
	s4 =	sadd.s32 s5, s19  }
0xa2: {  	s8 =	simm.s32 $0x0;
	s20 =	sshll.u32 s6, $0x1;
	s6 =	sadd.s32 s21, s4  }
0xa3: {  	[timem:s8], [sflag:s22] =	dma.local [hbm:s6], s20  }
0xa4: {  	_ =	swait.ge [sflag:s22], s20  }
0xa5: {  	s5 =	ssub.s32 $0x0, s20;
	[sflag:s22] =	ssyncset.done $0x0  }
0xa6: {  	[sflag:s22] =	ssyncadd.s32 s5;
	_ =	sdelay $0x1  }
0xa7: {  	s23 =	simm.s32 $0x1B8B  }
0xa8: {  	_ =	swait.ge [sflag:s23], $0x1  }
0xa9: {  	[sflag:s23] =	ssyncset.done $0x0  }
0xaa: {  	s25 =	simm.s32 $0x1B8E;
	s24 =	sld [smem:$0x3FFE];
	[sflag:s23] =	ssyncadd.s32 $0xFFFFFFFF  }
0xab: {  	s26 =	simm.s32 $execute0_lowered;
	[smem:$0x3FD2] =	sst s25  }
0xac: {  	s6 =	sshll.u32 s26, $0x1;
	_ =	strace $0x80000049;
	[dreg:$0x1] =	wrdreg $0xFFFFFFFF  }
0xad: {  	s28 =	simm.s32 $_size_execute0_lowered;
	s4 =	sadd.s32 s4, s6;
	[dreg:$0x0] =	wrdreg $0x0  }
0xae: {  	s6 =	sshll.u32 s28, $0x1;
	[dreg:$0x2] =	wrdreg s4  }
0xaf: {  	[dreg:$0x3] =	wrdreg s6  }
0xb0: {  	[dreg:$0x4] =	wrdreg $0xC0  }
0xb1: {  	_ =	task [dreg:s8], $0x5FFFF  }
0xb2: {  	[dreg:$0x1] =	wrdreg $0xFFFFFFFF  }
0xb3: {  	[dreg:$0x0] =	wrdreg $0x60  }
0xb4: {  	[dreg:$0x2] =	wrdreg s16  }
0xb5: {  	[dreg:$0x3] =	wrdreg s17  }
0xb6: {  	[dreg:$0x4] =	wrdreg s24  }
0xb7: {  	[dreg:$0x5] =	wrdreg $0xA0000  }
0xb8: {  	[dreg:$0x6] =	wrdreg $0x9  }
0xb9: {  	_ =	task.clear_ibuf [dreg:s8], $0x7FFFF;
	_ =	strace $0x90000049  }
0xba: {  	s29 =	simm.s32 $0x9;
	_ =	strace $0x8000004B  }
0xbb: {  	_ =	swait.ge [sflag:s29], $0x1  }
0xbc: {  	[sflag:s29] =	ssyncadd.s32 $0xFFFFFFFF  }
0xbd: {  	_ =	strace $0x9000004B  }
0xbe: {  	_ =	sfence  }
0xbf: {  	s30 =	sld [smem:$0x0];
	_ =	sdelay $0x2  }
0xc0: {  	s31 =	sshll.u32 s1, $0xD;
	s1 =	sshrl.u32 s1, $0x2  }
0xc1: {  	s3 =	sand.u32 $0x4000, s31;
	s1 =	sadd.s32 s1, s30  }
0xc2: {  	s0 =	sor.u32 s3, s0;
	s1 =	sshll.u32 s1, $0x11  }
0xc3: {  	s0 =	sor.u32 s1, s0  }
0xc4: {  	s0 =	sadd.s32 $0x8F2B, s0  }
0xc5: {  	[sflag:s0] =	ssyncadd.remote.s32 $0x1  }
0xc6: {  	_ =	sfence.sel $0xFFFF  }
0xc7: {  	[dreg:$0x0] =	wrdreg $0xFFFFFFFF;
	(pc) =	sbr.abs _section_cstart, $3  }
0xc8: {  	[dreg:$0x1] =	wrdreg $0xFFFFFFFF  }
0xc9: {  	_ =	task.clear_ibuf [dreg:s8], $0x2FFFF;
	_ =	strace $0x9FFFFFFF  }
0xca: {  	(tm) =	ssettm $0x7FFFFFFF  }
0xcb: {  	_ =	shalt  }
tec
execute0_lowered:
.L_overlay_start_1:
0x0: {  	(tag) =	ssettag $0x1  }
0x1: {  	s1 =	rddreg [dreg:$0x0]  }
0x2: {  	s2 =	rddreg [dreg:$0x1]  }
0x3: {  	s0 =	rddreg [dreg:$0x2]  }
0x4: {  	s3 =	rddreg [dreg:$0x3];
	s4 =	simm.s32 $0x0  }
0x5: {  	s24 =	srdreg.scid;
	s21 =	stileid.u32;
	s29 =	simm.s32 $0x2000  }
0x6: {  	s30 =	simm.s32 $0x4;
	s31 =	simm.s32 $0x1;
	[smem:$0x7FF] =	sst s4  }
0x7: {  	s6 =	sadd.s32 $0x26400, s0;
	s7 =	sadd.s32 $0x1C400, s0;
	s8 =	sadd.s32 $0x12400, s0  }
0x8: {  	s4 =	sand.u32 $0x1, s24;
	s9 =	sadd.s32 $0x8400, s0;
	s10 =	smul.u32 $0x280, s21  }
0x9: {  	s11 =	sadd.s32 $0x31000, s0;
	s12 =	smul.u32 $0x50000, s21;
	s0 =	sadd.s32 $0xA8400, s0  }
0xa: {  	_ =	strace $0x8000004A;
	s5 =	ssub.s32 $0x2, s4;
	[dreg:$0x5] =	wrdreg s11  }
0xb: {  	[dreg:$0x6] =	wrdreg s0;
	p0 =	seq.s32 s4, $0x1;
	s11 =	simm.s32 $0x2  }
0xc: {  	s25 =	sshrl.u32 s5, $0x1;
	s26 =	sadd.s32 $0x80, s10;
	s19 =	sshrl.u32 s12, $0x2  }
0xd: {  	s22 =	sadd.s32 $0x100, s10;
	s0 =	ssub.s32 s5, s25;
	s20 =	sshll.u32 s26, $0x7  }
0xe: {  	s28 =	sadd.s32 s19, s3;
	s23 =	sshll.u32 s22, $0x7;
	s19 =	sadd.s32 $0x180, s10  }
0xf: {  	s10 =	sadd.s32 $0x200, s10;
	s5 =	sshll.u32 s26, $0x4;
	s4 =	sshll.u32 s22, $0x4  }
0x10: {  	s26 =	smul.u32 $0x2800, s21;
	s13 =	sadd.s32 s20, s3;
	s15 =	sshll.u32 s19, $0x7  }
0x11: {  	s16 =	sshll.u32 s10, $0x7;
	s20 =	smul.u32 $0xA00, s21;
	[dreg:$0x8] =	wrdreg s5  }
0x12: {  	s14 =	sadd.s32 s23, s3;
	[dreg:$0x9] =	wrdreg s4;
	s24 =	sshll.u32 s19, $0x4  }
0x13: {  	s25 =	sshll.u32 s10, $0x4;
	s0 =	smax.u32 s0, $0x1;
	[dreg:$0x7] =	wrdreg s28  }
0x14: {  	s10 =	simm.s32 $0x3;
	s5 =	simm.s32 $0x6000;
	[dreg:$0xa] =	wrdreg s24  }
.Ltmp0:
0x15: {  	s4 =	simm.s32 $0x1F00;
	[dreg:$0xb] =	wrdreg s25;
	(pc) =	sbr.rel .LBB2_1-.Ltmp0, $4  }
0x16: {  	s19 =	simm.s32 $0x1F80;
	s15 =	sadd.s32 s15, s3;
	[dreg:$0xc] =	wrdreg s0  }
0x17: {  	s16 =	sadd.s32 s16, s3;
	s25 =	smul.u32 $0x5000, s21;
	[dreg:$0xd] =	wrdreg s26  }
0x18: {  	s0 =	simm.s32 $0x80;
	s17 =	sadd.s32 s6, s20;
	s18 =	sadd.s32 s7, s20  }
0x19: {  	v0 =	vimm.f32 $0.0e+00;
	s23 =	sadd.s32 s8, s20;
	s24 =	sadd.s32 s9, s20;
	s20 =	simm.s32 $0x0  }
.LBB2_14:
0x1a: {  	s12 =	rddreg [dreg:$0xd];
	s22 =	stileid.u32;
	[bflag:$0x0] =	sbarrier.arrive $0xFFFF  }
0x1b: {  	s22 =	sshll.u32 s22, $0x6;
	s28 =	rddreg [dreg:$0x7]  }
0x1c: {  	s12 =	sadd.s32 s21, s12;
	s22 =	sor.u32 $0x1C04, s22;
	s26 =	sshrl.u32 s28, $0x3  }
0x1d: {  	[hbm:s12], [sflag:s22] =	dma.local [spmem:s26], $0x800  }
0x1e: {  	_ =	swait.ge [sflag:s30], $0x800  }
0x1f: {  	[sflag:s30] =	ssyncset.done $0x0;
	s26 =	rddreg [dreg:$0x8]  }
0x20: {  	s12 =	sadd.s32 s21, s26;
	[sflag:s30] =	ssyncadd.s32 $0xFFFFF800;
	s26 =	sshrl.u32 s13, $0x3  }
0x21: {  	[hbm:s12], [sflag:s22] =	dma.local [spmem:s26], $0x800  }
0x22: {  	_ =	swait.ge [sflag:s30], $0x800  }
0x23: {  	[sflag:s30] =	ssyncset.done $0x0;
	s26 =	rddreg [dreg:$0x9]  }
0x24: {  	s12 =	sadd.s32 s21, s26;
	[sflag:s30] =	ssyncadd.s32 $0xFFFFF800;
	s26 =	sshrl.u32 s14, $0x3  }
0x25: {  	[hbm:s12], [sflag:s22] =	dma.local [spmem:s26], $0x800  }
0x26: {  	_ =	swait.ge [sflag:s30], $0x800  }
0x27: {  	[sflag:s30] =	ssyncset.done $0x0;
	s26 =	rddreg [dreg:$0xa]  }
0x28: {  	s12 =	sadd.s32 s21, s26;
	[sflag:s30] =	ssyncadd.s32 $0xFFFFF800;
	s26 =	sshrl.u32 s15, $0x3  }
0x29: {  	[hbm:s12], [sflag:s22] =	dma.local [spmem:s26], $0x800  }
0x2a: {  	_ =	swait.ge [sflag:s30], $0x800  }
0x2b: {  	[sflag:s30] =	ssyncset.done $0x0;
	s26 =	rddreg [dreg:$0xb]  }
0x2c: {  	s12 =	sadd.s32 s21, s26;
	[sflag:s30] =	ssyncadd.s32 $0xFFFFF800;
	s26 =	sshrl.u32 s16, $0x3  }
0x2d: {  	[hbm:s12], [sflag:s22] =	dma.local [spmem:s26], $0x800  }
0x2e: {  	_ =	swait.ge [sflag:s30], $0x800  }
0x2f: {  	s20 =	sadd.s32 $0x1, s20;
	s26 =	rddreg [dreg:$0xc]  }
0x30: {  	p1 =	sne.s32 s20, s26  }
.Ltmp1:
0x31: {  	_ = 	snop;
	(pc) =	sbr.rel @!p1 .LBB2_15-.Ltmp1, $3  }
0x32: {  	_ =	sdelay $0x1  }
0x33: {  	[sflag:s30] =	ssyncset.done $0x0  }
0x34: {  	[sflag:s30] =	ssyncadd.s32 $0xFFFFF800  }
.LBB2_1:
.Ltmp2:
0x35: {  	(pc) =	sbr.rel @!p0 .LBB2_2-.Ltmp2, $3  }
0x36: {  	_ =	sdelay $0x1  }
0x37: {  	s12 =	simm.s32 $0x0  }
0x38: {  	s21 =	sshra.s32 s12, $0x2;
	s22 =	sadd.s32 $0x200, s12  }
.LBB2_8:
0x39: {  	p1 =	sne.s32 s22, $0xFE00;
	[tilespmem:s21+$0x2070] =	vst v0  }
0x3a: {  	[tilespmem:s21+$0x2000] =	vst v0  }
0x3b: {  	[tilespmem:s21+$0x2010] =	vst v0  }
.Ltmp3:
0x3c: {  	[tilespmem:s21+$0x2020] =	vst v0;
	(pc) =	sbr.rel @p1 .LBB2_8-.Ltmp3, $4  }
0x3d: {  	[tilespmem:s21+$0x2030] =	vst v0  }
0x3e: {  	[tilespmem:s21+$0x2040] =	vst v0  }
0x3f: {  	[tilespmem:s21+$0x2050] =	vst v0  }
0x40: {  	[tilespmem:s21+$0x2060] =	vst v0;
	s21 =	sshra.s32 s22, $0x2;
	s22 =	sadd.s32 $0x200, s22  }
0x41: {  	[tilespmem:s21+$0x2070] =	vst v0  }
0x42: {  	[tilespmem:s21+$0x2000] =	vst v0  }
0x43: {  	[tilespmem:s21+$0x2010] =	vst v0  }
0x44: {  	[tilespmem:s21+$0x2020] =	vst v0  }
0x45: {  	[tilespmem:s21+$0x2030] =	vst v0  }
0x46: {  	[tilespmem:s21+$0x2040] =	vst v0  }
0x47: {  	[tilespmem:s21+$0x2050] =	vst v0  }
0x48: {  	[tilespmem:s21+$0x2060] =	vst v0  }
0x49: {  	[spmem:s28] =	stream.linear.scatter [tilespmem:s29], [sflag:$0x4], $0x4000, $0x38;
	[tilespmem:$0x1E000] =	vst v63  }
0x4a: {  	_ =	swait.ge [sflag:s30], $0x4000  }
0x4b: {  	[sflag:s30] =	ssyncset.done $0x0  }
0x4c: {  	[sflag:s30] =	ssyncadd.s32 $0xFFFFC000  }
0x4d: {  	[spmem:s13] =	stream.linear.scatter [tilespmem:s29], [sflag:$0x4], $0x4000, $0x38;
	[tilespmem:$0x1E000] =	vst v63  }
0x4e: {  	_ =	swait.ge [sflag:s30], $0x4000  }
0x4f: {  	[sflag:s30] =	ssyncset.done $0x0  }
0x50: {  	[sflag:s30] =	ssyncadd.s32 $0xFFFFC000  }
0x51: {  	[spmem:s14] =	stream.linear.scatter [tilespmem:s29], [sflag:$0x4], $0x4000, $0x38;
	[tilespmem:$0x1E000] =	vst v63  }
0x52: {  	_ =	swait.ge [sflag:s30], $0x4000  }
0x53: {  	[sflag:s30] =	ssyncset.done $0x0  }
0x54: {  	[sflag:s30] =	ssyncadd.s32 $0xFFFFC000  }
0x55: {  	[spmem:s15] =	stream.linear.scatter [tilespmem:s29], [sflag:$0x4], $0x4000, $0x38;
	[tilespmem:$0x1E000] =	vst v63  }
0x56: {  	_ =	swait.ge [sflag:s30], $0x4000  }
0x57: {  	[sflag:s30] =	ssyncset.done $0x0  }
0x58: {  	[sflag:s30] =	ssyncadd.s32 $0xFFFFC000  }
0x59: {  	[spmem:s16] =	stream.linear.scatter [tilespmem:s29], [sflag:$0x4], $0x4000, $0x38;
	[tilespmem:$0x1E000] =	vst v63  }
0x5a: {  	_ =	swait.ge [sflag:s30], $0x4000  }
0x5b: {  	[sflag:s30] =	ssyncset.done $0x0  }
0x5c: {  	[sflag:s30] =	ssyncadd.s32 $0xFFFFC000  }
0x5d: {  	s21 =	simm.s32 $0x0;
	[bflag:$0x0] =	sbarrier.arrive $0xFFFF  }
.LBB2_10:
0x5e: {  	p1 =	sne.s32 s21, $0x0  }
0x5f: {  	s12 =	simm.s32 @!p1 $0x0;
	s22 =	simm.s32 @!p1 $0x4  }
0x60: {  	[tilespmem:s12], [sflag:$0x4] =	stream.linear.gather @!p1 [hbm4b:s23+s12], $0x1000, $0x38;
	[tilespmem:$0x1E000] =	vst v63  }
0x61: {  	_ =	swait.ge @!p1 [sflag:s22], $0x1000  }
0x62: {  	[sflag:s22] =	ssyncset.done @!p1 $0x0  }
0x63: {  	s26 =	simm.s32 @!p1 $0x1000;
	[sflag:s22] =	ssyncadd.s32 @!p1 $0xFFFFF000  }
0x64: {  	[tilespmem:s26], [sflag:$0x4] =	stream.linear.gather @!p1 [hbm4b:s24+s12], $0x1000, $0x38;
	[tilespmem:$0x1E000] =	vst v63  }
0x65: {  	_ =	swait.ge @!p1 [sflag:s22], $0x1000  }
0x66: {  	[sflag:s22] =	ssyncset.done @!p1 $0x0  }
0x67: {  	s26 =	simm.s32 @!p1 $0x2000;
	[sflag:s22] =	ssyncadd.s32 @!p1 $0xFFFFF000;
	s22 =	simm.s32 @!p1 $0x80  }
0x68: {  	[tilespmem:s26], [sflag:$0x1] =	stream.indirect.gather @!p1 [hbm4b:s2+s22], $0x80, s12, s22, $0xb8;
	[tilespmem:$0x1E000] =	vst v63  }
0x69: {  	s12 =	simm.s32 @!p1 $0x6000  }
0x6a: {  	[tilespmem:s12], [sflag:$0x2] =	stream.indirect.gather @!p1 [hbm4b:s2+s22], $0x80, s22, s22, $0xb8;
	[tilespmem:$0x1E000] =	vst v63  }
0x6b: {  	_ =	swait.ge [sflag:s31], $0x4000  }
0x6c: {  	[sflag:s31] =	ssyncset.done $0x0  }
0x6d: {  	s22 =	simm.s32 $0x1000;
	[sflag:s31] =	ssyncadd.s32 $0xFFFFC000  }
0x6e: {  	[spmem:s3] =	stream.indirect.scatter.add.f32 [tilespmem:s29], [sflag:$0x3], $0x80, s22, s0, $0xb8;
	[tilespmem:$0x1E000] =	vst v63  }
0x6f: {  	_ =	swait.ge [sflag:s10], $0x4000  }
0x70: {  	[sflag:s10] =	ssyncset.done $0x0  }
0x71: {  	s26 =	simm.s32 $0x100;
	[sflag:s10] =	ssyncadd.s32 $0xFFFFC000  }
0x72: {  	[tilespmem:s29], [sflag:$0x1] =	stream.indirect.gather [hbm4b:s2+s0], $0x80, s26, s0, $0xb8;
	[tilespmem:$0x1E000] =	vst v63  }
0x73: {  	_ =	swait.ge [sflag:s11], $0x4000  }
0x74: {  	[sflag:s11] =	ssyncset.done $0x0  }
0x75: {  	s28 =	simm.s32 $0x1080;
	[sflag:s11] =	ssyncadd.s32 $0xFFFFC000  }
0x76: {  	[spmem:s3] =	stream.indirect.scatter.add.f32 [tilespmem:s5], [sflag:$0x3], $0x80, s28, s0, $0xb8;
	[tilespmem:$0x1E000] =	vst v63  }
0x77: {  	_ =	swait.ge [sflag:s10], $0x4000  }
0x78: {  	[sflag:s10] =	ssyncset.done $0x0  }
0x79: {  	s22 =	simm.s32 $0x400;
	s26 =	simm.s32 $0x180;
	[sflag:s10] =	ssyncadd.s32 $0xFFFFC000  }
.LBB2_11:
0x7a: {  	[tilespmem:s5], [sflag:$0x2] =	stream.indirect.gather [hbm4b:s2+s0], $0x80, s26, s0, $0xb8;
	[tilespmem:$0x1E000] =	vst v63  }
0x7b: {  	s12 =	smov.u32 s22  }
0x7c: {  	p1 =	sne.s32 s22, $0x3800;
	s22 =	sadd.s32 $0x400, s22;
	_ =	swait.ge [sflag:s31], $0x4000  }
0x7d: {  	s12 =	sshra.s32 s12, $0x2;
	[sflag:s31] =	ssyncset.done $0x0  }
0x7e: {  	s26 =	sadd.s32 $0x1000, s12;
	[sflag:s31] =	ssyncadd.s32 $0xFFFFC000  }
0x7f: {  	[spmem:s3] =	stream.indirect.scatter.add.f32 [tilespmem:s29], [sflag:$0x3], $0x80, s26, s0, $0xb8;
	[tilespmem:$0x1E000] =	vst v63  }
0x80: {  	_ =	swait.ge [sflag:s10], $0x4000  }
0x81: {  	[sflag:s10] =	ssyncset.done $0x0  }
0x82: {  	s26 =	sadd.s32 $0x100, s12;
	[sflag:s10] =	ssyncadd.s32 $0xFFFFC000  }
0x83: {  	[tilespmem:s29], [sflag:$0x1] =	stream.indirect.gather [hbm4b:s2+s0], $0x80, s26, s0, $0xb8;
	[tilespmem:$0x1E000] =	vst v63  }
0x84: {  	_ =	swait.ge [sflag:s11], $0x4000  }
0x85: {  	[sflag:s11] =	ssyncset.done $0x0  }
.Ltmp4:
0x86: {  	s26 =	sadd.s32 $0x1080, s12;
	[sflag:s11] =	ssyncadd.s32 $0xFFFFC000;
	(pc) =	sbr.rel @p1 .LBB2_11-.Ltmp4, $4  }
0x87: {  	[spmem:s3] =	stream.indirect.scatter.add.f32 [tilespmem:s5], [sflag:$0x3], $0x80, s26, s0, $0xb8;
	[tilespmem:$0x1E000] =	vst v63  }
0x88: {  	_ =	swait.ge [sflag:s10], $0x4000  }
0x89: {  	[sflag:s10] =	ssyncset.done $0x0  }
0x8a: {  	s26 =	sadd.s32 $0x180, s12;
	[sflag:s10] =	ssyncadd.s32 $0xFFFFC000  }
0x8b: {  	[tilespmem:s5], [sflag:$0x2] =	stream.indirect.gather [hbm4b:s2+s0], $0x80, s26, s0, $0xb8;
	[tilespmem:$0x1E000] =	vst v63  }
0x8c: {  	_ =	swait.ge [sflag:s31], $0x4000  }
0x8d: {  	[sflag:s31] =	ssyncset.done $0x0  }
0x8e: {  	[sflag:s31] =	ssyncadd.s32 $0xFFFFC000  }
0x8f: {  	[spmem:s3] =	stream.indirect.scatter.add.f32 [tilespmem:s29], [sflag:$0x3], $0x80, s4, s0, $0xb8;
	[tilespmem:$0x1E000] =	vst v63  }
0x90: {  	_ =	swait.ge [sflag:s10], $0x4000  }
0x91: {  	[sflag:s10] =	ssyncset.done $0x0  }
0x92: {  	[sflag:s10] =	ssyncadd.s32 $0xFFFFC000  }
0x93: {  	p1 =	seq.s32 s21, $0x4;
	_ =	swait.ge [sflag:s11], $0x4000  }
0x94: {  	s21 =	sadd.s32 @!p1 $0x1, s21;
	[sflag:s11] =	ssyncset.done $0x0  }
0x95: {  	s12 =	sshll.u32 @!p1 s21, $0xC;
	[sflag:s11] =	ssyncadd.s32 $0xFFFFC000  }
0x96: {  	[spmem:s3] =	stream.indirect.scatter.add.f32 [tilespmem:s5], [sflag:$0x3], $0x80, s19, s0, $0xb8;
	[tilespmem:$0x1E000] =	vst v63  }
0x97: {  	s12 =	sadd.s32 @!p1 s25, s12;
	_ =	swait.ge [sflag:s10], $0x4000  }
0x98: {  	s12 =	sshrl.u32 @!p1 s12, $0x3;
	[sflag:s10] =	ssyncset.done $0x0  }
0x99: {  	s26 =	simm.s32 @!p1 $0x0;
	s22 =	sadd.s32 @!p1 s8, s12;
	[sflag:s10] =	ssyncadd.s32 $0xFFFFC000  }
0x9a: {  	[tilespmem:s26], [sflag:$0x4] =	stream.linear.gather @!p1 [hbm4b:s22+s26], $0x1000, $0x38;
	[tilespmem:$0x1E000] =	vst v63  }
0x9b: {  	s22 =	simm.s32 @!p1 $0x4  }
0x9c: {  	_ =	swait.ge @!p1 [sflag:s22], $0x1000  }
0x9d: {  	s28 =	simm.s32 @!p1 $0x1000;
	[sflag:s22] =	ssyncset.done @!p1 $0x0  }
0x9e: {  	p2 =	sne.s32 @!p1 s21, $0x5;
	s12 =	sadd.s32 @!p1 s9, s12;
	[sflag:s22] =	ssyncadd.s32 @!p1 $0xFFFFF000  }
0x9f: {  	[tilespmem:s28], [sflag:$0x4] =	stream.linear.gather @!p1 [hbm4b:s12+s26], $0x1000, $0x38;
	[tilespmem:$0x1E000] =	vst v63  }
0xa0: {  	p2 =	por p1, !p2;
	_ =	swait.ge @!p1 [sflag:s22], $0x1000  }
.Ltmp5:
0xa1: {  	[sflag:s22] =	ssyncset.done @!p1 $0x0;
	(pc) =	sbr.rel @!p2 .LBB2_10-.Ltmp5, $4  }
0xa2: {  	s12 =	simm.s32 @!p1 $0x80;
	[sflag:s22] =	ssyncadd.s32 @!p1 $0xFFFFF000;
	s22 =	simm.s32 @!p1 $0x2000  }
0xa3: {  	[tilespmem:s22], [sflag:$0x1] =	stream.indirect.gather @!p1 [hbm4b:s2+s12], $0x80, s26, s12, $0xb8;
	[tilespmem:$0x1E000] =	vst v63  }
0xa4: {  	s22 =	simm.s32 @!p1 $0x6000  }
0xa5: {  	[tilespmem:s22], [sflag:$0x2] =	stream.indirect.gather @!p1 [hbm4b:s2+s12], $0x80, s12, s12, $0xb8;
	[tilespmem:$0x1E000] =	vst v63  }
.Ltmp6:
0xa6: {  	(pc) =	sbr.rel .LBB2_14-.Ltmp6, $3  }
0xa7: {  	_ =	sdelay $0x1  }
0xa8: {  	s21 =	rddreg [dreg:$0x6]  }
0xa9: {  	s21 =	smov.u32 @p1 s21  }
.LBB2_2:
0xaa: {  	p1 =	sne.s32 s22, $0xFE00;
	[tilespmem:s21+$0x2070] =	vst v0  }
0xab: {  	[tilespmem:s21+$0x2000] =	vst v0  }
0xac: {  	[tilespmem:s21+$0x2010] =	vst v0  }
.Ltmp7:
0xad: {  	[tilespmem:s21+$0x2020] =	vst v0;
	(pc) =	sbr.rel @p1 .LBB2_2-.Ltmp7, $4  }
0xae: {  	[tilespmem:s21+$0x2030] =	vst v0  }
0xaf: {  	[tilespmem:s21+$0x2040] =	vst v0  }
0xb0: {  	[tilespmem:s21+$0x2050] =	vst v0  }
0xb1: {  	[tilespmem:s21+$0x2060] =	vst v0;
	s21 =	sshra.s32 s22, $0x2;
	s22 =	sadd.s32 $0x200, s22  }
0xb2: {  	[tilespmem:s21+$0x2070] =	vst v0  }
0xb3: {  	[tilespmem:s21+$0x2000] =	vst v0  }
0xb4: {  	[tilespmem:s21+$0x2010] =	vst v0  }
0xb5: {  	[tilespmem:s21+$0x2020] =	vst v0  }
0xb6: {  	[tilespmem:s21+$0x2030] =	vst v0  }
0xb7: {  	[tilespmem:s21+$0x2040] =	vst v0  }
0xb8: {  	[tilespmem:s21+$0x2050] =	vst v0  }
0xb9: {  	[tilespmem:s21+$0x2060] =	vst v0  }
0xba: {  	[spmem:s28] =	stream.linear.scatter [tilespmem:s29], [sflag:$0x4], $0x4000, $0x38;
	[tilespmem:$0x1E000] =	vst v63  }
0xbb: {  	_ =	swait.ge [sflag:s30], $0x4000  }
0xbc: {  	[sflag:s30] =	ssyncset.done $0x0  }
0xbd: {  	[sflag:s30] =	ssyncadd.s32 $0xFFFFC000  }
0xbe: {  	[spmem:s13] =	stream.linear.scatter [tilespmem:s29], [sflag:$0x4], $0x4000, $0x38;
	[tilespmem:$0x1E000] =	vst v63  }
0xbf: {  	_ =	swait.ge [sflag:s30], $0x4000  }
0xc0: {  	[sflag:s30] =	ssyncset.done $0x0  }
0xc1: {  	[sflag:s30] =	ssyncadd.s32 $0xFFFFC000  }
0xc2: {  	[spmem:s14] =	stream.linear.scatter [tilespmem:s29], [sflag:$0x4], $0x4000, $0x38;
	[tilespmem:$0x1E000] =	vst v63  }
0xc3: {  	_ =	swait.ge [sflag:s30], $0x4000  }
0xc4: {  	[sflag:s30] =	ssyncset.done $0x0  }
0xc5: {  	[sflag:s30] =	ssyncadd.s32 $0xFFFFC000  }
0xc6: {  	[spmem:s15] =	stream.linear.scatter [tilespmem:s29], [sflag:$0x4], $0x4000, $0x38;
	[tilespmem:$0x1E000] =	vst v63  }
0xc7: {  	_ =	swait.ge [sflag:s30], $0x4000  }
0xc8: {  	[sflag:s30] =	ssyncset.done $0x0  }
0xc9: {  	[sflag:s30] =	ssyncadd.s32 $0xFFFFC000  }
0xca: {  	[spmem:s16] =	stream.linear.scatter [tilespmem:s29], [sflag:$0x4], $0x4000, $0x38;
	[tilespmem:$0x1E000] =	vst v63  }
0xcb: {  	_ =	swait.ge [sflag:s30], $0x4000  }
0xcc: {  	[sflag:s30] =	ssyncset.done $0x0  }
0xcd: {  	[sflag:s30] =	ssyncadd.s32 $0xFFFFC000  }
0xce: {  	s21 =	simm.s32 $0x0;
	[bflag:$0x0] =	sbarrier.arrive $0xFFFF  }
.LBB2_4:
0xcf: {  	p1 =	sne.s32 s21, $0x0  }
0xd0: {  	s22 =	simm.s32 @!p1 $0x0;
	s26 =	simm.s32 @!p1 $0x4  }
0xd1: {  	[tilespmem:s22], [sflag:$0x4] =	stream.linear.gather @!p1 [hbm4b:s17+s22], $0x1000, $0x38;
	[tilespmem:$0x1E000] =	vst v63  }
0xd2: {  	_ =	swait.ge @!p1 [sflag:s26], $0x1000  }
0xd3: {  	[sflag:s26] =	ssyncset.done @!p1 $0x0  }
0xd4: {  	s28 =	simm.s32 @!p1 $0x1000;
	[sflag:s26] =	ssyncadd.s32 @!p1 $0xFFFFF000  }
0xd5: {  	[tilespmem:s28], [sflag:$0x4] =	stream.linear.gather @!p1 [hbm4b:s18+s22], $0x1000, $0x38;
	[tilespmem:$0x1E000] =	vst v63  }
0xd6: {  	_ =	swait.ge @!p1 [sflag:s26], $0x1000  }
0xd7: {  	[sflag:s26] =	ssyncset.done @!p1 $0x0  }
0xd8: {  	s28 =	simm.s32 @!p1 $0x2000;
	[sflag:s26] =	ssyncadd.s32 @!p1 $0xFFFFF000;
	s26 =	simm.s32 @!p1 $0x80  }
0xd9: {  	[tilespmem:s28], [sflag:$0x1] =	stream.indirect.gather @!p1 [hbm4b:s1+s26], $0x80, s22, s26, $0xb8;
	[tilespmem:$0x1E000] =	vst v63  }
0xda: {  	s22 =	simm.s32 @!p1 $0x6000  }
0xdb: {  	[tilespmem:s22], [sflag:$0x2] =	stream.indirect.gather @!p1 [hbm4b:s1+s26], $0x80, s26, s26, $0xb8;
	[tilespmem:$0x1E000] =	vst v63  }
0xdc: {  	_ =	swait.ge [sflag:s31], $0x4000  }
0xdd: {  	[sflag:s31] =	ssyncset.done $0x0  }
0xde: {  	s12 =	simm.s32 $0x1000;
	[sflag:s31] =	ssyncadd.s32 $0xFFFFC000  }
0xdf: {  	[spmem:s3] =	stream.indirect.scatter.add.f32 [tilespmem:s29], [sflag:$0x3], $0x80, s12, s0, $0xb8;
	[tilespmem:$0x1E000] =	vst v63  }
0xe0: {  	_ =	swait.ge [sflag:s10], $0x4000  }
0xe1: {  	[sflag:s10] =	ssyncset.done $0x0  }
0xe2: {  	s26 =	simm.s32 $0x100;
	[sflag:s10] =	ssyncadd.s32 $0xFFFFC000  }
0xe3: {  	[tilespmem:s29], [sflag:$0x1] =	stream.indirect.gather [hbm4b:s1+s0], $0x80, s26, s0, $0xb8;
	[tilespmem:$0x1E000] =	vst v63  }
0xe4: {  	_ =	swait.ge [sflag:s11], $0x4000  }
0xe5: {  	[sflag:s11] =	ssyncset.done $0x0  }
0xe6: {  	s28 =	simm.s32 $0x1080;
	[sflag:s11] =	ssyncadd.s32 $0xFFFFC000  }
0xe7: {  	[spmem:s3] =	stream.indirect.scatter.add.f32 [tilespmem:s5], [sflag:$0x3], $0x80, s28, s0, $0xb8;
	[tilespmem:$0x1E000] =	vst v63  }
0xe8: {  	_ =	swait.ge [sflag:s10], $0x4000  }
0xe9: {  	[sflag:s10] =	ssyncset.done $0x0  }
0xea: {  	s22 =	simm.s32 $0x400;
	s26 =	simm.s32 $0x180;
	[sflag:s10] =	ssyncadd.s32 $0xFFFFC000  }
.LBB2_5:
0xeb: {  	[tilespmem:s5], [sflag:$0x2] =	stream.indirect.gather [hbm4b:s1+s0], $0x80, s26, s0, $0xb8;
	[tilespmem:$0x1E000] =	vst v63  }
0xec: {  	s26 =	smov.u32 s22  }
0xed: {  	p1 =	sne.s32 s22, $0x3800;
	s22 =	sadd.s32 $0x400, s22;
	_ =	swait.ge [sflag:s31], $0x4000  }
0xee: {  	s26 =	sshra.s32 s26, $0x2;
	[sflag:s31] =	ssyncset.done $0x0  }
0xef: {  	s28 =	sadd.s32 $0x1000, s26;
	[sflag:s31] =	ssyncadd.s32 $0xFFFFC000  }
0xf0: {  	[spmem:s3] =	stream.indirect.scatter.add.f32 [tilespmem:s29], [sflag:$0x3], $0x80, s28, s0, $0xb8;
	[tilespmem:$0x1E000] =	vst v63  }
0xf1: {  	_ =	swait.ge [sflag:s10], $0x4000  }
0xf2: {  	[sflag:s10] =	ssyncset.done $0x0  }
0xf3: {  	s28 =	sadd.s32 $0x100, s26;
	[sflag:s10] =	ssyncadd.s32 $0xFFFFC000  }
0xf4: {  	[tilespmem:s29], [sflag:$0x1] =	stream.indirect.gather [hbm4b:s1+s0], $0x80, s28, s0, $0xb8;
	[tilespmem:$0x1E000] =	vst v63  }
0xf5: {  	_ =	swait.ge [sflag:s11], $0x4000  }
0xf6: {  	[sflag:s11] =	ssyncset.done $0x0  }
.Ltmp8:
0xf7: {  	s28 =	sadd.s32 $0x1080, s26;
	[sflag:s11] =	ssyncadd.s32 $0xFFFFC000;
	(pc) =	sbr.rel @p1 .LBB2_5-.Ltmp8, $4  }
0xf8: {  	[spmem:s3] =	stream.indirect.scatter.add.f32 [tilespmem:s5], [sflag:$0x3], $0x80, s28, s0, $0xb8;
	[tilespmem:$0x1E000] =	vst v63  }
0xf9: {  	_ =	swait.ge [sflag:s10], $0x4000  }
0xfa: {  	[sflag:s10] =	ssyncset.done $0x0  }
0xfb: {  	s26 =	sadd.s32 $0x180, s26;
	[sflag:s10] =	ssyncadd.s32 $0xFFFFC000  }
0xfc: {  	[tilespmem:s5], [sflag:$0x2] =	stream.indirect.gather [hbm4b:s1+s0], $0x80, s26, s0, $0xb8;
	[tilespmem:$0x1E000] =	vst v63  }
0xfd: {  	_ =	swait.ge [sflag:s31], $0x4000  }
0xfe: {  	[sflag:s31] =	ssyncset.done $0x0  }
0xff: {  	[sflag:s31] =	ssyncadd.s32 $0xFFFFC000  }
0x100: {  	[spmem:s3] =	stream.indirect.scatter.add.f32 [tilespmem:s29], [sflag:$0x3], $0x80, s4, s0, $0xb8;
	[tilespmem:$0x1E000] =	vst v63  }
0x101: {  	_ =	swait.ge [sflag:s10], $0x4000  }
0x102: {  	[sflag:s10] =	ssyncset.done $0x0  }
0x103: {  	[sflag:s10] =	ssyncadd.s32 $0xFFFFC000  }
0x104: {  	p1 =	seq.s32 s21, $0x4;
	_ =	swait.ge [sflag:s11], $0x4000  }
0x105: {  	s21 =	sadd.s32 @!p1 $0x1, s21;
	[sflag:s11] =	ssyncset.done $0x0  }
0x106: {  	s22 =	sshll.u32 @!p1 s21, $0xC;
	[sflag:s11] =	ssyncadd.s32 $0xFFFFC000  }
0x107: {  	[spmem:s3] =	stream.indirect.scatter.add.f32 [tilespmem:s5], [sflag:$0x3], $0x80, s19, s0, $0xb8;
	[tilespmem:$0x1E000] =	vst v63  }
0x108: {  	s22 =	sadd.s32 @!p1 s25, s22;
	_ =	swait.ge [sflag:s10], $0x4000  }
0x109: {  	s22 =	sshrl.u32 @!p1 s22, $0x3;
	[sflag:s10] =	ssyncset.done $0x0  }
0x10a: {  	s28 =	simm.s32 @!p1 $0x0;
	s26 =	sadd.s32 @!p1 s6, s22;
	[sflag:s10] =	ssyncadd.s32 $0xFFFFC000  }
0x10b: {  	[tilespmem:s28], [sflag:$0x4] =	stream.linear.gather @!p1 [hbm4b:s26+s28], $0x1000, $0x38;
	[tilespmem:$0x1E000] =	vst v63  }
0x10c: {  	s26 =	simm.s32 @!p1 $0x4  }
0x10d: {  	_ =	swait.ge @!p1 [sflag:s26], $0x1000  }
0x10e: {  	s12 =	simm.s32 @!p1 $0x1000;
	[sflag:s26] =	ssyncset.done @!p1 $0x0  }
0x10f: {  	p2 =	seq.s32 @!p1 s21, $0x5;
	s22 =	sadd.s32 @!p1 s7, s22;
	[sflag:s26] =	ssyncadd.s32 @!p1 $0xFFFFF000  }
0x110: {  	[tilespmem:s12], [sflag:$0x4] =	stream.linear.gather @!p1 [hbm4b:s22+s28], $0x1000, $0x38;
	[tilespmem:$0x1E000] =	vst v63  }
0x111: {  	p2 =	por p1, p2;
	_ =	swait.ge @!p1 [sflag:s26], $0x1000  }
.Ltmp9:
0x112: {  	[sflag:s26] =	ssyncset.done @!p1 $0x0;
	(pc) =	sbr.rel @!p2 .LBB2_4-.Ltmp9, $4  }
0x113: {  	s12 =	simm.s32 @!p1 $0x80;
	s22 =	simm.s32 @!p1 $0x2000;
	[sflag:s26] =	ssyncadd.s32 @!p1 $0xFFFFF000  }
0x114: {  	[tilespmem:s22], [sflag:$0x1] =	stream.indirect.gather @!p1 [hbm4b:s1+s12], $0x80, s28, s12, $0xb8;
	[tilespmem:$0x1E000] =	vst v63  }
0x115: {  	s22 =	simm.s32 @!p1 $0x6000  }
0x116: {  	[tilespmem:s22], [sflag:$0x2] =	stream.indirect.gather @!p1 [hbm4b:s1+s12], $0x80, s12, s12, $0xb8;
	[tilespmem:$0x1E000] =	vst v63  }
.Ltmp10:
0x117: {  	(pc) =	sbr.rel .LBB2_14-.Ltmp10, $3  }
0x118: {  	_ =	sdelay $0x1  }
0x119: {  	s21 =	rddreg [dreg:$0x5]  }
0x11a: {  	s21 =	smov.u32 @p1 s21  }
.LBB2_15:
0x11b: {  	_ =	sfence.sel $0x180000  }
0x11c: {  	[bflag:$0x0] =	sbarrier.arrive $0xFFFF  }
0x11d: {  	_ =	strace $0x9000004A  }
0x11e: {  	s0 =	stileid.u32;
	[bflag:$0x2] =	sbarrier.arrive $0xFFFF  }
0x11f: {  	p0 =	sne.s32 s0, $0x0;
	s0 =	rddreg [dreg:$0x4]  }
0x120: {  	s0 =	sadd.s32 @!p0 $0x100000, s0  }
0x121: {  	[sflag:s0] =	ssyncadd.tile.s32 @!p0 $0x1;
	_ =	shalt  }
.Lfunc_end2:
_tile_overlayer_lowered:
.L_overlay_start_2:
0x122: {  	(tag) =	ssettag $0x2  }
0x123: {  	s0 =	rddreg [dreg:$0x0];
	s2 =	stileid.u32  }
0x124: {  	s1 =	rddreg [dreg:$0x1];
	p0 =	sne.s32 s2, $0x0  }
0x125: {  	s3 =	rddreg [dreg:$0x2];
	[bflag:$0x3] =	sbarrier.arrive $0xFFFF;
	s2 =	simm.s32 @!p0 $0x1C04  }
0x126: {  	[timem:s3], [sflag:s2] =	dma.local @!p0 [hbm:s0], s1  }
0x127: {  	s0 =	simm.s32 @!p0 $0x4  }
0x128: {  	_ =	swait.ge @!p0 [sflag:s0], s1  }
0x129: {  	s1 =	ssub.s32 @!p0 $0x0, s1;
	[sflag:s0] =	ssyncset.done @!p0 $0x0  }
0x12a: {  	[sflag:s0] =	ssyncadd.s32 @!p0 s1  }
0x12b: {  	[bflag:$0x3] =	sbarrier.arrive $0xFFFF  }
0x12c: {  	_ =	shalt  }

// kernel: kernel.8.cloned.1.call-start
scs
__scs_entry_jumppad:
0x0: {  	(pc) =	sbr.rel $0x88, $3  }
0x1: {  	(tag) =	ssettag $0x0;
	lr =	simm.s32 $0x1  }
0x2: {  	[smem:$0x3F7D] =	sst lr;
	_ =	strace $0xD0000000  }
0x3: {  	_ = 	snop  }
0x4: {  	_ = 	snop  }
0x5: {  	_ = 	snop  }
0x6: {  	_ = 	snop  }
0x7: {  	_ = 	snop  }
__scs_overlays_trampoline_lowered:
0x8: {  	[smem:$0x3F8C] =	sst s0  }
0x9: {  	[smem:$0x3F8D] =	sst s1  }
0xa: {  	[smem:$0x3F8E] =	sst s2  }
0xb: {  	[smem:$0x3F8F] =	sst s3  }
0xc: {  	[smem:$0x3F90] =	sst s4  }
0xd: {  	[smem:$0x3F91] =	sst s5  }
0xe: {  	[smem:$0x3F92] =	sst s6  }
0xf: {  	[smem:$0x3F93] =	sst s7  }
0x10: {  	[smem:$0x3F94] =	sst s8  }
0x11: {  	[smem:$0x3F95] =	sst s9;
	s0 =	simm.s32 @!p0 $0x0  }
0x12: {  	s1 =	sld [smem:$0x3F7B];
	s0 =	simm.s32 @p0 $0x1  }
0x13: {  	[smem:$0x3F96] =	sst s0;
	s0 =	simm.s32 @!p1 $0x0  }
0x14: {  	s2 =	sld [smem:$0x3F7A];
	s0 =	simm.s32 @p1 $0x1  }
0x15: {  	[smem:$0x3F97] =	sst s0;
	s0 =	simm.s32 @!p2 $0x0  }
0x16: {  	s3 =	sld [smem:$0x3FDB];
	s0 =	simm.s32 @p2 $0x1  }
0x17: {  	s4 =	simm.s32 $0x1BF5;
	[smem:$0x3F99] =	sst s0  }
0x18: {  	s0 =	sld [smem:$0x3F7C];
	_ =	swait.ge [sflag:s4], $0x0  }
0x19: {  	s7 =	sld [smem:$0x3F7D]  }
0x1a: {  	s8 =	sadd.s32 $0xFFFFE003, lr  }
0x1b: {  	s9 =	sadd.s32 $0xFFFFFEF7, lr;
	s5 =	simm.s32 $0xFFFFFFFF;
	p2 =	slt.u32 s8, $0xFFFFF086  }
0x1c: {  	p1 =	slt.u32 s9, $0xF7A;
	s5 =	simm.s32 @!p2 $0x0  }
0x1d: {  	s5 =	simm.s32 @p1 $0x1;
	p0 =	seq.s32 s7, s2  }
0x1e: {  	s7 =	smul.u32 @!p0 $0xF7A, s2;
	p2 =	seq.s32 @!p0 s5, $0x0  }
0x1f: {  	s9 =	smul.u32 $0xF7A, s1;
	s8 =	simm.s32 @!p0 $0x1BF5;
	p2 =	por !p2, p0  }
0x20: {  	[sflag:s8] =	ssyncset.s32 @!p0 $0xFFFFF086;
	s6 =	sadd.s32 @!p0 s3, s7;
	s7 =	simm.s32 @!p0 $0x108  }
0x21: {  	s3 =	sadd.s32 s3, s9;
	s6 =	sadd.s32 @!p0 $0x88, s6;
	s7 =	simm.s32 @p2 $0x1082  }
0x22: {  	[simem:s7], [sflag:s8] =	dma.local @!p0 [hbm:s6], $0xF7A  }
0x23: {  	s9 =	sor.u32 $0xD0000000, s2;
	s6 =	simm.s32 $0x108;
	_ =	swait.ge @!p0 [sflag:s8], $0x0  }
0x24: {  	s3 =	sadd.s32 $0x88, s3;
	s6 =	simm.s32 @!p1 $0x1082;
	[sflag:s4] =	ssyncset.s32 $0xFFFFF086  }
0x25: {  	[simem:s6], [sflag:s4] =	dma.local [hbm:s3], $0xF7A  }
0x26: {  	[smem:$0x3F7D] =	sst s1;
	(tag) =	ssettag s2;
	_ =	strace s9  }
0x27: {  	s1 =	sld [smem:$0x3F8D]  }
0x28: {  	s2 =	sld [smem:$0x3F8E]  }
0x29: {  	s4 =	sld [smem:$0x3F90]  }
0x2a: {  	p0 =	seq.s32 s5, $0x0;
	s5 =	sld [smem:$0x3F91]  }
0x2b: {  	s6 =	sld [smem:$0x3F92]  }
0x2c: {  	s7 =	sld [smem:$0x3F93]  }
0x2d: {  	s3 =	simm.s32 $0x108;
	s8 =	sld [smem:$0x3F94]  }
0x2e: {  	s3 =	simm.s32 @!p0 $0x1082;
	s9 =	sld [smem:$0x3F95]  }
0x2f: {  	lr =	sadd.s32 s0, s3;
	s0 =	sld [smem:$0x3F8C]  }
0x30: {  	s3 =	sld [smem:$0x3F8F]  }
0x31: {  	[smem:$0x3F98] =	sst s10  }
0x32: {  	s10 =	sld [smem:$0x3F96];
	_ =	sdelay $0x3  }
0x33: {  	p0 =	seq.s32 s10, $0x1;
	s10 =	sld [smem:$0x3F98];
	_ =	sdelay $0x3  }
0x34: {  	[smem:$0x3F98] =	sst s10  }
0x35: {  	s10 =	sld [smem:$0x3F97];
	_ =	sdelay $0x3  }
0x36: {  	p1 =	seq.s32 s10, $0x1;
	s10 =	sld [smem:$0x3F98];
	_ =	sdelay $0x3  }
0x37: {  	[smem:$0x3F98] =	sst s10  }
0x38: {  	s10 =	sld [smem:$0x3F99]  }
0x39: {  	_ = 	snop;
	(pc) =	sbr.ind lr, $3  }
0x3a: {  	_ = 	snop  }
0x3b: {  	_ = 	snop  }
0x3c: {  	p2 =	seq.s32 s10, $0x1;
	s10 =	sld [smem:$0x3F98]  }
0x3d: {  	_ =	shalt  }
0x3e: {  	_ =	shalt  }
0x3f: {  	_ =	shalt  }
0x40: {  	_ =	shalt  }
0x41: {  	_ =	shalt  }
0x42: {  	_ =	shalt  }
0x43: {  	_ =	shalt  }
0x44: {  	_ =	shalt  }
0x45: {  	_ =	shalt  }
0x46: {  	_ =	shalt  }
0x47: {  	_ =	shalt  }
0x48: {  	_ =	shalt  }
0x49: {  	_ =	shalt  }
0x4a: {  	_ =	shalt  }
0x4b: {  	_ =	shalt  }
0x4c: {  	_ =	shalt  }
0x4d: {  	_ =	shalt  }
0x4e: {  	_ =	shalt  }
0x4f: {  	_ =	shalt  }
0x50: {  	_ =	shalt  }
0x51: {  	_ =	shalt  }
0x52: {  	_ =	shalt  }
0x53: {  	_ =	shalt  }
0x54: {  	_ =	shalt  }
0x55: {  	_ =	shalt  }
0x56: {  	_ =	shalt  }
0x57: {  	_ =	shalt  }
0x58: {  	_ =	shalt  }
0x59: {  	_ =	shalt  }
0x5a: {  	_ =	shalt  }
0x5b: {  	_ =	shalt  }
0x5c: {  	_ =	shalt  }
0x5d: {  	_ =	shalt  }
0x5e: {  	_ =	shalt  }
0x5f: {  	_ =	shalt  }
0x60: {  	_ =	shalt  }
0x61: {  	_ =	shalt  }
0x62: {  	_ =	shalt  }
0x63: {  	_ =	shalt  }
0x64: {  	_ =	shalt  }
0x65: {  	_ =	shalt  }
0x66: {  	_ =	shalt  }
0x67: {  	_ =	shalt  }
0x68: {  	_ =	shalt  }
0x69: {  	_ =	shalt  }
0x6a: {  	_ =	shalt  }
0x6b: {  	_ =	shalt  }
0x6c: {  	_ =	shalt  }
0x6d: {  	_ =	shalt  }
0x6e: {  	_ =	shalt  }
0x6f: {  	_ =	shalt  }
0x70: {  	_ =	shalt  }
0x71: {  	_ =	shalt  }
0x72: {  	_ =	shalt  }
0x73: {  	_ =	shalt  }
0x74: {  	_ =	shalt  }
0x75: {  	_ =	shalt  }
0x76: {  	_ =	shalt  }
0x77: {  	_ =	shalt  }
0x78: {  	_ =	shalt  }
0x79: {  	_ =	shalt  }
0x7a: {  	_ =	shalt  }
0x7b: {  	_ =	shalt  }
0x7c: {  	_ =	shalt  }
0x7d: {  	_ =	shalt  }
0x7e: {  	_ =	shalt  }
0x7f: {  	_ =	shalt  }
0x80: {  	_ =	shalt  }
0x81: {  	_ =	shalt  }
0x82: {  	_ =	shalt  }
0x83: {  	_ =	shalt  }
0x84: {  	_ =	shalt  }
0x85: {  	_ =	shalt  }
0x86: {  	_ =	shalt  }
0x87: {  	_ =	shalt  }
.Lfunc_end0:
.L_simem_size_0:
called_computation_lowered:
.L_overlay_start_0:
0x88: {  	s2 =	sld [smem:$0x3FD9]  }
0x89: {  	s3 =	sld [smem:$0x3FFE];
	_ =	sdelay $0x1  }
0x8a: {  	s1 =	srdreg.scid  }
0x8b: {  	s0 =	sand.u32 $0x1, s1  }
0x8c: {  	s14 =	sshll.u32 s0, $0xA;
	s2 =	sadd.s32 s3, s2  }
0x8d: {  	s2 =	sadd.s32 s2, s14  }
0x8e: {  	[smem:$0x3FA4] =	sst s2  }
0x8f: {  	_ = 	snop  }
0x90: {  	s2 =	sld [smem:$0x3FD0];
	_ =	sdelay $0x1  }
0x91: {  	s15 =	sld [smem:$0x3FC9]  }
0x92: {  	s5 =	simm.s32 $0xA;
	s6 =	simm.s32 $0x10;
	s4 =	sld [smem:$0x3FC8]  }
0x93: {  	[smem:s6], [sflag:s5] =	dma.local [hbm:s2], $0x1  }
0x94: {  	_ =	swait.eq [sflag:s5], $0x1  }
0x95: {  	[sflag:s5] =	ssyncset.done $0x0  }
0x96: {  	s16 =	sld [smem:$0x10];
	[sflag:s5] =	ssyncadd.s32 $0xFFFFFFFF  }
0x97: {  	s17 =	sld [smem:$0x11];
	(tm) =	ssettm $0x1  }
0x98: {  	s18 =	sld [smem:$0x3FFB];
	_ =	sdelay $0x3  }
0x99: {  	_ =	strace s18  }
0x9a: {  	s6 =	sld [smem:$0x3FFC];
	_ =	sdelay $0x3  }
0x9b: {  	_ =	strace s6  }
0x9c: {  	s6 =	sld [smem:$0x3FFD];
	_ =	sdelay $0x3  }
0x9d: {  	_ =	strace s6  }
0x9e: {  	_ =	strace $0x8FFFFFFF  }
0x9f: {  	s19 =	sld [smem:$0x3FDB];
	_ =	sdelay $0x1  }
0xa0: {  	s7 =	simm.s32 $_scs_section_size  }
0xa1: {  	s8 =	simm.s32 $_size__tile_overlayer_lowered;
	s9 =	simm.s32 $_tile_overlayer_lowered  }
0xa2: {  	s22 =	simm.s32 $0x1BFF;
	s21 =	sshll.u32 s9, $0x1;
	s6 =	sadd.s32 s7, s19  }
0xa3: {  	s10 =	simm.s32 $0x0;
	s20 =	sshll.u32 s8, $0x1;
	s8 =	sadd.s32 s21, s6  }
0xa4: {  	[timem:s10], [sflag:s22] =	dma.local [hbm:s8], s20  }
0xa5: {  	_ =	swait.ge [sflag:s22], s20  }
0xa6: {  	s7 =	ssub.s32 $0x0, s20;
	[sflag:s22] =	ssyncset.done $0x0  }
0xa7: {  	[sflag:s22] =	ssyncadd.s32 s7;
	_ =	sdelay $0x1  }
0xa8: {  	s23 =	simm.s32 $0x1B8B  }
0xa9: {  	_ =	swait.ge [sflag:s23], $0x1  }
0xaa: {  	[sflag:s23] =	ssyncset.done $0x0  }
0xab: {  	s25 =	simm.s32 $0x1B8E;
	s24 =	sld [smem:$0x3FFE];
	[sflag:s23] =	ssyncadd.s32 $0xFFFFFFFF  }
0xac: {  	s26 =	simm.s32 $execute0_lowered;
	[smem:$0x3FD2] =	sst s25  }
0xad: {  	s8 =	sshll.u32 s26, $0x1;
	_ =	strace $0x80000046;
	[dreg:$0x1] =	wrdreg $0xFFFFFFFF  }
0xae: {  	s28 =	simm.s32 $_size_execute0_lowered;
	s6 =	sadd.s32 s6, s8;
	[dreg:$0x0] =	wrdreg $0x0  }
0xaf: {  	s8 =	sshll.u32 s28, $0x1;
	[dreg:$0x2] =	wrdreg s6  }
0xb0: {  	[dreg:$0x3] =	wrdreg s8  }
0xb1: {  	[dreg:$0x4] =	wrdreg $0xC0  }
0xb2: {  	_ =	task [dreg:s10], $0x5FFFF  }
0xb3: {  	[dreg:$0x1] =	wrdreg $0xFFFFFFFF  }
0xb4: {  	[dreg:$0x0] =	wrdreg $0x60  }
0xb5: {  	[dreg:$0x2] =	wrdreg s15  }
0xb6: {  	[dreg:$0x3] =	wrdreg s4  }
0xb7: {  	[dreg:$0x4] =	wrdreg s24  }
0xb8: {  	[dreg:$0x5] =	wrdreg s17  }
0xb9: {  	[dreg:$0x6] =	wrdreg s16  }
0xba: {  	[dreg:$0x7] =	wrdreg $0xA3000  }
0xbb: {  	[dreg:$0x8] =	wrdreg $0x1E3000  }
0xbc: {  	[dreg:$0x9] =	wrdreg $0x9  }
0xbd: {  	_ =	task.clear_ibuf [dreg:s10], $0xAFFFF;
	_ =	strace $0x90000046  }
0xbe: {  	s29 =	simm.s32 $0x9;
	_ =	strace $0x80000048  }
0xbf: {  	_ =	swait.ge [sflag:s29], $0x1  }
0xc0: {  	[sflag:s29] =	ssyncadd.s32 $0xFFFFFFFF  }
0xc1: {  	_ =	strace $0x90000048  }
0xc2: {  	_ =	sfence  }
0xc3: {  	s30 =	sld [smem:$0x0];
	_ =	sdelay $0x2  }
0xc4: {  	s31 =	sshll.u32 s1, $0xD;
	s1 =	sshrl.u32 s1, $0x2  }
0xc5: {  	s3 =	sand.u32 $0x4000, s31;
	s1 =	sadd.s32 s1, s30  }
0xc6: {  	s0 =	sor.u32 s3, s0;
	s1 =	sshll.u32 s1, $0x11  }
0xc7: {  	s0 =	sor.u32 s1, s0  }
0xc8: {  	s0 =	sadd.s32 $0x8F2B, s0  }
0xc9: {  	[sflag:s0] =	ssyncadd.remote.s32 $0x1  }
0xca: {  	_ =	sfence.sel $0xFFFF  }
0xcb: {  	[dreg:$0x0] =	wrdreg $0xFFFFFFFF;
	(pc) =	sbr.abs _section_cstart, $3  }
0xcc: {  	[dreg:$0x1] =	wrdreg $0xFFFFFFFF  }
0xcd: {  	_ =	task.clear_ibuf [dreg:s10], $0x2FFFF;
	_ =	strace $0x9FFFFFFF  }
0xce: {  	(tm) =	ssettm $0x7FFFFFFF  }
0xcf: {  	_ =	shalt  }
tec
execute0_lowered:
.L_overlay_start_1:
0x0: {  	(tag) =	ssettag $0x1  }
0x1: {  	s0 =	rddreg [dreg:$0x0]  }
0x2: {  	s2 =	rddreg [dreg:$0x1]  }
0x3: {  	s1 =	rddreg [dreg:$0x2]  }
0x4: {  	s5 =	rddreg [dreg:$0x5]  }
0x5: {  	s6 =	rddreg [dreg:$0x6];
	s3 =	simm.s32 $0x0;
	s24 =	srdreg.scid  }
0x6: {  	s17 =	stileid.u32;
	[smem:$0x7FF] =	sst s3  }
0x7: {  	s9 =	sadd.s32 $0x26400, s1;
	s10 =	sadd.s32 $0x1C400, s1;
	s11 =	sadd.s32 $0x12400, s1  }
0x8: {  	s12 =	sadd.s32 $0x8400, s1;
	s3 =	sand.u32 $0x1, s24;
	s4 =	smul.u32 $0x280, s17  }
0x9: {  	s7 =	sadd.s32 $0x30400, s1;
	s8 =	smul.u32 $0x50000, s17;
	s1 =	sadd.s32 $0x58400, s1  }
0xa: {  	s23 =	smul.u32 $0xA00, s17;
	_ =	strace $0x80000047;
	[dreg:$0x8] =	wrdreg s7  }
0xb: {  	s31 =	smul.u32 $0x5000, s17;
	s25 =	ssub.s32 $0x2, s3;
	[dreg:$0x9] =	wrdreg s1  }
0xc: {  	p0 =	seq.s32 s3, $0x1;
	s26 =	sshrl.u32 s25, $0x1;
	s13 =	sadd.s32 $0x80, s4  }
0xd: {  	s8 =	sshrl.u32 s8, $0x2;
	s18 =	sadd.s32 $0x100, s4;
	s20 =	sadd.s32 $0x180, s4  }
0xe: {  	s21 =	sadd.s32 $0x200, s4;
	s28 =	sadd.s32 s10, s23;
	s29 =	sadd.s32 s11, s23  }
0xf: {  	s30 =	sadd.s32 s12, s23;
	s1 =	ssub.s32 s25, s26;
	s14 =	sshll.u32 s13, $0x7  }
0x10: {  	s15 =	sadd.s32 s8, s5;
	s13 =	sshll.u32 s13, $0x4;
	s3 =	sshll.u32 s18, $0x4  }
0x11: {  	s7 =	sshll.u32 s20, $0x4;
	s24 =	sshll.u32 s21, $0x4;
	[dreg:$0xa] =	wrdreg s15  }
0x12: {  	s26 =	sadd.s32 s9, s23;
	s25 =	smul.u32 $0x2800, s17;
	[dreg:$0xf] =	wrdreg s13  }
0x13: {  	s8 =	simm.s32 $0x80;
	s23 =	simm.s32 $0x4;
	[dreg:$0x10] =	wrdreg s3  }
0x14: {  	s16 =	sadd.s32 s14, s5;
	s14 =	sshll.u32 s18, $0x7;
	[dreg:$0x11] =	wrdreg s7  }
0x15: {  	s15 =	sshll.u32 s20, $0x7;
	[dreg:$0x12] =	wrdreg s24;
	s24 =	sadd.s32 s4, s6  }
0x16: {  	s4 =	sshrl.u32 s4, $0x3;
	s1 =	smax.u32 s1, $0x1;
	s13 =	simm.s32 $0x5  }
0x17: {  	s7 =	simm.s32 $0xA000;
	s20 =	simm.s32 $0x3;
	[dreg:$0xb] =	wrdreg s16  }
0x18: {  	s3 =	simm.s32 $0x0;
	s16 =	sshll.u32 s21, $0x7;
	[dreg:$0x13] =	wrdreg s4  }
.Ltmp0:
0x19: {  	s14 =	sadd.s32 s14, s5;
	[dreg:$0x14] =	wrdreg s1;
	(pc) =	sbr.rel .LBB2_1-.Ltmp0, $4  }
0x1a: {  	s22 =	sadd.s32 s15, s5;
	[dreg:$0x15] =	wrdreg s25;
	s4 =	simm.s32 $0x2000  }
0x1b: {  	s21 =	simm.s32 $0x2;
	s25 =	simm.s32 $0x1F00;
	[dreg:$0xc] =	wrdreg s14  }
0x1c: {  	s1 =	simm.s32 $0x1F80;
	[dreg:$0xd] =	wrdreg s22;
	s19 =	sadd.s32 s16, s5  }
0x1d: {  	v0 =	vimm.f32 $0.0e+00;
	v1 =	vimm.f32 $1.000000000e+00;
	s14 =	simm.s32 $0x1;
	s22 =	simm.s32 $0x6000;
	[dreg:$0xe] =	wrdreg s19  }
.LBB2_14:
0x1e: {  	s17 =	rddreg [dreg:$0x15];
	s18 =	stileid.u32;
	[bflag:$0x0] =	sbarrier.arrive $0xFFFF  }
0x1f: {  	s18 =	sshll.u32 s18, $0x6;
	s19 =	rddreg [dreg:$0xa]  }
0x20: {  	s17 =	sadd.s32 s16, s17;
	s18 =	sor.u32 $0x1C05, s18;
	s19 =	sshrl.u32 s19, $0x3  }
0x21: {  	[hbm:s17], [sflag:s18] =	dma.local [spmem:s19], $0x800  }
0x22: {  	_ =	swait.ge [sflag:s13], $0x800  }
0x23: {  	s19 =	rddreg [dreg:$0xf]  }
0x24: {  	[sflag:s13] =	ssyncset.done $0x0;
	s17 =	sadd.s32 s16, s19;
	s19 =	rddreg [dreg:$0xb]  }
0x25: {  	[sflag:s13] =	ssyncadd.s32 $0xFFFFF800;
	s19 =	sshrl.u32 s19, $0x3  }
0x26: {  	[hbm:s17], [sflag:s18] =	dma.local [spmem:s19], $0x800  }
0x27: {  	_ =	swait.ge [sflag:s13], $0x800  }
0x28: {  	s19 =	rddreg [dreg:$0x10]  }
0x29: {  	[sflag:s13] =	ssyncset.done $0x0;
	s17 =	sadd.s32 s16, s19;
	s19 =	rddreg [dreg:$0xc]  }
0x2a: {  	[sflag:s13] =	ssyncadd.s32 $0xFFFFF800;
	s19 =	sshrl.u32 s19, $0x3  }
0x2b: {  	[hbm:s17], [sflag:s18] =	dma.local [spmem:s19], $0x800  }
0x2c: {  	_ =	swait.ge [sflag:s13], $0x800  }
0x2d: {  	s19 =	rddreg [dreg:$0x11]  }
0x2e: {  	[sflag:s13] =	ssyncset.done $0x0;
	s17 =	sadd.s32 s16, s19;
	s19 =	rddreg [dreg:$0xd]  }
0x2f: {  	[sflag:s13] =	ssyncadd.s32 $0xFFFFF800;
	s19 =	sshrl.u32 s19, $0x3  }
0x30: {  	[hbm:s17], [sflag:s18] =	dma.local [spmem:s19], $0x800  }
0x31: {  	_ =	swait.ge [sflag:s13], $0x800  }
0x32: {  	s19 =	rddreg [dreg:$0x12]  }
0x33: {  	[sflag:s13] =	ssyncset.done $0x0;
	s16 =	sadd.s32 s16, s19;
	s19 =	rddreg [dreg:$0xe]  }
0x34: {  	[sflag:s13] =	ssyncadd.s32 $0xFFFFF800;
	s17 =	sshrl.u32 s19, $0x3  }
0x35: {  	[hbm:s16], [sflag:s18] =	dma.local [spmem:s17], $0x800  }
0x36: {  	_ =	swait.ge [sflag:s13], $0x800  }
0x37: {  	[sflag:s13] =	ssyncset.done $0x0;
	s17 =	rddreg [dreg:$0x13]  }
0x38: {  	s15 =	sadd.s32 s15, s17;
	[sflag:s13] =	ssyncadd.s32 $0xFFFFF800;
	s17 =	sshrl.u32 s24, $0x3  }
0x39: {  	[hbm:s15], [sflag:s18] =	dma.local [spmem:s17], $0x50  }
0x3a: {  	_ =	swait.ge [sflag:s13], $0x50  }
0x3b: {  	s3 =	sadd.s32 $0x1, s3;
	s18 =	rddreg [dreg:$0x14]  }
0x3c: {  	p1 =	sne.s32 s3, s18  }
.Ltmp1:
0x3d: {  	_ = 	snop;
	(pc) =	sbr.rel @!p1 .LBB2_15-.Ltmp1, $3  }
0x3e: {  	_ =	sdelay $0x1  }
0x3f: {  	[sflag:s13] =	ssyncset.done $0x0  }
0x40: {  	[sflag:s13] =	ssyncadd.s32 $0xFFFFFFB0  }
.LBB2_1:
.Ltmp2:
0x41: {  	(pc) =	sbr.rel @!p0 .LBB2_2-.Ltmp2, $3  }
0x42: {  	_ =	sdelay $0x1  }
0x43: {  	s16 =	simm.s32 $0x0  }
0x44: {  	s15 =	sshra.s32 s16, $0x2;
	s16 =	sadd.s32 $0x200, s16  }
.LBB2_8:
0x45: {  	p1 =	sne.s32 s16, $0xFE00;
	[tilespmem:s15+$0x2070] =	vst v0  }
0x46: {  	[tilespmem:s15+$0x2000] =	vst v0  }
0x47: {  	[tilespmem:s15+$0x2010] =	vst v0  }
.Ltmp3:
0x48: {  	[tilespmem:s15+$0x2020] =	vst v0;
	(pc) =	sbr.rel @p1 .LBB2_8-.Ltmp3, $4  }
0x49: {  	[tilespmem:s15+$0x2030] =	vst v0  }
0x4a: {  	[tilespmem:s15+$0x2040] =	vst v0  }
0x4b: {  	[tilespmem:s15+$0x2050] =	vst v0  }
0x4c: {  	[tilespmem:s15+$0x2060] =	vst v0;
	s15 =	sshra.s32 s16, $0x2;
	s16 =	sadd.s32 $0x200, s16  }
0x4d: {  	[tilespmem:s15+$0x2070] =	vst v0  }
0x4e: {  	[tilespmem:s15+$0x2000] =	vst v0  }
0x4f: {  	[tilespmem:s15+$0x2010] =	vst v0  }
0x50: {  	[tilespmem:s15+$0x2020] =	vst v0  }
0x51: {  	[tilespmem:s15+$0x2030] =	vst v0  }
0x52: {  	[tilespmem:s15+$0x2040] =	vst v0  }
0x53: {  	[tilespmem:s15+$0x2050] =	vst v0  }
0x54: {  	[tilespmem:s15+$0x2060] =	vst v0  }
0x55: {  	[tilespmem:$0xA000] =	vst v1  }
0x56: {  	[tilespmem:$0xA010] =	vst v1  }
0x57: {  	[tilespmem:$0xA020] =	vst v1  }
0x58: {  	[tilespmem:$0xA030] =	vst v1  }
0x59: {  	[tilespmem:$0xA040] =	vst v1  }
0x5a: {  	[tilespmem:$0xA050] =	vst v1  }
0x5b: {  	[tilespmem:$0xA060] =	vst v1  }
0x5c: {  	[tilespmem:$0xA070] =	vst v1  }
0x5d: {  	[tilespmem:$0xA080] =	vst v0  }
0x5e: {  	[tilespmem:$0xA090] =	vst v0  }
0x5f: {  	[tilespmem:$0xA0A0] =	vst v0  }
0x60: {  	[tilespmem:$0xA0B0] =	vst v0  }
0x61: {  	[tilespmem:$0xA0C0] =	vst v0  }
0x62: {  	[tilespmem:$0xA0D0] =	vst v0  }
0x63: {  	[tilespmem:$0xA0E0] =	vst v0  }
0x64: {  	[tilespmem:$0xA0F0] =	vst v0  }
0x65: {  	[tilespmem:$0xA100] =	vst v0  }
0x66: {  	[tilespmem:$0xA110] =	vst v0  }
0x67: {  	[tilespmem:$0xA120] =	vst v0  }
0x68: {  	[tilespmem:$0xA130] =	vst v0  }
0x69: {  	[tilespmem:$0xA140] =	vst v0  }
0x6a: {  	[tilespmem:$0xA150] =	vst v0  }
0x6b: {  	[tilespmem:$0xA160] =	vst v0  }
0x6c: {  	[tilespmem:$0xA170] =	vst v0  }
0x6d: {  	[tilespmem:$0xA180] =	vst v0  }
0x6e: {  	[tilespmem:$0xA190] =	vst v0  }
0x6f: {  	[tilespmem:$0xA1A0] =	vst v0  }
0x70: {  	[tilespmem:$0xA1B0] =	vst v0  }
0x71: {  	[tilespmem:$0xA1C0] =	vst v0  }
0x72: {  	[tilespmem:$0xA1D0] =	vst v0  }
0x73: {  	[tilespmem:$0xA1E0] =	vst v0  }
0x74: {  	[tilespmem:$0xA1F0] =	vst v0  }
0x75: {  	[tilespmem:$0xA200] =	vst v0  }
0x76: {  	[tilespmem:$0xA210] =	vst v0  }
0x77: {  	[tilespmem:$0xA220] =	vst v0  }
0x78: {  	[tilespmem:$0xA230] =	vst v0  }
0x79: {  	[tilespmem:$0xA240] =	vst v0  }
0x7a: {  	[tilespmem:$0xA250] =	vst v0  }
0x7b: {  	[tilespmem:$0xA260] =	vst v0  }
0x7c: {  	[tilespmem:$0xA270] =	vst v0  }
0x7d: {  	[tilespmem:$0xA280] =	vst v0  }
0x7e: {  	[tilespmem:$0xA290] =	vst v0  }
0x7f: {  	[tilespmem:$0xA2A0] =	vst v0  }
0x80: {  	[tilespmem:$0xA2B0] =	vst v0  }
0x81: {  	[tilespmem:$0xA2C0] =	vst v0  }
0x82: {  	[tilespmem:$0xA2D0] =	vst v0  }
0x83: {  	[tilespmem:$0xA2E0] =	vst v0  }
0x84: {  	s18 =	rddreg [dreg:$0xa];
	[tilespmem:$0xA2F0] =	vst v0  }
0x85: {  	[spmem:s18] =	stream.linear.scatter [tilespmem:s4], [sflag:$0x5], $0x4000, $0x38;
	[tilespmem:$0x1E580] =	vst v63  }
0x86: {  	_ =	swait.ge [sflag:s13], $0x4000  }
0x87: {  	[sflag:s13] =	ssyncset.done $0x0  }
0x88: {  	s16 =	rddreg [dreg:$0xb];
	[sflag:s13] =	ssyncadd.s32 $0xFFFFC000  }
0x89: {  	[spmem:s16] =	stream.linear.scatter [tilespmem:s4], [sflag:$0x5], $0x4000, $0x38;
	[tilespmem:$0x1E580] =	vst v63  }
0x8a: {  	_ =	swait.ge [sflag:s13], $0x4000  }
0x8b: {  	[sflag:s13] =	ssyncset.done $0x0  }
0x8c: {  	s17 =	rddreg [dreg:$0xc];
	[sflag:s13] =	ssyncadd.s32 $0xFFFFC000  }
0x8d: {  	[spmem:s17] =	stream.linear.scatter [tilespmem:s4], [sflag:$0x5], $0x4000, $0x38;
	[tilespmem:$0x1E580] =	vst v63  }
0x8e: {  	_ =	swait.ge [sflag:s13], $0x4000  }
0x8f: {  	[sflag:s13] =	ssyncset.done $0x0  }
0x90: {  	s18 =	rddreg [dreg:$0xd];
	[sflag:s13] =	ssyncadd.s32 $0xFFFFC000  }
0x91: {  	[spmem:s18] =	stream.linear.scatter [tilespmem:s4], [sflag:$0x5], $0x4000, $0x38;
	[tilespmem:$0x1E580] =	vst v63  }
0x92: {  	_ =	swait.ge [sflag:s13], $0x4000  }
0x93: {  	[sflag:s13] =	ssyncset.done $0x0  }
0x94: {  	[sflag:s13] =	ssyncadd.s32 $0xFFFFC000  }
0x95: {  	[spmem:s19] =	stream.linear.scatter [tilespmem:s4], [sflag:$0x5], $0x4000, $0x38;
	[tilespmem:$0x1E580] =	vst v63  }
0x96: {  	_ =	swait.ge [sflag:s13], $0x4000  }
0x97: {  	[sflag:s13] =	ssyncset.done $0x0  }
0x98: {  	s19 =	simm.s32 $0xA080;
	[sflag:s13] =	ssyncadd.s32 $0xFFFFC000  }
0x99: {  	[spmem:s24] =	stream.linear.scatter [tilespmem:s19], [sflag:$0x5], $0x280, $0x38;
	[tilespmem:$0x1E580] =	vst v63  }
0x9a: {  	_ =	swait.ge [sflag:s13], $0x280  }
0x9b: {  	[sflag:s13] =	ssyncset.done $0x0  }
0x9c: {  	[sflag:s13] =	ssyncadd.s32 $0xFFFFFD80  }
0x9d: {  	s15 =	simm.s32 $0x0;
	[bflag:$0x0] =	sbarrier.arrive $0xFFFF  }
.LBB2_10:
0x9e: {  	p1 =	sne.s32 s15, $0x0  }
0x9f: {  	s16 =	simm.s32 @!p1 $0x0;
	s17 =	simm.s32 @!p1 $0x5  }
0xa0: {  	[tilespmem:s16], [sflag:$0x5] =	stream.linear.gather @!p1 [hbm4b:s29+s16], $0x1000, $0x38;
	[tilespmem:$0x1E580] =	vst v63  }
0xa1: {  	_ =	swait.ge @!p1 [sflag:s17], $0x1000  }
0xa2: {  	[sflag:s17] =	ssyncset.done @!p1 $0x0  }
0xa3: {  	s18 =	simm.s32 @!p1 $0x1000;
	[sflag:s17] =	ssyncadd.s32 @!p1 $0xFFFFF000  }
0xa4: {  	[tilespmem:s18], [sflag:$0x5] =	stream.linear.gather @!p1 [hbm4b:s30+s16], $0x1000, $0x38;
	[tilespmem:$0x1E580] =	vst v63  }
0xa5: {  	_ =	swait.ge @!p1 [sflag:s17], $0x1000  }
0xa6: {  	[sflag:s17] =	ssyncset.done @!p1 $0x0  }
0xa7: {  	s18 =	simm.s32 @!p1 $0x2000;
	[sflag:s17] =	ssyncadd.s32 @!p1 $0xFFFFF000;
	s17 =	simm.s32 @!p1 $0x80  }
0xa8: {  	[tilespmem:s18], [sflag:$0x1] =	stream.indirect.gather @!p1 [hbm4b:s2+s17], $0x80, s16, s17, $0xb8;
	[tilespmem:$0x1E580] =	vst v63  }
0xa9: {  	s16 =	simm.s32 @!p1 $0x6000  }
0xaa: {  	[tilespmem:s16], [sflag:$0x2] =	stream.indirect.gather @!p1 [hbm4b:s2+s17], $0x80, s17, s17, $0xb8;
	[tilespmem:$0x1E580] =	vst v63  }
0xab: {  	_ =	swait.ge [sflag:s14], $0x4000  }
0xac: {  	[sflag:s14] =	ssyncset.done $0x0  }
0xad: {  	s19 =	simm.s32 $0x1000;
	[sflag:s14] =	ssyncadd.s32 $0xFFFFC000  }
0xae: {  	[spmem:s5] =	stream.indirect.scatter.add.f32 [tilespmem:s4], [sflag:$0x3], $0x80, s19, s8, $0xb8;
	[tilespmem:$0x1E580] =	vst v63  }
0xaf: {  	_ = 	snop  }
0xb0: {  	[spmem:s6] =	stream.indirect.scatter.add.f32 [tilespmem:s7], [sflag:$0x4], $0x1, s19, s8, $0xb8;
	[tilespmem:$0x1E580] =	vst v63  }
0xb1: {  	_ =	swait.ge [sflag:s20], $0x4000  }
0xb2: {  	[sflag:s20] =	ssyncset.done $0x0  }
0xb3: {  	s17 =	simm.s32 $0x100;
	[sflag:s20] =	ssyncadd.s32 $0xFFFFC000  }
0xb4: {  	[tilespmem:s4], [sflag:$0x1] =	stream.indirect.gather [hbm4b:s2+s8], $0x80, s17, s8, $0xb8;
	[tilespmem:$0x1E580] =	vst v63  }
0xb5: {  	_ =	swait.ge [sflag:s21], $0x4000  }
0xb6: {  	[sflag:s21] =	ssyncset.done $0x0  }
0xb7: {  	s18 =	simm.s32 $0x1080;
	[sflag:s21] =	ssyncadd.s32 $0xFFFFC000  }
0xb8: {  	[spmem:s5] =	stream.indirect.scatter.add.f32 [tilespmem:s22], [sflag:$0x3], $0x80, s18, s8, $0xb8;
	[tilespmem:$0x1E580] =	vst v63  }
0xb9: {  	_ = 	snop  }
0xba: {  	[spmem:s6] =	stream.indirect.scatter.add.f32 [tilespmem:s7], [sflag:$0x4], $0x1, s18, s8, $0xb8;
	[tilespmem:$0x1E580] =	vst v63  }
0xbb: {  	_ =	swait.ge [sflag:s20], $0x4000  }
0xbc: {  	[sflag:s20] =	ssyncset.done $0x0  }
0xbd: {  	s19 =	simm.s32 $0x180;
	[sflag:s20] =	ssyncadd.s32 $0xFFFFC000  }
0xbe: {  	[tilespmem:s22], [sflag:$0x2] =	stream.indirect.gather [hbm4b:s2+s8], $0x80, s19, s8, $0xb8;
	[tilespmem:$0x1E580] =	vst v63  }
0xbf: {  	_ =	swait.ge [sflag:s23], $0x80  }
0xc0: {  	[sflag:s23] =	ssyncset.done $0x0  }
0xc1: {  	[sflag:s23] =	ssyncadd.s32 $0xFFFFFF80  }
0xc2: {  	_ =	swait.ge [sflag:s23], $0x80  }
0xc3: {  	s16 =	simm.s32 $0x400;
	[sflag:s23] =	ssyncset.done $0x0  }
.LBB2_11:
0xc4: {  	p1 =	sne.s32 s16, $0x3800  }
0xc5: {  	[sflag:s23] =	ssyncadd.s32 $0xFFFFFF80;
	s17 =	smov.u32 s16;
	s16 =	sadd.s32 $0x400, s16  }
0xc6: {  	_ =	swait.ge [sflag:s14], $0x4000  }
0xc7: {  	s17 =	sshra.s32 s17, $0x2;
	[sflag:s14] =	ssyncset.done $0x0  }
0xc8: {  	s18 =	sadd.s32 $0x1000, s17;
	[sflag:s14] =	ssyncadd.s32 $0xFFFFC000  }
0xc9: {  	[spmem:s5] =	stream.indirect.scatter.add.f32 [tilespmem:s4], [sflag:$0x3], $0x80, s18, s8, $0xb8;
	[tilespmem:$0x1E580] =	vst v63  }
0xca: {  	_ = 	snop  }
0xcb: {  	[spmem:s6] =	stream.indirect.scatter.add.f32 [tilespmem:s7], [sflag:$0x4], $0x1, s18, s8, $0xb8;
	[tilespmem:$0x1E580] =	vst v63  }
0xcc: {  	_ =	swait.ge [sflag:s20], $0x4000  }
0xcd: {  	[sflag:s20] =	ssyncset.done $0x0  }
0xce: {  	s18 =	sadd.s32 $0x100, s17;
	[sflag:s20] =	ssyncadd.s32 $0xFFFFC000  }
0xcf: {  	[tilespmem:s4], [sflag:$0x1] =	stream.indirect.gather [hbm4b:s2+s8], $0x80, s18, s8, $0xb8;
	[tilespmem:$0x1E580] =	vst v63  }
0xd0: {  	_ =	swait.ge [sflag:s21], $0x4000  }
0xd1: {  	[sflag:s21] =	ssyncset.done $0x0  }
0xd2: {  	s18 =	sadd.s32 $0x1080, s17;
	[sflag:s21] =	ssyncadd.s32 $0xFFFFC000  }
0xd3: {  	[spmem:s5] =	stream.indirect.scatter.add.f32 [tilespmem:s22], [sflag:$0x3], $0x80, s18, s8, $0xb8;
	[tilespmem:$0x1E580] =	vst v63  }
0xd4: {  	_ = 	snop  }
0xd5: {  	[spmem:s6] =	stream.indirect.scatter.add.f32 [tilespmem:s7], [sflag:$0x4], $0x1, s18, s8, $0xb8;
	[tilespmem:$0x1E580] =	vst v63  }
0xd6: {  	_ =	swait.ge [sflag:s20], $0x4000  }
0xd7: {  	[sflag:s20] =	ssyncset.done $0x0  }
0xd8: {  	s17 =	sadd.s32 $0x180, s17;
	[sflag:s20] =	ssyncadd.s32 $0xFFFFC000  }
0xd9: {  	[tilespmem:s22], [sflag:$0x2] =	stream.indirect.gather [hbm4b:s2+s8], $0x80, s17, s8, $0xb8;
	[tilespmem:$0x1E580] =	vst v63  }
.Ltmp4:
0xda: {  	_ =	swait.ge [sflag:s23], $0x80;
	(pc) =	sbr.rel @p1 .LBB2_11-.Ltmp4, $4  }
0xdb: {  	[sflag:s23] =	ssyncset.done $0x0  }
0xdc: {  	[sflag:s23] =	ssyncadd.s32 $0xFFFFFF80  }
0xdd: {  	_ =	swait.ge [sflag:s23], $0x80  }
0xde: {  	[sflag:s23] =	ssyncset.done $0x0  }
0xdf: {  	[sflag:s23] =	ssyncadd.s32 $0xFFFFFF80  }
0xe0: {  	_ =	swait.ge [sflag:s14], $0x4000  }
0xe1: {  	[sflag:s14] =	ssyncset.done $0x0  }
0xe2: {  	[sflag:s14] =	ssyncadd.s32 $0xFFFFC000  }
0xe3: {  	[spmem:s5] =	stream.indirect.scatter.add.f32 [tilespmem:s4], [sflag:$0x3], $0x80, s25, s8, $0xb8;
	[tilespmem:$0x1E580] =	vst v63  }
0xe4: {  	_ = 	snop  }
0xe5: {  	[spmem:s6] =	stream.indirect.scatter.add.f32 [tilespmem:s7], [sflag:$0x4], $0x1, s25, s8, $0xb8;
	[tilespmem:$0x1E580] =	vst v63  }
0xe6: {  	_ =	swait.ge [sflag:s20], $0x4000  }
0xe7: {  	[sflag:s20] =	ssyncset.done $0x0  }
0xe8: {  	[sflag:s20] =	ssyncadd.s32 $0xFFFFC000  }
0xe9: {  	_ =	swait.ge [sflag:s21], $0x4000  }
0xea: {  	[sflag:s21] =	ssyncset.done $0x0  }
0xeb: {  	[sflag:s21] =	ssyncadd.s32 $0xFFFFC000  }
0xec: {  	[spmem:s5] =	stream.indirect.scatter.add.f32 [tilespmem:s22], [sflag:$0x3], $0x80, s1, s8, $0xb8;
	[tilespmem:$0x1E580] =	vst v63  }
0xed: {  	_ = 	snop  }
0xee: {  	[spmem:s6] =	stream.indirect.scatter.add.f32 [tilespmem:s7], [sflag:$0x4], $0x1, s1, s8, $0xb8;
	[tilespmem:$0x1E580] =	vst v63  }
0xef: {  	_ =	swait.ge [sflag:s20], $0x4000  }
0xf0: {  	[sflag:s20] =	ssyncset.done $0x0  }
0xf1: {  	[sflag:s20] =	ssyncadd.s32 $0xFFFFC000  }
0xf2: {  	p1 =	seq.s32 s15, $0x4;
	_ =	swait.ge [sflag:s23], $0x80  }
0xf3: {  	s15 =	sadd.s32 @!p1 $0x1, s15;
	[sflag:s23] =	ssyncset.done $0x0  }
0xf4: {  	s16 =	sshll.u32 @!p1 s15, $0xC;
	[sflag:s23] =	ssyncadd.s32 $0xFFFFFF80  }
0xf5: {  	s16 =	sadd.s32 @!p1 s31, s16;
	_ =	swait.ge [sflag:s23], $0x80  }
0xf6: {  	s16 =	sshrl.u32 @!p1 s16, $0x3;
	[sflag:s23] =	ssyncset.done $0x0  }
0xf7: {  	s18 =	simm.s32 @!p1 $0x0;
	s17 =	sadd.s32 @!p1 s11, s16;
	[sflag:s23] =	ssyncadd.s32 $0xFFFFFF80  }
0xf8: {  	[tilespmem:s18], [sflag:$0x5] =	stream.linear.gather @!p1 [hbm4b:s17+s18], $0x1000, $0x38;
	[tilespmem:$0x1E580] =	vst v63  }
0xf9: {  	s17 =	simm.s32 @!p1 $0x5  }
0xfa: {  	_ =	swait.ge @!p1 [sflag:s17], $0x1000  }
0xfb: {  	s19 =	simm.s32 @!p1 $0x1000;
	[sflag:s17] =	ssyncset.done @!p1 $0x0  }
0xfc: {  	p2 =	sne.s32 @!p1 s15, $0x5;
	s16 =	sadd.s32 @!p1 s12, s16;
	[sflag:s17] =	ssyncadd.s32 @!p1 $0xFFFFF000  }
0xfd: {  	[tilespmem:s19], [sflag:$0x5] =	stream.linear.gather @!p1 [hbm4b:s16+s18], $0x1000, $0x38;
	[tilespmem:$0x1E580] =	vst v63  }
0xfe: {  	p2 =	por p1, !p2;
	_ =	swait.ge @!p1 [sflag:s17], $0x1000  }
.Ltmp5:
0xff: {  	[sflag:s17] =	ssyncset.done @!p1 $0x0;
	(pc) =	sbr.rel @!p2 .LBB2_10-.Ltmp5, $4  }
0x100: {  	s16 =	simm.s32 @!p1 $0x80;
	[sflag:s17] =	ssyncadd.s32 @!p1 $0xFFFFF000;
	s17 =	simm.s32 @!p1 $0x2000  }
0x101: {  	[tilespmem:s17], [sflag:$0x1] =	stream.indirect.gather @!p1 [hbm4b:s2+s16], $0x80, s18, s16, $0xb8;
	[tilespmem:$0x1E580] =	vst v63  }
0x102: {  	s17 =	simm.s32 @!p1 $0x6000  }
0x103: {  	[tilespmem:s17], [sflag:$0x2] =	stream.indirect.gather @!p1 [hbm4b:s2+s16], $0x80, s16, s16, $0xb8;
	[tilespmem:$0x1E580] =	vst v63  }
.Ltmp6:
0x104: {  	(pc) =	sbr.rel .LBB2_14-.Ltmp6, $4  }
0x105: {  	_ = 	snop  }
0x106: {  	s16 =	rddreg [dreg:$0x9]  }
0x107: {  	s15 =	rddreg [dreg:$0x4]  }
0x108: {  	s16 =	smov.u32 @p1 s16;
	s15 =	smov.u32 @p1 s15  }
.LBB2_2:
0x109: {  	p1 =	sne.s32 s16, $0xFE00;
	[tilespmem:s15+$0x2070] =	vst v0  }
0x10a: {  	[tilespmem:s15+$0x2000] =	vst v0  }
0x10b: {  	[tilespmem:s15+$0x2010] =	vst v0  }
.Ltmp7:
0x10c: {  	[tilespmem:s15+$0x2020] =	vst v0;
	(pc) =	sbr.rel @p1 .LBB2_2-.Ltmp7, $4  }
0x10d: {  	[tilespmem:s15+$0x2030] =	vst v0  }
0x10e: {  	[tilespmem:s15+$0x2040] =	vst v0  }
0x10f: {  	[tilespmem:s15+$0x2050] =	vst v0  }
0x110: {  	[tilespmem:s15+$0x2060] =	vst v0;
	s15 =	sshra.s32 s16, $0x2;
	s16 =	sadd.s32 $0x200, s16  }
0x111: {  	[tilespmem:s15+$0x2070] =	vst v0  }
0x112: {  	[tilespmem:s15+$0x2000] =	vst v0  }
0x113: {  	[tilespmem:s15+$0x2010] =	vst v0  }
0x114: {  	[tilespmem:s15+$0x2020] =	vst v0  }
0x115: {  	[tilespmem:s15+$0x2030] =	vst v0  }
0x116: {  	[tilespmem:s15+$0x2040] =	vst v0  }
0x117: {  	[tilespmem:s15+$0x2050] =	vst v0  }
0x118: {  	[tilespmem:s15+$0x2060] =	vst v0  }
0x119: {  	[tilespmem:$0xA000] =	vst v1  }
0x11a: {  	[tilespmem:$0xA010] =	vst v1  }
0x11b: {  	[tilespmem:$0xA020] =	vst v1  }
0x11c: {  	[tilespmem:$0xA030] =	vst v1  }
0x11d: {  	[tilespmem:$0xA040] =	vst v1  }
0x11e: {  	[tilespmem:$0xA050] =	vst v1  }
0x11f: {  	[tilespmem:$0xA060] =	vst v1  }
0x120: {  	[tilespmem:$0xA070] =	vst v1  }
0x121: {  	[tilespmem:$0xA080] =	vst v0  }
0x122: {  	[tilespmem:$0xA090] =	vst v0  }
0x123: {  	[tilespmem:$0xA0A0] =	vst v0  }
0x124: {  	[tilespmem:$0xA0B0] =	vst v0  }
0x125: {  	[tilespmem:$0xA0C0] =	vst v0  }
0x126: {  	[tilespmem:$0xA0D0] =	vst v0  }
0x127: {  	[tilespmem:$0xA0E0] =	vst v0  }
0x128: {  	[tilespmem:$0xA0F0] =	vst v0  }
0x129: {  	[tilespmem:$0xA100] =	vst v0  }
0x12a: {  	[tilespmem:$0xA110] =	vst v0  }
0x12b: {  	[tilespmem:$0xA120] =	vst v0  }
0x12c: {  	[tilespmem:$0xA130] =	vst v0  }
0x12d: {  	[tilespmem:$0xA140] =	vst v0  }
0x12e: {  	[tilespmem:$0xA150] =	vst v0  }
0x12f: {  	[tilespmem:$0xA160] =	vst v0  }
0x130: {  	[tilespmem:$0xA170] =	vst v0  }
0x131: {  	[tilespmem:$0xA180] =	vst v0  }
0x132: {  	[tilespmem:$0xA190] =	vst v0  }
0x133: {  	[tilespmem:$0xA1A0] =	vst v0  }
0x134: {  	[tilespmem:$0xA1B0] =	vst v0  }
0x135: {  	[tilespmem:$0xA1C0] =	vst v0  }
0x136: {  	[tilespmem:$0xA1D0] =	vst v0  }
0x137: {  	[tilespmem:$0xA1E0] =	vst v0  }
0x138: {  	[tilespmem:$0xA1F0] =	vst v0  }
0x139: {  	[tilespmem:$0xA200] =	vst v0  }
0x13a: {  	[tilespmem:$0xA210] =	vst v0  }
0x13b: {  	[tilespmem:$0xA220] =	vst v0  }
0x13c: {  	[tilespmem:$0xA230] =	vst v0  }
0x13d: {  	[tilespmem:$0xA240] =	vst v0  }
0x13e: {  	[tilespmem:$0xA250] =	vst v0  }
0x13f: {  	[tilespmem:$0xA260] =	vst v0  }
0x140: {  	[tilespmem:$0xA270] =	vst v0  }
0x141: {  	[tilespmem:$0xA280] =	vst v0  }
0x142: {  	[tilespmem:$0xA290] =	vst v0  }
0x143: {  	[tilespmem:$0xA2A0] =	vst v0  }
0x144: {  	[tilespmem:$0xA2B0] =	vst v0  }
0x145: {  	[tilespmem:$0xA2C0] =	vst v0  }
0x146: {  	[tilespmem:$0xA2D0] =	vst v0  }
0x147: {  	[tilespmem:$0xA2E0] =	vst v0  }
0x148: {  	s18 =	rddreg [dreg:$0xa];
	[tilespmem:$0xA2F0] =	vst v0  }
0x149: {  	[spmem:s18] =	stream.linear.scatter [tilespmem:s4], [sflag:$0x5], $0x4000, $0x38;
	[tilespmem:$0x1E580] =	vst v63  }
0x14a: {  	_ =	swait.ge [sflag:s13], $0x4000  }
0x14b: {  	[sflag:s13] =	ssyncset.done $0x0  }
0x14c: {  	s16 =	rddreg [dreg:$0xb];
	[sflag:s13] =	ssyncadd.s32 $0xFFFFC000  }
0x14d: {  	[spmem:s16] =	stream.linear.scatter [tilespmem:s4], [sflag:$0x5], $0x4000, $0x38;
	[tilespmem:$0x1E580] =	vst v63  }
0x14e: {  	_ =	swait.ge [sflag:s13], $0x4000  }
0x14f: {  	[sflag:s13] =	ssyncset.done $0x0  }
0x150: {  	s17 =	rddreg [dreg:$0xc];
	[sflag:s13] =	ssyncadd.s32 $0xFFFFC000  }
0x151: {  	[spmem:s17] =	stream.linear.scatter [tilespmem:s4], [sflag:$0x5], $0x4000, $0x38;
	[tilespmem:$0x1E580] =	vst v63  }
0x152: {  	_ =	swait.ge [sflag:s13], $0x4000  }
0x153: {  	[sflag:s13] =	ssyncset.done $0x0  }
0x154: {  	s18 =	rddreg [dreg:$0xd];
	[sflag:s13] =	ssyncadd.s32 $0xFFFFC000  }
0x155: {  	[spmem:s18] =	stream.linear.scatter [tilespmem:s4], [sflag:$0x5], $0x4000, $0x38;
	[tilespmem:$0x1E580] =	vst v63  }
0x156: {  	_ =	swait.ge [sflag:s13], $0x4000  }
0x157: {  	[sflag:s13] =	ssyncset.done $0x0  }
0x158: {  	[sflag:s13] =	ssyncadd.s32 $0xFFFFC000  }
0x159: {  	[spmem:s19] =	stream.linear.scatter [tilespmem:s4], [sflag:$0x5], $0x4000, $0x38;
	[tilespmem:$0x1E580] =	vst v63  }
0x15a: {  	_ =	swait.ge [sflag:s13], $0x4000  }
0x15b: {  	[sflag:s13] =	ssyncset.done $0x0  }
0x15c: {  	s19 =	simm.s32 $0xA080;
	[sflag:s13] =	ssyncadd.s32 $0xFFFFC000  }
0x15d: {  	[spmem:s24] =	stream.linear.scatter [tilespmem:s19], [sflag:$0x5], $0x280, $0x38;
	[tilespmem:$0x1E580] =	vst v63  }
0x15e: {  	_ =	swait.ge [sflag:s13], $0x280  }
0x15f: {  	[sflag:s13] =	ssyncset.done $0x0  }
0x160: {  	[sflag:s13] =	ssyncadd.s32 $0xFFFFFD80  }
0x161: {  	s15 =	simm.s32 $0x0;
	[bflag:$0x0] =	sbarrier.arrive $0xFFFF  }
.LBB2_4:
0x162: {  	p1 =	sne.s32 s15, $0x0  }
0x163: {  	s16 =	simm.s32 @!p1 $0x0;
	s17 =	simm.s32 @!p1 $0x5  }
0x164: {  	[tilespmem:s16], [sflag:$0x5] =	stream.linear.gather @!p1 [hbm4b:s26+s16], $0x1000, $0x38;
	[tilespmem:$0x1E580] =	vst v63  }
0x165: {  	_ =	swait.ge @!p1 [sflag:s17], $0x1000  }
0x166: {  	[sflag:s17] =	ssyncset.done @!p1 $0x0  }
0x167: {  	s18 =	simm.s32 @!p1 $0x1000;
	[sflag:s17] =	ssyncadd.s32 @!p1 $0xFFFFF000  }
0x168: {  	[tilespmem:s18], [sflag:$0x5] =	stream.linear.gather @!p1 [hbm4b:s28+s16], $0x1000, $0x38;
	[tilespmem:$0x1E580] =	vst v63  }
0x169: {  	_ =	swait.ge @!p1 [sflag:s17], $0x1000  }
0x16a: {  	[sflag:s17] =	ssyncset.done @!p1 $0x0  }
0x16b: {  	s18 =	simm.s32 @!p1 $0x2000;
	[sflag:s17] =	ssyncadd.s32 @!p1 $0xFFFFF000;
	s17 =	simm.s32 @!p1 $0x80  }
0x16c: {  	[tilespmem:s18], [sflag:$0x1] =	stream.indirect.gather @!p1 [hbm4b:s0+s17], $0x80, s16, s17, $0xb8;
	[tilespmem:$0x1E580] =	vst v63  }
0x16d: {  	s16 =	simm.s32 @!p1 $0x6000  }
0x16e: {  	[tilespmem:s16], [sflag:$0x2] =	stream.indirect.gather @!p1 [hbm4b:s0+s17], $0x80, s17, s17, $0xb8;
	[tilespmem:$0x1E580] =	vst v63  }
0x16f: {  	_ =	swait.ge [sflag:s14], $0x4000  }
0x170: {  	[sflag:s14] =	ssyncset.done $0x0  }
0x171: {  	s19 =	simm.s32 $0x1000;
	[sflag:s14] =	ssyncadd.s32 $0xFFFFC000  }
0x172: {  	[spmem:s5] =	stream.indirect.scatter.add.f32 [tilespmem:s4], [sflag:$0x3], $0x80, s19, s8, $0xb8;
	[tilespmem:$0x1E580] =	vst v63  }
0x173: {  	_ = 	snop  }
0x174: {  	[spmem:s6] =	stream.indirect.scatter.add.f32 [tilespmem:s7], [sflag:$0x4], $0x1, s19, s8, $0xb8;
	[tilespmem:$0x1E580] =	vst v63  }
0x175: {  	_ =	swait.ge [sflag:s20], $0x4000  }
0x176: {  	[sflag:s20] =	ssyncset.done $0x0  }
0x177: {  	s17 =	simm.s32 $0x100;
	[sflag:s20] =	ssyncadd.s32 $0xFFFFC000  }
0x178: {  	[tilespmem:s4], [sflag:$0x1] =	stream.indirect.gather [hbm4b:s0+s8], $0x80, s17, s8, $0xb8;
	[tilespmem:$0x1E580] =	vst v63  }
0x179: {  	_ =	swait.ge [sflag:s21], $0x4000  }
0x17a: {  	[sflag:s21] =	ssyncset.done $0x0  }
0x17b: {  	s18 =	simm.s32 $0x1080;
	[sflag:s21] =	ssyncadd.s32 $0xFFFFC000  }
0x17c: {  	[spmem:s5] =	stream.indirect.scatter.add.f32 [tilespmem:s22], [sflag:$0x3], $0x80, s18, s8, $0xb8;
	[tilespmem:$0x1E580] =	vst v63  }
0x17d: {  	_ = 	snop  }
0x17e: {  	[spmem:s6] =	stream.indirect.scatter.add.f32 [tilespmem:s7], [sflag:$0x4], $0x1, s18, s8, $0xb8;
	[tilespmem:$0x1E580] =	vst v63  }
0x17f: {  	_ =	swait.ge [sflag:s20], $0x4000  }
0x180: {  	[sflag:s20] =	ssyncset.done $0x0  }
0x181: {  	s19 =	simm.s32 $0x180;
	[sflag:s20] =	ssyncadd.s32 $0xFFFFC000  }
0x182: {  	[tilespmem:s22], [sflag:$0x2] =	stream.indirect.gather [hbm4b:s0+s8], $0x80, s19, s8, $0xb8;
	[tilespmem:$0x1E580] =	vst v63  }
0x183: {  	_ =	swait.ge [sflag:s23], $0x80  }
0x184: {  	[sflag:s23] =	ssyncset.done $0x0  }
0x185: {  	[sflag:s23] =	ssyncadd.s32 $0xFFFFFF80  }
0x186: {  	_ =	swait.ge [sflag:s23], $0x80  }
0x187: {  	s16 =	simm.s32 $0x400;
	[sflag:s23] =	ssyncset.done $0x0  }
.LBB2_5:
0x188: {  	p1 =	sne.s32 s16, $0x3800  }
0x189: {  	[sflag:s23] =	ssyncadd.s32 $0xFFFFFF80;
	s17 =	smov.u32 s16;
	s16 =	sadd.s32 $0x400, s16  }
0x18a: {  	_ =	swait.ge [sflag:s14], $0x4000  }
0x18b: {  	s17 =	sshra.s32 s17, $0x2;
	[sflag:s14] =	ssyncset.done $0x0  }
0x18c: {  	s18 =	sadd.s32 $0x1000, s17;
	[sflag:s14] =	ssyncadd.s32 $0xFFFFC000  }
0x18d: {  	[spmem:s5] =	stream.indirect.scatter.add.f32 [tilespmem:s4], [sflag:$0x3], $0x80, s18, s8, $0xb8;
	[tilespmem:$0x1E580] =	vst v63  }
0x18e: {  	_ = 	snop  }
0x18f: {  	[spmem:s6] =	stream.indirect.scatter.add.f32 [tilespmem:s7], [sflag:$0x4], $0x1, s18, s8, $0xb8;
	[tilespmem:$0x1E580] =	vst v63  }
0x190: {  	_ =	swait.ge [sflag:s20], $0x4000  }
0x191: {  	[sflag:s20] =	ssyncset.done $0x0  }
0x192: {  	s18 =	sadd.s32 $0x100, s17;
	[sflag:s20] =	ssyncadd.s32 $0xFFFFC000  }
0x193: {  	[tilespmem:s4], [sflag:$0x1] =	stream.indirect.gather [hbm4b:s0+s8], $0x80, s18, s8, $0xb8;
	[tilespmem:$0x1E580] =	vst v63  }
0x194: {  	_ =	swait.ge [sflag:s21], $0x4000  }
0x195: {  	[sflag:s21] =	ssyncset.done $0x0  }
0x196: {  	s18 =	sadd.s32 $0x1080, s17;
	[sflag:s21] =	ssyncadd.s32 $0xFFFFC000  }
0x197: {  	[spmem:s5] =	stream.indirect.scatter.add.f32 [tilespmem:s22], [sflag:$0x3], $0x80, s18, s8, $0xb8;
	[tilespmem:$0x1E580] =	vst v63  }
0x198: {  	_ = 	snop  }
0x199: {  	[spmem:s6] =	stream.indirect.scatter.add.f32 [tilespmem:s7], [sflag:$0x4], $0x1, s18, s8, $0xb8;
	[tilespmem:$0x1E580] =	vst v63  }
0x19a: {  	_ =	swait.ge [sflag:s20], $0x4000  }
0x19b: {  	[sflag:s20] =	ssyncset.done $0x0  }
0x19c: {  	s17 =	sadd.s32 $0x180, s17;
	[sflag:s20] =	ssyncadd.s32 $0xFFFFC000  }
0x19d: {  	[tilespmem:s22], [sflag:$0x2] =	stream.indirect.gather [hbm4b:s0+s8], $0x80, s17, s8, $0xb8;
	[tilespmem:$0x1E580] =	vst v63  }
.Ltmp8:
0x19e: {  	_ =	swait.ge [sflag:s23], $0x80;
	(pc) =	sbr.rel @p1 .LBB2_5-.Ltmp8, $4  }
0x19f: {  	[sflag:s23] =	ssyncset.done $0x0  }
0x1a0: {  	[sflag:s23] =	ssyncadd.s32 $0xFFFFFF80  }
0x1a1: {  	_ =	swait.ge [sflag:s23], $0x80  }
0x1a2: {  	[sflag:s23] =	ssyncset.done $0x0  }
0x1a3: {  	[sflag:s23] =	ssyncadd.s32 $0xFFFFFF80  }
0x1a4: {  	_ =	swait.ge [sflag:s14], $0x4000  }
0x1a5: {  	[sflag:s14] =	ssyncset.done $0x0  }
0x1a6: {  	[sflag:s14] =	ssyncadd.s32 $0xFFFFC000  }
0x1a7: {  	[spmem:s5] =	stream.indirect.scatter.add.f32 [tilespmem:s4], [sflag:$0x3], $0x80, s25, s8, $0xb8;
	[tilespmem:$0x1E580] =	vst v63  }
0x1a8: {  	_ = 	snop  }
0x1a9: {  	[spmem:s6] =	stream.indirect.scatter.add.f32 [tilespmem:s7], [sflag:$0x4], $0x1, s25, s8, $0xb8;
	[tilespmem:$0x1E580] =	vst v63  }
0x1aa: {  	_ =	swait.ge [sflag:s20], $0x4000  }
0x1ab: {  	[sflag:s20] =	ssyncset.done $0x0  }
0x1ac: {  	[sflag:s20] =	ssyncadd.s32 $0xFFFFC000  }
0x1ad: {  	_ =	swait.ge [sflag:s21], $0x4000  }
0x1ae: {  	[sflag:s21] =	ssyncset.done $0x0  }
0x1af: {  	[sflag:s21] =	ssyncadd.s32 $0xFFFFC000  }
0x1b0: {  	[spmem:s5] =	stream.indirect.scatter.add.f32 [tilespmem:s22], [sflag:$0x3], $0x80, s1, s8, $0xb8;
	[tilespmem:$0x1E580] =	vst v63  }
0x1b1: {  	_ = 	snop  }
0x1b2: {  	[spmem:s6] =	stream.indirect.scatter.add.f32 [tilespmem:s7], [sflag:$0x4], $0x1, s1, s8, $0xb8;
	[tilespmem:$0x1E580] =	vst v63  }
0x1b3: {  	_ =	swait.ge [sflag:s20], $0x4000  }
0x1b4: {  	[sflag:s20] =	ssyncset.done $0x0  }
0x1b5: {  	[sflag:s20] =	ssyncadd.s32 $0xFFFFC000  }
0x1b6: {  	p1 =	seq.s32 s15, $0x4;
	_ =	swait.ge [sflag:s23], $0x80  }
0x1b7: {  	s15 =	sadd.s32 @!p1 $0x1, s15;
	[sflag:s23] =	ssyncset.done $0x0  }
0x1b8: {  	s16 =	sshll.u32 @!p1 s15, $0xC;
	[sflag:s23] =	ssyncadd.s32 $0xFFFFFF80  }
0x1b9: {  	s16 =	sadd.s32 @!p1 s31, s16;
	_ =	swait.ge [sflag:s23], $0x80  }
0x1ba: {  	s16 =	sshrl.u32 @!p1 s16, $0x3;
	[sflag:s23] =	ssyncset.done $0x0  }
0x1bb: {  	s18 =	simm.s32 @!p1 $0x0;
	s17 =	sadd.s32 @!p1 s9, s16;
	[sflag:s23] =	ssyncadd.s32 $0xFFFFFF80  }
0x1bc: {  	[tilespmem:s18], [sflag:$0x5] =	stream.linear.gather @!p1 [hbm4b:s17+s18], $0x1000, $0x38;
	[tilespmem:$0x1E580] =	vst v63  }
0x1bd: {  	s17 =	simm.s32 @!p1 $0x5  }
0x1be: {  	_ =	swait.ge @!p1 [sflag:s17], $0x1000  }
0x1bf: {  	s19 =	simm.s32 @!p1 $0x1000;
	[sflag:s17] =	ssyncset.done @!p1 $0x0  }
0x1c0: {  	p2 =	seq.s32 @!p1 s15, $0x5;
	s16 =	sadd.s32 @!p1 s10, s16;
	[sflag:s17] =	ssyncadd.s32 @!p1 $0xFFFFF000  }
0x1c1: {  	[tilespmem:s19], [sflag:$0x5] =	stream.linear.gather @!p1 [hbm4b:s16+s18], $0x1000, $0x38;
	[tilespmem:$0x1E580] =	vst v63  }
0x1c2: {  	p2 =	por p1, p2;
	_ =	swait.ge @!p1 [sflag:s17], $0x1000  }
.Ltmp9:
0x1c3: {  	[sflag:s17] =	ssyncset.done @!p1 $0x0;
	(pc) =	sbr.rel @!p2 .LBB2_4-.Ltmp9, $4  }
0x1c4: {  	s16 =	simm.s32 @!p1 $0x80;
	[sflag:s17] =	ssyncadd.s32 @!p1 $0xFFFFF000;
	s17 =	simm.s32 @!p1 $0x2000  }
0x1c5: {  	[tilespmem:s17], [sflag:$0x1] =	stream.indirect.gather @!p1 [hbm4b:s0+s16], $0x80, s18, s16, $0xb8;
	[tilespmem:$0x1E580] =	vst v63  }
0x1c6: {  	s17 =	simm.s32 @!p1 $0x6000  }
0x1c7: {  	[tilespmem:s17], [sflag:$0x2] =	stream.indirect.gather @!p1 [hbm4b:s0+s16], $0x80, s16, s16, $0xb8;
	[tilespmem:$0x1E580] =	vst v63  }
.Ltmp10:
0x1c8: {  	(pc) =	sbr.rel .LBB2_14-.Ltmp10, $4  }
0x1c9: {  	_ = 	snop  }
0x1ca: {  	s16 =	rddreg [dreg:$0x8]  }
0x1cb: {  	s15 =	rddreg [dreg:$0x3]  }
0x1cc: {  	s16 =	smov.u32 @p1 s16;
	s15 =	smov.u32 @p1 s15  }
.LBB2_15:
0x1cd: {  	_ =	sfence.sel $0x180000  }
0x1ce: {  	[bflag:$0x0] =	sbarrier.arrive $0xFFFF  }
0x1cf: {  	_ =	strace $0x90000047  }
0x1d0: {  	s0 =	stileid.u32;
	[bflag:$0x2] =	sbarrier.arrive $0xFFFF  }
0x1d1: {  	p0 =	sne.s32 s0, $0x0;
	s0 =	rddreg [dreg:$0x7]  }
0x1d2: {  	s0 =	sadd.s32 @!p0 $0x100000, s0  }
0x1d3: {  	[sflag:s0] =	ssyncadd.tile.s32 @!p0 $0x1;
	_ =	shalt  }
.Lfunc_end2:
_tile_overlayer_lowered:
.L_overlay_start_2:
0x1d4: {  	(tag) =	ssettag $0x2  }
0x1d5: {  	s0 =	rddreg [dreg:$0x0];
	s2 =	stileid.u32  }
0x1d6: {  	s1 =	rddreg [dreg:$0x1];
	p0 =	sne.s32 s2, $0x0  }
0x1d7: {  	s3 =	rddreg [dreg:$0x2];
	[bflag:$0x3] =	sbarrier.arrive $0xFFFF;
	s2 =	simm.s32 @!p0 $0x1C05  }
0x1d8: {  	[timem:s3], [sflag:s2] =	dma.local @!p0 [hbm:s0], s1  }
0x1d9: {  	s0 =	simm.s32 @!p0 $0x5  }
0x1da: {  	_ =	swait.ge @!p0 [sflag:s0], s1  }
0x1db: {  	s1 =	ssub.s32 @!p0 $0x0, s1;
	[sflag:s0] =	ssyncset.done @!p0 $0x0  }
0x1dc: {  	[sflag:s0] =	ssyncadd.s32 @!p0 s1  }
0x1dd: {  	[bflag:$0x3] =	sbarrier.arrive $0xFFFF  }
0x1de: {  	_ =	shalt  }

</sc_bundles>
